<compile_context>
chip_gen: v7x
topology: tpu7x:2x2x1
jax: 0.10.2.dev20260603
libtpu: 0.0.44.dev20260713+nightly
codegen_flags: <defaults>
</compile_context>

<pallas_src>
import functools

import jax
import jax.numpy as jnp
from jax import lax
from jax.experimental import pallas as pl
from jax.experimental.pallas import tpu as pltpu
from jax.experimental.pallas import tpu_sc as plsc

_R = 16
_V = _R ** 3
_B = 2
_C = 384
_H = 8
_DH = _C // _H
_K = 16
_TK = 8
_MLP = 1536
_TILE = 256
_NTILE = _V // _TILE
_BIG_D2 = 676


def _pack_bf16(lo, hi):
    def rnd(x):
        u = lax.bitcast_convert_type(x, jnp.int32)
        return lax.shift_right_logical(
            u + 0x7FFF + (lax.shift_right_logical(u, 16) & 1), 16)
    return rnd(lo) | (rnd(hi) << 16)


def _unpack_bf16(words):
    lo = lax.bitcast_convert_type(words << 16, jnp.float32)
    hi = lax.bitcast_convert_type(words & jnp.int32(-65536), jnp.float32)
    return lo, hi


def _qkv_knn_body(tok_ref, mask_ref, g1_ref, b1_ref, wq_ref, bq_ref,
                  wk_ref, bk_ref, wv_ref, bv_ref,
                  q_ref, kv_ref, idx_ref, val_ref):
    i = pl.program_id(1)

    x = tok_ref[0]
    mu = jnp.mean(x, axis=1, keepdims=True)
    var = jnp.mean((x - mu) ** 2, axis=1, keepdims=True)
    xn = (x - mu) * lax.rsqrt(var + 1e-5)
    xn = xn * g1_ref[0] + b1_ref[0]

    q = jnp.dot(xn, wq_ref[...], preferred_element_type=jnp.float32) + bq_ref[0]
    k = jnp.dot(xn, wk_ref[...], preferred_element_type=jnp.float32) + bk_ref[0]
    v = jnp.dot(xn, wv_ref[...], preferred_element_type=jnp.float32) + bv_ref[0]
    hc = _C // 2
    q_ref[0] = _pack_bf16(q[:, :hc], q[:, hc:])
    kv_ref[0] = jnp.concatenate(
        [_pack_bf16(k[:, :hc], k[:, hc:]), _pack_bf16(v[:, :hc], v[:, hc:])],
        axis=1)

    ty = lax.broadcasted_iota(jnp.int32, (_TILE, 256), 0)
    cyz = lax.broadcasted_iota(jnp.int32, (_TILE, 256), 1)
    dy = (ty >> 4) - (cyz >> 4)
    dz = (ty & 15) - (cyz & 15)
    a1 = ((dy * dy + dz * dz) * _V + cyz).astype(jnp.float32)
    a1t = jnp.tile(a1, (1, _R))
    cc = lax.broadcasted_iota(jnp.int32, (1, _V), 1)
    cx = cc >> 8
    dx = i - cx
    a2 = (dx * dx * _V + cx * 256).astype(jnp.float32)
    big = (cc + _BIG_D2 * _V).astype(jnp.float32)
    mrow = mask_ref[0]
    keys = jnp.where(mrow != 0, a1t + a2, big)

    def cmpswap(a, b):
        return jnp.minimum(a, b), jnp.maximum(a, b)

    qw = _V // 4
    w0 = keys[:, 0 * qw:1 * qw]
    w1 = keys[:, 1 * qw:2 * qw]
    w2 = keys[:, 2 * qw:3 * qw]
    w3 = keys[:, 3 * qw:4 * qw]
    r0, r1 = cmpswap(w0, w1)
    r2, r3 = cmpswap(w2, w3)
    r0, r2 = cmpswap(r0, r2)
    r1, r3 = cmpswap(r1, r3)
    r1, r2 = cmpswap(r1, r2)

    idx_cols = []
    val_cols = []
    for _ in range(_K):
        m = jnp.min(r0, axis=1, keepdims=True)
        mi = m.astype(jnp.int32)
        idx_cols.append(mi & (_V - 1))
        val_cols.append((mi < _BIG_D2 * _V).astype(jnp.int32))
        eq = r0 == m
        r0 = jnp.where(eq, r1, r0)
        r1 = jnp.where(eq, r2, r1)
        r2 = jnp.where(eq, r3, r2)
        r3 = jnp.where(eq, 3e38, r3)
    idx_ref[...] = jnp.concatenate(idx_cols, axis=1).T
    val_ref[...] = jnp.concatenate(val_cols, axis=1).T


def _run_qkv_knn(tok, mask_i32, g1, b1, wq, bq, wk, bk, wv, bv):
    full = lambda s: pl.BlockSpec(s, lambda b, i: (0,) * len(s))
    grid = (1, _NTILE)
    return pl.pallas_call(
        _qkv_knn_body,
        grid=grid,
        in_specs=[
            pl.BlockSpec((1, _TILE, _C), lambda b, i: (b, i, 0)),
            pl.BlockSpec((1, 1, _V), lambda b, i: (b, 0, 0)),
            full((1, _C)), full((1, _C)),
            full((_C, _C)), full((1, _C)),
            full((_C, _C)), full((1, _C)),
            full((_C, _C)), full((1, _C)),
        ],
        out_specs=[
            pl.BlockSpec((1, _TILE, _C // 2), lambda b, i: (b, i, 0)),
            pl.BlockSpec((1, _TILE, _C), lambda b, i: (b, i, 0)),
            pl.BlockSpec((_K, _TILE), lambda b, i: (0, b * _NTILE + i)),
            pl.BlockSpec((_K, _TILE), lambda b, i: (0, b * _NTILE + i)),
        ],
        out_shape=[
            jax.ShapeDtypeStruct((1, _V, _C // 2), jnp.int32),
            jax.ShapeDtypeStruct((1, _V, _C), jnp.int32),
            jax.ShapeDtypeStruct((_K, _V), jnp.int32),
            jax.ShapeDtypeStruct((_K, _V), jnp.int32),
        ],
    )(tok, mask_i32, g1, b1, wq, bq, wk, bk, wv, bv)


_NIDX = _V * _K
_GCH = 128


def _sc_gather(kvtab, idx):
    info = plsc.get_sparse_core_info()
    nw = info.num_cores * info.num_subcores
    per_w = _NIDX // nw
    n_ch = per_w // _GCH
    mesh = plsc.VectorSubcoreMesh(core_axis_name="c", subcore_axis_name="s")

    @functools.partial(
        pl.kernel,
        mesh=mesh,
        out_type=jax.ShapeDtypeStruct((_NIDX, _C), jnp.int32),
        scratch_types=[
            pltpu.VMEM((_GCH,), jnp.int32),
            pltpu.VMEM((_GCH,), jnp.int32),
            pltpu.VMEM((_GCH, _C), jnp.int32),
            pltpu.VMEM((_GCH, _C), jnp.int32),
            pltpu.SemaphoreType.DMA,
            pltpu.SemaphoreType.DMA,
        ],
    )
    def gath(tab_hbm, idx_hbm, out_hbm,
             idx0, idx1, buf0, buf1, sem0, sem1):
        wid = lax.axis_index("s") * info.num_cores + lax.axis_index("c")
        base = wid * per_w
        idxs = (idx0, idx1)
        bufs = (buf0, buf1)
        sems = (sem0, sem1)

        def start(g, slot):
            off = base + g * _GCH
            pltpu.sync_copy(idx_hbm.at[pl.ds(off, _GCH)], idxs[slot])
            pltpu.async_copy(tab_hbm.at[idxs[slot]], bufs[slot], sems[slot])

        def finish(g, slot):
            pltpu.make_async_copy(
                tab_hbm.at[idxs[slot]], bufs[slot], sems[slot]).wait()
            pltpu.sync_copy(bufs[slot], out_hbm.at[pl.ds(base + g * _GCH, _GCH)])

        start(0, 0)

        def body(j, carry):
            g0 = j * 2
            start(g0 + 1, 1)
            finish(g0, 0)

            @pl.when(g0 + 2 < n_ch)
            def _():
                start(g0 + 2, 0)

            finish(g0 + 1, 1)
            return carry

        lax.fori_loop(0, n_ch // 2, body, 0)

    return gath(kvtab, idx)


def _attn_mlp_body(tok_ref, q_ref, kvnb_ref, val_ref, maskf_ref,
                   g2_ref, b2_ref, wo_ref, bo_ref,
                   w1_ref, bm1_ref, w2_ref, bm2_ref, out_ref):
    hc = _C // 2
    dd = lax.broadcasted_iota(jnp.int32, (_C, _H), 0) // _DH
    hh = lax.broadcasted_iota(jnp.int32, (_C, _H), 1)
    seg = jnp.where(dd == hh, 1.0 / (_DH ** 0.5), 0.0)
    dd2 = lax.broadcasted_iota(jnp.int32, (_H, _C), 1) // _DH
    hh2 = lax.broadcasted_iota(jnp.int32, (_H, _C), 0)
    segT = jnp.where(dd2 == hh2, 1.0, 0.0)

    q_lo, q_hi = _unpack_bf16(q_ref[0])
    s_list = []
    seg_lo = seg[:hc]
    seg_hi = seg[hc:]
    for k in range(_K):
        w = kvnb_ref[k]
        k_lo, k_hi = _unpack_bf16(w[:, :hc])
        s_k = (jnp.dot(q_lo * k_lo, seg_lo, preferred_element_type=jnp.float32)
               + jnp.dot(q_hi * k_hi, seg_hi, preferred_element_type=jnp.float32))
        s_kT = s_k.T
        val_k = val_ref[pl.ds(k, 1), :]
        s_list.append(jnp.where(val_k != 0, s_kT, -1e30))

    rem = list(s_list)
    cum = jnp.zeros((_H, _TILE), jnp.float32)
    thresh = jnp.full((_H, _TILE), -3e38, jnp.float32)
    for _ in range(_TK):
        mt = rem[0]
        for r in rem[1:]:
            mt = jnp.maximum(mt, r)
        eqs = [r == mt for r in rem]
        cnt = eqs[0].astype(jnp.float32)
        for e_ in eqs[1:]:
            cnt = cnt + e_.astype(jnp.float32)
        thresh = jnp.where(cum < float(_TK), mt, thresh)
        cum = cum + cnt
        rem = [jnp.where(e_, -3e38, r) for e_, r in zip(eqs, rem)]

    s2_list = [jnp.where(s >= thresh, s, -1e30) for s in s_list]
    smax = s2_list[0]
    for s in s2_list[1:]:
        smax = jnp.maximum(smax, s)
    e_list = []
    esum = jnp.full((_H, _TILE), 1e-9, jnp.float32)
    for s in s2_list:
        e_ = jnp.exp(s - smax)
        e_ = jnp.where(s > -1e29, e_, 0.0)
        e_list.append(e_)
        esum = esum + e_
    inv = 1.0 / esum

    out_lo = jnp.zeros((_TILE, hc), jnp.float32)
    out_hi = jnp.zeros((_TILE, hc), jnp.float32)
    for k in range(_K):
        attn_k = e_list[k] * inv
        af = lax.dot_general(attn_k, segT,
                             (((0,), (0,)), ((), ())),
                             preferred_element_type=jnp.float32)
        v_lo, v_hi = _unpack_bf16(kvnb_ref[k][:, hc:])
        out_lo = out_lo + af[:, :hc] * v_lo
        out_hi = out_hi + af[:, hc:] * v_hi
    out = jnp.concatenate([out_lo, out_hi], axis=1)
    proj = jnp.dot(out, wo_ref[...], preferred_element_type=jnp.float32) + bo_ref[0]
    proj = proj * maskf_ref[0]
    x1 = proj * 0.5 + tok_ref[0]

    mu = jnp.mean(x1, axis=1, keepdims=True)
    var = jnp.mean((x1 - mu) ** 2, axis=1, keepdims=True)
    xn = (x1 - mu) * lax.rsqrt(var + 1e-5) * g2_ref[0] + b2_ref[0]
    h = jnp.dot(xn, w1_ref[...], preferred_element_type=jnp.float32) + bm1_ref[0]
    h = jax.nn.gelu(h)
    mlp = jnp.dot(h, w2_ref[...], preferred_element_type=jnp.float32) + bm2_ref[0]
    out_ref[0] = mlp * 0.5 + x1


def _run_attn_mlp(tok, q, kvnb, val, maskf, g2, b2, wo, bo, w1, bm1, w2, bm2):
    full = lambda s: pl.BlockSpec(s, lambda b, i: (0,) * len(s))
    grid = (1, _NTILE)
    return pl.pallas_call(
        _attn_mlp_body,
        grid=grid,
        in_specs=[
            pl.BlockSpec((1, _TILE, _C), lambda b, i: (b, i, 0)),
            pl.BlockSpec((1, _TILE, _C // 2), lambda b, i: (b, i, 0)),
            pl.BlockSpec((_K, _TILE, _C), lambda b, i: (0, b * _NTILE + i, 0)),
            pl.BlockSpec((_K, _TILE), lambda b, i: (0, b * _NTILE + i)),
            pl.BlockSpec((1, _TILE, 1), lambda b, i: (b, i, 0)),
            full((1, _C)), full((1, _C)),
            full((_C, _C)), full((1, _C)),
            full((_C, _MLP)), full((1, _MLP)),
            full((_MLP, _C)), full((1, _C)),
        ],
        out_specs=pl.BlockSpec((1, _TILE, _C), lambda b, i: (b, i, 0)),
        out_shape=jax.ShapeDtypeStruct((1, _V, _C), jnp.float32),
    )(tok, q, kvnb, val, maskf, g2, b2, wo, bo, w1, bm1, w2, bm2)


def kernel(voxel_tokens, non_empty_mask, g1, b1, g2, b2, Wq, bq, Wk, bk,
           Wv, bv, Wo, bo, W1, bm1, W2, bm2):
    mask_i32 = non_empty_mask.astype(jnp.int32).reshape(_B, 1, _V)
    maskf_all = non_empty_mask.astype(jnp.float32).reshape(_B, _V, 1)
    r2 = lambda a: a.reshape(1, -1)

    qs, kvnbs, vals, toks, maskfs = [], [], [], [], []
    for b in range(_B):
        tok_b = lax.slice_in_dim(voxel_tokens, b, b + 1, axis=0)
        q, kv, idx, val = _run_qkv_knn(
            tok_b, lax.slice_in_dim(mask_i32, b, b + 1, axis=0),
            r2(g1), r2(b1), Wq, r2(bq), Wk, r2(bk), Wv, r2(bv))
        kvnb = _sc_gather(kv.reshape(_V, _C), idx.reshape(_K * _V))
        qs.append(q)
        kvnbs.append(kvnb)
        vals.append(val)
        toks.append(tok_b)
        maskfs.append(lax.slice_in_dim(maskf_all, b, b + 1, axis=0))

    outs = []
    for b in range(_B):
        outs.append(_run_attn_mlp(
            toks[b], qs[b], kvnbs[b].reshape(_K, _V, _C), vals[b],
            maskfs[b], r2(g2), r2(b2), Wo, r2(bo), W1, r2(bm1),
            W2, r2(bm2)))
    return jnp.concatenate(outs, axis=0)

# --- scband reference (transcript-rebuilt; emitter-appended) ---
"""Pipeline reference for scband-dsvablock-46110768889982 (READ-ONLY COPY).

The authoritative reference and input builder live on the scoring server;
editing this copy changes nothing except your own understanding.
"""

import jax, jax.numpy as jnp
import numpy as np

R = 16
V = R ** 3
B = 2
C = 384
H = 8
DH = C // H
K = 16
TK = 8
MLP = 1536


def voxel_centers():
    g = jnp.stack(jnp.meshgrid(jnp.arange(R), jnp.arange(R), jnp.arange(R), indexing='ij'), axis=-1).astype(jnp.float32)
    g = g.reshape(-1, 3)
    g = (g + 0.5) / R
    g = g * 2 - 1
    return g  # (V, 3)


def layernorm(x, g, b):
    m = x.mean(-1, keepdims=True)
    v = x.var(-1, keepdims=True)
    return (x - m) / jnp.sqrt(v + 1e-5) * g + b


def setup_inputs(seed: int = 0) -> dict:
    key = jax.random.key(seed)
    ks = jax.random.split(key, 16)
    s = 1.0 / np.sqrt(C)
    sm = 1.0 / np.sqrt(MLP)
    return {
        'voxel_tokens': jax.random.normal(ks[0], (B, V, C), jnp.float32),
        'non_empty_mask': jax.random.randint(ks[1], (B, V), 0, 2).astype(bool),
        'g1': jnp.ones((C,), jnp.float32),
        'b1': jnp.zeros((C,), jnp.float32),
        'g2': jnp.ones((C,), jnp.float32),
        'b2': jnp.zeros((C,), jnp.float32),
        'Wq': jax.random.normal(ks[2], (C, C), jnp.float32) * s,
        'bq': jnp.zeros((C,), jnp.float32),
        'Wk': jax.random.normal(ks[3], (C, C), jnp.float32) * s,
        'bk': jnp.zeros((C,), jnp.float32),
        'Wv': jax.random.normal(ks[4], (C, C), jnp.float32) * s,
        'bv': jnp.zeros((C,), jnp.float32),
        'Wo': jax.random.normal(ks[5], (C, C), jnp.float32) * s,
        'bo': jnp.zeros((C,), jnp.float32),
        'W1': jax.random.normal(ks[6], (C, MLP), jnp.float32) * s,
        'bm1': jnp.zeros((MLP,), jnp.float32),
        'W2': jax.random.normal(ks[7], (MLP, C), jnp.float32) * sm,
        'bm2': jnp.zeros((C,), jnp.float32),
    }


def reference(voxel_tokens, non_empty_mask, g1, b1, g2, b2, Wq, bq, Wk, bk, Wv, bv, Wo, bo, W1, bm1, W2, bm2):
    shortcut = voxel_tokens
    x = layernorm(voxel_tokens, g1, b1)
    coords = voxel_centers()
    d2 = jnp.sum((coords[:, None, :] - coords[None, :, :]) ** 2, axis=-1)  # (V, V)
    mask = non_empty_mask
    dist = jnp.where(mask[:, None, :], d2[None, :, :], jnp.inf)  # (B, V, V)
    _, knn_idx = jax.lax.top_k(-dist, K)  # (B, V, K)
    q = (x @ Wq + bq).reshape(B, V, H, DH)
    k = (x @ Wk + bk).reshape(B, V, H, DH)
    v = (x @ Wv + bv).reshape(B, V, H, DH)
    gather = jax.vmap(lambda a, i: a[i])
    k_nb = gather(k, knn_idx)  # (B, V, K, H, DH)
    v_nb = gather(v, knn_idx)
    nb_valid = jax.vmap(lambda m, i: m[i])(mask, knn_idx)  # (B, V, K)
    scores = jnp.einsum('bvhd,bvkhd->bvhk', q, k_nb) / jnp.sqrt(DH)
    scores = jnp.where(nb_valid[:, :, None, :], scores, -1e30)
    topv, _ = jax.lax.top_k(scores, TK)
    thresh = topv[..., -1:]
    scores = jnp.where(scores >= thresh, scores, -1e30)
    smax = jnp.max(scores, axis=-1, keepdims=True)
    e = jnp.exp(scores - smax)
    e = jnp.where(scores > -1e29, e, 0.0)
    attn = e / (jnp.sum(e, axis=-1, keepdims=True) + 1e-9)
    out = jnp.einsum('bvhk,bvkhd->bvhd', attn, v_nb).reshape(B, V, C)
    out = out @ Wo + bo
    out = jnp.where(mask[..., None], out, 0.0)  # reconstruct_dense_masked_scatter_2
    x = out * 0.5 + shortcut
    h = layernorm(x, g2, b2)
    h = jax.nn.gelu(h @ W1 + bm1) @ W2 + bm2
    x = h * 0.5 + x
    return x

if __name__ == "__main__":
    import jax
    _d = setup_inputs()
    print(jax.jit(kernel)(*tuple(_d.values())))

</pallas_src>

<mosaic_0001>
#map = affine_map<(d0, d1) -> (0, 0)>
#map1 = affine_map<(d0, d1) -> (0)>
module attributes {stable_mosaic.version = 14 : i64} {
  func.func @gath(%arg0: i32, %arg1: i32, %arg2: memref<4096x384xi32, #tpu.memory_space<hbm>>, %arg3: memref<65536xi32, #tpu.memory_space<hbm>>, %arg4: memref<65536x384xi32, #tpu.memory_space<hbm>>, %arg5: memref<128xi32, #tpu.memory_space<vmem>>, %arg6: memref<128xi32, #tpu.memory_space<vmem>>, %arg7: memref<128x384xi32, #tpu.memory_space<vmem>>, %arg8: memref<128x384xi32, #tpu.memory_space<vmem>>, %arg9: memref<!tpu.dma_semaphore, #tpu.memory_space<semaphore_mem>>, %arg10: memref<!tpu.dma_semaphore, #tpu.memory_space<semaphore_mem>>) attributes {dimension_semantics = [#tpu.dimension_semantics<core_parallel>, #tpu.dimension_semantics<subcore_parallel>], iteration_bounds = array<i64: 2, 16>, scalar_prefetch = 0 : i64, scratch_operands = 6 : i64, tpu.core_type = #tpu.core_type<sc_vector_subcore>, window_params = [{transform_indices = #map}, {transform_indices = #map1}, {transform_indices = #map}]} {
    %mul3A = arith.constant 2 : i32
    %mul3A_0 = arith.muli %arg1, %mul3A : i32
    %add3A = arith.addi %mul3A_0, %arg0 : i32
    %mul3A_1 = arith.constant 2048 : i32
    %mul3A_2 = arith.muli %add3A, %mul3A_1 : i32
    %add3A_3 = arith.constant 0 : i32
    %add3A_4 = arith.addi %mul3A_2, %add3A_3 : i32
    "tpu.region"() ({
      %run_scoped3A = tpu.sem_alloc : memref<!tpu.dma_semaphore, #tpu.memory_space<semaphore_mem>>
      %dma_start3A_12 = tpu.memref_slice %arg3[%add3A_4] : memref<65536xi32, #tpu.memory_space<hbm>> -> memref<128xi32, #tpu.memory_space<hbm>>
      %dma_start3A_13 = tpu.memref_slice %arg3[%add3A_4] : memref<65536xi32, #tpu.memory_space<hbm>> -> memref<128xi32, #tpu.memory_space<hbm>>
      tpu.enqueue_dma source(%dma_start3A_13 : memref<128xi32, #tpu.memory_space<hbm>>) target(%arg5 : memref<128xi32, #tpu.memory_space<vmem>>) target_semaphore(%run_scoped3A : memref<!tpu.dma_semaphore, #tpu.memory_space<semaphore_mem>>)
      %dma_wait3A = tpu.memref_slice %arg3[%add3A_4] : memref<65536xi32, #tpu.memory_space<hbm>> -> memref<128xi32, #tpu.memory_space<hbm>>
      %dma_wait3A_14 = tpu.memref_slice %arg3[%add3A_4] : memref<65536xi32, #tpu.memory_space<hbm>> -> memref<128xi32, #tpu.memory_space<hbm>>
      tpu.wait_dma2 semaphore(%run_scoped3A : memref<!tpu.dma_semaphore, #tpu.memory_space<semaphore_mem>>) src(%dma_wait3A_14 : memref<128xi32, #tpu.memory_space<hbm>>) dst(%arg5 : memref<128xi32, #tpu.memory_space<vmem>>)
      tpu.yield
    }) : () -> ()
    %dma_start3A = arith.constant 0 : i32
    %dma_start3A_5 = arith.constant 0 : i32
    %dma_start3A_6 = tpu.memref_slice %arg2[%dma_start3A, %dma_start3A_5] : memref<4096x384xi32, #tpu.memory_space<hbm>> -> memref<4096x384xi32, #tpu.memory_space<hbm>>
    tpu.enqueue_indirect_dma source(%dma_start3A_6 : memref<4096x384xi32, #tpu.memory_space<hbm>>) target(%arg7 : memref<128x384xi32, #tpu.memory_space<vmem>>) offsets(%arg5 : memref<128xi32, #tpu.memory_space<vmem>>) semaphore(%arg9 : memref<!tpu.dma_semaphore, #tpu.memory_space<semaphore_mem>>)
    %scan3A = arith.constant 0 : i32
    %scan3A_7 = arith.constant 0 : i32
    %scan3A_8 = arith.constant 8 : i32
    %scan3A_9 = arith.addi %scan3A_7, %scan3A_8 : i32
    %scan3A_10 = arith.constant 1 : i32
    scf.for %scan3A_12 = %scan3A_7 to %scan3A_9 step %scan3A_10  : i32 {
      %mul3A_13 = arith.constant 2 : i32
      %mul3A_14 = arith.muli %scan3A_12, %mul3A_13 : i32
      %add3A_15 = arith.constant 1 : i32
      %add3A_16 = arith.addi %mul3A_14, %add3A_15 : i32
      %mul3A_17 = arith.constant 128 : i32
      %mul3A_18 = arith.muli %add3A_16, %mul3A_17 : i32
      %add3A_19 = arith.addi %mul3A_2, %mul3A_18 : i32
      "tpu.region"() ({
        %run_scoped3A = tpu.sem_alloc : memref<!tpu.dma_semaphore, #tpu.memory_space<semaphore_mem>>
        %dma_start3A_40 = tpu.memref_slice %arg3[%add3A_19] : memref<65536xi32, #tpu.memory_space<hbm>> -> memref<128xi32, #tpu.memory_space<hbm>>
        %dma_start3A_41 = tpu.memref_slice %arg3[%add3A_19] : memref<65536xi32, #tpu.memory_space<hbm>> -> memref<128xi32, #tpu.memory_space<hbm>>
        tpu.enqueue_dma source(%dma_start3A_41 : memref<128xi32, #tpu.memory_space<hbm>>) target(%arg6 : memref<128xi32, #tpu.memory_space<vmem>>) target_semaphore(%run_scoped3A : memref<!tpu.dma_semaphore, #tpu.memory_space<semaphore_mem>>)
        %dma_wait3A_42 = tpu.memref_slice %arg3[%add3A_19] : memref<65536xi32, #tpu.memory_space<hbm>> -> memref<128xi32, #tpu.memory_space<hbm>>
        %dma_wait3A_43 = tpu.memref_slice %arg3[%add3A_19] : memref<65536xi32, #tpu.memory_space<hbm>> -> memref<128xi32, #tpu.memory_space<hbm>>
        tpu.wait_dma2 semaphore(%run_scoped3A : memref<!tpu.dma_semaphore, #tpu.memory_space<semaphore_mem>>) src(%dma_wait3A_43 : memref<128xi32, #tpu.memory_space<hbm>>) dst(%arg6 : memref<128xi32, #tpu.memory_space<vmem>>)
        tpu.yield
      }) : () -> ()
      %dma_start3A_20 = arith.constant 0 : i32
      %dma_start3A_21 = arith.constant 0 : i32
      %dma_start3A_22 = tpu.memref_slice %arg2[%dma_start3A_20, %dma_start3A_21] : memref<4096x384xi32, #tpu.memory_space<hbm>> -> memref<4096x384xi32, #tpu.memory_space<hbm>>
      tpu.enqueue_indirect_dma source(%dma_start3A_22 : memref<4096x384xi32, #tpu.memory_space<hbm>>) target(%arg8 : memref<128x384xi32, #tpu.memory_space<vmem>>) offsets(%arg6 : memref<128xi32, #tpu.memory_space<vmem>>) semaphore(%arg10 : memref<!tpu.dma_semaphore, #tpu.memory_space<semaphore_mem>>)
      %dma_wait3A = arith.constant 0 : i32
      %dma_wait3A_23 = arith.constant 0 : i32
      %dma_wait3A_24 = tpu.memref_slice %arg2[%dma_wait3A, %dma_wait3A_23] : memref<4096x384xi32, #tpu.memory_space<hbm>> -> memref<4096x384xi32, #tpu.memory_space<hbm>>
      tpu.wait_indirect_dma semaphore(%arg9 : memref<!tpu.dma_semaphore, #tpu.memory_space<semaphore_mem>>) src(%dma_wait3A_24 : memref<4096x384xi32, #tpu.memory_space<hbm>>) dst(%arg7 : memref<128x384xi32, #tpu.memory_space<vmem>>)
      %mul3A_25 = arith.constant 128 : i32
      %mul3A_26 = arith.muli %mul3A_14, %mul3A_25 : i32
      %add3A_27 = arith.addi %mul3A_2, %mul3A_26 : i32
      "tpu.region"() ({
        %run_scoped3A = tpu.sem_alloc : memref<!tpu.dma_semaphore, #tpu.memory_space<semaphore_mem>>
        %dma_start3A_40 = arith.constant 0 : i32
        %dma_start3A_41 = tpu.memref_slice %arg4[%add3A_27, %dma_start3A_40] : memref<65536x384xi32, #tpu.memory_space<hbm>> -> memref<128x384xi32, #tpu.memory_space<hbm>>
        %dma_start3A_42 = arith.constant 0 : i32
        %dma_start3A_43 = tpu.memref_slice %arg4[%add3A_27, %dma_start3A_42] : memref<65536x384xi32, #tpu.memory_space<hbm>> -> memref<128x384xi32, #tpu.memory_space<hbm>>
        tpu.enqueue_dma source(%arg7 : memref<128x384xi32, #tpu.memory_space<vmem>>) target(%dma_start3A_43 : memref<128x384xi32, #tpu.memory_space<hbm>>) target_semaphore(%run_scoped3A : memref<!tpu.dma_semaphore, #tpu.memory_space<semaphore_mem>>)
        %dma_wait3A_44 = arith.constant 0 : i32
        %dma_wait3A_45 = tpu.memref_slice %arg4[%add3A_27, %dma_wait3A_44] : memref<65536x384xi32, #tpu.memory_space<hbm>> -> memref<128x384xi32, #tpu.memory_space<hbm>>
        %dma_wait3A_46 = arith.constant 0 : i32
        %dma_wait3A_47 = tpu.memref_slice %arg4[%add3A_27, %dma_wait3A_46] : memref<65536x384xi32, #tpu.memory_space<hbm>> -> memref<128x384xi32, #tpu.memory_space<hbm>>
        tpu.wait_dma2 semaphore(%run_scoped3A : memref<!tpu.dma_semaphore, #tpu.memory_space<semaphore_mem>>) src(%arg7 : memref<128x384xi32, #tpu.memory_space<vmem>>) dst(%dma_wait3A_47 : memref<128x384xi32, #tpu.memory_space<hbm>>)
        tpu.yield
      }) : () -> ()
      %add3A_28 = arith.constant 2 : i32
      %add3A_29 = arith.addi %mul3A_14, %add3A_28 : i32
      %lt3A = arith.constant 16 : i32
      %lt3A_30 = arith.cmpi slt, %add3A_29, %lt3A : i32
      %convert_element_type3A = arith.extui %lt3A_30 : i1 to i32
      %cond3A = arith.constant 0 : i32
      %cond3A_31 = arith.cmpi ne, %convert_element_type3A, %cond3A : i32
      scf.if %cond3A_31 {
        %add3A_40 = arith.constant 2 : i32
        %add3A_41 = arith.addi %mul3A_14, %add3A_40 : i32
        %mul3A_42 = arith.constant 128 : i32
        %mul3A_43 = arith.muli %add3A_41, %mul3A_42 : i32
        %add3A_44 = arith.addi %mul3A_2, %mul3A_43 : i32
        "tpu.region"() ({
          %run_scoped3A = tpu.sem_alloc : memref<!tpu.dma_semaphore, #tpu.memory_space<semaphore_mem>>
          %dma_start3A_48 = tpu.memref_slice %arg3[%add3A_44] : memref<65536xi32, #tpu.memory_space<hbm>> -> memref<128xi32, #tpu.memory_space<hbm>>
          %dma_start3A_49 = tpu.memref_slice %arg3[%add3A_44] : memref<65536xi32, #tpu.memory_space<hbm>> -> memref<128xi32, #tpu.memory_space<hbm>>
          tpu.enqueue_dma source(%dma_start3A_49 : memref<128xi32, #tpu.memory_space<hbm>>) target(%arg5 : memref<128xi32, #tpu.memory_space<vmem>>) target_semaphore(%run_scoped3A : memref<!tpu.dma_semaphore, #tpu.memory_space<semaphore_mem>>)
          %dma_wait3A_50 = tpu.memref_slice %arg3[%add3A_44] : memref<65536xi32, #tpu.memory_space<hbm>> -> memref<128xi32, #tpu.memory_space<hbm>>
          %dma_wait3A_51 = tpu.memref_slice %arg3[%add3A_44] : memref<65536xi32, #tpu.memory_space<hbm>> -> memref<128xi32, #tpu.memory_space<hbm>>
          tpu.wait_dma2 semaphore(%run_scoped3A : memref<!tpu.dma_semaphore, #tpu.memory_space<semaphore_mem>>) src(%dma_wait3A_51 : memref<128xi32, #tpu.memory_space<hbm>>) dst(%arg5 : memref<128xi32, #tpu.memory_space<vmem>>)
          tpu.yield
        }) : () -> ()
        %dma_start3A_45 = arith.constant 0 : i32
        %dma_start3A_46 = arith.constant 0 : i32
        %dma_start3A_47 = tpu.memref_slice %arg2[%dma_start3A_45, %dma_start3A_46] : memref<4096x384xi32, #tpu.memory_space<hbm>> -> memref<4096x384xi32, #tpu.memory_space<hbm>>
        tpu.enqueue_indirect_dma source(%dma_start3A_47 : memref<4096x384xi32, #tpu.memory_space<hbm>>) target(%arg7 : memref<128x384xi32, #tpu.memory_space<vmem>>) offsets(%arg5 : memref<128xi32, #tpu.memory_space<vmem>>) semaphore(%arg9 : memref<!tpu.dma_semaphore, #tpu.memory_space<semaphore_mem>>)
      } else {
      }
      %add3A_32 = arith.constant 1 : i32
      %add3A_33 = arith.addi %mul3A_14, %add3A_32 : i32
      %dma_wait3A_34 = arith.constant 0 : i32
      %dma_wait3A_35 = arith.constant 0 : i32
      %dma_wait3A_36 = tpu.memref_slice %arg2[%dma_wait3A_34, %dma_wait3A_35] : memref<4096x384xi32, #tpu.memory_space<hbm>> -> memref<4096x384xi32, #tpu.memory_space<hbm>>
      tpu.wait_indirect_dma semaphore(%arg10 : memref<!tpu.dma_semaphore, #tpu.memory_space<semaphore_mem>>) src(%dma_wait3A_36 : memref<4096x384xi32, #tpu.memory_space<hbm>>) dst(%arg8 : memref<128x384xi32, #tpu.memory_space<vmem>>)
      %mul3A_37 = arith.constant 128 : i32
      %mul3A_38 = arith.muli %add3A_33, %mul3A_37 : i32
      %add3A_39 = arith.addi %mul3A_2, %mul3A_38 : i32
      "tpu.region"() ({
        %run_scoped3A = tpu.sem_alloc : memref<!tpu.dma_semaphore, #tpu.memory_space<semaphore_mem>>
        %dma_start3A_40 = arith.constant 0 : i32
        %dma_start3A_41 = tpu.memref_slice %arg4[%add3A_39, %dma_start3A_40] : memref<65536x384xi32, #tpu.memory_space<hbm>> -> memref<128x384xi32, #tpu.memory_space<hbm>>
        %dma_start3A_42 = arith.constant 0 : i32
        %dma_start3A_43 = tpu.memref_slice %arg4[%add3A_39, %dma_start3A_42] : memref<65536x384xi32, #tpu.memory_space<hbm>> -> memref<128x384xi32, #tpu.memory_space<hbm>>
        tpu.enqueue_dma source(%arg8 : memref<128x384xi32, #tpu.memory_space<vmem>>) target(%dma_start3A_43 : memref<128x384xi32, #tpu.memory_space<hbm>>) target_semaphore(%run_scoped3A : memref<!tpu.dma_semaphore, #tpu.memory_space<semaphore_mem>>)
        %dma_wait3A_44 = arith.constant 0 : i32
        %dma_wait3A_45 = tpu.memref_slice %arg4[%add3A_39, %dma_wait3A_44] : memref<65536x384xi32, #tpu.memory_space<hbm>> -> memref<128x384xi32, #tpu.memory_space<hbm>>
        %dma_wait3A_46 = arith.constant 0 : i32
        %dma_wait3A_47 = tpu.memref_slice %arg4[%add3A_39, %dma_wait3A_46] : memref<65536x384xi32, #tpu.memory_space<hbm>> -> memref<128x384xi32, #tpu.memory_space<hbm>>
        tpu.wait_dma2 semaphore(%run_scoped3A : memref<!tpu.dma_semaphore, #tpu.memory_space<semaphore_mem>>) src(%arg8 : memref<128x384xi32, #tpu.memory_space<vmem>>) dst(%dma_wait3A_47 : memref<128x384xi32, #tpu.memory_space<hbm>>)
        tpu.yield
      }) : () -> ()
    }
    %scan3A_11 = arith.constant 8 : i32
    return
  }
}

#map = affine_map<(d0, d1) -> (0, 0)>
#map1 = affine_map<(d0, d1) -> (0)>
module attributes {stable_mosaic.version = 14 : i64} {
  func.func @gath(%arg0: i32, %arg1: i32, %arg2: memref<4096x384xi32, #tpu.memory_space<hbm>>, %arg3: memref<65536xi32, #tpu.memory_space<hbm>>, %arg4: memref<65536x384xi32, #tpu.memory_space<hbm>>, %arg5: memref<128xi32, #tpu.memory_space<vmem>>, %arg6: memref<128xi32, #tpu.memory_space<vmem>>, %arg7: memref<128x384xi32, #tpu.memory_space<vmem>>, %arg8: memref<128x384xi32, #tpu.memory_space<vmem>>, %arg9: memref<!tpu.dma_semaphore, #tpu.memory_space<semaphore_mem>>, %arg10: memref<!tpu.dma_semaphore, #tpu.memory_space<semaphore_mem>>) attributes {dimension_semantics = [#tpu.dimension_semantics<core_parallel>, #tpu.dimension_semantics<subcore_parallel>], iteration_bounds = array<i64: 2, 16>, scalar_prefetch = 0 : i64, scratch_operands = 6 : i64, tpu.core_type = #tpu.core_type<sc_vector_subcore>, window_params = [{transform_indices = #map}, {transform_indices = #map1}, {transform_indices = #map}]} {
    %mul3A = arith.constant 2 : i32
    %mul3A_0 = arith.muli %arg1, %mul3A : i32
    %add3A = arith.addi %mul3A_0, %arg0 : i32
    %mul3A_1 = arith.constant 2048 : i32
    %mul3A_2 = arith.muli %add3A, %mul3A_1 : i32
    %add3A_3 = arith.constant 0 : i32
    %add3A_4 = arith.addi %mul3A_2, %add3A_3 : i32
    "tpu.region"() ({
      %run_scoped3A = tpu.sem_alloc : memref<!tpu.dma_semaphore, #tpu.memory_space<semaphore_mem>>
      %dma_start3A_12 = tpu.memref_slice %arg3[%add3A_4] : memref<65536xi32, #tpu.memory_space<hbm>> -> memref<128xi32, #tpu.memory_space<hbm>>
      %dma_start3A_13 = tpu.memref_slice %arg3[%add3A_4] : memref<65536xi32, #tpu.memory_space<hbm>> -> memref<128xi32, #tpu.memory_space<hbm>>
      tpu.enqueue_dma source(%dma_start3A_13 : memref<128xi32, #tpu.memory_space<hbm>>) target(%arg5 : memref<128xi32, #tpu.memory_space<vmem>>) target_semaphore(%run_scoped3A : memref<!tpu.dma_semaphore, #tpu.memory_space<semaphore_mem>>)
      %dma_wait3A = tpu.memref_slice %arg3[%add3A_4] : memref<65536xi32, #tpu.memory_space<hbm>> -> memref<128xi32, #tpu.memory_space<hbm>>
      %dma_wait3A_14 = tpu.memref_slice %arg3[%add3A_4] : memref<65536xi32, #tpu.memory_space<hbm>> -> memref<128xi32, #tpu.memory_space<hbm>>
      tpu.wait_dma2 semaphore(%run_scoped3A : memref<!tpu.dma_semaphore, #tpu.memory_space<semaphore_mem>>) src(%dma_wait3A_14 : memref<128xi32, #tpu.memory_space<hbm>>) dst(%arg5 : memref<128xi32, #tpu.memory_space<vmem>>)
      tpu.yield
    }) : () -> ()
    %dma_start3A = arith.constant 0 : i32
    %dma_start3A_5 = arith.constant 0 : i32
    %dma_start3A_6 = tpu.memref_slice %arg2[%dma_start3A, %dma_start3A_5] : memref<4096x384xi32, #tpu.memory_space<hbm>> -> memref<4096x384xi32, #tpu.memory_space<hbm>>
    tpu.enqueue_indirect_dma source(%dma_start3A_6 : memref<4096x384xi32, #tpu.memory_space<hbm>>) target(%arg7 : memref<128x384xi32, #tpu.memory_space<vmem>>) offsets(%arg5 : memref<128xi32, #tpu.memory_space<vmem>>) semaphore(%arg9 : memref<!tpu.dma_semaphore, #tpu.memory_space<semaphore_mem>>)
    %scan3A = arith.constant 0 : i32
    %scan3A_7 = arith.constant 0 : i32
    %scan3A_8 = arith.constant 8 : i32
    %scan3A_9 = arith.addi %scan3A_7, %scan3A_8 : i32
    %scan3A_10 = arith.constant 1 : i32
    scf.for %scan3A_12 = %scan3A_7 to %scan3A_9 step %scan3A_10  : i32 {
      %mul3A_13 = arith.constant 2 : i32
      %mul3A_14 = arith.muli %scan3A_12, %mul3A_13 : i32
      %add3A_15 = arith.constant 1 : i32
      %add3A_16 = arith.addi %mul3A_14, %add3A_15 : i32
      %mul3A_17 = arith.constant 128 : i32
      %mul3A_18 = arith.muli %add3A_16, %mul3A_17 : i32
      %add3A_19 = arith.addi %mul3A_2, %mul3A_18 : i32
      "tpu.region"() ({
        %run_scoped3A = tpu.sem_alloc : memref<!tpu.dma_semaphore, #tpu.memory_space<semaphore_mem>>
        %dma_start3A_40 = tpu.memref_slice %arg3[%add3A_19] : memref<65536xi32, #tpu.memory_space<hbm>> -> memref<128xi32, #tpu.memory_space<hbm>>
        %dma_start3A_41 = tpu.memref_slice %arg3[%add3A_19] : memref<65536xi32, #tpu.memory_space<hbm>> -> memref<128xi32, #tpu.memory_space<hbm>>
        tpu.enqueue_dma source(%dma_start3A_41 : memref<128xi32, #tpu.memory_space<hbm>>) target(%arg6 : memref<128xi32, #tpu.memory_space<vmem>>) target_semaphore(%run_scoped3A : memref<!tpu.dma_semaphore, #tpu.memory_space<semaphore_mem>>)
        %dma_wait3A_42 = tpu.memref_slice %arg3[%add3A_19] : memref<65536xi32, #tpu.memory_space<hbm>> -> memref<128xi32, #tpu.memory_space<hbm>>
        %dma_wait3A_43 = tpu.memref_slice %arg3[%add3A_19] : memref<65536xi32, #tpu.memory_space<hbm>> -> memref<128xi32, #tpu.memory_space<hbm>>
        tpu.wait_dma2 semaphore(%run_scoped3A : memref<!tpu.dma_semaphore, #tpu.memory_space<semaphore_mem>>) src(%dma_wait3A_43 : memref<128xi32, #tpu.memory_space<hbm>>) dst(%arg6 : memref<128xi32, #tpu.memory_space<vmem>>)
        tpu.yield
      }) : () -> ()
      %dma_start3A_20 = arith.constant 0 : i32
      %dma_start3A_21 = arith.constant 0 : i32
      %dma_start3A_22 = tpu.memref_slice %arg2[%dma_start3A_20, %dma_start3A_21] : memref<4096x384xi32, #tpu.memory_space<hbm>> -> memref<4096x384xi32, #tpu.memory_space<hbm>>
      tpu.enqueue_indirect_dma source(%dma_start3A_22 : memref<4096x384xi32, #tpu.memory_space<hbm>>) target(%arg8 : memref<128x384xi32, #tpu.memory_space<vmem>>) offsets(%arg6 : memref<128xi32, #tpu.memory_space<vmem>>) semaphore(%arg10 : memref<!tpu.dma_semaphore, #tpu.memory_space<semaphore_mem>>)
      %dma_wait3A = arith.constant 0 : i32
      %dma_wait3A_23 = arith.constant 0 : i32
      %dma_wait3A_24 = tpu.memref_slice %arg2[%dma_wait3A, %dma_wait3A_23] : memref<4096x384xi32, #tpu.memory_space<hbm>> -> memref<4096x384xi32, #tpu.memory_space<hbm>>
      tpu.wait_indirect_dma semaphore(%arg9 : memref<!tpu.dma_semaphore, #tpu.memory_space<semaphore_mem>>) src(%dma_wait3A_24 : memref<4096x384xi32, #tpu.memory_space<hbm>>) dst(%arg7 : memref<128x384xi32, #tpu.memory_space<vmem>>)
      %mul3A_25 = arith.constant 128 : i32
      %mul3A_26 = arith.muli %mul3A_14, %mul3A_25 : i32
      %add3A_27 = arith.addi %mul3A_2, %mul3A_26 : i32
      "tpu.region"() ({
        %run_scoped3A = tpu.sem_alloc : memref<!tpu.dma_semaphore, #tpu.memory_space<semaphore_mem>>
        %dma_start3A_40 = arith.constant 0 : i32
        %dma_start3A_41 = tpu.memref_slice %arg4[%add3A_27, %dma_start3A_40] : memref<65536x384xi32, #tpu.memory_space<hbm>> -> memref<128x384xi32, #tpu.memory_space<hbm>>
        %dma_start3A_42 = arith.constant 0 : i32
        %dma_start3A_43 = tpu.memref_slice %arg4[%add3A_27, %dma_start3A_42] : memref<65536x384xi32, #tpu.memory_space<hbm>> -> memref<128x384xi32, #tpu.memory_space<hbm>>
        tpu.enqueue_dma source(%arg7 : memref<128x384xi32, #tpu.memory_space<vmem>>) target(%dma_start3A_43 : memref<128x384xi32, #tpu.memory_space<hbm>>) target_semaphore(%run_scoped3A : memref<!tpu.dma_semaphore, #tpu.memory_space<semaphore_mem>>)
        %dma_wait3A_44 = arith.constant 0 : i32
        %dma_wait3A_45 = tpu.memref_slice %arg4[%add3A_27, %dma_wait3A_44] : memref<65536x384xi32, #tpu.memory_space<hbm>> -> memref<128x384xi32, #tpu.memory_space<hbm>>
        %dma_wait3A_46 = arith.constant 0 : i32
        %dma_wait3A_47 = tpu.memref_slice %arg4[%add3A_27, %dma_wait3A_46] : memref<65536x384xi32, #tpu.memory_space<hbm>> -> memref<128x384xi32, #tpu.memory_space<hbm>>
        tpu.wait_dma2 semaphore(%run_scoped3A : memref<!tpu.dma_semaphore, #tpu.memory_space<semaphore_mem>>) src(%arg7 : memref<128x384xi32, #tpu.memory_space<vmem>>) dst(%dma_wait3A_47 : memref<128x384xi32, #tpu.memory_space<hbm>>)
        tpu.yield
      }) : () -> ()
      %add3A_28 = arith.constant 2 : i32
      %add3A_29 = arith.addi %mul3A_14, %add3A_28 : i32
      %lt3A = arith.constant 16 : i32
      %lt3A_30 = arith.cmpi slt, %add3A_29, %lt3A : i32
      %convert_element_type3A = arith.extui %lt3A_30 : i1 to i32
      %cond3A = arith.constant 0 : i32
      %cond3A_31 = arith.cmpi ne, %convert_element_type3A, %cond3A : i32
      scf.if %cond3A_31 {
        %add3A_40 = arith.constant 2 : i32
        %add3A_41 = arith.addi %mul3A_14, %add3A_40 : i32
        %mul3A_42 = arith.constant 128 : i32
        %mul3A_43 = arith.muli %add3A_41, %mul3A_42 : i32
        %add3A_44 = arith.addi %mul3A_2, %mul3A_43 : i32
        "tpu.region"() ({
          %run_scoped3A = tpu.sem_alloc : memref<!tpu.dma_semaphore, #tpu.memory_space<semaphore_mem>>
          %dma_start3A_48 = tpu.memref_slice %arg3[%add3A_44] : memref<65536xi32, #tpu.memory_space<hbm>> -> memref<128xi32, #tpu.memory_space<hbm>>
          %dma_start3A_49 = tpu.memref_slice %arg3[%add3A_44] : memref<65536xi32, #tpu.memory_space<hbm>> -> memref<128xi32, #tpu.memory_space<hbm>>
          tpu.enqueue_dma source(%dma_start3A_49 : memref<128xi32, #tpu.memory_space<hbm>>) target(%arg5 : memref<128xi32, #tpu.memory_space<vmem>>) target_semaphore(%run_scoped3A : memref<!tpu.dma_semaphore, #tpu.memory_space<semaphore_mem>>)
          %dma_wait3A_50 = tpu.memref_slice %arg3[%add3A_44] : memref<65536xi32, #tpu.memory_space<hbm>> -> memref<128xi32, #tpu.memory_space<hbm>>
          %dma_wait3A_51 = tpu.memref_slice %arg3[%add3A_44] : memref<65536xi32, #tpu.memory_space<hbm>> -> memref<128xi32, #tpu.memory_space<hbm>>
          tpu.wait_dma2 semaphore(%run_scoped3A : memref<!tpu.dma_semaphore, #tpu.memory_space<semaphore_mem>>) src(%dma_wait3A_51 : memref<128xi32, #tpu.memory_space<hbm>>) dst(%arg5 : memref<128xi32, #tpu.memory_space<vmem>>)
          tpu.yield
        }) : () -> ()
        %dma_start3A_45 = arith.constant 0 : i32
        %dma_start3A_46 = arith.constant 0 : i32
        %dma_start3A_47 = tpu.memref_slice %arg2[%dma_start3A_45, %dma_start3A_46] : memref<4096x384xi32, #tpu.memory_space<hbm>> -> memref<4096x384xi32, #tpu.memory_space<hbm>>
        tpu.enqueue_indirect_dma source(%dma_start3A_47 : memref<4096x384xi32, #tpu.memory_space<hbm>>) target(%arg7 : memref<128x384xi32, #tpu.memory_space<vmem>>) offsets(%arg5 : memref<128xi32, #tpu.memory_space<vmem>>) semaphore(%arg9 : memref<!tpu.dma_semaphore, #tpu.memory_space<semaphore_mem>>)
      } else {
      }
      %add3A_32 = arith.constant 1 : i32
      %add3A_33 = arith.addi %mul3A_14, %add3A_32 : i32
      %dma_wait3A_34 = arith.constant 0 : i32
      %dma_wait3A_35 = arith.constant 0 : i32
      %dma_wait3A_36 = tpu.memref_slice %arg2[%dma_wait3A_34, %dma_wait3A_35] : memref<4096x384xi32, #tpu.memory_space<hbm>> -> memref<4096x384xi32, #tpu.memory_space<hbm>>
      tpu.wait_indirect_dma semaphore(%arg10 : memref<!tpu.dma_semaphore, #tpu.memory_space<semaphore_mem>>) src(%dma_wait3A_36 : memref<4096x384xi32, #tpu.memory_space<hbm>>) dst(%arg8 : memref<128x384xi32, #tpu.memory_space<vmem>>)
      %mul3A_37 = arith.constant 128 : i32
      %mul3A_38 = arith.muli %add3A_33, %mul3A_37 : i32
      %add3A_39 = arith.addi %mul3A_2, %mul3A_38 : i32
      "tpu.region"() ({
        %run_scoped3A = tpu.sem_alloc : memref<!tpu.dma_semaphore, #tpu.memory_space<semaphore_mem>>
        %dma_start3A_40 = arith.constant 0 : i32
        %dma_start3A_41 = tpu.memref_slice %arg4[%add3A_39, %dma_start3A_40] : memref<65536x384xi32, #tpu.memory_space<hbm>> -> memref<128x384xi32, #tpu.memory_space<hbm>>
        %dma_start3A_42 = arith.constant 0 : i32
        %dma_start3A_43 = tpu.memref_slice %arg4[%add3A_39, %dma_start3A_42] : memref<65536x384xi32, #tpu.memory_space<hbm>> -> memref<128x384xi32, #tpu.memory_space<hbm>>
        tpu.enqueue_dma source(%arg8 : memref<128x384xi32, #tpu.memory_space<vmem>>) target(%dma_start3A_43 : memref<128x384xi32, #tpu.memory_space<hbm>>) target_semaphore(%run_scoped3A : memref<!tpu.dma_semaphore, #tpu.memory_space<semaphore_mem>>)
        %dma_wait3A_44 = arith.constant 0 : i32
        %dma_wait3A_45 = tpu.memref_slice %arg4[%add3A_39, %dma_wait3A_44] : memref<65536x384xi32, #tpu.memory_space<hbm>> -> memref<128x384xi32, #tpu.memory_space<hbm>>
        %dma_wait3A_46 = arith.constant 0 : i32
        %dma_wait3A_47 = tpu.memref_slice %arg4[%add3A_39, %dma_wait3A_46] : memref<65536x384xi32, #tpu.memory_space<hbm>> -> memref<128x384xi32, #tpu.memory_space<hbm>>
        tpu.wait_dma2 semaphore(%run_scoped3A : memref<!tpu.dma_semaphore, #tpu.memory_space<semaphore_mem>>) src(%arg8 : memref<128x384xi32, #tpu.memory_space<vmem>>) dst(%dma_wait3A_47 : memref<128x384xi32, #tpu.memory_space<hbm>>)
        tpu.yield
      }) : () -> ()
    }
    %scan3A_11 = arith.constant 8 : i32
    return
  }
}

module attributes {stable_mosaic.version = 14 : i64} {
  func.func @_qkv_knn_body(%arg0: i32, %arg1: i32, %arg2: memref<1x256x384xf32, #tpu.memory_space<vmem>>, %arg3: memref<1x1x4096xi32, #tpu.memory_space<vmem>>, %arg4: memref<1x384xf32, #tpu.memory_space<vmem>>, %arg5: memref<1x384xf32, #tpu.memory_space<vmem>>, %arg6: memref<384x384xf32, #tpu.memory_space<vmem>>, %arg7: memref<1x384xf32, #tpu.memory_space<vmem>>, %arg8: memref<384x384xf32, #tpu.memory_space<vmem>>, %arg9: memref<1x384xf32, #tpu.memory_space<vmem>>, %arg10: memref<384x384xf32, #tpu.memory_space<vmem>>, %arg11: memref<1x384xf32, #tpu.memory_space<vmem>>, %arg12: memref<1x256x192xi32, #tpu.memory_space<vmem>>, %arg13: memref<1x256x384xi32, #tpu.memory_space<vmem>>, %arg14: memref<16x256xi32, #tpu.memory_space<vmem>>, %arg15: memref<16x256xi32, #tpu.memory_space<vmem>>) attributes {dimension_semantics = [#tpu.dimension_semantics<arbitrary>, #tpu.dimension_semantics<arbitrary>], iteration_bounds = array<i64: 1, 16>, scalar_prefetch = 0 : i64, scratch_operands = 0 : i64, tpu.core_type = #tpu.core_type<tc>, window_params = [{transform_indices = @transform_0, window_bounds = array<i64: 1, 256, 384>}, {transform_indices = @transform_1, window_bounds = array<i64: 1, 1, 4096>}, {pipeline_mode = #tpu.pipeline_mode<synchronous>, transform_indices = @transform_2, window_bounds = array<i64: 1, 384>}, {pipeline_mode = #tpu.pipeline_mode<synchronous>, transform_indices = @transform_3, window_bounds = array<i64: 1, 384>}, {pipeline_mode = #tpu.pipeline_mode<synchronous>, transform_indices = @transform_4, window_bounds = array<i64: 384, 384>}, {pipeline_mode = #tpu.pipeline_mode<synchronous>, transform_indices = @transform_5, window_bounds = array<i64: 1, 384>}, {pipeline_mode = #tpu.pipeline_mode<synchronous>, transform_indices = @transform_6, window_bounds = array<i64: 384, 384>}, {pipeline_mode = #tpu.pipeline_mode<synchronous>, transform_indices = @transform_7, window_bounds = array<i64: 1, 384>}, {pipeline_mode = #tpu.pipeline_mode<synchronous>, transform_indices = @transform_8, window_bounds = array<i64: 384, 384>}, {pipeline_mode = #tpu.pipeline_mode<synchronous>, transform_indices = @transform_9, window_bounds = array<i64: 1, 384>}, {transform_indices = @transform_10, window_bounds = array<i64: 1, 256, 192>}, {transform_indices = @transform_11, window_bounds = array<i64: 1, 256, 384>}, {transform_indices = @transform_12, window_bounds = array<i64: 16, 256>}, {transform_indices = @transform_13, window_bounds = array<i64: 16, 256>}]} {
    %get3A = arith.constant 0 : index
    %get3A_0 = arith.constant 0 : index
    %get3A_1 = arith.constant 0 : index
    %get3A_2 = vector.load %arg2[%get3A, %get3A_0, %get3A_1] : memref<1x256x384xf32, #tpu.memory_space<vmem>>, vector<1x256x384xf32>
    %get3A_3 = vector.shape_cast %get3A_2 : vector<1x256x384xf32> to vector<256x384xf32>
    %reduce_sum3A = arith.constant dense<0.000000e+00> : vector<256xf32>
    %reduce_sum3A_4 = vector.multi_reduction <add>, %get3A_3, %reduce_sum3A [1] : vector<256x384xf32> to vector<256xf32>
    %broadcast_in_dim3A = vector.shape_cast %reduce_sum3A_4 : vector<256xf32> to vector<256x1xf32>
    %div3A = arith.constant 3.840000e+02 : f32
    %div3A_5 = vector.broadcast %div3A : f32 to vector<256x1xf32>
    %div3A_6 = arith.divf %broadcast_in_dim3A, %div3A_5 : vector<256x1xf32>
    %sub3A = vector.broadcast %div3A_6 : vector<256x1xf32> to vector<256x384xf32>
    %sub3A_7 = arith.subf %get3A_3, %sub3A : vector<256x384xf32>
    %integer_pow3A = arith.mulf %sub3A_7, %sub3A_7 : vector<256x384xf32>
    %reduce_sum3A_8 = arith.constant dense<0.000000e+00> : vector<256xf32>
    %reduce_sum3A_9 = vector.multi_reduction <add>, %integer_pow3A, %reduce_sum3A_8 [1] : vector<256x384xf32> to vector<256xf32>
    %broadcast_in_dim3A_10 = vector.shape_cast %reduce_sum3A_9 : vector<256xf32> to vector<256x1xf32>
    %div3A_11 = arith.constant 3.840000e+02 : f32
    %div3A_12 = vector.broadcast %div3A_11 : f32 to vector<256x1xf32>
    %div3A_13 = arith.divf %broadcast_in_dim3A_10, %div3A_12 : vector<256x1xf32>
    %sub3A_14 = vector.broadcast %div3A_6 : vector<256x1xf32> to vector<256x384xf32>
    %sub3A_15 = arith.subf %get3A_3, %sub3A_14 : vector<256x384xf32>
    %add3A = arith.constant 9.99999974E-6 : f32
    %add3A_16 = vector.broadcast %add3A : f32 to vector<256x1xf32>
    %add3A_17 = arith.addf %div3A_13, %add3A_16 : vector<256x1xf32>
    %rsqrt3A = math.rsqrt %add3A_17 : vector<256x1xf32>
    %mul3A = vector.broadcast %rsqrt3A : vector<256x1xf32> to vector<256x384xf32>
    %mul3A_18 = arith.mulf %sub3A_15, %mul3A : vector<256x384xf32>
    %get3A_19 = arith.constant 0 : index
    %get3A_20 = arith.constant 0 : index
    %get3A_21 = vector.load %arg4[%get3A_19, %get3A_20] : memref<1x384xf32, #tpu.memory_space<vmem>>, vector<1x384xf32>
    %get3A_22 = vector.shape_cast %get3A_21 : vector<1x384xf32> to vector<384xf32>
    %broadcast_in_dim3A_23 = vector.shape_cast %get3A_22 : vector<384xf32> to vector<1x384xf32>
    %mul3A_24 = vector.broadcast %broadcast_in_dim3A_23 : vector<1x384xf32> to vector<256x384xf32>
    %mul3A_25 = arith.mulf %mul3A_18, %mul3A_24 : vector<256x384xf32>
    %get3A_26 = arith.constant 0 : index
    %get3A_27 = arith.constant 0 : index
    %get3A_28 = vector.load %arg5[%get3A_26, %get3A_27] : memref<1x384xf32, #tpu.memory_space<vmem>>, vector<1x384xf32>
    %get3A_29 = vector.shape_cast %get3A_28 : vector<1x384xf32> to vector<384xf32>
    %broadcast_in_dim3A_30 = vector.shape_cast %get3A_29 : vector<384xf32> to vector<1x384xf32>
    %add3A_31 = vector.broadcast %broadcast_in_dim3A_30 : vector<1x384xf32> to vector<256x384xf32>
    %add3A_32 = arith.addf %mul3A_25, %add3A_31 : vector<256x384xf32>
    %get3A_33 = arith.constant 0 : index
    %get3A_34 = arith.constant 0 : index
    %get3A_35 = vector.load %arg6[%get3A_33, %get3A_34] : memref<384x384xf32, #tpu.memory_space<vmem>>, vector<384x384xf32>
    %dot_general3A = arith.constant dense<0.000000e+00> : vector<256x384xf32>
    %dot_general3A_36 = tpu.matmul %add3A_32, %get3A_35, %dot_general3A {dimension_numbers = #tpu.dot_dimension_numbers<[1], [0], [0], [1], [0, 0, 1, 1], [], []>, transpose_lhs_hint = false} : vector<256x384xf32>, vector<384x384xf32>, vector<256x384xf32> -> vector<256x384xf32>
    %get3A_37 = arith.constant 0 : index
    %get3A_38 = arith.constant 0 : index
    %get3A_39 = vector.load %arg7[%get3A_37, %get3A_38] : memref<1x384xf32, #tpu.memory_space<vmem>>, vector<1x384xf32>
    %get3A_40 = vector.shape_cast %get3A_39 : vector<1x384xf32> to vector<384xf32>
    %broadcast_in_dim3A_41 = vector.shape_cast %get3A_40 : vector<384xf32> to vector<1x384xf32>
    %add3A_42 = vector.broadcast %broadcast_in_dim3A_41 : vector<1x384xf32> to vector<256x384xf32>
    %add3A_43 = arith.addf %dot_general3A_36, %add3A_42 : vector<256x384xf32>
    %get3A_44 = arith.constant 0 : index
    %get3A_45 = arith.constant 0 : index
    %get3A_46 = vector.load %arg8[%get3A_44, %get3A_45] : memref<384x384xf32, #tpu.memory_space<vmem>>, vector<384x384xf32>
    %dot_general3A_47 = arith.constant dense<0.000000e+00> : vector<256x384xf32>
    %dot_general3A_48 = tpu.matmul %add3A_32, %get3A_46, %dot_general3A_47 {dimension_numbers = #tpu.dot_dimension_numbers<[1], [0], [0], [1], [0, 0, 1, 1], [], []>, transpose_lhs_hint = false} : vector<256x384xf32>, vector<384x384xf32>, vector<256x384xf32> -> vector<256x384xf32>
    %get3A_49 = arith.constant 0 : index
    %get3A_50 = arith.constant 0 : index
    %get3A_51 = vector.load %arg9[%get3A_49, %get3A_50] : memref<1x384xf32, #tpu.memory_space<vmem>>, vector<1x384xf32>
    %get3A_52 = vector.shape_cast %get3A_51 : vector<1x384xf32> to vector<384xf32>
    %broadcast_in_dim3A_53 = vector.shape_cast %get3A_52 : vector<384xf32> to vector<1x384xf32>
    %add3A_54 = vector.broadcast %broadcast_in_dim3A_53 : vector<1x384xf32> to vector<256x384xf32>
    %add3A_55 = arith.addf %dot_general3A_48, %add3A_54 : vector<256x384xf32>
    %get3A_56 = arith.constant 0 : index
    %get3A_57 = arith.constant 0 : index
    %get3A_58 = vector.load %arg10[%get3A_56, %get3A_57] : memref<384x384xf32, #tpu.memory_space<vmem>>, vector<384x384xf32>
    %dot_general3A_59 = arith.constant dense<0.000000e+00> : vector<256x384xf32>
    %dot_general3A_60 = tpu.matmul %add3A_32, %get3A_58, %dot_general3A_59 {dimension_numbers = #tpu.dot_dimension_numbers<[1], [0], [0], [1], [0, 0, 1, 1], [], []>, transpose_lhs_hint = false} : vector<256x384xf32>, vector<384x384xf32>, vector<256x384xf32> -> vector<256x384xf32>
    %get3A_61 = arith.constant 0 : index
    %get3A_62 = arith.constant 0 : index
    %get3A_63 = vector.load %arg11[%get3A_61, %get3A_62] : memref<1x384xf32, #tpu.memory_space<vmem>>, vector<1x384xf32>
    %get3A_64 = vector.shape_cast %get3A_63 : vector<1x384xf32> to vector<384xf32>
    %broadcast_in_dim3A_65 = vector.shape_cast %get3A_64 : vector<384xf32> to vector<1x384xf32>
    %add3A_66 = vector.broadcast %broadcast_in_dim3A_65 : vector<1x384xf32> to vector<256x384xf32>
    %add3A_67 = arith.addf %dot_general3A_60, %add3A_66 : vector<256x384xf32>
    %slice3A = vector.extract_strided_slice %add3A_43 {offsets = [0, 0], sizes = [256, 192], strides = [1, 1]} : vector<256x384xf32> to vector<256x192xf32>
    %slice3A_68 = vector.extract_strided_slice %add3A_43 {offsets = [0, 192], sizes = [256, 192], strides = [1, 1]} : vector<256x384xf32> to vector<256x192xf32>
    %bitcast_convert_type3A = tpu.bitcast %slice3A : vector<256x192xf32> -> vector<256x192xi32>
    %add3A_69 = arith.constant 32767 : i32
    %add3A_70 = vector.broadcast %add3A_69 : i32 to vector<256x192xi32>
    %add3A_71 = arith.addi %bitcast_convert_type3A, %add3A_70 : vector<256x192xi32>
    %shift_right_logical3A = arith.constant 16 : i32
    %shift_right_logical3A_72 = vector.broadcast %shift_right_logical3A : i32 to vector<256x192xi32>
    %shift_right_logical3A_73 = arith.shrui %bitcast_convert_type3A, %shift_right_logical3A_72 : vector<256x192xi32>
    %and3A = arith.constant 1 : i32
    %and3A_74 = vector.broadcast %and3A : i32 to vector<256x192xi32>
    %and3A_75 = arith.andi %shift_right_logical3A_73, %and3A_74 : vector<256x192xi32>
    %add3A_76 = arith.addi %add3A_71, %and3A_75 : vector<256x192xi32>
    %shift_right_logical3A_77 = arith.constant 16 : i32
    %shift_right_logical3A_78 = vector.broadcast %shift_right_logical3A_77 : i32 to vector<256x192xi32>
    %shift_right_logical3A_79 = arith.shrui %add3A_76, %shift_right_logical3A_78 : vector<256x192xi32>
    %bitcast_convert_type3A_80 = tpu.bitcast %slice3A_68 : vector<256x192xf32> -> vector<256x192xi32>
    %add3A_81 = arith.constant 32767 : i32
    %add3A_82 = vector.broadcast %add3A_81 : i32 to vector<256x192xi32>
    %add3A_83 = arith.addi %bitcast_convert_type3A_80, %add3A_82 : vector<256x192xi32>
    %shift_right_logical3A_84 = arith.constant 16 : i32
    %shift_right_logical3A_85 = vector.broadcast %shift_right_logical3A_84 : i32 to vector<256x192xi32>
    %shift_right_logical3A_86 = arith.shrui %bitcast_convert_type3A_80, %shift_right_logical3A_85 : vector<256x192xi32>
    %and3A_87 = arith.constant 1 : i32
    %and3A_88 = vector.broadcast %and3A_87 : i32 to vector<256x192xi32>
    %and3A_89 = arith.andi %shift_right_logical3A_86, %and3A_88 : vector<256x192xi32>
    %add3A_90 = arith.addi %add3A_83, %and3A_89 : vector<256x192xi32>
    %shift_right_logical3A_91 = arith.constant 16 : i32
    %shift_right_logical3A_92 = vector.broadcast %shift_right_logical3A_91 : i32 to vector<256x192xi32>
    %shift_right_logical3A_93 = arith.shrui %add3A_90, %shift_right_logical3A_92 : vector<256x192xi32>
    %shift_left3A = arith.constant 16 : i32
    %shift_left3A_94 = vector.broadcast %shift_left3A : i32 to vector<256x192xi32>
    %shift_left3A_95 = arith.shli %shift_right_logical3A_93, %shift_left3A_94 : vector<256x192xi32>
    %or3A = arith.ori %shift_right_logical3A_79, %shift_left3A_95 : vector<256x192xi32>
    %swap3A = arith.constant 0 : index
    %swap3A_96 = arith.constant 0 : index
    %swap3A_97 = arith.constant 0 : index
    %swap3A_98 = vector.load %arg12[%swap3A, %swap3A_96, %swap3A_97] : memref<1x256x192xi32, #tpu.memory_space<vmem>>, vector<1x256x192xi32>
    %swap3A_99 = vector.shape_cast %swap3A_98 : vector<1x256x192xi32> to vector<256x192xi32>
    %swap3A_100 = vector.shape_cast %or3A : vector<256x192xi32> to vector<1x256x192xi32>
    tpu.vector_store %arg12[%swap3A, %swap3A_96, %swap3A_97], %swap3A_100 {strides = array<i32>} : memref<1x256x192xi32, #tpu.memory_space<vmem>>, vector<1x256x192xi32>,
    %slice3A_101 = vector.extract_strided_slice %add3A_55 {offsets = [0, 0], sizes = [256, 192], strides = [1, 1]} : vector<256x384xf32> to vector<256x192xf32>
    %slice3A_102 = vector.extract_strided_slice %add3A_55 {offsets = [0, 192], sizes = [256, 192], strides = [1, 1]} : vector<256x384xf32> to vector<256x192xf32>
    %bitcast_convert_type3A_103 = tpu.bitcast %slice3A_101 : vector<256x192xf32> -> vector<256x192xi32>
    %add3A_104 = arith.constant 32767 : i32
    %add3A_105 = vector.broadcast %add3A_104 : i32 to vector<256x192xi32>
    %add3A_106 = arith.addi %bitcast_convert_type3A_103, %add3A_105 : vector<256x192xi32>
    %shift_right_logical3A_107 = arith.constant 16 : i32
    %shift_right_logical3A_108 = vector.broadcast %shift_right_logical3A_107 : i32 to vector<256x192xi32>
    %shift_right_logical3A_109 = arith.shrui %bitcast_convert_type3A_103, %shift_right_logical3A_108 : vector<256x192xi32>
    %and3A_110 = arith.constant 1 : i32
    %and3A_111 = vector.broadcast %and3A_110 : i32 to vector<256x192xi32>
    %and3A_112 = arith.andi %shift_right_logical3A_109, %and3A_111 : vector<256x192xi32>
    %add3A_113 = arith.addi %add3A_106, %and3A_112 : vector<256x192xi32>
    %shift_right_logical3A_114 = arith.constant 16 : i32
    %shift_right_logical3A_115 = vector.broadcast %shift_right_logical3A_114 : i32 to vector<256x192xi32>
    %shift_right_logical3A_116 = arith.shrui %add3A_113, %shift_right_logical3A_115 : vector<256x192xi32>
    %bitcast_convert_type3A_117 = tpu.bitcast %slice3A_102 : vector<256x192xf32> -> vector<256x192xi32>
    %add3A_118 = arith.constant 32767 : i32
    %add3A_119 = vector.broadcast %add3A_118 : i32 to vector<256x192xi32>
    %add3A_120 = arith.addi %bitcast_convert_type3A_117, %add3A_119 : vector<256x192xi32>
    %shift_right_logical3A_121 = arith.constant 16 : i32
    %shift_right_logical3A_122 = vector.broadcast %shift_right_logical3A_121 : i32 to vector<256x192xi32>
    %shift_right_logical3A_123 = arith.shrui %bitcast_convert_type3A_117, %shift_right_logical3A_122 : vector<256x192xi32>
    %and3A_124 = arith.constant 1 : i32
    %and3A_125 = vector.broadcast %and3A_124 : i32 to vector<256x192xi32>
    %and3A_126 = arith.andi %shift_right_logical3A_123, %and3A_125 : vector<256x192xi32>
    %add3A_127 = arith.addi %add3A_120, %and3A_126 : vector<256x192xi32>
    %shift_right_logical3A_128 = arith.constant 16 : i32
    %shift_right_logical3A_129 = vector.broadcast %shift_right_logical3A_128 : i32 to vector<256x192xi32>
    %shift_right_logical3A_130 = arith.shrui %add3A_127, %shift_right_logical3A_129 : vector<256x192xi32>
    %shift_left3A_131 = arith.constant 16 : i32
    %shift_left3A_132 = vector.broadcast %shift_left3A_131 : i32 to vector<256x192xi32>
    %shift_left3A_133 = arith.shli %shift_right_logical3A_130, %shift_left3A_132 : vector<256x192xi32>
    %or3A_134 = arith.ori %shift_right_logical3A_116, %shift_left3A_133 : vector<256x192xi32>
    %slice3A_135 = vector.extract_strided_slice %add3A_67 {offsets = [0, 0], sizes = [256, 192], strides = [1, 1]} : vector<256x384xf32> to vector<256x192xf32>
    %slice3A_136 = vector.extract_strided_slice %add3A_67 {offsets = [0, 192], sizes = [256, 192], strides = [1, 1]} : vector<256x384xf32> to vector<256x192xf32>
    %bitcast_convert_type3A_137 = tpu.bitcast %slice3A_135 : vector<256x192xf32> -> vector<256x192xi32>
    %add3A_138 = arith.constant 32767 : i32
    %add3A_139 = vector.broadcast %add3A_138 : i32 to vector<256x192xi32>
    %add3A_140 = arith.addi %bitcast_convert_type3A_137, %add3A_139 : vector<256x192xi32>
    %shift_right_logical3A_141 = arith.constant 16 : i32
    %shift_right_logical3A_142 = vector.broadcast %shift_right_logical3A_141 : i32 to vector<256x192xi32>
    %shift_right_logical3A_143 = arith.shrui %bitcast_convert_type3A_137, %shift_right_logical3A_142 : vector<256x192xi32>
    %and3A_144 = arith.constant 1 : i32
    %and3A_145 = vector.broadcast %and3A_144 : i32 to vector<256x192xi32>
    %and3A_146 = arith.andi %shift_right_logical3A_143, %and3A_145 : vector<256x192xi32>
    %add3A_147 = arith.addi %add3A_140, %and3A_146 : vector<256x192xi32>
    %shift_right_logical3A_148 = arith.constant 16 : i32
    %shift_right_logical3A_149 = vector.broadcast %shift_right_logical3A_148 : i32 to vector<256x192xi32>
    %shift_right_logical3A_150 = arith.shrui %add3A_147, %shift_right_logical3A_149 : vector<256x192xi32>
    %bitcast_convert_type3A_151 = tpu.bitcast %slice3A_136 : vector<256x192xf32> -> vector<256x192xi32>
    %add3A_152 = arith.constant 32767 : i32
    %add3A_153 = vector.broadcast %add3A_152 : i32 to vector<256x192xi32>
    %add3A_154 = arith.addi %bitcast_convert_type3A_151, %add3A_153 : vector<256x192xi32>
    %shift_right_logical3A_155 = arith.constant 16 : i32
    %shift_right_logical3A_156 = vector.broadcast %shift_right_logical3A_155 : i32 to vector<256x192xi32>
    %shift_right_logical3A_157 = arith.shrui %bitcast_convert_type3A_151, %shift_right_logical3A_156 : vector<256x192xi32>
    %and3A_158 = arith.constant 1 : i32
    %and3A_159 = vector.broadcast %and3A_158 : i32 to vector<256x192xi32>
    %and3A_160 = arith.andi %shift_right_logical3A_157, %and3A_159 : vector<256x192xi32>
    %add3A_161 = arith.addi %add3A_154, %and3A_160 : vector<256x192xi32>
    %shift_right_logical3A_162 = arith.constant 16 : i32
    %shift_right_logical3A_163 = vector.broadcast %shift_right_logical3A_162 : i32 to vector<256x192xi32>
    %shift_right_logical3A_164 = arith.shrui %add3A_161, %shift_right_logical3A_163 : vector<256x192xi32>
    %shift_left3A_165 = arith.constant 16 : i32
    %shift_left3A_166 = vector.broadcast %shift_left3A_165 : i32 to vector<256x192xi32>
    %shift_left3A_167 = arith.shli %shift_right_logical3A_164, %shift_left3A_166 : vector<256x192xi32>
    %or3A_168 = arith.ori %shift_right_logical3A_150, %shift_left3A_167 : vector<256x192xi32>
    %concatenate3A = tpu.concatenate %or3A_134, %or3A_168 in 1 : vector<256x192xi32>, vector<256x192xi32> -> vector<256x384xi32>
    %swap3A_169 = arith.constant 0 : index
    %swap3A_170 = arith.constant 0 : index
    %swap3A_171 = arith.constant 0 : index
    %swap3A_172 = vector.load %arg13[%swap3A_169, %swap3A_170, %swap3A_171] : memref<1x256x384xi32, #tpu.memory_space<vmem>>, vector<1x256x384xi32>
    %swap3A_173 = vector.shape_cast %swap3A_172 : vector<1x256x384xi32> to vector<256x384xi32>
    %swap3A_174 = vector.shape_cast %concatenate3A : vector<256x384xi32> to vector<1x256x384xi32>
    tpu.vector_store %arg13[%swap3A_169, %swap3A_170, %swap3A_171], %swap3A_174 {strides = array<i32>} : memref<1x256x384xi32, #tpu.memory_space<vmem>>, vector<1x256x384xi32>,
    %iota3A = tpu.iota {dimensions = array<i32: 0>} : vector<256x256xi32>
    %iota3A_175 = tpu.iota {dimensions = array<i32: 1>} : vector<256x256xi32>
    %shift_right_arithmetic3A = arith.constant 4 : i32
    %shift_right_arithmetic3A_176 = vector.broadcast %shift_right_arithmetic3A : i32 to vector<256x256xi32>
    %shift_right_arithmetic3A_177 = arith.shrsi %iota3A, %shift_right_arithmetic3A_176 : vector<256x256xi32>
    %shift_right_arithmetic3A_178 = arith.constant 4 : i32
    %shift_right_arithmetic3A_179 = vector.broadcast %shift_right_arithmetic3A_178 : i32 to vector<256x256xi32>
    %shift_right_arithmetic3A_180 = arith.shrsi %iota3A_175, %shift_right_arithmetic3A_179 : vector<256x256xi32>
    %sub3A_181 = arith.subi %shift_right_arithmetic3A_177, %shift_right_arithmetic3A_180 : vector<256x256xi32>
    %and3A_182 = arith.constant 15 : i32
    %and3A_183 = vector.broadcast %and3A_182 : i32 to vector<256x256xi32>
    %and3A_184 = arith.andi %iota3A, %and3A_183 : vector<256x256xi32>
    %and3A_185 = arith.constant 15 : i32
    %and3A_186 = vector.broadcast %and3A_185 : i32 to vector<256x256xi32>
    %and3A_187 = arith.andi %iota3A_175, %and3A_186 : vector<256x256xi32>
    %sub3A_188 = arith.subi %and3A_184, %and3A_187 : vector<256x256xi32>
    %mul3A_189 = arith.muli %sub3A_181, %sub3A_181 : vector<256x256xi32>
    %mul3A_190 = arith.muli %sub3A_188, %sub3A_188 : vector<256x256xi32>
    %add3A_191 = arith.addi %mul3A_189, %mul3A_190 : vector<256x256xi32>
    %mul3A_192 = arith.constant 4096 : i32
    %mul3A_193 = vector.broadcast %mul3A_192 : i32 to vector<256x256xi32>
    %mul3A_194 = arith.muli %add3A_191, %mul3A_193 : vector<256x256xi32>
    %add3A_195 = arith.addi %mul3A_194, %iota3A_175 : vector<256x256xi32>
    %convert_element_type3A = arith.sitofp %add3A_195 : vector<256x256xi32> to vector<256x256xf32>
    %tile3A = tpu.concatenate %convert_element_type3A, %convert_element_type3A, %convert_element_type3A, %convert_element_type3A, %convert_element_type3A, %convert_element_type3A, %convert_element_type3A, %convert_element_type3A, %convert_element_type3A, %convert_element_type3A, %convert_element_type3A, %convert_element_type3A, %convert_element_type3A, %convert_element_type3A, %convert_element_type3A, %convert_element_type3A in 1 : vector<256x256xf32>, vector<256x256xf32>, vector<256x256xf32>, vector<256x256xf32>, vector<256x256xf32>, vector<256x256xf32>, vector<256x256xf32>, vector<256x256xf32>, vector<256x256xf32>, vector<256x256xf32>, vector<256x256xf32>, vector<256x256xf32>, vector<256x256xf32>, vector<256x256xf32>, vector<256x256xf32>, vector<256x256xf32> -> vector<256x4096xf32>
    %iota3A_196 = tpu.iota {dimensions = array<i32: 1>} : vector<1x4096xi32>
    %shift_right_arithmetic3A_197 = arith.constant 8 : i32
    %shift_right_arithmetic3A_198 = vector.broadcast %shift_right_arithmetic3A_197 : i32 to vector<1x4096xi32>
    %shift_right_arithmetic3A_199 = arith.shrsi %iota3A_196, %shift_right_arithmetic3A_198 : vector<1x4096xi32>
    %sub3A_200 = vector.broadcast %arg1 : i32 to vector<1x4096xi32>
    %sub3A_201 = arith.subi %sub3A_200, %shift_right_arithmetic3A_199 : vector<1x4096xi32>
    %mul3A_202 = arith.muli %sub3A_201, %sub3A_201 : vector<1x4096xi32>
    %mul3A_203 = arith.constant 4096 : i32
    %mul3A_204 = vector.broadcast %mul3A_203 : i32 to vector<1x4096xi32>
    %mul3A_205 = arith.muli %mul3A_202, %mul3A_204 : vector<1x4096xi32>
    %mul3A_206 = arith.constant 256 : i32
    %mul3A_207 = vector.broadcast %mul3A_206 : i32 to vector<1x4096xi32>
    %mul3A_208 = arith.muli %shift_right_arithmetic3A_199, %mul3A_207 : vector<1x4096xi32>
    %add3A_209 = arith.addi %mul3A_205, %mul3A_208 : vector<1x4096xi32>
    %convert_element_type3A_210 = arith.sitofp %add3A_209 : vector<1x4096xi32> to vector<1x4096xf32>
    %add3A_211 = arith.constant 2768896 : i32
    %add3A_212 = vector.broadcast %add3A_211 : i32 to vector<1x4096xi32>
    %add3A_213 = arith.addi %iota3A_196, %add3A_212 : vector<1x4096xi32>
    %convert_element_type3A_214 = arith.sitofp %add3A_213 : vector<1x4096xi32> to vector<1x4096xf32>
    %get3A_215 = arith.constant 0 : index
    %get3A_216 = arith.constant 0 : index
    %get3A_217 = arith.constant 0 : index
    %get3A_218 = vector.load %arg3[%get3A_215, %get3A_216, %get3A_217] : memref<1x1x4096xi32, #tpu.memory_space<vmem>>, vector<1x1x4096xi32>
    %get3A_219 = vector.shape_cast %get3A_218 : vector<1x1x4096xi32> to vector<1x4096xi32>
    %ne3A = arith.constant 0 : i32
    %ne3A_220 = vector.broadcast %ne3A : i32 to vector<1x4096xi32>
    %ne3A_221 = arith.cmpi ne, %get3A_219, %ne3A_220 : vector<1x4096xi32>
    %add3A_222 = vector.broadcast %convert_element_type3A_210 : vector<1x4096xf32> to vector<256x4096xf32>
    %add3A_223 = arith.addf %tile3A, %add3A_222 : vector<256x4096xf32>
    %broadcast_in_dim3A_224 = vector.shape_cast %ne3A_221 : vector<1x4096xi1> to vector<1x4096xi1>
    %broadcast_in_dim3A_225 = vector.broadcast %broadcast_in_dim3A_224 : vector<1x4096xi1> to vector<256x4096xi1>
    %broadcast_in_dim3A_226 = vector.shape_cast %convert_element_type3A_214 : vector<1x4096xf32> to vector<1x4096xf32>
    %broadcast_in_dim3A_227 = vector.broadcast %broadcast_in_dim3A_226 : vector<1x4096xf32> to vector<256x4096xf32>
    %select_n3A = arith.select %broadcast_in_dim3A_225, %add3A_223, %broadcast_in_dim3A_227 : vector<256x4096xi1>, vector<256x4096xf32>
    %slice3A_228 = vector.extract_strided_slice %select_n3A {offsets = [0, 0], sizes = [256, 1024], strides = [1, 1]} : vector<256x4096xf32> to vector<256x1024xf32>
    %slice3A_229 = vector.extract_strided_slice %select_n3A {offsets = [0, 1024], sizes = [256, 1024], strides = [1, 1]} : vector<256x4096xf32> to vector<256x1024xf32>
    %slice3A_230 = vector.extract_strided_slice %select_n3A {offsets = [0, 2048], sizes = [256, 1024], strides = [1, 1]} : vector<256x4096xf32> to vector<256x1024xf32>
    %slice3A_231 = vector.extract_strided_slice %select_n3A {offsets = [0, 3072], sizes = [256, 1024], strides = [1, 1]} : vector<256x4096xf32> to vector<256x1024xf32>
    %min3A = arith.minimumf %slice3A_228, %slice3A_229 : vector<256x1024xf32>
    %max3A = arith.maximumf %slice3A_228, %slice3A_229 : vector<256x1024xf32>
    %min3A_232 = arith.minimumf %slice3A_230, %slice3A_231 : vector<256x1024xf32>
    %max3A_233 = arith.maximumf %slice3A_230, %slice3A_231 : vector<256x1024xf32>
    %min3A_234 = arith.minimumf %min3A, %min3A_232 : vector<256x1024xf32>
    %max3A_235 = arith.maximumf %min3A, %min3A_232 : vector<256x1024xf32>
    %min3A_236 = arith.minimumf %max3A, %max3A_233 : vector<256x1024xf32>
    %max3A_237 = arith.maximumf %max3A, %max3A_233 : vector<256x1024xf32>
    %min3A_238 = arith.minimumf %min3A_236, %max3A_235 : vector<256x1024xf32>
    %max3A_239 = arith.maximumf %min3A_236, %max3A_235 : vector<256x1024xf32>
    %reduce_min3A = arith.constant dense<0x7F800000> : vector<256xf32>
    %reduce_min3A_240 = vector.multi_reduction <minimumf>, %min3A_234, %reduce_min3A [1] : vector<256x1024xf32> to vector<256xf32>
    %broadcast_in_dim3A_241 = vector.shape_cast %reduce_min3A_240 : vector<256xf32> to vector<256x1xf32>
    %convert_element_type3A_242 = arith.fptosi %broadcast_in_dim3A_241 : vector<256x1xf32> to vector<256x1xi32>
    %and3A_243 = arith.constant 4095 : i32
    %and3A_244 = vector.broadcast %and3A_243 : i32 to vector<256x1xi32>
    %and3A_245 = arith.andi %convert_element_type3A_242, %and3A_244 : vector<256x1xi32>
    %lt3A = arith.constant 2768896 : i32
    %lt3A_246 = vector.broadcast %lt3A : i32 to vector<256x1xi32>
    %lt3A_247 = arith.cmpi slt, %convert_element_type3A_242, %lt3A_246 : vector<256x1xi32>
    %convert_element_type3A_248 = arith.extui %lt3A_247 : vector<256x1xi1> to vector<256x1xi32>
    %eq3A = vector.broadcast %broadcast_in_dim3A_241 : vector<256x1xf32> to vector<256x1024xf32>
    %eq3A_249 = arith.cmpf oeq, %min3A_234, %eq3A : vector<256x1024xf32>
    %select_n3A_250 = arith.select %eq3A_249, %min3A_238, %min3A_234 : vector<256x1024xi1>, vector<256x1024xf32>
    %select_n3A_251 = arith.select %eq3A_249, %max3A_239, %min3A_238 : vector<256x1024xi1>, vector<256x1024xf32>
    %select_n3A_252 = arith.select %eq3A_249, %max3A_237, %max3A_239 : vector<256x1024xi1>, vector<256x1024xf32>
    %jit3A = arith.constant 3.000000e+38 : f32
    %broadcast_in_dim3A_253 = vector.broadcast %jit3A : f32 to vector<256x1024xf32>
    %select_n3A_254 = arith.select %eq3A_249, %broadcast_in_dim3A_253, %max3A_237 : vector<256x1024xi1>, vector<256x1024xf32>
    %reduce_min3A_255 = arith.constant dense<0x7F800000> : vector<256xf32>
    %reduce_min3A_256 = vector.multi_reduction <minimumf>, %select_n3A_250, %reduce_min3A_255 [1] : vector<256x1024xf32> to vector<256xf32>
    %broadcast_in_dim3A_257 = vector.shape_cast %reduce_min3A_256 : vector<256xf32> to vector<256x1xf32>
    %convert_element_type3A_258 = arith.fptosi %broadcast_in_dim3A_257 : vector<256x1xf32> to vector<256x1xi32>
    %and3A_259 = arith.constant 4095 : i32
    %and3A_260 = vector.broadcast %and3A_259 : i32 to vector<256x1xi32>
    %and3A_261 = arith.andi %convert_element_type3A_258, %and3A_260 : vector<256x1xi32>
    %lt3A_262 = arith.constant 2768896 : i32
    %lt3A_263 = vector.broadcast %lt3A_262 : i32 to vector<256x1xi32>
    %lt3A_264 = arith.cmpi slt, %convert_element_type3A_258, %lt3A_263 : vector<256x1xi32>
    %convert_element_type3A_265 = arith.extui %lt3A_264 : vector<256x1xi1> to vector<256x1xi32>
    %eq3A_266 = vector.broadcast %broadcast_in_dim3A_257 : vector<256x1xf32> to vector<256x1024xf32>
    %eq3A_267 = arith.cmpf oeq, %select_n3A_250, %eq3A_266 : vector<256x1024xf32>
    %select_n3A_268 = arith.select %eq3A_267, %select_n3A_251, %select_n3A_250 : vector<256x1024xi1>, vector<256x1024xf32>
    %select_n3A_269 = arith.select %eq3A_267, %select_n3A_252, %select_n3A_251 : vector<256x1024xi1>, vector<256x1024xf32>
    %select_n3A_270 = arith.select %eq3A_267, %select_n3A_254, %select_n3A_252 : vector<256x1024xi1>, vector<256x1024xf32>
    %jit3A_271 = arith.constant 3.000000e+38 : f32
    %broadcast_in_dim3A_272 = vector.broadcast %jit3A_271 : f32 to vector<256x1024xf32>
    %select_n3A_273 = arith.select %eq3A_267, %broadcast_in_dim3A_272, %select_n3A_254 : vector<256x1024xi1>, vector<256x1024xf32>
    %reduce_min3A_274 = arith.constant dense<0x7F800000> : vector<256xf32>
    %reduce_min3A_275 = vector.multi_reduction <minimumf>, %select_n3A_268, %reduce_min3A_274 [1] : vector<256x1024xf32> to vector<256xf32>
    %broadcast_in_dim3A_276 = vector.shape_cast %reduce_min3A_275 : vector<256xf32> to vector<256x1xf32>
    %convert_element_type3A_277 = arith.fptosi %broadcast_in_dim3A_276 : vector<256x1xf32> to vector<256x1xi32>
    %and3A_278 = arith.constant 4095 : i32
    %and3A_279 = vector.broadcast %and3A_278 : i32 to vector<256x1xi32>
    %and3A_280 = arith.andi %convert_element_type3A_277, %and3A_279 : vector<256x1xi32>
    %lt3A_281 = arith.constant 2768896 : i32
    %lt3A_282 = vector.broadcast %lt3A_281 : i32 to vector<256x1xi32>
    %lt3A_283 = arith.cmpi slt, %convert_element_type3A_277, %lt3A_282 : vector<256x1xi32>
    %convert_element_type3A_284 = arith.extui %lt3A_283 : vector<256x1xi1> to vector<256x1xi32>
    %eq3A_285 = vector.broadcast %broadcast_in_dim3A_276 : vector<256x1xf32> to vector<256x1024xf32>
    %eq3A_286 = arith.cmpf oeq, %select_n3A_268, %eq3A_285 : vector<256x1024xf32>
    %select_n3A_287 = arith.select %eq3A_286, %select_n3A_269, %select_n3A_268 : vector<256x1024xi1>, vector<256x1024xf32>
    %select_n3A_288 = arith.select %eq3A_286, %select_n3A_270, %select_n3A_269 : vector<256x1024xi1>, vector<256x1024xf32>
    %select_n3A_289 = arith.select %eq3A_286, %select_n3A_273, %select_n3A_270 : vector<256x1024xi1>, vector<256x1024xf32>
    %jit3A_290 = arith.constant 3.000000e+38 : f32
    %broadcast_in_dim3A_291 = vector.broadcast %jit3A_290 : f32 to vector<256x1024xf32>
    %select_n3A_292 = arith.select %eq3A_286, %broadcast_in_dim3A_291, %select_n3A_273 : vector<256x1024xi1>, vector<256x1024xf32>
    %reduce_min3A_293 = arith.constant dense<0x7F800000> : vector<256xf32>
    %reduce_min3A_294 = vector.multi_reduction <minimumf>, %select_n3A_287, %reduce_min3A_293 [1] : vector<256x1024xf32> to vector<256xf32>
    %broadcast_in_dim3A_295 = vector.shape_cast %reduce_min3A_294 : vector<256xf32> to vector<256x1xf32>
    %convert_element_type3A_296 = arith.fptosi %broadcast_in_dim3A_295 : vector<256x1xf32> to vector<256x1xi32>
    %and3A_297 = arith.constant 4095 : i32
    %and3A_298 = vector.broadcast %and3A_297 : i32 to vector<256x1xi32>
    %and3A_299 = arith.andi %convert_element_type3A_296, %and3A_298 : vector<256x1xi32>
    %lt3A_300 = arith.constant 2768896 : i32
    %lt3A_301 = vector.broadcast %lt3A_300 : i32 to vector<256x1xi32>
    %lt3A_302 = arith.cmpi slt, %convert_element_type3A_296, %lt3A_301 : vector<256x1xi32>
    %convert_element_type3A_303 = arith.extui %lt3A_302 : vector<256x1xi1> to vector<256x1xi32>
    %eq3A_304 = vector.broadcast %broadcast_in_dim3A_295 : vector<256x1xf32> to vector<256x1024xf32>
    %eq3A_305 = arith.cmpf oeq, %select_n3A_287, %eq3A_304 : vector<256x1024xf32>
    %select_n3A_306 = arith.select %eq3A_305, %select_n3A_288, %select_n3A_287 : vector<256x1024xi1>, vector<256x1024xf32>
    %select_n3A_307 = arith.select %eq3A_305, %select_n3A_289, %select_n3A_288 : vector<256x1024xi1>, vector<256x1024xf32>
    %select_n3A_308 = arith.select %eq3A_305, %select_n3A_292, %select_n3A_289 : vector<256x1024xi1>, vector<256x1024xf32>
    %jit3A_309 = arith.constant 3.000000e+38 : f32
    %broadcast_in_dim3A_310 = vector.broadcast %jit3A_309 : f32 to vector<256x1024xf32>
    %select_n3A_311 = arith.select %eq3A_305, %broadcast_in_dim3A_310, %select_n3A_292 : vector<256x1024xi1>, vector<256x1024xf32>
    %reduce_min3A_312 = arith.constant dense<0x7F800000> : vector<256xf32>
    %reduce_min3A_313 = vector.multi_reduction <minimumf>, %select_n3A_306, %reduce_min3A_312 [1] : vector<256x1024xf32> to vector<256xf32>
    %broadcast_in_dim3A_314 = vector.shape_cast %reduce_min3A_313 : vector<256xf32> to vector<256x1xf32>
    %convert_element_type3A_315 = arith.fptosi %broadcast_in_dim3A_314 : vector<256x1xf32> to vector<256x1xi32>
    %and3A_316 = arith.constant 4095 : i32
    %and3A_317 = vector.broadcast %and3A_316 : i32 to vector<256x1xi32>
    %and3A_318 = arith.andi %convert_element_type3A_315, %and3A_317 : vector<256x1xi32>
    %lt3A_319 = arith.constant 2768896 : i32
    %lt3A_320 = vector.broadcast %lt3A_319 : i32 to vector<256x1xi32>
    %lt3A_321 = arith.cmpi slt, %convert_element_type3A_315, %lt3A_320 : vector<256x1xi32>
    %convert_element_type3A_322 = arith.extui %lt3A_321 : vector<256x1xi1> to vector<256x1xi32>
    %eq3A_323 = vector.broadcast %broadcast_in_dim3A_314 : vector<256x1xf32> to vector<256x1024xf32>
    %eq3A_324 = arith.cmpf oeq, %select_n3A_306, %eq3A_323 : vector<256x1024xf32>
    %select_n3A_325 = arith.select %eq3A_324, %select_n3A_307, %select_n3A_306 : vector<256x1024xi1>, vector<256x1024xf32>
    %select_n3A_326 = arith.select %eq3A_324, %select_n3A_308, %select_n3A_307 : vector<256x1024xi1>, vector<256x1024xf32>
    %select_n3A_327 = arith.select %eq3A_324, %select_n3A_311, %select_n3A_308 : vector<256x1024xi1>, vector<256x1024xf32>
    %jit3A_328 = arith.constant 3.000000e+38 : f32
    %broadcast_in_dim3A_329 = vector.broadcast %jit3A_328 : f32 to vector<256x1024xf32>
    %select_n3A_330 = arith.select %eq3A_324, %broadcast_in_dim3A_329, %select_n3A_311 : vector<256x1024xi1>, vector<256x1024xf32>
    %reduce_min3A_331 = arith.constant dense<0x7F800000> : vector<256xf32>
    %reduce_min3A_332 = vector.multi_reduction <minimumf>, %select_n3A_325, %reduce_min3A_331 [1] : vector<256x1024xf32> to vector<256xf32>
    %broadcast_in_dim3A_333 = vector.shape_cast %reduce_min3A_332 : vector<256xf32> to vector<256x1xf32>
    %convert_element_type3A_334 = arith.fptosi %broadcast_in_dim3A_333 : vector<256x1xf32> to vector<256x1xi32>
    %and3A_335 = arith.constant 4095 : i32
    %and3A_336 = vector.broadcast %and3A_335 : i32 to vector<256x1xi32>
    %and3A_337 = arith.andi %convert_element_type3A_334, %and3A_336 : vector<256x1xi32>
    %lt3A_338 = arith.constant 2768896 : i32
    %lt3A_339 = vector.broadcast %lt3A_338 : i32 to vector<256x1xi32>
    %lt3A_340 = arith.cmpi slt, %convert_element_type3A_334, %lt3A_339 : vector<256x1xi32>
    %convert_element_type3A_341 = arith.extui %lt3A_340 : vector<256x1xi1> to vector<256x1xi32>
    %eq3A_342 = vector.broadcast %broadcast_in_dim3A_333 : vector<256x1xf32> to vector<256x1024xf32>
    %eq3A_343 = arith.cmpf oeq, %select_n3A_325, %eq3A_342 : vector<256x1024xf32>
    %select_n3A_344 = arith.select %eq3A_343, %select_n3A_326, %select_n3A_325 : vector<256x1024xi1>, vector<256x1024xf32>
    %select_n3A_345 = arith.select %eq3A_343, %select_n3A_327, %select_n3A_326 : vector<256x1024xi1>, vector<256x1024xf32>
    %select_n3A_346 = arith.select %eq3A_343, %select_n3A_330, %select_n3A_327 : vector<256x1024xi1>, vector<256x1024xf32>
    %jit3A_347 = arith.constant 3.000000e+38 : f32
    %broadcast_in_dim3A_348 = vector.broadcast %jit3A_347 : f32 to vector<256x1024xf32>
    %select_n3A_349 = arith.select %eq3A_343, %broadcast_in_dim3A_348, %select_n3A_330 : vector<256x1024xi1>, vector<256x1024xf32>
    %reduce_min3A_350 = arith.constant dense<0x7F800000> : vector<256xf32>
    %reduce_min3A_351 = vector.multi_reduction <minimumf>, %select_n3A_344, %reduce_min3A_350 [1] : vector<256x1024xf32> to vector<256xf32>
    %broadcast_in_dim3A_352 = vector.shape_cast %reduce_min3A_351 : vector<256xf32> to vector<256x1xf32>
    %convert_element_type3A_353 = arith.fptosi %broadcast_in_dim3A_352 : vector<256x1xf32> to vector<256x1xi32>
    %and3A_354 = arith.constant 4095 : i32
    %and3A_355 = vector.broadcast %and3A_354 : i32 to vector<256x1xi32>
    %and3A_356 = arith.andi %convert_element_type3A_353, %and3A_355 : vector<256x1xi32>
    %lt3A_357 = arith.constant 2768896 : i32
    %lt3A_358 = vector.broadcast %lt3A_357 : i32 to vector<256x1xi32>
    %lt3A_359 = arith.cmpi slt, %convert_element_type3A_353, %lt3A_358 : vector<256x1xi32>
    %convert_element_type3A_360 = arith.extui %lt3A_359 : vector<256x1xi1> to vector<256x1xi32>
    %eq3A_361 = vector.broadcast %broadcast_in_dim3A_352 : vector<256x1xf32> to vector<256x1024xf32>
    %eq3A_362 = arith.cmpf oeq, %select_n3A_344, %eq3A_361 : vector<256x1024xf32>
    %select_n3A_363 = arith.select %eq3A_362, %select_n3A_345, %select_n3A_344 : vector<256x1024xi1>, vector<256x1024xf32>
    %select_n3A_364 = arith.select %eq3A_362, %select_n3A_346, %select_n3A_345 : vector<256x1024xi1>, vector<256x1024xf32>
    %select_n3A_365 = arith.select %eq3A_362, %select_n3A_349, %select_n3A_346 : vector<256x1024xi1>, vector<256x1024xf32>
    %jit3A_366 = arith.constant 3.000000e+38 : f32
    %broadcast_in_dim3A_367 = vector.broadcast %jit3A_366 : f32 to vector<256x1024xf32>
    %select_n3A_368 = arith.select %eq3A_362, %broadcast_in_dim3A_367, %select_n3A_349 : vector<256x1024xi1>, vector<256x1024xf32>
    %reduce_min3A_369 = arith.constant dense<0x7F800000> : vector<256xf32>
    %reduce_min3A_370 = vector.multi_reduction <minimumf>, %select_n3A_363, %reduce_min3A_369 [1] : vector<256x1024xf32> to vector<256xf32>
    %broadcast_in_dim3A_371 = vector.shape_cast %reduce_min3A_370 : vector<256xf32> to vector<256x1xf32>
    %convert_element_type3A_372 = arith.fptosi %broadcast_in_dim3A_371 : vector<256x1xf32> to vector<256x1xi32>
    %and3A_373 = arith.constant 4095 : i32
    %and3A_374 = vector.broadcast %and3A_373 : i32 to vector<256x1xi32>
    %and3A_375 = arith.andi %convert_element_type3A_372, %and3A_374 : vector<256x1xi32>
    %lt3A_376 = arith.constant 2768896 : i32
    %lt3A_377 = vector.broadcast %lt3A_376 : i32 to vector<256x1xi32>
    %lt3A_378 = arith.cmpi slt, %convert_element_type3A_372, %lt3A_377 : vector<256x1xi32>
    %convert_element_type3A_379 = arith.extui %lt3A_378 : vector<256x1xi1> to vector<256x1xi32>
    %eq3A_380 = vector.broadcast %broadcast_in_dim3A_371 : vector<256x1xf32> to vector<256x1024xf32>
    %eq3A_381 = arith.cmpf oeq, %select_n3A_363, %eq3A_380 : vector<256x1024xf32>
    %select_n3A_382 = arith.select %eq3A_381, %select_n3A_364, %select_n3A_363 : vector<256x1024xi1>, vector<256x1024xf32>
    %select_n3A_383 = arith.select %eq3A_381, %select_n3A_365, %select_n3A_364 : vector<256x1024xi1>, vector<256x1024xf32>
    %select_n3A_384 = arith.select %eq3A_381, %select_n3A_368, %select_n3A_365 : vector<256x1024xi1>, vector<256x1024xf32>
    %jit3A_385 = arith.constant 3.000000e+38 : f32
    %broadcast_in_dim3A_386 = vector.broadcast %jit3A_385 : f32 to vector<256x1024xf32>
    %select_n3A_387 = arith.select %eq3A_381, %broadcast_in_dim3A_386, %select_n3A_368 : vector<256x1024xi1>, vector<256x1024xf32>
    %reduce_min3A_388 = arith.constant dense<0x7F800000> : vector<256xf32>
    %reduce_min3A_389 = vector.multi_reduction <minimumf>, %select_n3A_382, %reduce_min3A_388 [1] : vector<256x1024xf32> to vector<256xf32>
    %broadcast_in_dim3A_390 = vector.shape_cast %reduce_min3A_389 : vector<256xf32> to vector<256x1xf32>
    %convert_element_type3A_391 = arith.fptosi %broadcast_in_dim3A_390 : vector<256x1xf32> to vector<256x1xi32>
    %and3A_392 = arith.constant 4095 : i32
    %and3A_393 = vector.broadcast %and3A_392 : i32 to vector<256x1xi32>
    %and3A_394 = arith.andi %convert_element_type3A_391, %and3A_393 : vector<256x1xi32>
    %lt3A_395 = arith.constant 2768896 : i32
    %lt3A_396 = vector.broadcast %lt3A_395 : i32 to vector<256x1xi32>
    %lt3A_397 = arith.cmpi slt, %convert_element_type3A_391, %lt3A_396 : vector<256x1xi32>
    %convert_element_type3A_398 = arith.extui %lt3A_397 : vector<256x1xi1> to vector<256x1xi32>
    %eq3A_399 = vector.broadcast %broadcast_in_dim3A_390 : vector<256x1xf32> to vector<256x1024xf32>
    %eq3A_400 = arith.cmpf oeq, %select_n3A_382, %eq3A_399 : vector<256x1024xf32>
    %select_n3A_401 = arith.select %eq3A_400, %select_n3A_383, %select_n3A_382 : vector<256x1024xi1>, vector<256x1024xf32>
    %select_n3A_402 = arith.select %eq3A_400, %select_n3A_384, %select_n3A_383 : vector<256x1024xi1>, vector<256x1024xf32>
    %select_n3A_403 = arith.select %eq3A_400, %select_n3A_387, %select_n3A_384 : vector<256x1024xi1>, vector<256x1024xf32>
    %jit3A_404 = arith.constant 3.000000e+38 : f32
    %broadcast_in_dim3A_405 = vector.broadcast %jit3A_404 : f32 to vector<256x1024xf32>
    %select_n3A_406 = arith.select %eq3A_400, %broadcast_in_dim3A_405, %select_n3A_387 : vector<256x1024xi1>, vector<256x1024xf32>
    %reduce_min3A_407 = arith.constant dense<0x7F800000> : vector<256xf32>
    %reduce_min3A_408 = vector.multi_reduction <minimumf>, %select_n3A_401, %reduce_min3A_407 [1] : vector<256x1024xf32> to vector<256xf32>
    %broadcast_in_dim3A_409 = vector.shape_cast %reduce_min3A_408 : vector<256xf32> to vector<256x1xf32>
    %convert_element_type3A_410 = arith.fptosi %broadcast_in_dim3A_409 : vector<256x1xf32> to vector<256x1xi32>
    %and3A_411 = arith.constant 4095 : i32
    %and3A_412 = vector.broadcast %and3A_411 : i32 to vector<256x1xi32>
    %and3A_413 = arith.andi %convert_element_type3A_410, %and3A_412 : vector<256x1xi32>
    %lt3A_414 = arith.constant 2768896 : i32
    %lt3A_415 = vector.broadcast %lt3A_414 : i32 to vector<256x1xi32>
    %lt3A_416 = arith.cmpi slt, %convert_element_type3A_410, %lt3A_415 : vector<256x1xi32>
    %convert_element_type3A_417 = arith.extui %lt3A_416 : vector<256x1xi1> to vector<256x1xi32>
    %eq3A_418 = vector.broadcast %broadcast_in_dim3A_409 : vector<256x1xf32> to vector<256x1024xf32>
    %eq3A_419 = arith.cmpf oeq, %select_n3A_401, %eq3A_418 : vector<256x1024xf32>
    %select_n3A_420 = arith.select %eq3A_419, %select_n3A_402, %select_n3A_401 : vector<256x1024xi1>, vector<256x1024xf32>
    %select_n3A_421 = arith.select %eq3A_419, %select_n3A_403, %select_n3A_402 : vector<256x1024xi1>, vector<256x1024xf32>
    %select_n3A_422 = arith.select %eq3A_419, %select_n3A_406, %select_n3A_403 : vector<256x1024xi1>, vector<256x1024xf32>
    %jit3A_423 = arith.constant 3.000000e+38 : f32
    %broadcast_in_dim3A_424 = vector.broadcast %jit3A_423 : f32 to vector<256x1024xf32>
    %select_n3A_425 = arith.select %eq3A_419, %broadcast_in_dim3A_424, %select_n3A_406 : vector<256x1024xi1>, vector<256x1024xf32>
    %reduce_min3A_426 = arith.constant dense<0x7F800000> : vector<256xf32>
    %reduce_min3A_427 = vector.multi_reduction <minimumf>, %select_n3A_420, %reduce_min3A_426 [1] : vector<256x1024xf32> to vector<256xf32>
    %broadcast_in_dim3A_428 = vector.shape_cast %reduce_min3A_427 : vector<256xf32> to vector<256x1xf32>
    %convert_element_type3A_429 = arith.fptosi %broadcast_in_dim3A_428 : vector<256x1xf32> to vector<256x1xi32>
    %and3A_430 = arith.constant 4095 : i32
    %and3A_431 = vector.broadcast %and3A_430 : i32 to vector<256x1xi32>
    %and3A_432 = arith.andi %convert_element_type3A_429, %and3A_431 : vector<256x1xi32>
    %lt3A_433 = arith.constant 2768896 : i32
    %lt3A_434 = vector.broadcast %lt3A_433 : i32 to vector<256x1xi32>
    %lt3A_435 = arith.cmpi slt, %convert_element_type3A_429, %lt3A_434 : vector<256x1xi32>
    %convert_element_type3A_436 = arith.extui %lt3A_435 : vector<256x1xi1> to vector<256x1xi32>
    %eq3A_437 = vector.broadcast %broadcast_in_dim3A_428 : vector<256x1xf32> to vector<256x1024xf32>
    %eq3A_438 = arith.cmpf oeq, %select_n3A_420, %eq3A_437 : vector<256x1024xf32>
    %select_n3A_439 = arith.select %eq3A_438, %select_n3A_421, %select_n3A_420 : vector<256x1024xi1>, vector<256x1024xf32>
    %select_n3A_440 = arith.select %eq3A_438, %select_n3A_422, %select_n3A_421 : vector<256x1024xi1>, vector<256x1024xf32>
    %select_n3A_441 = arith.select %eq3A_438, %select_n3A_425, %select_n3A_422 : vector<256x1024xi1>, vector<256x1024xf32>
    %jit3A_442 = arith.constant 3.000000e+38 : f32
    %broadcast_in_dim3A_443 = vector.broadcast %jit3A_442 : f32 to vector<256x1024xf32>
    %select_n3A_444 = arith.select %eq3A_438, %broadcast_in_dim3A_443, %select_n3A_425 : vector<256x1024xi1>, vector<256x1024xf32>
    %reduce_min3A_445 = arith.constant dense<0x7F800000> : vector<256xf32>
    %reduce_min3A_446 = vector.multi_reduction <minimumf>, %select_n3A_439, %reduce_min3A_445 [1] : vector<256x1024xf32> to vector<256xf32>
    %broadcast_in_dim3A_447 = vector.shape_cast %reduce_min3A_446 : vector<256xf32> to vector<256x1xf32>
    %convert_element_type3A_448 = arith.fptosi %broadcast_in_dim3A_447 : vector<256x1xf32> to vector<256x1xi32>
    %and3A_449 = arith.constant 4095 : i32
    %and3A_450 = vector.broadcast %and3A_449 : i32 to vector<256x1xi32>
    %and3A_451 = arith.andi %convert_element_type3A_448, %and3A_450 : vector<256x1xi32>
    %lt3A_452 = arith.constant 2768896 : i32
    %lt3A_453 = vector.broadcast %lt3A_452 : i32 to vector<256x1xi32>
    %lt3A_454 = arith.cmpi slt, %convert_element_type3A_448, %lt3A_453 : vector<256x1xi32>
    %convert_element_type3A_455 = arith.extui %lt3A_454 : vector<256x1xi1> to vector<256x1xi32>
    %eq3A_456 = vector.broadcast %broadcast_in_dim3A_447 : vector<256x1xf32> to vector<256x1024xf32>
    %eq3A_457 = arith.cmpf oeq, %select_n3A_439, %eq3A_456 : vector<256x1024xf32>
    %select_n3A_458 = arith.select %eq3A_457, %select_n3A_440, %select_n3A_439 : vector<256x1024xi1>, vector<256x1024xf32>
    %select_n3A_459 = arith.select %eq3A_457, %select_n3A_441, %select_n3A_440 : vector<256x1024xi1>, vector<256x1024xf32>
    %select_n3A_460 = arith.select %eq3A_457, %select_n3A_444, %select_n3A_441 : vector<256x1024xi1>, vector<256x1024xf32>
    %jit3A_461 = arith.constant 3.000000e+38 : f32
    %broadcast_in_dim3A_462 = vector.broadcast %jit3A_461 : f32 to vector<256x1024xf32>
    %select_n3A_463 = arith.select %eq3A_457, %broadcast_in_dim3A_462, %select_n3A_444 : vector<256x1024xi1>, vector<256x1024xf32>
    %reduce_min3A_464 = arith.constant dense<0x7F800000> : vector<256xf32>
    %reduce_min3A_465 = vector.multi_reduction <minimumf>, %select_n3A_458, %reduce_min3A_464 [1] : vector<256x1024xf32> to vector<256xf32>
    %broadcast_in_dim3A_466 = vector.shape_cast %reduce_min3A_465 : vector<256xf32> to vector<256x1xf32>
    %convert_element_type3A_467 = arith.fptosi %broadcast_in_dim3A_466 : vector<256x1xf32> to vector<256x1xi32>
    %and3A_468 = arith.constant 4095 : i32
    %and3A_469 = vector.broadcast %and3A_468 : i32 to vector<256x1xi32>
    %and3A_470 = arith.andi %convert_element_type3A_467, %and3A_469 : vector<256x1xi32>
    %lt3A_471 = arith.constant 2768896 : i32
    %lt3A_472 = vector.broadcast %lt3A_471 : i32 to vector<256x1xi32>
    %lt3A_473 = arith.cmpi slt, %convert_element_type3A_467, %lt3A_472 : vector<256x1xi32>
    %convert_element_type3A_474 = arith.extui %lt3A_473 : vector<256x1xi1> to vector<256x1xi32>
    %eq3A_475 = vector.broadcast %broadcast_in_dim3A_466 : vector<256x1xf32> to vector<256x1024xf32>
    %eq3A_476 = arith.cmpf oeq, %select_n3A_458, %eq3A_475 : vector<256x1024xf32>
    %select_n3A_477 = arith.select %eq3A_476, %select_n3A_459, %select_n3A_458 : vector<256x1024xi1>, vector<256x1024xf32>
    %select_n3A_478 = arith.select %eq3A_476, %select_n3A_460, %select_n3A_459 : vector<256x1024xi1>, vector<256x1024xf32>
    %select_n3A_479 = arith.select %eq3A_476, %select_n3A_463, %select_n3A_460 : vector<256x1024xi1>, vector<256x1024xf32>
    %reduce_min3A_480 = arith.constant dense<0x7F800000> : vector<256xf32>
    %reduce_min3A_481 = vector.multi_reduction <minimumf>, %select_n3A_477, %reduce_min3A_480 [1] : vector<256x1024xf32> to vector<256xf32>
    %broadcast_in_dim3A_482 = vector.shape_cast %reduce_min3A_481 : vector<256xf32> to vector<256x1xf32>
    %convert_element_type3A_483 = arith.fptosi %broadcast_in_dim3A_482 : vector<256x1xf32> to vector<256x1xi32>
    %and3A_484 = arith.constant 4095 : i32
    %and3A_485 = vector.broadcast %and3A_484 : i32 to vector<256x1xi32>
    %and3A_486 = arith.andi %convert_element_type3A_483, %and3A_485 : vector<256x1xi32>
    %lt3A_487 = arith.constant 2768896 : i32
    %lt3A_488 = vector.broadcast %lt3A_487 : i32 to vector<256x1xi32>
    %lt3A_489 = arith.cmpi slt, %convert_element_type3A_483, %lt3A_488 : vector<256x1xi32>
    %convert_element_type3A_490 = arith.extui %lt3A_489 : vector<256x1xi1> to vector<256x1xi32>
    %eq3A_491 = vector.broadcast %broadcast_in_dim3A_482 : vector<256x1xf32> to vector<256x1024xf32>
    %eq3A_492 = arith.cmpf oeq, %select_n3A_477, %eq3A_491 : vector<256x1024xf32>
    %select_n3A_493 = arith.select %eq3A_492, %select_n3A_478, %select_n3A_477 : vector<256x1024xi1>, vector<256x1024xf32>
    %select_n3A_494 = arith.select %eq3A_492, %select_n3A_479, %select_n3A_478 : vector<256x1024xi1>, vector<256x1024xf32>
    %reduce_min3A_495 = arith.constant dense<0x7F800000> : vector<256xf32>
    %reduce_min3A_496 = vector.multi_reduction <minimumf>, %select_n3A_493, %reduce_min3A_495 [1] : vector<256x1024xf32> to vector<256xf32>
    %broadcast_in_dim3A_497 = vector.shape_cast %reduce_min3A_496 : vector<256xf32> to vector<256x1xf32>
    %convert_element_type3A_498 = arith.fptosi %broadcast_in_dim3A_497 : vector<256x1xf32> to vector<256x1xi32>
    %and3A_499 = arith.constant 4095 : i32
    %and3A_500 = vector.broadcast %and3A_499 : i32 to vector<256x1xi32>
    %and3A_501 = arith.andi %convert_element_type3A_498, %and3A_500 : vector<256x1xi32>
    %lt3A_502 = arith.constant 2768896 : i32
    %lt3A_503 = vector.broadcast %lt3A_502 : i32 to vector<256x1xi32>
    %lt3A_504 = arith.cmpi slt, %convert_element_type3A_498, %lt3A_503 : vector<256x1xi32>
    %convert_element_type3A_505 = arith.extui %lt3A_504 : vector<256x1xi1> to vector<256x1xi32>
    %eq3A_506 = vector.broadcast %broadcast_in_dim3A_497 : vector<256x1xf32> to vector<256x1024xf32>
    %eq3A_507 = arith.cmpf oeq, %select_n3A_493, %eq3A_506 : vector<256x1024xf32>
    %select_n3A_508 = arith.select %eq3A_507, %select_n3A_494, %select_n3A_493 : vector<256x1024xi1>, vector<256x1024xf32>
    %reduce_min3A_509 = arith.constant dense<0x7F800000> : vector<256xf32>
    %reduce_min3A_510 = vector.multi_reduction <minimumf>, %select_n3A_508, %reduce_min3A_509 [1] : vector<256x1024xf32> to vector<256xf32>
    %broadcast_in_dim3A_511 = vector.shape_cast %reduce_min3A_510 : vector<256xf32> to vector<256x1xf32>
    %convert_element_type3A_512 = arith.fptosi %broadcast_in_dim3A_511 : vector<256x1xf32> to vector<256x1xi32>
    %and3A_513 = arith.constant 4095 : i32
    %and3A_514 = vector.broadcast %and3A_513 : i32 to vector<256x1xi32>
    %and3A_515 = arith.andi %convert_element_type3A_512, %and3A_514 : vector<256x1xi32>
    %lt3A_516 = arith.constant 2768896 : i32
    %lt3A_517 = vector.broadcast %lt3A_516 : i32 to vector<256x1xi32>
    %lt3A_518 = arith.cmpi slt, %convert_element_type3A_512, %lt3A_517 : vector<256x1xi32>
    %convert_element_type3A_519 = arith.extui %lt3A_518 : vector<256x1xi1> to vector<256x1xi32>
    %concatenate3A_520 = tpu.concatenate %and3A_245, %and3A_261, %and3A_280, %and3A_299, %and3A_318, %and3A_337, %and3A_356, %and3A_375, %and3A_394, %and3A_413, %and3A_432, %and3A_451, %and3A_470, %and3A_486, %and3A_501, %and3A_515 in 1 : vector<256x1xi32>, vector<256x1xi32>, vector<256x1xi32>, vector<256x1xi32>, vector<256x1xi32>, vector<256x1xi32>, vector<256x1xi32>, vector<256x1xi32>, vector<256x1xi32>, vector<256x1xi32>, vector<256x1xi32>, vector<256x1xi32>, vector<256x1xi32>, vector<256x1xi32>, vector<256x1xi32>, vector<256x1xi32> -> vector<256x16xi32>
    %transpose3A = tpu.transpose %concatenate3A_520, [1, 0] : vector<256x16xi32> -> vector<16x256xi32>
    %swap3A_521 = arith.constant 0 : index
    %swap3A_522 = arith.constant 0 : index
    %swap3A_523 = vector.load %arg14[%swap3A_521, %swap3A_522] : memref<16x256xi32, #tpu.memory_space<vmem>>, vector<16x256xi32>
    tpu.vector_store %arg14[%swap3A_521, %swap3A_522], %transpose3A {strides = array<i32>} : memref<16x256xi32, #tpu.memory_space<vmem>>, vector<16x256xi32>,
    %concatenate3A_524 = tpu.concatenate %convert_element_type3A_248, %convert_element_type3A_265, %convert_element_type3A_284, %convert_element_type3A_303, %convert_element_type3A_322, %convert_element_type3A_341, %convert_element_type3A_360, %convert_element_type3A_379, %convert_element_type3A_398, %convert_element_type3A_417, %convert_element_type3A_436, %convert_element_type3A_455, %convert_element_type3A_474, %convert_element_type3A_490, %convert_element_type3A_505, %convert_element_type3A_519 in 1 : vector<256x1xi32>, vector<256x1xi32>, vector<256x1xi32>, vector<256x1xi32>, vector<256x1xi32>, vector<256x1xi32>, vector<256x1xi32>, vector<256x1xi32>, vector<256x1xi32>, vector<256x1xi32>, vector<256x1xi32>, vector<256x1xi32>, vector<256x1xi32>, vector<256x1xi32>, vector<256x1xi32>, vector<256x1xi32> -> vector<256x16xi32>
    %transpose3A_525 = tpu.transpose %concatenate3A_524, [1, 0] : vector<256x16xi32> -> vector<16x256xi32>
    %swap3A_526 = arith.constant 0 : index
    %swap3A_527 = arith.constant 0 : index
    %swap3A_528 = vector.load %arg15[%swap3A_526, %swap3A_527] : memref<16x256xi32, #tpu.memory_space<vmem>>, vector<16x256xi32>
    tpu.vector_store %arg15[%swap3A_526, %swap3A_527], %transpose3A_525 {strides = array<i32>} : memref<16x256xi32, #tpu.memory_space<vmem>>, vector<16x256xi32>,
    return
  }
  func.func @transform_0(%arg0: i32, %arg1: i32) -> (i32, i32, i32) {
    %c0_i32 = arith.constant 0 : i32
    %c0_i32_0 = arith.constant 0 : i32
    return %arg0, %arg1, %c0_i32 : i32, i32, i32
  }
  func.func @transform_1(%arg0: i32, %arg1: i32) -> (i32, i32, i32) {
    %c0_i32 = arith.constant 0 : i32
    %c0_i32_0 = arith.constant 0 : i32
    %c0_i32_1 = arith.constant 0 : i32
    return %arg0, %c0_i32, %c0_i32_0 : i32, i32, i32
  }
  func.func @transform_2(%arg0: i32, %arg1: i32) -> (i32, i32) {
    %c0_i32 = arith.constant 0 : i32
    %c0_i32_0 = arith.constant 0 : i32
    %c0_i32_1 = arith.constant 0 : i32
    return %c0_i32, %c0_i32_0 : i32, i32
  }
  func.func @transform_3(%arg0: i32, %arg1: i32) -> (i32, i32) {
    %c0_i32 = arith.constant 0 : i32
    %c0_i32_0 = arith.constant 0 : i32
    %c0_i32_1 = arith.constant 0 : i32
    return %c0_i32, %c0_i32_0 : i32, i32
  }
  func.func @transform_4(%arg0: i32, %arg1: i32) -> (i32, i32) {
    %c0_i32 = arith.constant 0 : i32
    %c0_i32_0 = arith.constant 0 : i32
    %c0_i32_1 = arith.constant 0 : i32
    return %c0_i32, %c0_i32_0 : i32, i32
  }
  func.func @transform_5(%arg0: i32, %arg1: i32) -> (i32, i32) {
    %c0_i32 = arith.constant 0 : i32
    %c0_i32_0 = arith.constant 0 : i32
    %c0_i32_1 = arith.constant 0 : i32
    return %c0_i32, %c0_i32_0 : i32, i32
  }
  func.func @transform_6(%arg0: i32, %arg1: i32) -> (i32, i32) {
    %c0_i32 = arith.constant 0 : i32
    %c0_i32_0 = arith.constant 0 : i32
    %c0_i32_1 = arith.constant 0 : i32
    return %c0_i32, %c0_i32_0 : i32, i32
  }
  func.func @transform_7(%arg0: i32, %arg1: i32) -> (i32, i32) {
    %c0_i32 = arith.constant 0 : i32
    %c0_i32_0 = arith.constant 0 : i32
    %c0_i32_1 = arith.constant 0 : i32
    return %c0_i32, %c0_i32_0 : i32, i32
  }
  func.func @transform_8(%arg0: i32, %arg1: i32) -> (i32, i32) {
    %c0_i32 = arith.constant 0 : i32
    %c0_i32_0 = arith.constant 0 : i32
    %c0_i32_1 = arith.constant 0 : i32
    return %c0_i32, %c0_i32_0 : i32, i32
  }
  func.func @transform_9(%arg0: i32, %arg1: i32) -> (i32, i32) {
    %c0_i32 = arith.constant 0 : i32
    %c0_i32_0 = arith.constant 0 : i32
    %c0_i32_1 = arith.constant 0 : i32
    return %c0_i32, %c0_i32_0 : i32, i32
  }
  func.func @transform_10(%arg0: i32, %arg1: i32) -> (i32, i32, i32) {
    %c0_i32 = arith.constant 0 : i32
    %c0_i32_0 = arith.constant 0 : i32
    return %arg0, %arg1, %c0_i32 : i32, i32, i32
  }
  func.func @transform_11(%arg0: i32, %arg1: i32) -> (i32, i32, i32) {
    %c0_i32 = arith.constant 0 : i32
    %c0_i32_0 = arith.constant 0 : i32
    return %arg0, %arg1, %c0_i32 : i32, i32, i32
  }
  func.func @transform_12(%arg0: i32, %arg1: i32) -> (i32, i32) {
    %mul3A = arith.constant 16 : i32
    %mul3A_0 = arith.muli %arg0, %mul3A : i32
    %add3A = arith.addi %mul3A_0, %arg1 : i32
    %c0_i32 = arith.constant 0 : i32
    %c0_i32_1 = arith.constant 0 : i32
    return %c0_i32, %add3A : i32, i32
  }
  func.func @transform_13(%arg0: i32, %arg1: i32) -> (i32, i32) {
    %mul3A = arith.constant 16 : i32
    %mul3A_0 = arith.muli %arg0, %mul3A : i32
    %add3A = arith.addi %mul3A_0, %arg1 : i32
    %c0_i32 = arith.constant 0 : i32
    %c0_i32_1 = arith.constant 0 : i32
    return %c0_i32, %add3A : i32, i32
  }
}

module attributes {stable_mosaic.version = 14 : i64} {
  func.func @_attn_mlp_body(%arg0: i32, %arg1: i32, %arg2: memref<1x256x384xf32, #tpu.memory_space<vmem>>, %arg3: memref<1x256x192xi32, #tpu.memory_space<vmem>>, %arg4: memref<16x256x384xi32, #tpu.memory_space<vmem>>, %arg5: memref<16x256xi32, #tpu.memory_space<vmem>>, %arg6: memref<1x256x1xf32, #tpu.memory_space<vmem>>, %arg7: memref<1x384xf32, #tpu.memory_space<vmem>>, %arg8: memref<1x384xf32, #tpu.memory_space<vmem>>, %arg9: memref<384x384xf32, #tpu.memory_space<vmem>>, %arg10: memref<1x384xf32, #tpu.memory_space<vmem>>, %arg11: memref<384x1536xf32, #tpu.memory_space<vmem>>, %arg12: memref<1x1536xf32, #tpu.memory_space<vmem>>, %arg13: memref<1536x384xf32, #tpu.memory_space<vmem>>, %arg14: memref<1x384xf32, #tpu.memory_space<vmem>>, %arg15: memref<1x256x384xf32, #tpu.memory_space<vmem>>) attributes {dimension_semantics = [#tpu.dimension_semantics<arbitrary>, #tpu.dimension_semantics<arbitrary>], iteration_bounds = array<i64: 1, 16>, scalar_prefetch = 0 : i64, scratch_operands = 0 : i64, tpu.core_type = #tpu.core_type<tc>, window_params = [{transform_indices = @transform_0, window_bounds = array<i64: 1, 256, 384>}, {transform_indices = @transform_1, window_bounds = array<i64: 1, 256, 192>}, {transform_indices = @transform_2, window_bounds = array<i64: 16, 256, 384>}, {transform_indices = @transform_3, window_bounds = array<i64: 16, 256>}, {transform_indices = @transform_4, window_bounds = array<i64: 1, 256, 1>}, {pipeline_mode = #tpu.pipeline_mode<synchronous>, transform_indices = @transform_5, window_bounds = array<i64: 1, 384>}, {pipeline_mode = #tpu.pipeline_mode<synchronous>, transform_indices = @transform_6, window_bounds = array<i64: 1, 384>}, {pipeline_mode = #tpu.pipeline_mode<synchronous>, transform_indices = @transform_7, window_bounds = array<i64: 384, 384>}, {pipeline_mode = #tpu.pipeline_mode<synchronous>, transform_indices = @transform_8, window_bounds = array<i64: 1, 384>}, {pipeline_mode = #tpu.pipeline_mode<synchronous>, transform_indices = @transform_9, window_bounds = array<i64: 384, 1536>}, {pipeline_mode = #tpu.pipeline_mode<synchronous>, transform_indices = @transform_10, window_bounds = array<i64: 1, 1536>}, {pipeline_mode = #tpu.pipeline_mode<synchronous>, transform_indices = @transform_11, window_bounds = array<i64: 1536, 384>}, {pipeline_mode = #tpu.pipeline_mode<synchronous>, transform_indices = @transform_12, window_bounds = array<i64: 1, 384>}, {transform_indices = @transform_13, window_bounds = array<i64: 1, 256, 384>}]} {
    %iota3A = tpu.iota {dimensions = array<i32: 0>} : vector<384x8xi32>
    %jit3A = arith.constant 48 : i32
    %div3A = vector.broadcast %jit3A : i32 to vector<384x8xi32>
    %div3A_0 = arith.divsi %iota3A, %div3A : vector<384x8xi32>
    %sign3A = arith.constant 0 : i32
    %sign3A_1 = vector.broadcast %sign3A : i32 to vector<384x8xi32>
    %sign3A_2 = arith.cmpi sgt, %iota3A, %sign3A_1 : vector<384x8xi32>
    %sign3A_3 = arith.extui %sign3A_2 : vector<384x8xi1> to vector<384x8xi32>
    %sign3A_4 = arith.constant 0 : i32
    %sign3A_5 = vector.broadcast %sign3A_4 : i32 to vector<384x8xi32>
    %sign3A_6 = arith.cmpi slt, %iota3A, %sign3A_5 : vector<384x8xi32>
    %sign3A_7 = arith.extui %sign3A_6 : vector<384x8xi1> to vector<384x8xi32>
    %sign3A_8 = arith.subi %sign3A_3, %sign3A_7 : vector<384x8xi32>
    %sign3A_9 = arith.constant 0 : i32
    %sign3A_10 = arith.cmpi sgt, %jit3A, %sign3A_9 : i32
    %sign3A_11 = arith.extui %sign3A_10 : i1 to i32
    %sign3A_12 = arith.constant 0 : i32
    %sign3A_13 = arith.cmpi slt, %jit3A, %sign3A_12 : i32
    %sign3A_14 = arith.extui %sign3A_13 : i1 to i32
    %sign3A_15 = arith.subi %sign3A_11, %sign3A_14 : i32
    %ne3A = vector.broadcast %sign3A_15 : i32 to vector<384x8xi32>
    %ne3A_16 = arith.cmpi ne, %sign3A_8, %ne3A : vector<384x8xi32>
    %rem3A = vector.broadcast %jit3A : i32 to vector<384x8xi32>
    %rem3A_17 = arith.remsi %iota3A, %rem3A : vector<384x8xi32>
    %ne3A_18 = arith.constant 0 : i32
    %ne3A_19 = vector.broadcast %ne3A_18 : i32 to vector<384x8xi32>
    %ne3A_20 = arith.cmpi ne, %rem3A_17, %ne3A_19 : vector<384x8xi32>
    %and3A = arith.andi %ne3A_16, %ne3A_20 : vector<384x8xi1>
    %sub3A = arith.constant 1 : i32
    %sub3A_21 = vector.broadcast %sub3A : i32 to vector<384x8xi32>
    %sub3A_22 = arith.subi %div3A_0, %sub3A_21 : vector<384x8xi32>
    %select_n3A = arith.select %and3A, %sub3A_22, %div3A_0 : vector<384x8xi1>, vector<384x8xi32>
    %iota3A_23 = tpu.iota {dimensions = array<i32: 1>} : vector<384x8xi32>
    %eq3A = arith.cmpi eq, %select_n3A, %iota3A_23 : vector<384x8xi32>
    %jit3A_24 = arith.constant 0.144337565 : f32
    %jit3A_25 = arith.constant 0.000000e+00 : f32
    %broadcast_in_dim3A = vector.broadcast %jit3A_24 : f32 to vector<384x8xf32>
    %broadcast_in_dim3A_26 = vector.broadcast %jit3A_25 : f32 to vector<384x8xf32>
    %select_n3A_27 = arith.select %eq3A, %broadcast_in_dim3A, %broadcast_in_dim3A_26 : vector<384x8xi1>, vector<384x8xf32>
    %iota3A_28 = tpu.iota {dimensions = array<i32: 1>} : vector<8x384xi32>
    %jit3A_29 = arith.constant 48 : i32
    %div3A_30 = vector.broadcast %jit3A_29 : i32 to vector<8x384xi32>
    %div3A_31 = arith.divsi %iota3A_28, %div3A_30 : vector<8x384xi32>
    %sign3A_32 = arith.constant 0 : i32
    %sign3A_33 = vector.broadcast %sign3A_32 : i32 to vector<8x384xi32>
    %sign3A_34 = arith.cmpi sgt, %iota3A_28, %sign3A_33 : vector<8x384xi32>
    %sign3A_35 = arith.extui %sign3A_34 : vector<8x384xi1> to vector<8x384xi32>
    %sign3A_36 = arith.constant 0 : i32
    %sign3A_37 = vector.broadcast %sign3A_36 : i32 to vector<8x384xi32>
    %sign3A_38 = arith.cmpi slt, %iota3A_28, %sign3A_37 : vector<8x384xi32>
    %sign3A_39 = arith.extui %sign3A_38 : vector<8x384xi1> to vector<8x384xi32>
    %sign3A_40 = arith.subi %sign3A_35, %sign3A_39 : vector<8x384xi32>
    %sign3A_41 = arith.constant 0 : i32
    %sign3A_42 = arith.cmpi sgt, %jit3A_29, %sign3A_41 : i32
    %sign3A_43 = arith.extui %sign3A_42 : i1 to i32
    %sign3A_44 = arith.constant 0 : i32
    %sign3A_45 = arith.cmpi slt, %jit3A_29, %sign3A_44 : i32
    %sign3A_46 = arith.extui %sign3A_45 : i1 to i32
    %sign3A_47 = arith.subi %sign3A_43, %sign3A_46 : i32
    %ne3A_48 = vector.broadcast %sign3A_47 : i32 to vector<8x384xi32>
    %ne3A_49 = arith.cmpi ne, %sign3A_40, %ne3A_48 : vector<8x384xi32>
    %rem3A_50 = vector.broadcast %jit3A_29 : i32 to vector<8x384xi32>
    %rem3A_51 = arith.remsi %iota3A_28, %rem3A_50 : vector<8x384xi32>
    %ne3A_52 = arith.constant 0 : i32
    %ne3A_53 = vector.broadcast %ne3A_52 : i32 to vector<8x384xi32>
    %ne3A_54 = arith.cmpi ne, %rem3A_51, %ne3A_53 : vector<8x384xi32>
    %and3A_55 = arith.andi %ne3A_49, %ne3A_54 : vector<8x384xi1>
    %sub3A_56 = arith.constant 1 : i32
    %sub3A_57 = vector.broadcast %sub3A_56 : i32 to vector<8x384xi32>
    %sub3A_58 = arith.subi %div3A_31, %sub3A_57 : vector<8x384xi32>
    %select_n3A_59 = arith.select %and3A_55, %sub3A_58, %div3A_31 : vector<8x384xi1>, vector<8x384xi32>
    %iota3A_60 = tpu.iota {dimensions = array<i32: 0>} : vector<8x384xi32>
    %eq3A_61 = arith.cmpi eq, %select_n3A_59, %iota3A_60 : vector<8x384xi32>
    %jit3A_62 = arith.constant 1.000000e+00 : f32
    %jit3A_63 = arith.constant 0.000000e+00 : f32
    %broadcast_in_dim3A_64 = vector.broadcast %jit3A_62 : f32 to vector<8x384xf32>
    %broadcast_in_dim3A_65 = vector.broadcast %jit3A_63 : f32 to vector<8x384xf32>
    %select_n3A_66 = arith.select %eq3A_61, %broadcast_in_dim3A_64, %broadcast_in_dim3A_65 : vector<8x384xi1>, vector<8x384xf32>
    %get3A = arith.constant 0 : index
    %get3A_67 = arith.constant 0 : index
    %get3A_68 = arith.constant 0 : index
    %get3A_69 = vector.load %arg3[%get3A, %get3A_67, %get3A_68] : memref<1x256x192xi32, #tpu.memory_space<vmem>>, vector<1x256x192xi32>
    %get3A_70 = vector.shape_cast %get3A_69 : vector<1x256x192xi32> to vector<256x192xi32>
    %shift_left3A = arith.constant 16 : i32
    %shift_left3A_71 = vector.broadcast %shift_left3A : i32 to vector<256x192xi32>
    %shift_left3A_72 = arith.shli %get3A_70, %shift_left3A_71 : vector<256x192xi32>
    %bitcast_convert_type3A = tpu.bitcast %shift_left3A_72 : vector<256x192xi32> -> vector<256x192xf32>
    %and3A_73 = arith.constant -65536 : i32
    %and3A_74 = vector.broadcast %and3A_73 : i32 to vector<256x192xi32>
    %and3A_75 = arith.andi %get3A_70, %and3A_74 : vector<256x192xi32>
    %bitcast_convert_type3A_76 = tpu.bitcast %and3A_75 : vector<256x192xi32> -> vector<256x192xf32>
    %slice3A = vector.extract_strided_slice %select_n3A_27 {offsets = [0, 0], sizes = [192, 8], strides = [1, 1]} : vector<384x8xf32> to vector<192x8xf32>
    %slice3A_77 = vector.extract_strided_slice %select_n3A_27 {offsets = [192, 0], sizes = [192, 8], strides = [1, 1]} : vector<384x8xf32> to vector<192x8xf32>
    %get3A_78 = arith.constant 0 : index
    %get3A_79 = arith.constant 0 : index
    %get3A_80 = arith.constant 0 : index
    %get3A_81 = vector.load %arg4[%get3A_78, %get3A_79, %get3A_80] : memref<16x256x384xi32, #tpu.memory_space<vmem>>, vector<1x256x384xi32>
    %get3A_82 = vector.shape_cast %get3A_81 : vector<1x256x384xi32> to vector<256x384xi32>
    %slice3A_83 = vector.extract_strided_slice %get3A_82 {offsets = [0, 0], sizes = [256, 192], strides = [1, 1]} : vector<256x384xi32> to vector<256x192xi32>
    %shift_left3A_84 = arith.constant 16 : i32
    %shift_left3A_85 = vector.broadcast %shift_left3A_84 : i32 to vector<256x192xi32>
    %shift_left3A_86 = arith.shli %slice3A_83, %shift_left3A_85 : vector<256x192xi32>
    %bitcast_convert_type3A_87 = tpu.bitcast %shift_left3A_86 : vector<256x192xi32> -> vector<256x192xf32>
    %and3A_88 = arith.constant -65536 : i32
    %and3A_89 = vector.broadcast %and3A_88 : i32 to vector<256x192xi32>
    %and3A_90 = arith.andi %slice3A_83, %and3A_89 : vector<256x192xi32>
    %bitcast_convert_type3A_91 = tpu.bitcast %and3A_90 : vector<256x192xi32> -> vector<256x192xf32>
    %mul3A = arith.mulf %bitcast_convert_type3A, %bitcast_convert_type3A_87 : vector<256x192xf32>
    %dot_general3A = arith.constant dense<0.000000e+00> : vector<256x8xf32>
    %dot_general3A_92 = tpu.matmul %mul3A, %slice3A, %dot_general3A {dimension_numbers = #tpu.dot_dimension_numbers<[1], [0], [0], [1], [0, 0, 1, 1], [], []>, transpose_lhs_hint = false} : vector<256x192xf32>, vector<192x8xf32>, vector<256x8xf32> -> vector<256x8xf32>
    %mul3A_93 = arith.mulf %bitcast_convert_type3A_76, %bitcast_convert_type3A_91 : vector<256x192xf32>
    %dot_general3A_94 = arith.constant dense<0.000000e+00> : vector<256x8xf32>
    %dot_general3A_95 = tpu.matmul %mul3A_93, %slice3A_77, %dot_general3A_94 {dimension_numbers = #tpu.dot_dimension_numbers<[1], [0], [0], [1], [0, 0, 1, 1], [], []>, transpose_lhs_hint = false} : vector<256x192xf32>, vector<192x8xf32>, vector<256x8xf32> -> vector<256x8xf32>
    %add3A = arith.addf %dot_general3A_92, %dot_general3A_95 : vector<256x8xf32>
    %transpose3A = tpu.transpose %add3A, [1, 0] : vector<256x8xf32> -> vector<8x256xf32>
    %get3A_96 = arith.constant 0 : index
    %get3A_97 = arith.constant 0 : index
    %get3A_98 = vector.load %arg5[%get3A_96, %get3A_97] : memref<16x256xi32, #tpu.memory_space<vmem>>, vector<1x256xi32>
    %ne3A_99 = arith.constant 0 : i32
    %ne3A_100 = vector.broadcast %ne3A_99 : i32 to vector<1x256xi32>
    %ne3A_101 = arith.cmpi ne, %get3A_98, %ne3A_100 : vector<1x256xi32>
    %jit3A_102 = arith.constant -1.000000e+30 : f32
    %broadcast_in_dim3A_103 = vector.shape_cast %ne3A_101 : vector<1x256xi1> to vector<1x256xi1>
    %broadcast_in_dim3A_104 = vector.broadcast %broadcast_in_dim3A_103 : vector<1x256xi1> to vector<8x256xi1>
    %broadcast_in_dim3A_105 = vector.broadcast %jit3A_102 : f32 to vector<8x256xf32>
    %select_n3A_106 = arith.select %broadcast_in_dim3A_104, %transpose3A, %broadcast_in_dim3A_105 : vector<8x256xi1>, vector<8x256xf32>
    %get3A_107 = arith.constant 1 : index
    %get3A_108 = arith.constant 0 : index
    %get3A_109 = arith.constant 0 : index
    %get3A_110 = vector.load %arg4[%get3A_107, %get3A_108, %get3A_109] : memref<16x256x384xi32, #tpu.memory_space<vmem>>, vector<1x256x384xi32>
    %get3A_111 = vector.shape_cast %get3A_110 : vector<1x256x384xi32> to vector<256x384xi32>
    %slice3A_112 = vector.extract_strided_slice %get3A_111 {offsets = [0, 0], sizes = [256, 192], strides = [1, 1]} : vector<256x384xi32> to vector<256x192xi32>
    %shift_left3A_113 = arith.constant 16 : i32
    %shift_left3A_114 = vector.broadcast %shift_left3A_113 : i32 to vector<256x192xi32>
    %shift_left3A_115 = arith.shli %slice3A_112, %shift_left3A_114 : vector<256x192xi32>
    %bitcast_convert_type3A_116 = tpu.bitcast %shift_left3A_115 : vector<256x192xi32> -> vector<256x192xf32>
    %and3A_117 = arith.constant -65536 : i32
    %and3A_118 = vector.broadcast %and3A_117 : i32 to vector<256x192xi32>
    %and3A_119 = arith.andi %slice3A_112, %and3A_118 : vector<256x192xi32>
    %bitcast_convert_type3A_120 = tpu.bitcast %and3A_119 : vector<256x192xi32> -> vector<256x192xf32>
    %mul3A_121 = arith.mulf %bitcast_convert_type3A, %bitcast_convert_type3A_116 : vector<256x192xf32>
    %dot_general3A_122 = arith.constant dense<0.000000e+00> : vector<256x8xf32>
    %dot_general3A_123 = tpu.matmul %mul3A_121, %slice3A, %dot_general3A_122 {dimension_numbers = #tpu.dot_dimension_numbers<[1], [0], [0], [1], [0, 0, 1, 1], [], []>, transpose_lhs_hint = false} : vector<256x192xf32>, vector<192x8xf32>, vector<256x8xf32> -> vector<256x8xf32>
    %mul3A_124 = arith.mulf %bitcast_convert_type3A_76, %bitcast_convert_type3A_120 : vector<256x192xf32>
    %dot_general3A_125 = arith.constant dense<0.000000e+00> : vector<256x8xf32>
    %dot_general3A_126 = tpu.matmul %mul3A_124, %slice3A_77, %dot_general3A_125 {dimension_numbers = #tpu.dot_dimension_numbers<[1], [0], [0], [1], [0, 0, 1, 1], [], []>, transpose_lhs_hint = false} : vector<256x192xf32>, vector<192x8xf32>, vector<256x8xf32> -> vector<256x8xf32>
    %add3A_127 = arith.addf %dot_general3A_123, %dot_general3A_126 : vector<256x8xf32>
    %transpose3A_128 = tpu.transpose %add3A_127, [1, 0] : vector<256x8xf32> -> vector<8x256xf32>
    %get3A_129 = arith.constant 1 : index
    %get3A_130 = arith.constant 0 : index
    %get3A_131 = vector.load %arg5[%get3A_129, %get3A_130] : memref<16x256xi32, #tpu.memory_space<vmem>>, vector<1x256xi32>
    %ne3A_132 = arith.constant 0 : i32
    %ne3A_133 = vector.broadcast %ne3A_132 : i32 to vector<1x256xi32>
    %ne3A_134 = arith.cmpi ne, %get3A_131, %ne3A_133 : vector<1x256xi32>
    %jit3A_135 = arith.constant -1.000000e+30 : f32
    %broadcast_in_dim3A_136 = vector.shape_cast %ne3A_134 : vector<1x256xi1> to vector<1x256xi1>
    %broadcast_in_dim3A_137 = vector.broadcast %broadcast_in_dim3A_136 : vector<1x256xi1> to vector<8x256xi1>
    %broadcast_in_dim3A_138 = vector.broadcast %jit3A_135 : f32 to vector<8x256xf32>
    %select_n3A_139 = arith.select %broadcast_in_dim3A_137, %transpose3A_128, %broadcast_in_dim3A_138 : vector<8x256xi1>, vector<8x256xf32>
    %get3A_140 = arith.constant 2 : index
    %get3A_141 = arith.constant 0 : index
    %get3A_142 = arith.constant 0 : index
    %get3A_143 = vector.load %arg4[%get3A_140, %get3A_141, %get3A_142] : memref<16x256x384xi32, #tpu.memory_space<vmem>>, vector<1x256x384xi32>
    %get3A_144 = vector.shape_cast %get3A_143 : vector<1x256x384xi32> to vector<256x384xi32>
    %slice3A_145 = vector.extract_strided_slice %get3A_144 {offsets = [0, 0], sizes = [256, 192], strides = [1, 1]} : vector<256x384xi32> to vector<256x192xi32>
    %shift_left3A_146 = arith.constant 16 : i32
    %shift_left3A_147 = vector.broadcast %shift_left3A_146 : i32 to vector<256x192xi32>
    %shift_left3A_148 = arith.shli %slice3A_145, %shift_left3A_147 : vector<256x192xi32>
    %bitcast_convert_type3A_149 = tpu.bitcast %shift_left3A_148 : vector<256x192xi32> -> vector<256x192xf32>
    %and3A_150 = arith.constant -65536 : i32
    %and3A_151 = vector.broadcast %and3A_150 : i32 to vector<256x192xi32>
    %and3A_152 = arith.andi %slice3A_145, %and3A_151 : vector<256x192xi32>
    %bitcast_convert_type3A_153 = tpu.bitcast %and3A_152 : vector<256x192xi32> -> vector<256x192xf32>
    %mul3A_154 = arith.mulf %bitcast_convert_type3A, %bitcast_convert_type3A_149 : vector<256x192xf32>
    %dot_general3A_155 = arith.constant dense<0.000000e+00> : vector<256x8xf32>
    %dot_general3A_156 = tpu.matmul %mul3A_154, %slice3A, %dot_general3A_155 {dimension_numbers = #tpu.dot_dimension_numbers<[1], [0], [0], [1], [0, 0, 1, 1], [], []>, transpose_lhs_hint = false} : vector<256x192xf32>, vector<192x8xf32>, vector<256x8xf32> -> vector<256x8xf32>
    %mul3A_157 = arith.mulf %bitcast_convert_type3A_76, %bitcast_convert_type3A_153 : vector<256x192xf32>
    %dot_general3A_158 = arith.constant dense<0.000000e+00> : vector<256x8xf32>
    %dot_general3A_159 = tpu.matmul %mul3A_157, %slice3A_77, %dot_general3A_158 {dimension_numbers = #tpu.dot_dimension_numbers<[1], [0], [0], [1], [0, 0, 1, 1], [], []>, transpose_lhs_hint = false} : vector<256x192xf32>, vector<192x8xf32>, vector<256x8xf32> -> vector<256x8xf32>
    %add3A_160 = arith.addf %dot_general3A_156, %dot_general3A_159 : vector<256x8xf32>
    %transpose3A_161 = tpu.transpose %add3A_160, [1, 0] : vector<256x8xf32> -> vector<8x256xf32>
    %get3A_162 = arith.constant 2 : index
    %get3A_163 = arith.constant 0 : index
    %get3A_164 = vector.load %arg5[%get3A_162, %get3A_163] : memref<16x256xi32, #tpu.memory_space<vmem>>, vector<1x256xi32>
    %ne3A_165 = arith.constant 0 : i32
    %ne3A_166 = vector.broadcast %ne3A_165 : i32 to vector<1x256xi32>
    %ne3A_167 = arith.cmpi ne, %get3A_164, %ne3A_166 : vector<1x256xi32>
    %jit3A_168 = arith.constant -1.000000e+30 : f32
    %broadcast_in_dim3A_169 = vector.shape_cast %ne3A_167 : vector<1x256xi1> to vector<1x256xi1>
    %broadcast_in_dim3A_170 = vector.broadcast %broadcast_in_dim3A_169 : vector<1x256xi1> to vector<8x256xi1>
    %broadcast_in_dim3A_171 = vector.broadcast %jit3A_168 : f32 to vector<8x256xf32>
    %select_n3A_172 = arith.select %broadcast_in_dim3A_170, %transpose3A_161, %broadcast_in_dim3A_171 : vector<8x256xi1>, vector<8x256xf32>
    %get3A_173 = arith.constant 3 : index
    %get3A_174 = arith.constant 0 : index
    %get3A_175 = arith.constant 0 : index
    %get3A_176 = vector.load %arg4[%get3A_173, %get3A_174, %get3A_175] : memref<16x256x384xi32, #tpu.memory_space<vmem>>, vector<1x256x384xi32>
    %get3A_177 = vector.shape_cast %get3A_176 : vector<1x256x384xi32> to vector<256x384xi32>
    %slice3A_178 = vector.extract_strided_slice %get3A_177 {offsets = [0, 0], sizes = [256, 192], strides = [1, 1]} : vector<256x384xi32> to vector<256x192xi32>
    %shift_left3A_179 = arith.constant 16 : i32
    %shift_left3A_180 = vector.broadcast %shift_left3A_179 : i32 to vector<256x192xi32>
    %shift_left3A_181 = arith.shli %slice3A_178, %shift_left3A_180 : vector<256x192xi32>
    %bitcast_convert_type3A_182 = tpu.bitcast %shift_left3A_181 : vector<256x192xi32> -> vector<256x192xf32>
    %and3A_183 = arith.constant -65536 : i32
    %and3A_184 = vector.broadcast %and3A_183 : i32 to vector<256x192xi32>
    %and3A_185 = arith.andi %slice3A_178, %and3A_184 : vector<256x192xi32>
    %bitcast_convert_type3A_186 = tpu.bitcast %and3A_185 : vector<256x192xi32> -> vector<256x192xf32>
    %mul3A_187 = arith.mulf %bitcast_convert_type3A, %bitcast_convert_type3A_182 : vector<256x192xf32>
    %dot_general3A_188 = arith.constant dense<0.000000e+00> : vector<256x8xf32>
    %dot_general3A_189 = tpu.matmul %mul3A_187, %slice3A, %dot_general3A_188 {dimension_numbers = #tpu.dot_dimension_numbers<[1], [0], [0], [1], [0, 0, 1, 1], [], []>, transpose_lhs_hint = false} : vector<256x192xf32>, vector<192x8xf32>, vector<256x8xf32> -> vector<256x8xf32>
    %mul3A_190 = arith.mulf %bitcast_convert_type3A_76, %bitcast_convert_type3A_186 : vector<256x192xf32>
    %dot_general3A_191 = arith.constant dense<0.000000e+00> : vector<256x8xf32>
    %dot_general3A_192 = tpu.matmul %mul3A_190, %slice3A_77, %dot_general3A_191 {dimension_numbers = #tpu.dot_dimension_numbers<[1], [0], [0], [1], [0, 0, 1, 1], [], []>, transpose_lhs_hint = false} : vector<256x192xf32>, vector<192x8xf32>, vector<256x8xf32> -> vector<256x8xf32>
    %add3A_193 = arith.addf %dot_general3A_189, %dot_general3A_192 : vector<256x8xf32>
    %transpose3A_194 = tpu.transpose %add3A_193, [1, 0] : vector<256x8xf32> -> vector<8x256xf32>
    %get3A_195 = arith.constant 3 : index
    %get3A_196 = arith.constant 0 : index
    %get3A_197 = vector.load %arg5[%get3A_195, %get3A_196] : memref<16x256xi32, #tpu.memory_space<vmem>>, vector<1x256xi32>
    %ne3A_198 = arith.constant 0 : i32
    %ne3A_199 = vector.broadcast %ne3A_198 : i32 to vector<1x256xi32>
    %ne3A_200 = arith.cmpi ne, %get3A_197, %ne3A_199 : vector<1x256xi32>
    %jit3A_201 = arith.constant -1.000000e+30 : f32
    %broadcast_in_dim3A_202 = vector.shape_cast %ne3A_200 : vector<1x256xi1> to vector<1x256xi1>
    %broadcast_in_dim3A_203 = vector.broadcast %broadcast_in_dim3A_202 : vector<1x256xi1> to vector<8x256xi1>
    %broadcast_in_dim3A_204 = vector.broadcast %jit3A_201 : f32 to vector<8x256xf32>
    %select_n3A_205 = arith.select %broadcast_in_dim3A_203, %transpose3A_194, %broadcast_in_dim3A_204 : vector<8x256xi1>, vector<8x256xf32>
    %get3A_206 = arith.constant 4 : index
    %get3A_207 = arith.constant 0 : index
    %get3A_208 = arith.constant 0 : index
    %get3A_209 = vector.load %arg4[%get3A_206, %get3A_207, %get3A_208] : memref<16x256x384xi32, #tpu.memory_space<vmem>>, vector<1x256x384xi32>
    %get3A_210 = vector.shape_cast %get3A_209 : vector<1x256x384xi32> to vector<256x384xi32>
    %slice3A_211 = vector.extract_strided_slice %get3A_210 {offsets = [0, 0], sizes = [256, 192], strides = [1, 1]} : vector<256x384xi32> to vector<256x192xi32>
    %shift_left3A_212 = arith.constant 16 : i32
    %shift_left3A_213 = vector.broadcast %shift_left3A_212 : i32 to vector<256x192xi32>
    %shift_left3A_214 = arith.shli %slice3A_211, %shift_left3A_213 : vector<256x192xi32>
    %bitcast_convert_type3A_215 = tpu.bitcast %shift_left3A_214 : vector<256x192xi32> -> vector<256x192xf32>
    %and3A_216 = arith.constant -65536 : i32
    %and3A_217 = vector.broadcast %and3A_216 : i32 to vector<256x192xi32>
    %and3A_218 = arith.andi %slice3A_211, %and3A_217 : vector<256x192xi32>
    %bitcast_convert_type3A_219 = tpu.bitcast %and3A_218 : vector<256x192xi32> -> vector<256x192xf32>
    %mul3A_220 = arith.mulf %bitcast_convert_type3A, %bitcast_convert_type3A_215 : vector<256x192xf32>
    %dot_general3A_221 = arith.constant dense<0.000000e+00> : vector<256x8xf32>
    %dot_general3A_222 = tpu.matmul %mul3A_220, %slice3A, %dot_general3A_221 {dimension_numbers = #tpu.dot_dimension_numbers<[1], [0], [0], [1], [0, 0, 1, 1], [], []>, transpose_lhs_hint = false} : vector<256x192xf32>, vector<192x8xf32>, vector<256x8xf32> -> vector<256x8xf32>
    %mul3A_223 = arith.mulf %bitcast_convert_type3A_76, %bitcast_convert_type3A_219 : vector<256x192xf32>
    %dot_general3A_224 = arith.constant dense<0.000000e+00> : vector<256x8xf32>
    %dot_general3A_225 = tpu.matmul %mul3A_223, %slice3A_77, %dot_general3A_224 {dimension_numbers = #tpu.dot_dimension_numbers<[1], [0], [0], [1], [0, 0, 1, 1], [], []>, transpose_lhs_hint = false} : vector<256x192xf32>, vector<192x8xf32>, vector<256x8xf32> -> vector<256x8xf32>
    %add3A_226 = arith.addf %dot_general3A_222, %dot_general3A_225 : vector<256x8xf32>
    %transpose3A_227 = tpu.transpose %add3A_226, [1, 0] : vector<256x8xf32> -> vector<8x256xf32>
    %get3A_228 = arith.constant 4 : index
    %get3A_229 = arith.constant 0 : index
    %get3A_230 = vector.load %arg5[%get3A_228, %get3A_229] : memref<16x256xi32, #tpu.memory_space<vmem>>, vector<1x256xi32>
    %ne3A_231 = arith.constant 0 : i32
    %ne3A_232 = vector.broadcast %ne3A_231 : i32 to vector<1x256xi32>
    %ne3A_233 = arith.cmpi ne, %get3A_230, %ne3A_232 : vector<1x256xi32>
    %jit3A_234 = arith.constant -1.000000e+30 : f32
    %broadcast_in_dim3A_235 = vector.shape_cast %ne3A_233 : vector<1x256xi1> to vector<1x256xi1>
    %broadcast_in_dim3A_236 = vector.broadcast %broadcast_in_dim3A_235 : vector<1x256xi1> to vector<8x256xi1>
    %broadcast_in_dim3A_237 = vector.broadcast %jit3A_234 : f32 to vector<8x256xf32>
    %select_n3A_238 = arith.select %broadcast_in_dim3A_236, %transpose3A_227, %broadcast_in_dim3A_237 : vector<8x256xi1>, vector<8x256xf32>
    %get3A_239 = arith.constant 5 : index
    %get3A_240 = arith.constant 0 : index
    %get3A_241 = arith.constant 0 : index
    %get3A_242 = vector.load %arg4[%get3A_239, %get3A_240, %get3A_241] : memref<16x256x384xi32, #tpu.memory_space<vmem>>, vector<1x256x384xi32>
    %get3A_243 = vector.shape_cast %get3A_242 : vector<1x256x384xi32> to vector<256x384xi32>
    %slice3A_244 = vector.extract_strided_slice %get3A_243 {offsets = [0, 0], sizes = [256, 192], strides = [1, 1]} : vector<256x384xi32> to vector<256x192xi32>
    %shift_left3A_245 = arith.constant 16 : i32
    %shift_left3A_246 = vector.broadcast %shift_left3A_245 : i32 to vector<256x192xi32>
    %shift_left3A_247 = arith.shli %slice3A_244, %shift_left3A_246 : vector<256x192xi32>
    %bitcast_convert_type3A_248 = tpu.bitcast %shift_left3A_247 : vector<256x192xi32> -> vector<256x192xf32>
    %and3A_249 = arith.constant -65536 : i32
    %and3A_250 = vector.broadcast %and3A_249 : i32 to vector<256x192xi32>
    %and3A_251 = arith.andi %slice3A_244, %and3A_250 : vector<256x192xi32>
    %bitcast_convert_type3A_252 = tpu.bitcast %and3A_251 : vector<256x192xi32> -> vector<256x192xf32>
    %mul3A_253 = arith.mulf %bitcast_convert_type3A, %bitcast_convert_type3A_248 : vector<256x192xf32>
    %dot_general3A_254 = arith.constant dense<0.000000e+00> : vector<256x8xf32>
    %dot_general3A_255 = tpu.matmul %mul3A_253, %slice3A, %dot_general3A_254 {dimension_numbers = #tpu.dot_dimension_numbers<[1], [0], [0], [1], [0, 0, 1, 1], [], []>, transpose_lhs_hint = false} : vector<256x192xf32>, vector<192x8xf32>, vector<256x8xf32> -> vector<256x8xf32>
    %mul3A_256 = arith.mulf %bitcast_convert_type3A_76, %bitcast_convert_type3A_252 : vector<256x192xf32>
    %dot_general3A_257 = arith.constant dense<0.000000e+00> : vector<256x8xf32>
    %dot_general3A_258 = tpu.matmul %mul3A_256, %slice3A_77, %dot_general3A_257 {dimension_numbers = #tpu.dot_dimension_numbers<[1], [0], [0], [1], [0, 0, 1, 1], [], []>, transpose_lhs_hint = false} : vector<256x192xf32>, vector<192x8xf32>, vector<256x8xf32> -> vector<256x8xf32>
    %add3A_259 = arith.addf %dot_general3A_255, %dot_general3A_258 : vector<256x8xf32>
    %transpose3A_260 = tpu.transpose %add3A_259, [1, 0] : vector<256x8xf32> -> vector<8x256xf32>
    %get3A_261 = arith.constant 5 : index
    %get3A_262 = arith.constant 0 : index
    %get3A_263 = vector.load %arg5[%get3A_261, %get3A_262] : memref<16x256xi32, #tpu.memory_space<vmem>>, vector<1x256xi32>
    %ne3A_264 = arith.constant 0 : i32
    %ne3A_265 = vector.broadcast %ne3A_264 : i32 to vector<1x256xi32>
    %ne3A_266 = arith.cmpi ne, %get3A_263, %ne3A_265 : vector<1x256xi32>
    %jit3A_267 = arith.constant -1.000000e+30 : f32
    %broadcast_in_dim3A_268 = vector.shape_cast %ne3A_266 : vector<1x256xi1> to vector<1x256xi1>
    %broadcast_in_dim3A_269 = vector.broadcast %broadcast_in_dim3A_268 : vector<1x256xi1> to vector<8x256xi1>
    %broadcast_in_dim3A_270 = vector.broadcast %jit3A_267 : f32 to vector<8x256xf32>
    %select_n3A_271 = arith.select %broadcast_in_dim3A_269, %transpose3A_260, %broadcast_in_dim3A_270 : vector<8x256xi1>, vector<8x256xf32>
    %get3A_272 = arith.constant 6 : index
    %get3A_273 = arith.constant 0 : index
    %get3A_274 = arith.constant 0 : index
    %get3A_275 = vector.load %arg4[%get3A_272, %get3A_273, %get3A_274] : memref<16x256x384xi32, #tpu.memory_space<vmem>>, vector<1x256x384xi32>
    %get3A_276 = vector.shape_cast %get3A_275 : vector<1x256x384xi32> to vector<256x384xi32>
    %slice3A_277 = vector.extract_strided_slice %get3A_276 {offsets = [0, 0], sizes = [256, 192], strides = [1, 1]} : vector<256x384xi32> to vector<256x192xi32>
    %shift_left3A_278 = arith.constant 16 : i32
    %shift_left3A_279 = vector.broadcast %shift_left3A_278 : i32 to vector<256x192xi32>
    %shift_left3A_280 = arith.shli %slice3A_277, %shift_left3A_279 : vector<256x192xi32>
    %bitcast_convert_type3A_281 = tpu.bitcast %shift_left3A_280 : vector<256x192xi32> -> vector<256x192xf32>
    %and3A_282 = arith.constant -65536 : i32
    %and3A_283 = vector.broadcast %and3A_282 : i32 to vector<256x192xi32>
    %and3A_284 = arith.andi %slice3A_277, %and3A_283 : vector<256x192xi32>
    %bitcast_convert_type3A_285 = tpu.bitcast %and3A_284 : vector<256x192xi32> -> vector<256x192xf32>
    %mul3A_286 = arith.mulf %bitcast_convert_type3A, %bitcast_convert_type3A_281 : vector<256x192xf32>
    %dot_general3A_287 = arith.constant dense<0.000000e+00> : vector<256x8xf32>
    %dot_general3A_288 = tpu.matmul %mul3A_286, %slice3A, %dot_general3A_287 {dimension_numbers = #tpu.dot_dimension_numbers<[1], [0], [0], [1], [0, 0, 1, 1], [], []>, transpose_lhs_hint = false} : vector<256x192xf32>, vector<192x8xf32>, vector<256x8xf32> -> vector<256x8xf32>
    %mul3A_289 = arith.mulf %bitcast_convert_type3A_76, %bitcast_convert_type3A_285 : vector<256x192xf32>
    %dot_general3A_290 = arith.constant dense<0.000000e+00> : vector<256x8xf32>
    %dot_general3A_291 = tpu.matmul %mul3A_289, %slice3A_77, %dot_general3A_290 {dimension_numbers = #tpu.dot_dimension_numbers<[1], [0], [0], [1], [0, 0, 1, 1], [], []>, transpose_lhs_hint = false} : vector<256x192xf32>, vector<192x8xf32>, vector<256x8xf32> -> vector<256x8xf32>
    %add3A_292 = arith.addf %dot_general3A_288, %dot_general3A_291 : vector<256x8xf32>
    %transpose3A_293 = tpu.transpose %add3A_292, [1, 0] : vector<256x8xf32> -> vector<8x256xf32>
    %get3A_294 = arith.constant 6 : index
    %get3A_295 = arith.constant 0 : index
    %get3A_296 = vector.load %arg5[%get3A_294, %get3A_295] : memref<16x256xi32, #tpu.memory_space<vmem>>, vector<1x256xi32>
    %ne3A_297 = arith.constant 0 : i32
    %ne3A_298 = vector.broadcast %ne3A_297 : i32 to vector<1x256xi32>
    %ne3A_299 = arith.cmpi ne, %get3A_296, %ne3A_298 : vector<1x256xi32>
    %jit3A_300 = arith.constant -1.000000e+30 : f32
    %broadcast_in_dim3A_301 = vector.shape_cast %ne3A_299 : vector<1x256xi1> to vector<1x256xi1>
    %broadcast_in_dim3A_302 = vector.broadcast %broadcast_in_dim3A_301 : vector<1x256xi1> to vector<8x256xi1>
    %broadcast_in_dim3A_303 = vector.broadcast %jit3A_300 : f32 to vector<8x256xf32>
    %select_n3A_304 = arith.select %broadcast_in_dim3A_302, %transpose3A_293, %broadcast_in_dim3A_303 : vector<8x256xi1>, vector<8x256xf32>
    %get3A_305 = arith.constant 7 : index
    %get3A_306 = arith.constant 0 : index
    %get3A_307 = arith.constant 0 : index
    %get3A_308 = vector.load %arg4[%get3A_305, %get3A_306, %get3A_307] : memref<16x256x384xi32, #tpu.memory_space<vmem>>, vector<1x256x384xi32>
    %get3A_309 = vector.shape_cast %get3A_308 : vector<1x256x384xi32> to vector<256x384xi32>
    %slice3A_310 = vector.extract_strided_slice %get3A_309 {offsets = [0, 0], sizes = [256, 192], strides = [1, 1]} : vector<256x384xi32> to vector<256x192xi32>
    %shift_left3A_311 = arith.constant 16 : i32
    %shift_left3A_312 = vector.broadcast %shift_left3A_311 : i32 to vector<256x192xi32>
    %shift_left3A_313 = arith.shli %slice3A_310, %shift_left3A_312 : vector<256x192xi32>
    %bitcast_convert_type3A_314 = tpu.bitcast %shift_left3A_313 : vector<256x192xi32> -> vector<256x192xf32>
    %and3A_315 = arith.constant -65536 : i32
    %and3A_316 = vector.broadcast %and3A_315 : i32 to vector<256x192xi32>
    %and3A_317 = arith.andi %slice3A_310, %and3A_316 : vector<256x192xi32>
    %bitcast_convert_type3A_318 = tpu.bitcast %and3A_317 : vector<256x192xi32> -> vector<256x192xf32>
    %mul3A_319 = arith.mulf %bitcast_convert_type3A, %bitcast_convert_type3A_314 : vector<256x192xf32>
    %dot_general3A_320 = arith.constant dense<0.000000e+00> : vector<256x8xf32>
    %dot_general3A_321 = tpu.matmul %mul3A_319, %slice3A, %dot_general3A_320 {dimension_numbers = #tpu.dot_dimension_numbers<[1], [0], [0], [1], [0, 0, 1, 1], [], []>, transpose_lhs_hint = false} : vector<256x192xf32>, vector<192x8xf32>, vector<256x8xf32> -> vector<256x8xf32>
    %mul3A_322 = arith.mulf %bitcast_convert_type3A_76, %bitcast_convert_type3A_318 : vector<256x192xf32>
    %dot_general3A_323 = arith.constant dense<0.000000e+00> : vector<256x8xf32>
    %dot_general3A_324 = tpu.matmul %mul3A_322, %slice3A_77, %dot_general3A_323 {dimension_numbers = #tpu.dot_dimension_numbers<[1], [0], [0], [1], [0, 0, 1, 1], [], []>, transpose_lhs_hint = false} : vector<256x192xf32>, vector<192x8xf32>, vector<256x8xf32> -> vector<256x8xf32>
    %add3A_325 = arith.addf %dot_general3A_321, %dot_general3A_324 : vector<256x8xf32>
    %transpose3A_326 = tpu.transpose %add3A_325, [1, 0] : vector<256x8xf32> -> vector<8x256xf32>
    %get3A_327 = arith.constant 7 : index
    %get3A_328 = arith.constant 0 : index
    %get3A_329 = vector.load %arg5[%get3A_327, %get3A_328] : memref<16x256xi32, #tpu.memory_space<vmem>>, vector<1x256xi32>
    %ne3A_330 = arith.constant 0 : i32
    %ne3A_331 = vector.broadcast %ne3A_330 : i32 to vector<1x256xi32>
    %ne3A_332 = arith.cmpi ne, %get3A_329, %ne3A_331 : vector<1x256xi32>
    %jit3A_333 = arith.constant -1.000000e+30 : f32
    %broadcast_in_dim3A_334 = vector.shape_cast %ne3A_332 : vector<1x256xi1> to vector<1x256xi1>
    %broadcast_in_dim3A_335 = vector.broadcast %broadcast_in_dim3A_334 : vector<1x256xi1> to vector<8x256xi1>
    %broadcast_in_dim3A_336 = vector.broadcast %jit3A_333 : f32 to vector<8x256xf32>
    %select_n3A_337 = arith.select %broadcast_in_dim3A_335, %transpose3A_326, %broadcast_in_dim3A_336 : vector<8x256xi1>, vector<8x256xf32>
    %get3A_338 = arith.constant 8 : index
    %get3A_339 = arith.constant 0 : index
    %get3A_340 = arith.constant 0 : index
    %get3A_341 = vector.load %arg4[%get3A_338, %get3A_339, %get3A_340] : memref<16x256x384xi32, #tpu.memory_space<vmem>>, vector<1x256x384xi32>
    %get3A_342 = vector.shape_cast %get3A_341 : vector<1x256x384xi32> to vector<256x384xi32>
    %slice3A_343 = vector.extract_strided_slice %get3A_342 {offsets = [0, 0], sizes = [256, 192], strides = [1, 1]} : vector<256x384xi32> to vector<256x192xi32>
    %shift_left3A_344 = arith.constant 16 : i32
    %shift_left3A_345 = vector.broadcast %shift_left3A_344 : i32 to vector<256x192xi32>
    %shift_left3A_346 = arith.shli %slice3A_343, %shift_left3A_345 : vector<256x192xi32>
    %bitcast_convert_type3A_347 = tpu.bitcast %shift_left3A_346 : vector<256x192xi32> -> vector<256x192xf32>
    %and3A_348 = arith.constant -65536 : i32
    %and3A_349 = vector.broadcast %and3A_348 : i32 to vector<256x192xi32>
    %and3A_350 = arith.andi %slice3A_343, %and3A_349 : vector<256x192xi32>
    %bitcast_convert_type3A_351 = tpu.bitcast %and3A_350 : vector<256x192xi32> -> vector<256x192xf32>
    %mul3A_352 = arith.mulf %bitcast_convert_type3A, %bitcast_convert_type3A_347 : vector<256x192xf32>
    %dot_general3A_353 = arith.constant dense<0.000000e+00> : vector<256x8xf32>
    %dot_general3A_354 = tpu.matmul %mul3A_352, %slice3A, %dot_general3A_353 {dimension_numbers = #tpu.dot_dimension_numbers<[1], [0], [0], [1], [0, 0, 1, 1], [], []>, transpose_lhs_hint = false} : vector<256x192xf32>, vector<192x8xf32>, vector<256x8xf32> -> vector<256x8xf32>
    %mul3A_355 = arith.mulf %bitcast_convert_type3A_76, %bitcast_convert_type3A_351 : vector<256x192xf32>
    %dot_general3A_356 = arith.constant dense<0.000000e+00> : vector<256x8xf32>
    %dot_general3A_357 = tpu.matmul %mul3A_355, %slice3A_77, %dot_general3A_356 {dimension_numbers = #tpu.dot_dimension_numbers<[1], [0], [0], [1], [0, 0, 1, 1], [], []>, transpose_lhs_hint = false} : vector<256x192xf32>, vector<192x8xf32>, vector<256x8xf32> -> vector<256x8xf32>
    %add3A_358 = arith.addf %dot_general3A_354, %dot_general3A_357 : vector<256x8xf32>
    %transpose3A_359 = tpu.transpose %add3A_358, [1, 0] : vector<256x8xf32> -> vector<8x256xf32>
    %get3A_360 = arith.constant 8 : index
    %get3A_361 = arith.constant 0 : index
    %get3A_362 = vector.load %arg5[%get3A_360, %get3A_361] : memref<16x256xi32, #tpu.memory_space<vmem>>, vector<1x256xi32>
    %ne3A_363 = arith.constant 0 : i32
    %ne3A_364 = vector.broadcast %ne3A_363 : i32 to vector<1x256xi32>
    %ne3A_365 = arith.cmpi ne, %get3A_362, %ne3A_364 : vector<1x256xi32>
    %jit3A_366 = arith.constant -1.000000e+30 : f32
    %broadcast_in_dim3A_367 = vector.shape_cast %ne3A_365 : vector<1x256xi1> to vector<1x256xi1>
    %broadcast_in_dim3A_368 = vector.broadcast %broadcast_in_dim3A_367 : vector<1x256xi1> to vector<8x256xi1>
    %broadcast_in_dim3A_369 = vector.broadcast %jit3A_366 : f32 to vector<8x256xf32>
    %select_n3A_370 = arith.select %broadcast_in_dim3A_368, %transpose3A_359, %broadcast_in_dim3A_369 : vector<8x256xi1>, vector<8x256xf32>
    %get3A_371 = arith.constant 9 : index
    %get3A_372 = arith.constant 0 : index
    %get3A_373 = arith.constant 0 : index
    %get3A_374 = vector.load %arg4[%get3A_371, %get3A_372, %get3A_373] : memref<16x256x384xi32, #tpu.memory_space<vmem>>, vector<1x256x384xi32>
    %get3A_375 = vector.shape_cast %get3A_374 : vector<1x256x384xi32> to vector<256x384xi32>
    %slice3A_376 = vector.extract_strided_slice %get3A_375 {offsets = [0, 0], sizes = [256, 192], strides = [1, 1]} : vector<256x384xi32> to vector<256x192xi32>
    %shift_left3A_377 = arith.constant 16 : i32
    %shift_left3A_378 = vector.broadcast %shift_left3A_377 : i32 to vector<256x192xi32>
    %shift_left3A_379 = arith.shli %slice3A_376, %shift_left3A_378 : vector<256x192xi32>
    %bitcast_convert_type3A_380 = tpu.bitcast %shift_left3A_379 : vector<256x192xi32> -> vector<256x192xf32>
    %and3A_381 = arith.constant -65536 : i32
    %and3A_382 = vector.broadcast %and3A_381 : i32 to vector<256x192xi32>
    %and3A_383 = arith.andi %slice3A_376, %and3A_382 : vector<256x192xi32>
    %bitcast_convert_type3A_384 = tpu.bitcast %and3A_383 : vector<256x192xi32> -> vector<256x192xf32>
    %mul3A_385 = arith.mulf %bitcast_convert_type3A, %bitcast_convert_type3A_380 : vector<256x192xf32>
    %dot_general3A_386 = arith.constant dense<0.000000e+00> : vector<256x8xf32>
    %dot_general3A_387 = tpu.matmul %mul3A_385, %slice3A, %dot_general3A_386 {dimension_numbers = #tpu.dot_dimension_numbers<[1], [0], [0], [1], [0, 0, 1, 1], [], []>, transpose_lhs_hint = false} : vector<256x192xf32>, vector<192x8xf32>, vector<256x8xf32> -> vector<256x8xf32>
    %mul3A_388 = arith.mulf %bitcast_convert_type3A_76, %bitcast_convert_type3A_384 : vector<256x192xf32>
    %dot_general3A_389 = arith.constant dense<0.000000e+00> : vector<256x8xf32>
    %dot_general3A_390 = tpu.matmul %mul3A_388, %slice3A_77, %dot_general3A_389 {dimension_numbers = #tpu.dot_dimension_numbers<[1], [0], [0], [1], [0, 0, 1, 1], [], []>, transpose_lhs_hint = false} : vector<256x192xf32>, vector<192x8xf32>, vector<256x8xf32> -> vector<256x8xf32>
    %add3A_391 = arith.addf %dot_general3A_387, %dot_general3A_390 : vector<256x8xf32>
    %transpose3A_392 = tpu.transpose %add3A_391, [1, 0] : vector<256x8xf32> -> vector<8x256xf32>
    %get3A_393 = arith.constant 9 : index
    %get3A_394 = arith.constant 0 : index
    %get3A_395 = vector.load %arg5[%get3A_393, %get3A_394] : memref<16x256xi32, #tpu.memory_space<vmem>>, vector<1x256xi32>
    %ne3A_396 = arith.constant 0 : i32
    %ne3A_397 = vector.broadcast %ne3A_396 : i32 to vector<1x256xi32>
    %ne3A_398 = arith.cmpi ne, %get3A_395, %ne3A_397 : vector<1x256xi32>
    %jit3A_399 = arith.constant -1.000000e+30 : f32
    %broadcast_in_dim3A_400 = vector.shape_cast %ne3A_398 : vector<1x256xi1> to vector<1x256xi1>
    %broadcast_in_dim3A_401 = vector.broadcast %broadcast_in_dim3A_400 : vector<1x256xi1> to vector<8x256xi1>
    %broadcast_in_dim3A_402 = vector.broadcast %jit3A_399 : f32 to vector<8x256xf32>
    %select_n3A_403 = arith.select %broadcast_in_dim3A_401, %transpose3A_392, %broadcast_in_dim3A_402 : vector<8x256xi1>, vector<8x256xf32>
    %get3A_404 = arith.constant 10 : index
    %get3A_405 = arith.constant 0 : index
    %get3A_406 = arith.constant 0 : index
    %get3A_407 = vector.load %arg4[%get3A_404, %get3A_405, %get3A_406] : memref<16x256x384xi32, #tpu.memory_space<vmem>>, vector<1x256x384xi32>
    %get3A_408 = vector.shape_cast %get3A_407 : vector<1x256x384xi32> to vector<256x384xi32>
    %slice3A_409 = vector.extract_strided_slice %get3A_408 {offsets = [0, 0], sizes = [256, 192], strides = [1, 1]} : vector<256x384xi32> to vector<256x192xi32>
    %shift_left3A_410 = arith.constant 16 : i32
    %shift_left3A_411 = vector.broadcast %shift_left3A_410 : i32 to vector<256x192xi32>
    %shift_left3A_412 = arith.shli %slice3A_409, %shift_left3A_411 : vector<256x192xi32>
    %bitcast_convert_type3A_413 = tpu.bitcast %shift_left3A_412 : vector<256x192xi32> -> vector<256x192xf32>
    %and3A_414 = arith.constant -65536 : i32
    %and3A_415 = vector.broadcast %and3A_414 : i32 to vector<256x192xi32>
    %and3A_416 = arith.andi %slice3A_409, %and3A_415 : vector<256x192xi32>
    %bitcast_convert_type3A_417 = tpu.bitcast %and3A_416 : vector<256x192xi32> -> vector<256x192xf32>
    %mul3A_418 = arith.mulf %bitcast_convert_type3A, %bitcast_convert_type3A_413 : vector<256x192xf32>
    %dot_general3A_419 = arith.constant dense<0.000000e+00> : vector<256x8xf32>
    %dot_general3A_420 = tpu.matmul %mul3A_418, %slice3A, %dot_general3A_419 {dimension_numbers = #tpu.dot_dimension_numbers<[1], [0], [0], [1], [0, 0, 1, 1], [], []>, transpose_lhs_hint = false} : vector<256x192xf32>, vector<192x8xf32>, vector<256x8xf32> -> vector<256x8xf32>
    %mul3A_421 = arith.mulf %bitcast_convert_type3A_76, %bitcast_convert_type3A_417 : vector<256x192xf32>
    %dot_general3A_422 = arith.constant dense<0.000000e+00> : vector<256x8xf32>
    %dot_general3A_423 = tpu.matmul %mul3A_421, %slice3A_77, %dot_general3A_422 {dimension_numbers = #tpu.dot_dimension_numbers<[1], [0], [0], [1], [0, 0, 1, 1], [], []>, transpose_lhs_hint = false} : vector<256x192xf32>, vector<192x8xf32>, vector<256x8xf32> -> vector<256x8xf32>
    %add3A_424 = arith.addf %dot_general3A_420, %dot_general3A_423 : vector<256x8xf32>
    %transpose3A_425 = tpu.transpose %add3A_424, [1, 0] : vector<256x8xf32> -> vector<8x256xf32>
    %get3A_426 = arith.constant 10 : index
    %get3A_427 = arith.constant 0 : index
    %get3A_428 = vector.load %arg5[%get3A_426, %get3A_427] : memref<16x256xi32, #tpu.memory_space<vmem>>, vector<1x256xi32>
    %ne3A_429 = arith.constant 0 : i32
    %ne3A_430 = vector.broadcast %ne3A_429 : i32 to vector<1x256xi32>
    %ne3A_431 = arith.cmpi ne, %get3A_428, %ne3A_430 : vector<1x256xi32>
    %jit3A_432 = arith.constant -1.000000e+30 : f32
    %broadcast_in_dim3A_433 = vector.shape_cast %ne3A_431 : vector<1x256xi1> to vector<1x256xi1>
    %broadcast_in_dim3A_434 = vector.broadcast %broadcast_in_dim3A_433 : vector<1x256xi1> to vector<8x256xi1>
    %broadcast_in_dim3A_435 = vector.broadcast %jit3A_432 : f32 to vector<8x256xf32>
    %select_n3A_436 = arith.select %broadcast_in_dim3A_434, %transpose3A_425, %broadcast_in_dim3A_435 : vector<8x256xi1>, vector<8x256xf32>
    %get3A_437 = arith.constant 11 : index
    %get3A_438 = arith.constant 0 : index
    %get3A_439 = arith.constant 0 : index
    %get3A_440 = vector.load %arg4[%get3A_437, %get3A_438, %get3A_439] : memref<16x256x384xi32, #tpu.memory_space<vmem>>, vector<1x256x384xi32>
    %get3A_441 = vector.shape_cast %get3A_440 : vector<1x256x384xi32> to vector<256x384xi32>
    %slice3A_442 = vector.extract_strided_slice %get3A_441 {offsets = [0, 0], sizes = [256, 192], strides = [1, 1]} : vector<256x384xi32> to vector<256x192xi32>
    %shift_left3A_443 = arith.constant 16 : i32
    %shift_left3A_444 = vector.broadcast %shift_left3A_443 : i32 to vector<256x192xi32>
    %shift_left3A_445 = arith.shli %slice3A_442, %shift_left3A_444 : vector<256x192xi32>
    %bitcast_convert_type3A_446 = tpu.bitcast %shift_left3A_445 : vector<256x192xi32> -> vector<256x192xf32>
    %and3A_447 = arith.constant -65536 : i32
    %and3A_448 = vector.broadcast %and3A_447 : i32 to vector<256x192xi32>
    %and3A_449 = arith.andi %slice3A_442, %and3A_448 : vector<256x192xi32>
    %bitcast_convert_type3A_450 = tpu.bitcast %and3A_449 : vector<256x192xi32> -> vector<256x192xf32>
    %mul3A_451 = arith.mulf %bitcast_convert_type3A, %bitcast_convert_type3A_446 : vector<256x192xf32>
    %dot_general3A_452 = arith.constant dense<0.000000e+00> : vector<256x8xf32>
    %dot_general3A_453 = tpu.matmul %mul3A_451, %slice3A, %dot_general3A_452 {dimension_numbers = #tpu.dot_dimension_numbers<[1], [0], [0], [1], [0, 0, 1, 1], [], []>, transpose_lhs_hint = false} : vector<256x192xf32>, vector<192x8xf32>, vector<256x8xf32> -> vector<256x8xf32>
    %mul3A_454 = arith.mulf %bitcast_convert_type3A_76, %bitcast_convert_type3A_450 : vector<256x192xf32>
    %dot_general3A_455 = arith.constant dense<0.000000e+00> : vector<256x8xf32>
    %dot_general3A_456 = tpu.matmul %mul3A_454, %slice3A_77, %dot_general3A_455 {dimension_numbers = #tpu.dot_dimension_numbers<[1], [0], [0], [1], [0, 0, 1, 1], [], []>, transpose_lhs_hint = false} : vector<256x192xf32>, vector<192x8xf32>, vector<256x8xf32> -> vector<256x8xf32>
    %add3A_457 = arith.addf %dot_general3A_453, %dot_general3A_456 : vector<256x8xf32>
    %transpose3A_458 = tpu.transpose %add3A_457, [1, 0] : vector<256x8xf32> -> vector<8x256xf32>
    %get3A_459 = arith.constant 11 : index
    %get3A_460 = arith.constant 0 : index
    %get3A_461 = vector.load %arg5[%get3A_459, %get3A_460] : memref<16x256xi32, #tpu.memory_space<vmem>>, vector<1x256xi32>
    %ne3A_462 = arith.constant 0 : i32
    %ne3A_463 = vector.broadcast %ne3A_462 : i32 to vector<1x256xi32>
    %ne3A_464 = arith.cmpi ne, %get3A_461, %ne3A_463 : vector<1x256xi32>
    %jit3A_465 = arith.constant -1.000000e+30 : f32
    %broadcast_in_dim3A_466 = vector.shape_cast %ne3A_464 : vector<1x256xi1> to vector<1x256xi1>
    %broadcast_in_dim3A_467 = vector.broadcast %broadcast_in_dim3A_466 : vector<1x256xi1> to vector<8x256xi1>
    %broadcast_in_dim3A_468 = vector.broadcast %jit3A_465 : f32 to vector<8x256xf32>
    %select_n3A_469 = arith.select %broadcast_in_dim3A_467, %transpose3A_458, %broadcast_in_dim3A_468 : vector<8x256xi1>, vector<8x256xf32>
    %get3A_470 = arith.constant 12 : index
    %get3A_471 = arith.constant 0 : index
    %get3A_472 = arith.constant 0 : index
    %get3A_473 = vector.load %arg4[%get3A_470, %get3A_471, %get3A_472] : memref<16x256x384xi32, #tpu.memory_space<vmem>>, vector<1x256x384xi32>
    %get3A_474 = vector.shape_cast %get3A_473 : vector<1x256x384xi32> to vector<256x384xi32>
    %slice3A_475 = vector.extract_strided_slice %get3A_474 {offsets = [0, 0], sizes = [256, 192], strides = [1, 1]} : vector<256x384xi32> to vector<256x192xi32>
    %shift_left3A_476 = arith.constant 16 : i32
    %shift_left3A_477 = vector.broadcast %shift_left3A_476 : i32 to vector<256x192xi32>
    %shift_left3A_478 = arith.shli %slice3A_475, %shift_left3A_477 : vector<256x192xi32>
    %bitcast_convert_type3A_479 = tpu.bitcast %shift_left3A_478 : vector<256x192xi32> -> vector<256x192xf32>
    %and3A_480 = arith.constant -65536 : i32
    %and3A_481 = vector.broadcast %and3A_480 : i32 to vector<256x192xi32>
    %and3A_482 = arith.andi %slice3A_475, %and3A_481 : vector<256x192xi32>
    %bitcast_convert_type3A_483 = tpu.bitcast %and3A_482 : vector<256x192xi32> -> vector<256x192xf32>
    %mul3A_484 = arith.mulf %bitcast_convert_type3A, %bitcast_convert_type3A_479 : vector<256x192xf32>
    %dot_general3A_485 = arith.constant dense<0.000000e+00> : vector<256x8xf32>
    %dot_general3A_486 = tpu.matmul %mul3A_484, %slice3A, %dot_general3A_485 {dimension_numbers = #tpu.dot_dimension_numbers<[1], [0], [0], [1], [0, 0, 1, 1], [], []>, transpose_lhs_hint = false} : vector<256x192xf32>, vector<192x8xf32>, vector<256x8xf32> -> vector<256x8xf32>
    %mul3A_487 = arith.mulf %bitcast_convert_type3A_76, %bitcast_convert_type3A_483 : vector<256x192xf32>
    %dot_general3A_488 = arith.constant dense<0.000000e+00> : vector<256x8xf32>
    %dot_general3A_489 = tpu.matmul %mul3A_487, %slice3A_77, %dot_general3A_488 {dimension_numbers = #tpu.dot_dimension_numbers<[1], [0], [0], [1], [0, 0, 1, 1], [], []>, transpose_lhs_hint = false} : vector<256x192xf32>, vector<192x8xf32>, vector<256x8xf32> -> vector<256x8xf32>
    %add3A_490 = arith.addf %dot_general3A_486, %dot_general3A_489 : vector<256x8xf32>
    %transpose3A_491 = tpu.transpose %add3A_490, [1, 0] : vector<256x8xf32> -> vector<8x256xf32>
    %get3A_492 = arith.constant 12 : index
    %get3A_493 = arith.constant 0 : index
    %get3A_494 = vector.load %arg5[%get3A_492, %get3A_493] : memref<16x256xi32, #tpu.memory_space<vmem>>, vector<1x256xi32>
    %ne3A_495 = arith.constant 0 : i32
    %ne3A_496 = vector.broadcast %ne3A_495 : i32 to vector<1x256xi32>
    %ne3A_497 = arith.cmpi ne, %get3A_494, %ne3A_496 : vector<1x256xi32>
    %jit3A_498 = arith.constant -1.000000e+30 : f32
    %broadcast_in_dim3A_499 = vector.shape_cast %ne3A_497 : vector<1x256xi1> to vector<1x256xi1>
    %broadcast_in_dim3A_500 = vector.broadcast %broadcast_in_dim3A_499 : vector<1x256xi1> to vector<8x256xi1>
    %broadcast_in_dim3A_501 = vector.broadcast %jit3A_498 : f32 to vector<8x256xf32>
    %select_n3A_502 = arith.select %broadcast_in_dim3A_500, %transpose3A_491, %broadcast_in_dim3A_501 : vector<8x256xi1>, vector<8x256xf32>
    %get3A_503 = arith.constant 13 : index
    %get3A_504 = arith.constant 0 : index
    %get3A_505 = arith.constant 0 : index
    %get3A_506 = vector.load %arg4[%get3A_503, %get3A_504, %get3A_505] : memref<16x256x384xi32, #tpu.memory_space<vmem>>, vector<1x256x384xi32>
    %get3A_507 = vector.shape_cast %get3A_506 : vector<1x256x384xi32> to vector<256x384xi32>
    %slice3A_508 = vector.extract_strided_slice %get3A_507 {offsets = [0, 0], sizes = [256, 192], strides = [1, 1]} : vector<256x384xi32> to vector<256x192xi32>
    %shift_left3A_509 = arith.constant 16 : i32
    %shift_left3A_510 = vector.broadcast %shift_left3A_509 : i32 to vector<256x192xi32>
    %shift_left3A_511 = arith.shli %slice3A_508, %shift_left3A_510 : vector<256x192xi32>
    %bitcast_convert_type3A_512 = tpu.bitcast %shift_left3A_511 : vector<256x192xi32> -> vector<256x192xf32>
    %and3A_513 = arith.constant -65536 : i32
    %and3A_514 = vector.broadcast %and3A_513 : i32 to vector<256x192xi32>
    %and3A_515 = arith.andi %slice3A_508, %and3A_514 : vector<256x192xi32>
    %bitcast_convert_type3A_516 = tpu.bitcast %and3A_515 : vector<256x192xi32> -> vector<256x192xf32>
    %mul3A_517 = arith.mulf %bitcast_convert_type3A, %bitcast_convert_type3A_512 : vector<256x192xf32>
    %dot_general3A_518 = arith.constant dense<0.000000e+00> : vector<256x8xf32>
    %dot_general3A_519 = tpu.matmul %mul3A_517, %slice3A, %dot_general3A_518 {dimension_numbers = #tpu.dot_dimension_numbers<[1], [0], [0], [1], [0, 0, 1, 1], [], []>, transpose_lhs_hint = false} : vector<256x192xf32>, vector<192x8xf32>, vector<256x8xf32> -> vector<256x8xf32>
    %mul3A_520 = arith.mulf %bitcast_convert_type3A_76, %bitcast_convert_type3A_516 : vector<256x192xf32>
    %dot_general3A_521 = arith.constant dense<0.000000e+00> : vector<256x8xf32>
    %dot_general3A_522 = tpu.matmul %mul3A_520, %slice3A_77, %dot_general3A_521 {dimension_numbers = #tpu.dot_dimension_numbers<[1], [0], [0], [1], [0, 0, 1, 1], [], []>, transpose_lhs_hint = false} : vector<256x192xf32>, vector<192x8xf32>, vector<256x8xf32> -> vector<256x8xf32>
    %add3A_523 = arith.addf %dot_general3A_519, %dot_general3A_522 : vector<256x8xf32>
    %transpose3A_524 = tpu.transpose %add3A_523, [1, 0] : vector<256x8xf32> -> vector<8x256xf32>
    %get3A_525 = arith.constant 13 : index
    %get3A_526 = arith.constant 0 : index
    %get3A_527 = vector.load %arg5[%get3A_525, %get3A_526] : memref<16x256xi32, #tpu.memory_space<vmem>>, vector<1x256xi32>
    %ne3A_528 = arith.constant 0 : i32
    %ne3A_529 = vector.broadcast %ne3A_528 : i32 to vector<1x256xi32>
    %ne3A_530 = arith.cmpi ne, %get3A_527, %ne3A_529 : vector<1x256xi32>
    %jit3A_531 = arith.constant -1.000000e+30 : f32
    %broadcast_in_dim3A_532 = vector.shape_cast %ne3A_530 : vector<1x256xi1> to vector<1x256xi1>
    %broadcast_in_dim3A_533 = vector.broadcast %broadcast_in_dim3A_532 : vector<1x256xi1> to vector<8x256xi1>
    %broadcast_in_dim3A_534 = vector.broadcast %jit3A_531 : f32 to vector<8x256xf32>
    %select_n3A_535 = arith.select %broadcast_in_dim3A_533, %transpose3A_524, %broadcast_in_dim3A_534 : vector<8x256xi1>, vector<8x256xf32>
    %get3A_536 = arith.constant 14 : index
    %get3A_537 = arith.constant 0 : index
    %get3A_538 = arith.constant 0 : index
    %get3A_539 = vector.load %arg4[%get3A_536, %get3A_537, %get3A_538] : memref<16x256x384xi32, #tpu.memory_space<vmem>>, vector<1x256x384xi32>
    %get3A_540 = vector.shape_cast %get3A_539 : vector<1x256x384xi32> to vector<256x384xi32>
    %slice3A_541 = vector.extract_strided_slice %get3A_540 {offsets = [0, 0], sizes = [256, 192], strides = [1, 1]} : vector<256x384xi32> to vector<256x192xi32>
    %shift_left3A_542 = arith.constant 16 : i32
    %shift_left3A_543 = vector.broadcast %shift_left3A_542 : i32 to vector<256x192xi32>
    %shift_left3A_544 = arith.shli %slice3A_541, %shift_left3A_543 : vector<256x192xi32>
    %bitcast_convert_type3A_545 = tpu.bitcast %shift_left3A_544 : vector<256x192xi32> -> vector<256x192xf32>
    %and3A_546 = arith.constant -65536 : i32
    %and3A_547 = vector.broadcast %and3A_546 : i32 to vector<256x192xi32>
    %and3A_548 = arith.andi %slice3A_541, %and3A_547 : vector<256x192xi32>
    %bitcast_convert_type3A_549 = tpu.bitcast %and3A_548 : vector<256x192xi32> -> vector<256x192xf32>
    %mul3A_550 = arith.mulf %bitcast_convert_type3A, %bitcast_convert_type3A_545 : vector<256x192xf32>
    %dot_general3A_551 = arith.constant dense<0.000000e+00> : vector<256x8xf32>
    %dot_general3A_552 = tpu.matmul %mul3A_550, %slice3A, %dot_general3A_551 {dimension_numbers = #tpu.dot_dimension_numbers<[1], [0], [0], [1], [0, 0, 1, 1], [], []>, transpose_lhs_hint = false} : vector<256x192xf32>, vector<192x8xf32>, vector<256x8xf32> -> vector<256x8xf32>
    %mul3A_553 = arith.mulf %bitcast_convert_type3A_76, %bitcast_convert_type3A_549 : vector<256x192xf32>
    %dot_general3A_554 = arith.constant dense<0.000000e+00> : vector<256x8xf32>
    %dot_general3A_555 = tpu.matmul %mul3A_553, %slice3A_77, %dot_general3A_554 {dimension_numbers = #tpu.dot_dimension_numbers<[1], [0], [0], [1], [0, 0, 1, 1], [], []>, transpose_lhs_hint = false} : vector<256x192xf32>, vector<192x8xf32>, vector<256x8xf32> -> vector<256x8xf32>
    %add3A_556 = arith.addf %dot_general3A_552, %dot_general3A_555 : vector<256x8xf32>
    %transpose3A_557 = tpu.transpose %add3A_556, [1, 0] : vector<256x8xf32> -> vector<8x256xf32>
    %get3A_558 = arith.constant 14 : index
    %get3A_559 = arith.constant 0 : index
    %get3A_560 = vector.load %arg5[%get3A_558, %get3A_559] : memref<16x256xi32, #tpu.memory_space<vmem>>, vector<1x256xi32>
    %ne3A_561 = arith.constant 0 : i32
    %ne3A_562 = vector.broadcast %ne3A_561 : i32 to vector<1x256xi32>
    %ne3A_563 = arith.cmpi ne, %get3A_560, %ne3A_562 : vector<1x256xi32>
    %jit3A_564 = arith.constant -1.000000e+30 : f32
    %broadcast_in_dim3A_565 = vector.shape_cast %ne3A_563 : vector<1x256xi1> to vector<1x256xi1>
    %broadcast_in_dim3A_566 = vector.broadcast %broadcast_in_dim3A_565 : vector<1x256xi1> to vector<8x256xi1>
    %broadcast_in_dim3A_567 = vector.broadcast %jit3A_564 : f32 to vector<8x256xf32>
    %select_n3A_568 = arith.select %broadcast_in_dim3A_566, %transpose3A_557, %broadcast_in_dim3A_567 : vector<8x256xi1>, vector<8x256xf32>
    %get3A_569 = arith.constant 15 : index
    %get3A_570 = arith.constant 0 : index
    %get3A_571 = arith.constant 0 : index
    %get3A_572 = vector.load %arg4[%get3A_569, %get3A_570, %get3A_571] : memref<16x256x384xi32, #tpu.memory_space<vmem>>, vector<1x256x384xi32>
    %get3A_573 = vector.shape_cast %get3A_572 : vector<1x256x384xi32> to vector<256x384xi32>
    %slice3A_574 = vector.extract_strided_slice %get3A_573 {offsets = [0, 0], sizes = [256, 192], strides = [1, 1]} : vector<256x384xi32> to vector<256x192xi32>
    %shift_left3A_575 = arith.constant 16 : i32
    %shift_left3A_576 = vector.broadcast %shift_left3A_575 : i32 to vector<256x192xi32>
    %shift_left3A_577 = arith.shli %slice3A_574, %shift_left3A_576 : vector<256x192xi32>
    %bitcast_convert_type3A_578 = tpu.bitcast %shift_left3A_577 : vector<256x192xi32> -> vector<256x192xf32>
    %and3A_579 = arith.constant -65536 : i32
    %and3A_580 = vector.broadcast %and3A_579 : i32 to vector<256x192xi32>
    %and3A_581 = arith.andi %slice3A_574, %and3A_580 : vector<256x192xi32>
    %bitcast_convert_type3A_582 = tpu.bitcast %and3A_581 : vector<256x192xi32> -> vector<256x192xf32>
    %mul3A_583 = arith.mulf %bitcast_convert_type3A, %bitcast_convert_type3A_578 : vector<256x192xf32>
    %dot_general3A_584 = arith.constant dense<0.000000e+00> : vector<256x8xf32>
    %dot_general3A_585 = tpu.matmul %mul3A_583, %slice3A, %dot_general3A_584 {dimension_numbers = #tpu.dot_dimension_numbers<[1], [0], [0], [1], [0, 0, 1, 1], [], []>, transpose_lhs_hint = false} : vector<256x192xf32>, vector<192x8xf32>, vector<256x8xf32> -> vector<256x8xf32>
    %mul3A_586 = arith.mulf %bitcast_convert_type3A_76, %bitcast_convert_type3A_582 : vector<256x192xf32>
    %dot_general3A_587 = arith.constant dense<0.000000e+00> : vector<256x8xf32>
    %dot_general3A_588 = tpu.matmul %mul3A_586, %slice3A_77, %dot_general3A_587 {dimension_numbers = #tpu.dot_dimension_numbers<[1], [0], [0], [1], [0, 0, 1, 1], [], []>, transpose_lhs_hint = false} : vector<256x192xf32>, vector<192x8xf32>, vector<256x8xf32> -> vector<256x8xf32>
    %add3A_589 = arith.addf %dot_general3A_585, %dot_general3A_588 : vector<256x8xf32>
    %transpose3A_590 = tpu.transpose %add3A_589, [1, 0] : vector<256x8xf32> -> vector<8x256xf32>
    %get3A_591 = arith.constant 15 : index
    %get3A_592 = arith.constant 0 : index
    %get3A_593 = vector.load %arg5[%get3A_591, %get3A_592] : memref<16x256xi32, #tpu.memory_space<vmem>>, vector<1x256xi32>
    %ne3A_594 = arith.constant 0 : i32
    %ne3A_595 = vector.broadcast %ne3A_594 : i32 to vector<1x256xi32>
    %ne3A_596 = arith.cmpi ne, %get3A_593, %ne3A_595 : vector<1x256xi32>
    %jit3A_597 = arith.constant -1.000000e+30 : f32
    %broadcast_in_dim3A_598 = vector.shape_cast %ne3A_596 : vector<1x256xi1> to vector<1x256xi1>
    %broadcast_in_dim3A_599 = vector.broadcast %broadcast_in_dim3A_598 : vector<1x256xi1> to vector<8x256xi1>
    %broadcast_in_dim3A_600 = vector.broadcast %jit3A_597 : f32 to vector<8x256xf32>
    %select_n3A_601 = arith.select %broadcast_in_dim3A_599, %transpose3A_590, %broadcast_in_dim3A_600 : vector<8x256xi1>, vector<8x256xf32>
    %broadcast_in_dim3A_602 = arith.constant 0.000000e+00 : f32
    %broadcast_in_dim3A_603 = vector.broadcast %broadcast_in_dim3A_602 : f32 to vector<8x256xf32>
    %broadcast_in_dim3A_604 = arith.constant -3.000000e+38 : f32
    %broadcast_in_dim3A_605 = vector.broadcast %broadcast_in_dim3A_604 : f32 to vector<8x256xf32>
    %max3A = arith.maximumf %select_n3A_106, %select_n3A_139 : vector<8x256xf32>
    %max3A_606 = arith.maximumf %max3A, %select_n3A_172 : vector<8x256xf32>
    %max3A_607 = arith.maximumf %max3A_606, %select_n3A_205 : vector<8x256xf32>
    %max3A_608 = arith.maximumf %max3A_607, %select_n3A_238 : vector<8x256xf32>
    %max3A_609 = arith.maximumf %max3A_608, %select_n3A_271 : vector<8x256xf32>
    %max3A_610 = arith.maximumf %max3A_609, %select_n3A_304 : vector<8x256xf32>
    %max3A_611 = arith.maximumf %max3A_610, %select_n3A_337 : vector<8x256xf32>
    %max3A_612 = arith.maximumf %max3A_611, %select_n3A_370 : vector<8x256xf32>
    %max3A_613 = arith.maximumf %max3A_612, %select_n3A_403 : vector<8x256xf32>
    %max3A_614 = arith.maximumf %max3A_613, %select_n3A_436 : vector<8x256xf32>
    %max3A_615 = arith.maximumf %max3A_614, %select_n3A_469 : vector<8x256xf32>
    %max3A_616 = arith.maximumf %max3A_615, %select_n3A_502 : vector<8x256xf32>
    %max3A_617 = arith.maximumf %max3A_616, %select_n3A_535 : vector<8x256xf32>
    %max3A_618 = arith.maximumf %max3A_617, %select_n3A_568 : vector<8x256xf32>
    %max3A_619 = arith.maximumf %max3A_618, %select_n3A_601 : vector<8x256xf32>
    %eq3A_620 = arith.cmpf oeq, %select_n3A_106, %max3A_619 : vector<8x256xf32>
    %eq3A_621 = arith.cmpf oeq, %select_n3A_139, %max3A_619 : vector<8x256xf32>
    %eq3A_622 = arith.cmpf oeq, %select_n3A_172, %max3A_619 : vector<8x256xf32>
    %eq3A_623 = arith.cmpf oeq, %select_n3A_205, %max3A_619 : vector<8x256xf32>
    %eq3A_624 = arith.cmpf oeq, %select_n3A_238, %max3A_619 : vector<8x256xf32>
    %eq3A_625 = arith.cmpf oeq, %select_n3A_271, %max3A_619 : vector<8x256xf32>
    %eq3A_626 = arith.cmpf oeq, %select_n3A_304, %max3A_619 : vector<8x256xf32>
    %eq3A_627 = arith.cmpf oeq, %select_n3A_337, %max3A_619 : vector<8x256xf32>
    %eq3A_628 = arith.cmpf oeq, %select_n3A_370, %max3A_619 : vector<8x256xf32>
    %eq3A_629 = arith.cmpf oeq, %select_n3A_403, %max3A_619 : vector<8x256xf32>
    %eq3A_630 = arith.cmpf oeq, %select_n3A_436, %max3A_619 : vector<8x256xf32>
    %eq3A_631 = arith.cmpf oeq, %select_n3A_469, %max3A_619 : vector<8x256xf32>
    %eq3A_632 = arith.cmpf oeq, %select_n3A_502, %max3A_619 : vector<8x256xf32>
    %eq3A_633 = arith.cmpf oeq, %select_n3A_535, %max3A_619 : vector<8x256xf32>
    %eq3A_634 = arith.cmpf oeq, %select_n3A_568, %max3A_619 : vector<8x256xf32>
    %eq3A_635 = arith.cmpf oeq, %select_n3A_601, %max3A_619 : vector<8x256xf32>
    %convert_element_type3A = arith.extui %eq3A_620 : vector<8x256xi1> to vector<8x256xi32>
    %convert_element_type3A_636 = arith.sitofp %convert_element_type3A : vector<8x256xi32> to vector<8x256xf32>
    %convert_element_type3A_637 = arith.extui %eq3A_621 : vector<8x256xi1> to vector<8x256xi32>
    %convert_element_type3A_638 = arith.sitofp %convert_element_type3A_637 : vector<8x256xi32> to vector<8x256xf32>
    %add3A_639 = arith.addf %convert_element_type3A_636, %convert_element_type3A_638 : vector<8x256xf32>
    %convert_element_type3A_640 = arith.extui %eq3A_622 : vector<8x256xi1> to vector<8x256xi32>
    %convert_element_type3A_641 = arith.sitofp %convert_element_type3A_640 : vector<8x256xi32> to vector<8x256xf32>
    %add3A_642 = arith.addf %add3A_639, %convert_element_type3A_641 : vector<8x256xf32>
    %convert_element_type3A_643 = arith.extui %eq3A_623 : vector<8x256xi1> to vector<8x256xi32>
    %convert_element_type3A_644 = arith.sitofp %convert_element_type3A_643 : vector<8x256xi32> to vector<8x256xf32>
    %add3A_645 = arith.addf %add3A_642, %convert_element_type3A_644 : vector<8x256xf32>
    %convert_element_type3A_646 = arith.extui %eq3A_624 : vector<8x256xi1> to vector<8x256xi32>
    %convert_element_type3A_647 = arith.sitofp %convert_element_type3A_646 : vector<8x256xi32> to vector<8x256xf32>
    %add3A_648 = arith.addf %add3A_645, %convert_element_type3A_647 : vector<8x256xf32>
    %convert_element_type3A_649 = arith.extui %eq3A_625 : vector<8x256xi1> to vector<8x256xi32>
    %convert_element_type3A_650 = arith.sitofp %convert_element_type3A_649 : vector<8x256xi32> to vector<8x256xf32>
    %add3A_651 = arith.addf %add3A_648, %convert_element_type3A_650 : vector<8x256xf32>
    %convert_element_type3A_652 = arith.extui %eq3A_626 : vector<8x256xi1> to vector<8x256xi32>
    %convert_element_type3A_653 = arith.sitofp %convert_element_type3A_652 : vector<8x256xi32> to vector<8x256xf32>
    %add3A_654 = arith.addf %add3A_651, %convert_element_type3A_653 : vector<8x256xf32>
    %convert_element_type3A_655 = arith.extui %eq3A_627 : vector<8x256xi1> to vector<8x256xi32>
    %convert_element_type3A_656 = arith.sitofp %convert_element_type3A_655 : vector<8x256xi32> to vector<8x256xf32>
    %add3A_657 = arith.addf %add3A_654, %convert_element_type3A_656 : vector<8x256xf32>
    %convert_element_type3A_658 = arith.extui %eq3A_628 : vector<8x256xi1> to vector<8x256xi32>
    %convert_element_type3A_659 = arith.sitofp %convert_element_type3A_658 : vector<8x256xi32> to vector<8x256xf32>
    %add3A_660 = arith.addf %add3A_657, %convert_element_type3A_659 : vector<8x256xf32>
    %convert_element_type3A_661 = arith.extui %eq3A_629 : vector<8x256xi1> to vector<8x256xi32>
    %convert_element_type3A_662 = arith.sitofp %convert_element_type3A_661 : vector<8x256xi32> to vector<8x256xf32>
    %add3A_663 = arith.addf %add3A_660, %convert_element_type3A_662 : vector<8x256xf32>
    %convert_element_type3A_664 = arith.extui %eq3A_630 : vector<8x256xi1> to vector<8x256xi32>
    %convert_element_type3A_665 = arith.sitofp %convert_element_type3A_664 : vector<8x256xi32> to vector<8x256xf32>
    %add3A_666 = arith.addf %add3A_663, %convert_element_type3A_665 : vector<8x256xf32>
    %convert_element_type3A_667 = arith.extui %eq3A_631 : vector<8x256xi1> to vector<8x256xi32>
    %convert_element_type3A_668 = arith.sitofp %convert_element_type3A_667 : vector<8x256xi32> to vector<8x256xf32>
    %add3A_669 = arith.addf %add3A_666, %convert_element_type3A_668 : vector<8x256xf32>
    %convert_element_type3A_670 = arith.extui %eq3A_632 : vector<8x256xi1> to vector<8x256xi32>
    %convert_element_type3A_671 = arith.sitofp %convert_element_type3A_670 : vector<8x256xi32> to vector<8x256xf32>
    %add3A_672 = arith.addf %add3A_669, %convert_element_type3A_671 : vector<8x256xf32>
    %convert_element_type3A_673 = arith.extui %eq3A_633 : vector<8x256xi1> to vector<8x256xi32>
    %convert_element_type3A_674 = arith.sitofp %convert_element_type3A_673 : vector<8x256xi32> to vector<8x256xf32>
    %add3A_675 = arith.addf %add3A_672, %convert_element_type3A_674 : vector<8x256xf32>
    %convert_element_type3A_676 = arith.extui %eq3A_634 : vector<8x256xi1> to vector<8x256xi32>
    %convert_element_type3A_677 = arith.sitofp %convert_element_type3A_676 : vector<8x256xi32> to vector<8x256xf32>
    %add3A_678 = arith.addf %add3A_675, %convert_element_type3A_677 : vector<8x256xf32>
    %convert_element_type3A_679 = arith.extui %eq3A_635 : vector<8x256xi1> to vector<8x256xi32>
    %convert_element_type3A_680 = arith.sitofp %convert_element_type3A_679 : vector<8x256xi32> to vector<8x256xf32>
    %add3A_681 = arith.addf %add3A_678, %convert_element_type3A_680 : vector<8x256xf32>
    %lt3A = arith.constant 8.000000e+00 : f32
    %lt3A_682 = vector.broadcast %lt3A : f32 to vector<8x256xf32>
    %lt3A_683 = arith.cmpf olt, %broadcast_in_dim3A_603, %lt3A_682 : vector<8x256xf32>
    %select_n3A_684 = arith.select %lt3A_683, %max3A_619, %broadcast_in_dim3A_605 : vector<8x256xi1>, vector<8x256xf32>
    %add3A_685 = arith.addf %broadcast_in_dim3A_603, %add3A_681 : vector<8x256xf32>
    %jit3A_686 = arith.constant -3.000000e+38 : f32
    %broadcast_in_dim3A_687 = vector.broadcast %jit3A_686 : f32 to vector<8x256xf32>
    %select_n3A_688 = arith.select %eq3A_620, %broadcast_in_dim3A_687, %select_n3A_106 : vector<8x256xi1>, vector<8x256xf32>
    %jit3A_689 = arith.constant -3.000000e+38 : f32
    %broadcast_in_dim3A_690 = vector.broadcast %jit3A_689 : f32 to vector<8x256xf32>
    %select_n3A_691 = arith.select %eq3A_621, %broadcast_in_dim3A_690, %select_n3A_139 : vector<8x256xi1>, vector<8x256xf32>
    %jit3A_692 = arith.constant -3.000000e+38 : f32
    %broadcast_in_dim3A_693 = vector.broadcast %jit3A_692 : f32 to vector<8x256xf32>
    %select_n3A_694 = arith.select %eq3A_622, %broadcast_in_dim3A_693, %select_n3A_172 : vector<8x256xi1>, vector<8x256xf32>
    %jit3A_695 = arith.constant -3.000000e+38 : f32
    %broadcast_in_dim3A_696 = vector.broadcast %jit3A_695 : f32 to vector<8x256xf32>
    %select_n3A_697 = arith.select %eq3A_623, %broadcast_in_dim3A_696, %select_n3A_205 : vector<8x256xi1>, vector<8x256xf32>
    %jit3A_698 = arith.constant -3.000000e+38 : f32
    %broadcast_in_dim3A_699 = vector.broadcast %jit3A_698 : f32 to vector<8x256xf32>
    %select_n3A_700 = arith.select %eq3A_624, %broadcast_in_dim3A_699, %select_n3A_238 : vector<8x256xi1>, vector<8x256xf32>
    %jit3A_701 = arith.constant -3.000000e+38 : f32
    %broadcast_in_dim3A_702 = vector.broadcast %jit3A_701 : f32 to vector<8x256xf32>
    %select_n3A_703 = arith.select %eq3A_625, %broadcast_in_dim3A_702, %select_n3A_271 : vector<8x256xi1>, vector<8x256xf32>
    %jit3A_704 = arith.constant -3.000000e+38 : f32
    %broadcast_in_dim3A_705 = vector.broadcast %jit3A_704 : f32 to vector<8x256xf32>
    %select_n3A_706 = arith.select %eq3A_626, %broadcast_in_dim3A_705, %select_n3A_304 : vector<8x256xi1>, vector<8x256xf32>
    %jit3A_707 = arith.constant -3.000000e+38 : f32
    %broadcast_in_dim3A_708 = vector.broadcast %jit3A_707 : f32 to vector<8x256xf32>
    %select_n3A_709 = arith.select %eq3A_627, %broadcast_in_dim3A_708, %select_n3A_337 : vector<8x256xi1>, vector<8x256xf32>
    %jit3A_710 = arith.constant -3.000000e+38 : f32
    %broadcast_in_dim3A_711 = vector.broadcast %jit3A_710 : f32 to vector<8x256xf32>
    %select_n3A_712 = arith.select %eq3A_628, %broadcast_in_dim3A_711, %select_n3A_370 : vector<8x256xi1>, vector<8x256xf32>
    %jit3A_713 = arith.constant -3.000000e+38 : f32
    %broadcast_in_dim3A_714 = vector.broadcast %jit3A_713 : f32 to vector<8x256xf32>
    %select_n3A_715 = arith.select %eq3A_629, %broadcast_in_dim3A_714, %select_n3A_403 : vector<8x256xi1>, vector<8x256xf32>
    %jit3A_716 = arith.constant -3.000000e+38 : f32
    %broadcast_in_dim3A_717 = vector.broadcast %jit3A_716 : f32 to vector<8x256xf32>
    %select_n3A_718 = arith.select %eq3A_630, %broadcast_in_dim3A_717, %select_n3A_436 : vector<8x256xi1>, vector<8x256xf32>
    %jit3A_719 = arith.constant -3.000000e+38 : f32
    %broadcast_in_dim3A_720 = vector.broadcast %jit3A_719 : f32 to vector<8x256xf32>
    %select_n3A_721 = arith.select %eq3A_631, %broadcast_in_dim3A_720, %select_n3A_469 : vector<8x256xi1>, vector<8x256xf32>
    %jit3A_722 = arith.constant -3.000000e+38 : f32
    %broadcast_in_dim3A_723 = vector.broadcast %jit3A_722 : f32 to vector<8x256xf32>
    %select_n3A_724 = arith.select %eq3A_632, %broadcast_in_dim3A_723, %select_n3A_502 : vector<8x256xi1>, vector<8x256xf32>
    %jit3A_725 = arith.constant -3.000000e+38 : f32
    %broadcast_in_dim3A_726 = vector.broadcast %jit3A_725 : f32 to vector<8x256xf32>
    %select_n3A_727 = arith.select %eq3A_633, %broadcast_in_dim3A_726, %select_n3A_535 : vector<8x256xi1>, vector<8x256xf32>
    %jit3A_728 = arith.constant -3.000000e+38 : f32
    %broadcast_in_dim3A_729 = vector.broadcast %jit3A_728 : f32 to vector<8x256xf32>
    %select_n3A_730 = arith.select %eq3A_634, %broadcast_in_dim3A_729, %select_n3A_568 : vector<8x256xi1>, vector<8x256xf32>
    %jit3A_731 = arith.constant -3.000000e+38 : f32
    %broadcast_in_dim3A_732 = vector.broadcast %jit3A_731 : f32 to vector<8x256xf32>
    %select_n3A_733 = arith.select %eq3A_635, %broadcast_in_dim3A_732, %select_n3A_601 : vector<8x256xi1>, vector<8x256xf32>
    %max3A_734 = arith.maximumf %select_n3A_688, %select_n3A_691 : vector<8x256xf32>
    %max3A_735 = arith.maximumf %max3A_734, %select_n3A_694 : vector<8x256xf32>
    %max3A_736 = arith.maximumf %max3A_735, %select_n3A_697 : vector<8x256xf32>
    %max3A_737 = arith.maximumf %max3A_736, %select_n3A_700 : vector<8x256xf32>
    %max3A_738 = arith.maximumf %max3A_737, %select_n3A_703 : vector<8x256xf32>
    %max3A_739 = arith.maximumf %max3A_738, %select_n3A_706 : vector<8x256xf32>
    %max3A_740 = arith.maximumf %max3A_739, %select_n3A_709 : vector<8x256xf32>
    %max3A_741 = arith.maximumf %max3A_740, %select_n3A_712 : vector<8x256xf32>
    %max3A_742 = arith.maximumf %max3A_741, %select_n3A_715 : vector<8x256xf32>
    %max3A_743 = arith.maximumf %max3A_742, %select_n3A_718 : vector<8x256xf32>
    %max3A_744 = arith.maximumf %max3A_743, %select_n3A_721 : vector<8x256xf32>
    %max3A_745 = arith.maximumf %max3A_744, %select_n3A_724 : vector<8x256xf32>
    %max3A_746 = arith.maximumf %max3A_745, %select_n3A_727 : vector<8x256xf32>
    %max3A_747 = arith.maximumf %max3A_746, %select_n3A_730 : vector<8x256xf32>
    %max3A_748 = arith.maximumf %max3A_747, %select_n3A_733 : vector<8x256xf32>
    %eq3A_749 = arith.cmpf oeq, %select_n3A_688, %max3A_748 : vector<8x256xf32>
    %eq3A_750 = arith.cmpf oeq, %select_n3A_691, %max3A_748 : vector<8x256xf32>
    %eq3A_751 = arith.cmpf oeq, %select_n3A_694, %max3A_748 : vector<8x256xf32>
    %eq3A_752 = arith.cmpf oeq, %select_n3A_697, %max3A_748 : vector<8x256xf32>
    %eq3A_753 = arith.cmpf oeq, %select_n3A_700, %max3A_748 : vector<8x256xf32>
    %eq3A_754 = arith.cmpf oeq, %select_n3A_703, %max3A_748 : vector<8x256xf32>
    %eq3A_755 = arith.cmpf oeq, %select_n3A_706, %max3A_748 : vector<8x256xf32>
    %eq3A_756 = arith.cmpf oeq, %select_n3A_709, %max3A_748 : vector<8x256xf32>
    %eq3A_757 = arith.cmpf oeq, %select_n3A_712, %max3A_748 : vector<8x256xf32>
    %eq3A_758 = arith.cmpf oeq, %select_n3A_715, %max3A_748 : vector<8x256xf32>
    %eq3A_759 = arith.cmpf oeq, %select_n3A_718, %max3A_748 : vector<8x256xf32>
    %eq3A_760 = arith.cmpf oeq, %select_n3A_721, %max3A_748 : vector<8x256xf32>
    %eq3A_761 = arith.cmpf oeq, %select_n3A_724, %max3A_748 : vector<8x256xf32>
    %eq3A_762 = arith.cmpf oeq, %select_n3A_727, %max3A_748 : vector<8x256xf32>
    %eq3A_763 = arith.cmpf oeq, %select_n3A_730, %max3A_748 : vector<8x256xf32>
    %eq3A_764 = arith.cmpf oeq, %select_n3A_733, %max3A_748 : vector<8x256xf32>
    %convert_element_type3A_765 = arith.extui %eq3A_749 : vector<8x256xi1> to vector<8x256xi32>
    %convert_element_type3A_766 = arith.sitofp %convert_element_type3A_765 : vector<8x256xi32> to vector<8x256xf32>
    %convert_element_type3A_767 = arith.extui %eq3A_750 : vector<8x256xi1> to vector<8x256xi32>
    %convert_element_type3A_768 = arith.sitofp %convert_element_type3A_767 : vector<8x256xi32> to vector<8x256xf32>
    %add3A_769 = arith.addf %convert_element_type3A_766, %convert_element_type3A_768 : vector<8x256xf32>
    %convert_element_type3A_770 = arith.extui %eq3A_751 : vector<8x256xi1> to vector<8x256xi32>
    %convert_element_type3A_771 = arith.sitofp %convert_element_type3A_770 : vector<8x256xi32> to vector<8x256xf32>
    %add3A_772 = arith.addf %add3A_769, %convert_element_type3A_771 : vector<8x256xf32>
    %convert_element_type3A_773 = arith.extui %eq3A_752 : vector<8x256xi1> to vector<8x256xi32>
    %convert_element_type3A_774 = arith.sitofp %convert_element_type3A_773 : vector<8x256xi32> to vector<8x256xf32>
    %add3A_775 = arith.addf %add3A_772, %convert_element_type3A_774 : vector<8x256xf32>
    %convert_element_type3A_776 = arith.extui %eq3A_753 : vector<8x256xi1> to vector<8x256xi32>
    %convert_element_type3A_777 = arith.sitofp %convert_element_type3A_776 : vector<8x256xi32> to vector<8x256xf32>
    %add3A_778 = arith.addf %add3A_775, %convert_element_type3A_777 : vector<8x256xf32>
    %convert_element_type3A_779 = arith.extui %eq3A_754 : vector<8x256xi1> to vector<8x256xi32>
    %convert_element_type3A_780 = arith.sitofp %convert_element_type3A_779 : vector<8x256xi32> to vector<8x256xf32>
    %add3A_781 = arith.addf %add3A_778, %convert_element_type3A_780 : vector<8x256xf32>
    %convert_element_type3A_782 = arith.extui %eq3A_755 : vector<8x256xi1> to vector<8x256xi32>
    %convert_element_type3A_783 = arith.sitofp %convert_element_type3A_782 : vector<8x256xi32> to vector<8x256xf32>
    %add3A_784 = arith.addf %add3A_781, %convert_element_type3A_783 : vector<8x256xf32>
    %convert_element_type3A_785 = arith.extui %eq3A_756 : vector<8x256xi1> to vector<8x256xi32>
    %convert_element_type3A_786 = arith.sitofp %convert_element_type3A_785 : vector<8x256xi32> to vector<8x256xf32>
    %add3A_787 = arith.addf %add3A_784, %convert_element_type3A_786 : vector<8x256xf32>
    %convert_element_type3A_788 = arith.extui %eq3A_757 : vector<8x256xi1> to vector<8x256xi32>
    %convert_element_type3A_789 = arith.sitofp %convert_element_type3A_788 : vector<8x256xi32> to vector<8x256xf32>
    %add3A_790 = arith.addf %add3A_787, %convert_element_type3A_789 : vector<8x256xf32>
    %convert_element_type3A_791 = arith.extui %eq3A_758 : vector<8x256xi1> to vector<8x256xi32>
    %convert_element_type3A_792 = arith.sitofp %convert_element_type3A_791 : vector<8x256xi32> to vector<8x256xf32>
    %add3A_793 = arith.addf %add3A_790, %convert_element_type3A_792 : vector<8x256xf32>
    %convert_element_type3A_794 = arith.extui %eq3A_759 : vector<8x256xi1> to vector<8x256xi32>
    %convert_element_type3A_795 = arith.sitofp %convert_element_type3A_794 : vector<8x256xi32> to vector<8x256xf32>
    %add3A_796 = arith.addf %add3A_793, %convert_element_type3A_795 : vector<8x256xf32>
    %convert_element_type3A_797 = arith.extui %eq3A_760 : vector<8x256xi1> to vector<8x256xi32>
    %convert_element_type3A_798 = arith.sitofp %convert_element_type3A_797 : vector<8x256xi32> to vector<8x256xf32>
    %add3A_799 = arith.addf %add3A_796, %convert_element_type3A_798 : vector<8x256xf32>
    %convert_element_type3A_800 = arith.extui %eq3A_761 : vector<8x256xi1> to vector<8x256xi32>
    %convert_element_type3A_801 = arith.sitofp %convert_element_type3A_800 : vector<8x256xi32> to vector<8x256xf32>
    %add3A_802 = arith.addf %add3A_799, %convert_element_type3A_801 : vector<8x256xf32>
    %convert_element_type3A_803 = arith.extui %eq3A_762 : vector<8x256xi1> to vector<8x256xi32>
    %convert_element_type3A_804 = arith.sitofp %convert_element_type3A_803 : vector<8x256xi32> to vector<8x256xf32>
    %add3A_805 = arith.addf %add3A_802, %convert_element_type3A_804 : vector<8x256xf32>
    %convert_element_type3A_806 = arith.extui %eq3A_763 : vector<8x256xi1> to vector<8x256xi32>
    %convert_element_type3A_807 = arith.sitofp %convert_element_type3A_806 : vector<8x256xi32> to vector<8x256xf32>
    %add3A_808 = arith.addf %add3A_805, %convert_element_type3A_807 : vector<8x256xf32>
    %convert_element_type3A_809 = arith.extui %eq3A_764 : vector<8x256xi1> to vector<8x256xi32>
    %convert_element_type3A_810 = arith.sitofp %convert_element_type3A_809 : vector<8x256xi32> to vector<8x256xf32>
    %add3A_811 = arith.addf %add3A_808, %convert_element_type3A_810 : vector<8x256xf32>
    %lt3A_812 = arith.constant 8.000000e+00 : f32
    %lt3A_813 = vector.broadcast %lt3A_812 : f32 to vector<8x256xf32>
    %lt3A_814 = arith.cmpf olt, %add3A_685, %lt3A_813 : vector<8x256xf32>
    %select_n3A_815 = arith.select %lt3A_814, %max3A_748, %select_n3A_684 : vector<8x256xi1>, vector<8x256xf32>
    %add3A_816 = arith.addf %add3A_685, %add3A_811 : vector<8x256xf32>
    %jit3A_817 = arith.constant -3.000000e+38 : f32
    %broadcast_in_dim3A_818 = vector.broadcast %jit3A_817 : f32 to vector<8x256xf32>
    %select_n3A_819 = arith.select %eq3A_749, %broadcast_in_dim3A_818, %select_n3A_688 : vector<8x256xi1>, vector<8x256xf32>
    %jit3A_820 = arith.constant -3.000000e+38 : f32
    %broadcast_in_dim3A_821 = vector.broadcast %jit3A_820 : f32 to vector<8x256xf32>
    %select_n3A_822 = arith.select %eq3A_750, %broadcast_in_dim3A_821, %select_n3A_691 : vector<8x256xi1>, vector<8x256xf32>
    %jit3A_823 = arith.constant -3.000000e+38 : f32
    %broadcast_in_dim3A_824 = vector.broadcast %jit3A_823 : f32 to vector<8x256xf32>
    %select_n3A_825 = arith.select %eq3A_751, %broadcast_in_dim3A_824, %select_n3A_694 : vector<8x256xi1>, vector<8x256xf32>
    %jit3A_826 = arith.constant -3.000000e+38 : f32
    %broadcast_in_dim3A_827 = vector.broadcast %jit3A_826 : f32 to vector<8x256xf32>
    %select_n3A_828 = arith.select %eq3A_752, %broadcast_in_dim3A_827, %select_n3A_697 : vector<8x256xi1>, vector<8x256xf32>
    %jit3A_829 = arith.constant -3.000000e+38 : f32
    %broadcast_in_dim3A_830 = vector.broadcast %jit3A_829 : f32 to vector<8x256xf32>
    %select_n3A_831 = arith.select %eq3A_753, %broadcast_in_dim3A_830, %select_n3A_700 : vector<8x256xi1>, vector<8x256xf32>
    %jit3A_832 = arith.constant -3.000000e+38 : f32
    %broadcast_in_dim3A_833 = vector.broadcast %jit3A_832 : f32 to vector<8x256xf32>
    %select_n3A_834 = arith.select %eq3A_754, %broadcast_in_dim3A_833, %select_n3A_703 : vector<8x256xi1>, vector<8x256xf32>
    %jit3A_835 = arith.constant -3.000000e+38 : f32
    %broadcast_in_dim3A_836 = vector.broadcast %jit3A_835 : f32 to vector<8x256xf32>
    %select_n3A_837 = arith.select %eq3A_755, %broadcast_in_dim3A_836, %select_n3A_706 : vector<8x256xi1>, vector<8x256xf32>
    %jit3A_838 = arith.constant -3.000000e+38 : f32
    %broadcast_in_dim3A_839 = vector.broadcast %jit3A_838 : f32 to vector<8x256xf32>
    %select_n3A_840 = arith.select %eq3A_756, %broadcast_in_dim3A_839, %select_n3A_709 : vector<8x256xi1>, vector<8x256xf32>
    %jit3A_841 = arith.constant -3.000000e+38 : f32
    %broadcast_in_dim3A_842 = vector.broadcast %jit3A_841 : f32 to vector<8x256xf32>
    %select_n3A_843 = arith.select %eq3A_757, %broadcast_in_dim3A_842, %select_n3A_712 : vector<8x256xi1>, vector<8x256xf32>
    %jit3A_844 = arith.constant -3.000000e+38 : f32
    %broadcast_in_dim3A_845 = vector.broadcast %jit3A_844 : f32 to vector<8x256xf32>
    %select_n3A_846 = arith.select %eq3A_758, %broadcast_in_dim3A_845, %select_n3A_715 : vector<8x256xi1>, vector<8x256xf32>
    %jit3A_847 = arith.constant -3.000000e+38 : f32
    %broadcast_in_dim3A_848 = vector.broadcast %jit3A_847 : f32 to vector<8x256xf32>
    %select_n3A_849 = arith.select %eq3A_759, %broadcast_in_dim3A_848, %select_n3A_718 : vector<8x256xi1>, vector<8x256xf32>
    %jit3A_850 = arith.constant -3.000000e+38 : f32
    %broadcast_in_dim3A_851 = vector.broadcast %jit3A_850 : f32 to vector<8x256xf32>
    %select_n3A_852 = arith.select %eq3A_760, %broadcast_in_dim3A_851, %select_n3A_721 : vector<8x256xi1>, vector<8x256xf32>
    %jit3A_853 = arith.constant -3.000000e+38 : f32
    %broadcast_in_dim3A_854 = vector.broadcast %jit3A_853 : f32 to vector<8x256xf32>
    %select_n3A_855 = arith.select %eq3A_761, %broadcast_in_dim3A_854, %select_n3A_724 : vector<8x256xi1>, vector<8x256xf32>
    %jit3A_856 = arith.constant -3.000000e+38 : f32
    %broadcast_in_dim3A_857 = vector.broadcast %jit3A_856 : f32 to vector<8x256xf32>
    %select_n3A_858 = arith.select %eq3A_762, %broadcast_in_dim3A_857, %select_n3A_727 : vector<8x256xi1>, vector<8x256xf32>
    %jit3A_859 = arith.constant -3.000000e+38 : f32
    %broadcast_in_dim3A_860 = vector.broadcast %jit3A_859 : f32 to vector<8x256xf32>
    %select_n3A_861 = arith.select %eq3A_763, %broadcast_in_dim3A_860, %select_n3A_730 : vector<8x256xi1>, vector<8x256xf32>
    %jit3A_862 = arith.constant -3.000000e+38 : f32
    %broadcast_in_dim3A_863 = vector.broadcast %jit3A_862 : f32 to vector<8x256xf32>
    %select_n3A_864 = arith.select %eq3A_764, %broadcast_in_dim3A_863, %select_n3A_733 : vector<8x256xi1>, vector<8x256xf32>
    %max3A_865 = arith.maximumf %select_n3A_819, %select_n3A_822 : vector<8x256xf32>
    %max3A_866 = arith.maximumf %max3A_865, %select_n3A_825 : vector<8x256xf32>
    %max3A_867 = arith.maximumf %max3A_866, %select_n3A_828 : vector<8x256xf32>
    %max3A_868 = arith.maximumf %max3A_867, %select_n3A_831 : vector<8x256xf32>
    %max3A_869 = arith.maximumf %max3A_868, %select_n3A_834 : vector<8x256xf32>
    %max3A_870 = arith.maximumf %max3A_869, %select_n3A_837 : vector<8x256xf32>
    %max3A_871 = arith.maximumf %max3A_870, %select_n3A_840 : vector<8x256xf32>
    %max3A_872 = arith.maximumf %max3A_871, %select_n3A_843 : vector<8x256xf32>
    %max3A_873 = arith.maximumf %max3A_872, %select_n3A_846 : vector<8x256xf32>
    %max3A_874 = arith.maximumf %max3A_873, %select_n3A_849 : vector<8x256xf32>
    %max3A_875 = arith.maximumf %max3A_874, %select_n3A_852 : vector<8x256xf32>
    %max3A_876 = arith.maximumf %max3A_875, %select_n3A_855 : vector<8x256xf32>
    %max3A_877 = arith.maximumf %max3A_876, %select_n3A_858 : vector<8x256xf32>
    %max3A_878 = arith.maximumf %max3A_877, %select_n3A_861 : vector<8x256xf32>
    %max3A_879 = arith.maximumf %max3A_878, %select_n3A_864 : vector<8x256xf32>
    %eq3A_880 = arith.cmpf oeq, %select_n3A_819, %max3A_879 : vector<8x256xf32>
    %eq3A_881 = arith.cmpf oeq, %select_n3A_822, %max3A_879 : vector<8x256xf32>
    %eq3A_882 = arith.cmpf oeq, %select_n3A_825, %max3A_879 : vector<8x256xf32>
    %eq3A_883 = arith.cmpf oeq, %select_n3A_828, %max3A_879 : vector<8x256xf32>
    %eq3A_884 = arith.cmpf oeq, %select_n3A_831, %max3A_879 : vector<8x256xf32>
    %eq3A_885 = arith.cmpf oeq, %select_n3A_834, %max3A_879 : vector<8x256xf32>
    %eq3A_886 = arith.cmpf oeq, %select_n3A_837, %max3A_879 : vector<8x256xf32>
    %eq3A_887 = arith.cmpf oeq, %select_n3A_840, %max3A_879 : vector<8x256xf32>
    %eq3A_888 = arith.cmpf oeq, %select_n3A_843, %max3A_879 : vector<8x256xf32>
    %eq3A_889 = arith.cmpf oeq, %select_n3A_846, %max3A_879 : vector<8x256xf32>
    %eq3A_890 = arith.cmpf oeq, %select_n3A_849, %max3A_879 : vector<8x256xf32>
    %eq3A_891 = arith.cmpf oeq, %select_n3A_852, %max3A_879 : vector<8x256xf32>
    %eq3A_892 = arith.cmpf oeq, %select_n3A_855, %max3A_879 : vector<8x256xf32>
    %eq3A_893 = arith.cmpf oeq, %select_n3A_858, %max3A_879 : vector<8x256xf32>
    %eq3A_894 = arith.cmpf oeq, %select_n3A_861, %max3A_879 : vector<8x256xf32>
    %eq3A_895 = arith.cmpf oeq, %select_n3A_864, %max3A_879 : vector<8x256xf32>
    %convert_element_type3A_896 = arith.extui %eq3A_880 : vector<8x256xi1> to vector<8x256xi32>
    %convert_element_type3A_897 = arith.sitofp %convert_element_type3A_896 : vector<8x256xi32> to vector<8x256xf32>
    %convert_element_type3A_898 = arith.extui %eq3A_881 : vector<8x256xi1> to vector<8x256xi32>
    %convert_element_type3A_899 = arith.sitofp %convert_element_type3A_898 : vector<8x256xi32> to vector<8x256xf32>
    %add3A_900 = arith.addf %convert_element_type3A_897, %convert_element_type3A_899 : vector<8x256xf32>
    %convert_element_type3A_901 = arith.extui %eq3A_882 : vector<8x256xi1> to vector<8x256xi32>
    %convert_element_type3A_902 = arith.sitofp %convert_element_type3A_901 : vector<8x256xi32> to vector<8x256xf32>
    %add3A_903 = arith.addf %add3A_900, %convert_element_type3A_902 : vector<8x256xf32>
    %convert_element_type3A_904 = arith.extui %eq3A_883 : vector<8x256xi1> to vector<8x256xi32>
    %convert_element_type3A_905 = arith.sitofp %convert_element_type3A_904 : vector<8x256xi32> to vector<8x256xf32>
    %add3A_906 = arith.addf %add3A_903, %convert_element_type3A_905 : vector<8x256xf32>
    %convert_element_type3A_907 = arith.extui %eq3A_884 : vector<8x256xi1> to vector<8x256xi32>
    %convert_element_type3A_908 = arith.sitofp %convert_element_type3A_907 : vector<8x256xi32> to vector<8x256xf32>
    %add3A_909 = arith.addf %add3A_906, %convert_element_type3A_908 : vector<8x256xf32>
    %convert_element_type3A_910 = arith.extui %eq3A_885 : vector<8x256xi1> to vector<8x256xi32>
    %convert_element_type3A_911 = arith.sitofp %convert_element_type3A_910 : vector<8x256xi32> to vector<8x256xf32>
    %add3A_912 = arith.addf %add3A_909, %convert_element_type3A_911 : vector<8x256xf32>
    %convert_element_type3A_913 = arith.extui %eq3A_886 : vector<8x256xi1> to vector<8x256xi32>
    %convert_element_type3A_914 = arith.sitofp %convert_element_type3A_913 : vector<8x256xi32> to vector<8x256xf32>
    %add3A_915 = arith.addf %add3A_912, %convert_element_type3A_914 : vector<8x256xf32>
    %convert_element_type3A_916 = arith.extui %eq3A_887 : vector<8x256xi1> to vector<8x256xi32>
    %convert_element_type3A_917 = arith.sitofp %convert_element_type3A_916 : vector<8x256xi32> to vector<8x256xf32>
    %add3A_918 = arith.addf %add3A_915, %convert_element_type3A_917 : vector<8x256xf32>
    %convert_element_type3A_919 = arith.extui %eq3A_888 : vector<8x256xi1> to vector<8x256xi32>
    %convert_element_type3A_920 = arith.sitofp %convert_element_type3A_919 : vector<8x256xi32> to vector<8x256xf32>
    %add3A_921 = arith.addf %add3A_918, %convert_element_type3A_920 : vector<8x256xf32>
    %convert_element_type3A_922 = arith.extui %eq3A_889 : vector<8x256xi1> to vector<8x256xi32>
    %convert_element_type3A_923 = arith.sitofp %convert_element_type3A_922 : vector<8x256xi32> to vector<8x256xf32>
    %add3A_924 = arith.addf %add3A_921, %convert_element_type3A_923 : vector<8x256xf32>
    %convert_element_type3A_925 = arith.extui %eq3A_890 : vector<8x256xi1> to vector<8x256xi32>
    %convert_element_type3A_926 = arith.sitofp %convert_element_type3A_925 : vector<8x256xi32> to vector<8x256xf32>
    %add3A_927 = arith.addf %add3A_924, %convert_element_type3A_926 : vector<8x256xf32>
    %convert_element_type3A_928 = arith.extui %eq3A_891 : vector<8x256xi1> to vector<8x256xi32>
    %convert_element_type3A_929 = arith.sitofp %convert_element_type3A_928 : vector<8x256xi32> to vector<8x256xf32>
    %add3A_930 = arith.addf %add3A_927, %convert_element_type3A_929 : vector<8x256xf32>
    %convert_element_type3A_931 = arith.extui %eq3A_892 : vector<8x256xi1> to vector<8x256xi32>
    %convert_element_type3A_932 = arith.sitofp %convert_element_type3A_931 : vector<8x256xi32> to vector<8x256xf32>
    %add3A_933 = arith.addf %add3A_930, %convert_element_type3A_932 : vector<8x256xf32>
    %convert_element_type3A_934 = arith.extui %eq3A_893 : vector<8x256xi1> to vector<8x256xi32>
    %convert_element_type3A_935 = arith.sitofp %convert_element_type3A_934 : vector<8x256xi32> to vector<8x256xf32>
    %add3A_936 = arith.addf %add3A_933, %convert_element_type3A_935 : vector<8x256xf32>
    %convert_element_type3A_937 = arith.extui %eq3A_894 : vector<8x256xi1> to vector<8x256xi32>
    %convert_element_type3A_938 = arith.sitofp %convert_element_type3A_937 : vector<8x256xi32> to vector<8x256xf32>
    %add3A_939 = arith.addf %add3A_936, %convert_element_type3A_938 : vector<8x256xf32>
    %convert_element_type3A_940 = arith.extui %eq3A_895 : vector<8x256xi1> to vector<8x256xi32>
    %convert_element_type3A_941 = arith.sitofp %convert_element_type3A_940 : vector<8x256xi32> to vector<8x256xf32>
    %add3A_942 = arith.addf %add3A_939, %convert_element_type3A_941 : vector<8x256xf32>
    %lt3A_943 = arith.constant 8.000000e+00 : f32
    %lt3A_944 = vector.broadcast %lt3A_943 : f32 to vector<8x256xf32>
    %lt3A_945 = arith.cmpf olt, %add3A_816, %lt3A_944 : vector<8x256xf32>
    %select_n3A_946 = arith.select %lt3A_945, %max3A_879, %select_n3A_815 : vector<8x256xi1>, vector<8x256xf32>
    %add3A_947 = arith.addf %add3A_816, %add3A_942 : vector<8x256xf32>
    %jit3A_948 = arith.constant -3.000000e+38 : f32
    %broadcast_in_dim3A_949 = vector.broadcast %jit3A_948 : f32 to vector<8x256xf32>
    %select_n3A_950 = arith.select %eq3A_880, %broadcast_in_dim3A_949, %select_n3A_819 : vector<8x256xi1>, vector<8x256xf32>
    %jit3A_951 = arith.constant -3.000000e+38 : f32
    %broadcast_in_dim3A_952 = vector.broadcast %jit3A_951 : f32 to vector<8x256xf32>
    %select_n3A_953 = arith.select %eq3A_881, %broadcast_in_dim3A_952, %select_n3A_822 : vector<8x256xi1>, vector<8x256xf32>
    %jit3A_954 = arith.constant -3.000000e+38 : f32
    %broadcast_in_dim3A_955 = vector.broadcast %jit3A_954 : f32 to vector<8x256xf32>
    %select_n3A_956 = arith.select %eq3A_882, %broadcast_in_dim3A_955, %select_n3A_825 : vector<8x256xi1>, vector<8x256xf32>
    %jit3A_957 = arith.constant -3.000000e+38 : f32
    %broadcast_in_dim3A_958 = vector.broadcast %jit3A_957 : f32 to vector<8x256xf32>
    %select_n3A_959 = arith.select %eq3A_883, %broadcast_in_dim3A_958, %select_n3A_828 : vector<8x256xi1>, vector<8x256xf32>
    %jit3A_960 = arith.constant -3.000000e+38 : f32
    %broadcast_in_dim3A_961 = vector.broadcast %jit3A_960 : f32 to vector<8x256xf32>
    %select_n3A_962 = arith.select %eq3A_884, %broadcast_in_dim3A_961, %select_n3A_831 : vector<8x256xi1>, vector<8x256xf32>
    %jit3A_963 = arith.constant -3.000000e+38 : f32
    %broadcast_in_dim3A_964 = vector.broadcast %jit3A_963 : f32 to vector<8x256xf32>
    %select_n3A_965 = arith.select %eq3A_885, %broadcast_in_dim3A_964, %select_n3A_834 : vector<8x256xi1>, vector<8x256xf32>
    %jit3A_966 = arith.constant -3.000000e+38 : f32
    %broadcast_in_dim3A_967 = vector.broadcast %jit3A_966 : f32 to vector<8x256xf32>
    %select_n3A_968 = arith.select %eq3A_886, %broadcast_in_dim3A_967, %select_n3A_837 : vector<8x256xi1>, vector<8x256xf32>
    %jit3A_969 = arith.constant -3.000000e+38 : f32
    %broadcast_in_dim3A_970 = vector.broadcast %jit3A_969 : f32 to vector<8x256xf32>
    %select_n3A_971 = arith.select %eq3A_887, %broadcast_in_dim3A_970, %select_n3A_840 : vector<8x256xi1>, vector<8x256xf32>
    %jit3A_972 = arith.constant -3.000000e+38 : f32
    %broadcast_in_dim3A_973 = vector.broadcast %jit3A_972 : f32 to vector<8x256xf32>
    %select_n3A_974 = arith.select %eq3A_888, %broadcast_in_dim3A_973, %select_n3A_843 : vector<8x256xi1>, vector<8x256xf32>
    %jit3A_975 = arith.constant -3.000000e+38 : f32
    %broadcast_in_dim3A_976 = vector.broadcast %jit3A_975 : f32 to vector<8x256xf32>
    %select_n3A_977 = arith.select %eq3A_889, %broadcast_in_dim3A_976, %select_n3A_846 : vector<8x256xi1>, vector<8x256xf32>
    %jit3A_978 = arith.constant -3.000000e+38 : f32
    %broadcast_in_dim3A_979 = vector.broadcast %jit3A_978 : f32 to vector<8x256xf32>
    %select_n3A_980 = arith.select %eq3A_890, %broadcast_in_dim3A_979, %select_n3A_849 : vector<8x256xi1>, vector<8x256xf32>
    %jit3A_981 = arith.constant -3.000000e+38 : f32
    %broadcast_in_dim3A_982 = vector.broadcast %jit3A_981 : f32 to vector<8x256xf32>
    %select_n3A_983 = arith.select %eq3A_891, %broadcast_in_dim3A_982, %select_n3A_852 : vector<8x256xi1>, vector<8x256xf32>
    %jit3A_984 = arith.constant -3.000000e+38 : f32
    %broadcast_in_dim3A_985 = vector.broadcast %jit3A_984 : f32 to vector<8x256xf32>
    %select_n3A_986 = arith.select %eq3A_892, %broadcast_in_dim3A_985, %select_n3A_855 : vector<8x256xi1>, vector<8x256xf32>
    %jit3A_987 = arith.constant -3.000000e+38 : f32
    %broadcast_in_dim3A_988 = vector.broadcast %jit3A_987 : f32 to vector<8x256xf32>
    %select_n3A_989 = arith.select %eq3A_893, %broadcast_in_dim3A_988, %select_n3A_858 : vector<8x256xi1>, vector<8x256xf32>
    %jit3A_990 = arith.constant -3.000000e+38 : f32
    %broadcast_in_dim3A_991 = vector.broadcast %jit3A_990 : f32 to vector<8x256xf32>
    %select_n3A_992 = arith.select %eq3A_894, %broadcast_in_dim3A_991, %select_n3A_861 : vector<8x256xi1>, vector<8x256xf32>
    %jit3A_993 = arith.constant -3.000000e+38 : f32
    %broadcast_in_dim3A_994 = vector.broadcast %jit3A_993 : f32 to vector<8x256xf32>
    %select_n3A_995 = arith.select %eq3A_895, %broadcast_in_dim3A_994, %select_n3A_864 : vector<8x256xi1>, vector<8x256xf32>
    %max3A_996 = arith.maximumf %select_n3A_950, %select_n3A_953 : vector<8x256xf32>
    %max3A_997 = arith.maximumf %max3A_996, %select_n3A_956 : vector<8x256xf32>
    %max3A_998 = arith.maximumf %max3A_997, %select_n3A_959 : vector<8x256xf32>
    %max3A_999 = arith.maximumf %max3A_998, %select_n3A_962 : vector<8x256xf32>
    %max3A_1000 = arith.maximumf %max3A_999, %select_n3A_965 : vector<8x256xf32>
    %max3A_1001 = arith.maximumf %max3A_1000, %select_n3A_968 : vector<8x256xf32>
    %max3A_1002 = arith.maximumf %max3A_1001, %select_n3A_971 : vector<8x256xf32>
    %max3A_1003 = arith.maximumf %max3A_1002, %select_n3A_974 : vector<8x256xf32>
    %max3A_1004 = arith.maximumf %max3A_1003, %select_n3A_977 : vector<8x256xf32>
    %max3A_1005 = arith.maximumf %max3A_1004, %select_n3A_980 : vector<8x256xf32>
    %max3A_1006 = arith.maximumf %max3A_1005, %select_n3A_983 : vector<8x256xf32>
    %max3A_1007 = arith.maximumf %max3A_1006, %select_n3A_986 : vector<8x256xf32>
    %max3A_1008 = arith.maximumf %max3A_1007, %select_n3A_989 : vector<8x256xf32>
    %max3A_1009 = arith.maximumf %max3A_1008, %select_n3A_992 : vector<8x256xf32>
    %max3A_1010 = arith.maximumf %max3A_1009, %select_n3A_995 : vector<8x256xf32>
    %eq3A_1011 = arith.cmpf oeq, %select_n3A_950, %max3A_1010 : vector<8x256xf32>
    %eq3A_1012 = arith.cmpf oeq, %select_n3A_953, %max3A_1010 : vector<8x256xf32>
    %eq3A_1013 = arith.cmpf oeq, %select_n3A_956, %max3A_1010 : vector<8x256xf32>
    %eq3A_1014 = arith.cmpf oeq, %select_n3A_959, %max3A_1010 : vector<8x256xf32>
    %eq3A_1015 = arith.cmpf oeq, %select_n3A_962, %max3A_1010 : vector<8x256xf32>
    %eq3A_1016 = arith.cmpf oeq, %select_n3A_965, %max3A_1010 : vector<8x256xf32>
    %eq3A_1017 = arith.cmpf oeq, %select_n3A_968, %max3A_1010 : vector<8x256xf32>
    %eq3A_1018 = arith.cmpf oeq, %select_n3A_971, %max3A_1010 : vector<8x256xf32>
    %eq3A_1019 = arith.cmpf oeq, %select_n3A_974, %max3A_1010 : vector<8x256xf32>
    %eq3A_1020 = arith.cmpf oeq, %select_n3A_977, %max3A_1010 : vector<8x256xf32>
    %eq3A_1021 = arith.cmpf oeq, %select_n3A_980, %max3A_1010 : vector<8x256xf32>
    %eq3A_1022 = arith.cmpf oeq, %select_n3A_983, %max3A_1010 : vector<8x256xf32>
    %eq3A_1023 = arith.cmpf oeq, %select_n3A_986, %max3A_1010 : vector<8x256xf32>
    %eq3A_1024 = arith.cmpf oeq, %select_n3A_989, %max3A_1010 : vector<8x256xf32>
    %eq3A_1025 = arith.cmpf oeq, %select_n3A_992, %max3A_1010 : vector<8x256xf32>
    %eq3A_1026 = arith.cmpf oeq, %select_n3A_995, %max3A_1010 : vector<8x256xf32>
    %convert_element_type3A_1027 = arith.extui %eq3A_1011 : vector<8x256xi1> to vector<8x256xi32>
    %convert_element_type3A_1028 = arith.sitofp %convert_element_type3A_1027 : vector<8x256xi32> to vector<8x256xf32>
    %convert_element_type3A_1029 = arith.extui %eq3A_1012 : vector<8x256xi1> to vector<8x256xi32>
    %convert_element_type3A_1030 = arith.sitofp %convert_element_type3A_1029 : vector<8x256xi32> to vector<8x256xf32>
    %add3A_1031 = arith.addf %convert_element_type3A_1028, %convert_element_type3A_1030 : vector<8x256xf32>
    %convert_element_type3A_1032 = arith.extui %eq3A_1013 : vector<8x256xi1> to vector<8x256xi32>
    %convert_element_type3A_1033 = arith.sitofp %convert_element_type3A_1032 : vector<8x256xi32> to vector<8x256xf32>
    %add3A_1034 = arith.addf %add3A_1031, %convert_element_type3A_1033 : vector<8x256xf32>
    %convert_element_type3A_1035 = arith.extui %eq3A_1014 : vector<8x256xi1> to vector<8x256xi32>
    %convert_element_type3A_1036 = arith.sitofp %convert_element_type3A_1035 : vector<8x256xi32> to vector<8x256xf32>
    %add3A_1037 = arith.addf %add3A_1034, %convert_element_type3A_1036 : vector<8x256xf32>
    %convert_element_type3A_1038 = arith.extui %eq3A_1015 : vector<8x256xi1> to vector<8x256xi32>
    %convert_element_type3A_1039 = arith.sitofp %convert_element_type3A_1038 : vector<8x256xi32> to vector<8x256xf32>
    %add3A_1040 = arith.addf %add3A_1037, %convert_element_type3A_1039 : vector<8x256xf32>
    %convert_element_type3A_1041 = arith.extui %eq3A_1016 : vector<8x256xi1> to vector<8x256xi32>
    %convert_element_type3A_1042 = arith.sitofp %convert_element_type3A_1041 : vector<8x256xi32> to vector<8x256xf32>
    %add3A_1043 = arith.addf %add3A_1040, %convert_element_type3A_1042 : vector<8x256xf32>
    %convert_element_type3A_1044 = arith.extui %eq3A_1017 : vector<8x256xi1> to vector<8x256xi32>
    %convert_element_type3A_1045 = arith.sitofp %convert_element_type3A_1044 : vector<8x256xi32> to vector<8x256xf32>
    %add3A_1046 = arith.addf %add3A_1043, %convert_element_type3A_1045 : vector<8x256xf32>
    %convert_element_type3A_1047 = arith.extui %eq3A_1018 : vector<8x256xi1> to vector<8x256xi32>
    %convert_element_type3A_1048 = arith.sitofp %convert_element_type3A_1047 : vector<8x256xi32> to vector<8x256xf32>
    %add3A_1049 = arith.addf %add3A_1046, %convert_element_type3A_1048 : vector<8x256xf32>
    %convert_element_type3A_1050 = arith.extui %eq3A_1019 : vector<8x256xi1> to vector<8x256xi32>
    %convert_element_type3A_1051 = arith.sitofp %convert_element_type3A_1050 : vector<8x256xi32> to vector<8x256xf32>
    %add3A_1052 = arith.addf %add3A_1049, %convert_element_type3A_1051 : vector<8x256xf32>
    %convert_element_type3A_1053 = arith.extui %eq3A_1020 : vector<8x256xi1> to vector<8x256xi32>
    %convert_element_type3A_1054 = arith.sitofp %convert_element_type3A_1053 : vector<8x256xi32> to vector<8x256xf32>
    %add3A_1055 = arith.addf %add3A_1052, %convert_element_type3A_1054 : vector<8x256xf32>
    %convert_element_type3A_1056 = arith.extui %eq3A_1021 : vector<8x256xi1> to vector<8x256xi32>
    %convert_element_type3A_1057 = arith.sitofp %convert_element_type3A_1056 : vector<8x256xi32> to vector<8x256xf32>
    %add3A_1058 = arith.addf %add3A_1055, %convert_element_type3A_1057 : vector<8x256xf32>
    %convert_element_type3A_1059 = arith.extui %eq3A_1022 : vector<8x256xi1> to vector<8x256xi32>
    %convert_element_type3A_1060 = arith.sitofp %convert_element_type3A_1059 : vector<8x256xi32> to vector<8x256xf32>
    %add3A_1061 = arith.addf %add3A_1058, %convert_element_type3A_1060 : vector<8x256xf32>
    %convert_element_type3A_1062 = arith.extui %eq3A_1023 : vector<8x256xi1> to vector<8x256xi32>
    %convert_element_type3A_1063 = arith.sitofp %convert_element_type3A_1062 : vector<8x256xi32> to vector<8x256xf32>
    %add3A_1064 = arith.addf %add3A_1061, %convert_element_type3A_1063 : vector<8x256xf32>
    %convert_element_type3A_1065 = arith.extui %eq3A_1024 : vector<8x256xi1> to vector<8x256xi32>
    %convert_element_type3A_1066 = arith.sitofp %convert_element_type3A_1065 : vector<8x256xi32> to vector<8x256xf32>
    %add3A_1067 = arith.addf %add3A_1064, %convert_element_type3A_1066 : vector<8x256xf32>
    %convert_element_type3A_1068 = arith.extui %eq3A_1025 : vector<8x256xi1> to vector<8x256xi32>
    %convert_element_type3A_1069 = arith.sitofp %convert_element_type3A_1068 : vector<8x256xi32> to vector<8x256xf32>
    %add3A_1070 = arith.addf %add3A_1067, %convert_element_type3A_1069 : vector<8x256xf32>
    %convert_element_type3A_1071 = arith.extui %eq3A_1026 : vector<8x256xi1> to vector<8x256xi32>
    %convert_element_type3A_1072 = arith.sitofp %convert_element_type3A_1071 : vector<8x256xi32> to vector<8x256xf32>
    %add3A_1073 = arith.addf %add3A_1070, %convert_element_type3A_1072 : vector<8x256xf32>
    %lt3A_1074 = arith.constant 8.000000e+00 : f32
    %lt3A_1075 = vector.broadcast %lt3A_1074 : f32 to vector<8x256xf32>
    %lt3A_1076 = arith.cmpf olt, %add3A_947, %lt3A_1075 : vector<8x256xf32>
    %select_n3A_1077 = arith.select %lt3A_1076, %max3A_1010, %select_n3A_946 : vector<8x256xi1>, vector<8x256xf32>
    %add3A_1078 = arith.addf %add3A_947, %add3A_1073 : vector<8x256xf32>
    %jit3A_1079 = arith.constant -3.000000e+38 : f32
    %broadcast_in_dim3A_1080 = vector.broadcast %jit3A_1079 : f32 to vector<8x256xf32>
    %select_n3A_1081 = arith.select %eq3A_1011, %broadcast_in_dim3A_1080, %select_n3A_950 : vector<8x256xi1>, vector<8x256xf32>
    %jit3A_1082 = arith.constant -3.000000e+38 : f32
    %broadcast_in_dim3A_1083 = vector.broadcast %jit3A_1082 : f32 to vector<8x256xf32>
    %select_n3A_1084 = arith.select %eq3A_1012, %broadcast_in_dim3A_1083, %select_n3A_953 : vector<8x256xi1>, vector<8x256xf32>
    %jit3A_1085 = arith.constant -3.000000e+38 : f32
    %broadcast_in_dim3A_1086 = vector.broadcast %jit3A_1085 : f32 to vector<8x256xf32>
    %select_n3A_1087 = arith.select %eq3A_1013, %broadcast_in_dim3A_1086, %select_n3A_956 : vector<8x256xi1>, vector<8x256xf32>
    %jit3A_1088 = arith.constant -3.000000e+38 : f32
    %broadcast_in_dim3A_1089 = vector.broadcast %jit3A_1088 : f32 to vector<8x256xf32>
    %select_n3A_1090 = arith.select %eq3A_1014, %broadcast_in_dim3A_1089, %select_n3A_959 : vector<8x256xi1>, vector<8x256xf32>
    %jit3A_1091 = arith.constant -3.000000e+38 : f32
    %broadcast_in_dim3A_1092 = vector.broadcast %jit3A_1091 : f32 to vector<8x256xf32>
    %select_n3A_1093 = arith.select %eq3A_1015, %broadcast_in_dim3A_1092, %select_n3A_962 : vector<8x256xi1>, vector<8x256xf32>
    %jit3A_1094 = arith.constant -3.000000e+38 : f32
    %broadcast_in_dim3A_1095 = vector.broadcast %jit3A_1094 : f32 to vector<8x256xf32>
    %select_n3A_1096 = arith.select %eq3A_1016, %broadcast_in_dim3A_1095, %select_n3A_965 : vector<8x256xi1>, vector<8x256xf32>
    %jit3A_1097 = arith.constant -3.000000e+38 : f32
    %broadcast_in_dim3A_1098 = vector.broadcast %jit3A_1097 : f32 to vector<8x256xf32>
    %select_n3A_1099 = arith.select %eq3A_1017, %broadcast_in_dim3A_1098, %select_n3A_968 : vector<8x256xi1>, vector<8x256xf32>
    %jit3A_1100 = arith.constant -3.000000e+38 : f32
    %broadcast_in_dim3A_1101 = vector.broadcast %jit3A_1100 : f32 to vector<8x256xf32>
    %select_n3A_1102 = arith.select %eq3A_1018, %broadcast_in_dim3A_1101, %select_n3A_971 : vector<8x256xi1>, vector<8x256xf32>
    %jit3A_1103 = arith.constant -3.000000e+38 : f32
    %broadcast_in_dim3A_1104 = vector.broadcast %jit3A_1103 : f32 to vector<8x256xf32>
    %select_n3A_1105 = arith.select %eq3A_1019, %broadcast_in_dim3A_1104, %select_n3A_974 : vector<8x256xi1>, vector<8x256xf32>
    %jit3A_1106 = arith.constant -3.000000e+38 : f32
    %broadcast_in_dim3A_1107 = vector.broadcast %jit3A_1106 : f32 to vector<8x256xf32>
    %select_n3A_1108 = arith.select %eq3A_1020, %broadcast_in_dim3A_1107, %select_n3A_977 : vector<8x256xi1>, vector<8x256xf32>
    %jit3A_1109 = arith.constant -3.000000e+38 : f32
    %broadcast_in_dim3A_1110 = vector.broadcast %jit3A_1109 : f32 to vector<8x256xf32>
    %select_n3A_1111 = arith.select %eq3A_1021, %broadcast_in_dim3A_1110, %select_n3A_980 : vector<8x256xi1>, vector<8x256xf32>
    %jit3A_1112 = arith.constant -3.000000e+38 : f32
    %broadcast_in_dim3A_1113 = vector.broadcast %jit3A_1112 : f32 to vector<8x256xf32>
    %select_n3A_1114 = arith.select %eq3A_1022, %broadcast_in_dim3A_1113, %select_n3A_983 : vector<8x256xi1>, vector<8x256xf32>
    %jit3A_1115 = arith.constant -3.000000e+38 : f32
    %broadcast_in_dim3A_1116 = vector.broadcast %jit3A_1115 : f32 to vector<8x256xf32>
    %select_n3A_1117 = arith.select %eq3A_1023, %broadcast_in_dim3A_1116, %select_n3A_986 : vector<8x256xi1>, vector<8x256xf32>
    %jit3A_1118 = arith.constant -3.000000e+38 : f32
    %broadcast_in_dim3A_1119 = vector.broadcast %jit3A_1118 : f32 to vector<8x256xf32>
    %select_n3A_1120 = arith.select %eq3A_1024, %broadcast_in_dim3A_1119, %select_n3A_989 : vector<8x256xi1>, vector<8x256xf32>
    %jit3A_1121 = arith.constant -3.000000e+38 : f32
    %broadcast_in_dim3A_1122 = vector.broadcast %jit3A_1121 : f32 to vector<8x256xf32>
    %select_n3A_1123 = arith.select %eq3A_1025, %broadcast_in_dim3A_1122, %select_n3A_992 : vector<8x256xi1>, vector<8x256xf32>
    %jit3A_1124 = arith.constant -3.000000e+38 : f32
    %broadcast_in_dim3A_1125 = vector.broadcast %jit3A_1124 : f32 to vector<8x256xf32>
    %select_n3A_1126 = arith.select %eq3A_1026, %broadcast_in_dim3A_1125, %select_n3A_995 : vector<8x256xi1>, vector<8x256xf32>
    %max3A_1127 = arith.maximumf %select_n3A_1081, %select_n3A_1084 : vector<8x256xf32>
    %max3A_1128 = arith.maximumf %max3A_1127, %select_n3A_1087 : vector<8x256xf32>
    %max3A_1129 = arith.maximumf %max3A_1128, %select_n3A_1090 : vector<8x256xf32>
    %max3A_1130 = arith.maximumf %max3A_1129, %select_n3A_1093 : vector<8x256xf32>
    %max3A_1131 = arith.maximumf %max3A_1130, %select_n3A_1096 : vector<8x256xf32>
    %max3A_1132 = arith.maximumf %max3A_1131, %select_n3A_1099 : vector<8x256xf32>
    %max3A_1133 = arith.maximumf %max3A_1132, %select_n3A_1102 : vector<8x256xf32>
    %max3A_1134 = arith.maximumf %max3A_1133, %select_n3A_1105 : vector<8x256xf32>
    %max3A_1135 = arith.maximumf %max3A_1134, %select_n3A_1108 : vector<8x256xf32>
    %max3A_1136 = arith.maximumf %max3A_1135, %select_n3A_1111 : vector<8x256xf32>
    %max3A_1137 = arith.maximumf %max3A_1136, %select_n3A_1114 : vector<8x256xf32>
    %max3A_1138 = arith.maximumf %max3A_1137, %select_n3A_1117 : vector<8x256xf32>
    %max3A_1139 = arith.maximumf %max3A_1138, %select_n3A_1120 : vector<8x256xf32>
    %max3A_1140 = arith.maximumf %max3A_1139, %select_n3A_1123 : vector<8x256xf32>
    %max3A_1141 = arith.maximumf %max3A_1140, %select_n3A_1126 : vector<8x256xf32>
    %eq3A_1142 = arith.cmpf oeq, %select_n3A_1081, %max3A_1141 : vector<8x256xf32>
    %eq3A_1143 = arith.cmpf oeq, %select_n3A_1084, %max3A_1141 : vector<8x256xf32>
    %eq3A_1144 = arith.cmpf oeq, %select_n3A_1087, %max3A_1141 : vector<8x256xf32>
    %eq3A_1145 = arith.cmpf oeq, %select_n3A_1090, %max3A_1141 : vector<8x256xf32>
    %eq3A_1146 = arith.cmpf oeq, %select_n3A_1093, %max3A_1141 : vector<8x256xf32>
    %eq3A_1147 = arith.cmpf oeq, %select_n3A_1096, %max3A_1141 : vector<8x256xf32>
    %eq3A_1148 = arith.cmpf oeq, %select_n3A_1099, %max3A_1141 : vector<8x256xf32>
    %eq3A_1149 = arith.cmpf oeq, %select_n3A_1102, %max3A_1141 : vector<8x256xf32>
    %eq3A_1150 = arith.cmpf oeq, %select_n3A_1105, %max3A_1141 : vector<8x256xf32>
    %eq3A_1151 = arith.cmpf oeq, %select_n3A_1108, %max3A_1141 : vector<8x256xf32>
    %eq3A_1152 = arith.cmpf oeq, %select_n3A_1111, %max3A_1141 : vector<8x256xf32>
    %eq3A_1153 = arith.cmpf oeq, %select_n3A_1114, %max3A_1141 : vector<8x256xf32>
    %eq3A_1154 = arith.cmpf oeq, %select_n3A_1117, %max3A_1141 : vector<8x256xf32>
    %eq3A_1155 = arith.cmpf oeq, %select_n3A_1120, %max3A_1141 : vector<8x256xf32>
    %eq3A_1156 = arith.cmpf oeq, %select_n3A_1123, %max3A_1141 : vector<8x256xf32>
    %eq3A_1157 = arith.cmpf oeq, %select_n3A_1126, %max3A_1141 : vector<8x256xf32>
    %convert_element_type3A_1158 = arith.extui %eq3A_1142 : vector<8x256xi1> to vector<8x256xi32>
    %convert_element_type3A_1159 = arith.sitofp %convert_element_type3A_1158 : vector<8x256xi32> to vector<8x256xf32>
    %convert_element_type3A_1160 = arith.extui %eq3A_1143 : vector<8x256xi1> to vector<8x256xi32>
    %convert_element_type3A_1161 = arith.sitofp %convert_element_type3A_1160 : vector<8x256xi32> to vector<8x256xf32>
    %add3A_1162 = arith.addf %convert_element_type3A_1159, %convert_element_type3A_1161 : vector<8x256xf32>
    %convert_element_type3A_1163 = arith.extui %eq3A_1144 : vector<8x256xi1> to vector<8x256xi32>
    %convert_element_type3A_1164 = arith.sitofp %convert_element_type3A_1163 : vector<8x256xi32> to vector<8x256xf32>
    %add3A_1165 = arith.addf %add3A_1162, %convert_element_type3A_1164 : vector<8x256xf32>
    %convert_element_type3A_1166 = arith.extui %eq3A_1145 : vector<8x256xi1> to vector<8x256xi32>
    %convert_element_type3A_1167 = arith.sitofp %convert_element_type3A_1166 : vector<8x256xi32> to vector<8x256xf32>
    %add3A_1168 = arith.addf %add3A_1165, %convert_element_type3A_1167 : vector<8x256xf32>
    %convert_element_type3A_1169 = arith.extui %eq3A_1146 : vector<8x256xi1> to vector<8x256xi32>
    %convert_element_type3A_1170 = arith.sitofp %convert_element_type3A_1169 : vector<8x256xi32> to vector<8x256xf32>
    %add3A_1171 = arith.addf %add3A_1168, %convert_element_type3A_1170 : vector<8x256xf32>
    %convert_element_type3A_1172 = arith.extui %eq3A_1147 : vector<8x256xi1> to vector<8x256xi32>
    %convert_element_type3A_1173 = arith.sitofp %convert_element_type3A_1172 : vector<8x256xi32> to vector<8x256xf32>
    %add3A_1174 = arith.addf %add3A_1171, %convert_element_type3A_1173 : vector<8x256xf32>
    %convert_element_type3A_1175 = arith.extui %eq3A_1148 : vector<8x256xi1> to vector<8x256xi32>
    %convert_element_type3A_1176 = arith.sitofp %convert_element_type3A_1175 : vector<8x256xi32> to vector<8x256xf32>
    %add3A_1177 = arith.addf %add3A_1174, %convert_element_type3A_1176 : vector<8x256xf32>
    %convert_element_type3A_1178 = arith.extui %eq3A_1149 : vector<8x256xi1> to vector<8x256xi32>
    %convert_element_type3A_1179 = arith.sitofp %convert_element_type3A_1178 : vector<8x256xi32> to vector<8x256xf32>
    %add3A_1180 = arith.addf %add3A_1177, %convert_element_type3A_1179 : vector<8x256xf32>
    %convert_element_type3A_1181 = arith.extui %eq3A_1150 : vector<8x256xi1> to vector<8x256xi32>
    %convert_element_type3A_1182 = arith.sitofp %convert_element_type3A_1181 : vector<8x256xi32> to vector<8x256xf32>
    %add3A_1183 = arith.addf %add3A_1180, %convert_element_type3A_1182 : vector<8x256xf32>
    %convert_element_type3A_1184 = arith.extui %eq3A_1151 : vector<8x256xi1> to vector<8x256xi32>
    %convert_element_type3A_1185 = arith.sitofp %convert_element_type3A_1184 : vector<8x256xi32> to vector<8x256xf32>
    %add3A_1186 = arith.addf %add3A_1183, %convert_element_type3A_1185 : vector<8x256xf32>
    %convert_element_type3A_1187 = arith.extui %eq3A_1152 : vector<8x256xi1> to vector<8x256xi32>
    %convert_element_type3A_1188 = arith.sitofp %convert_element_type3A_1187 : vector<8x256xi32> to vector<8x256xf32>
    %add3A_1189 = arith.addf %add3A_1186, %convert_element_type3A_1188 : vector<8x256xf32>
    %convert_element_type3A_1190 = arith.extui %eq3A_1153 : vector<8x256xi1> to vector<8x256xi32>
    %convert_element_type3A_1191 = arith.sitofp %convert_element_type3A_1190 : vector<8x256xi32> to vector<8x256xf32>
    %add3A_1192 = arith.addf %add3A_1189, %convert_element_type3A_1191 : vector<8x256xf32>
    %convert_element_type3A_1193 = arith.extui %eq3A_1154 : vector<8x256xi1> to vector<8x256xi32>
    %convert_element_type3A_1194 = arith.sitofp %convert_element_type3A_1193 : vector<8x256xi32> to vector<8x256xf32>
    %add3A_1195 = arith.addf %add3A_1192, %convert_element_type3A_1194 : vector<8x256xf32>
    %convert_element_type3A_1196 = arith.extui %eq3A_1155 : vector<8x256xi1> to vector<8x256xi32>
    %convert_element_type3A_1197 = arith.sitofp %convert_element_type3A_1196 : vector<8x256xi32> to vector<8x256xf32>
    %add3A_1198 = arith.addf %add3A_1195, %convert_element_type3A_1197 : vector<8x256xf32>
    %convert_element_type3A_1199 = arith.extui %eq3A_1156 : vector<8x256xi1> to vector<8x256xi32>
    %convert_element_type3A_1200 = arith.sitofp %convert_element_type3A_1199 : vector<8x256xi32> to vector<8x256xf32>
    %add3A_1201 = arith.addf %add3A_1198, %convert_element_type3A_1200 : vector<8x256xf32>
    %convert_element_type3A_1202 = arith.extui %eq3A_1157 : vector<8x256xi1> to vector<8x256xi32>
    %convert_element_type3A_1203 = arith.sitofp %convert_element_type3A_1202 : vector<8x256xi32> to vector<8x256xf32>
    %add3A_1204 = arith.addf %add3A_1201, %convert_element_type3A_1203 : vector<8x256xf32>
    %lt3A_1205 = arith.constant 8.000000e+00 : f32
    %lt3A_1206 = vector.broadcast %lt3A_1205 : f32 to vector<8x256xf32>
    %lt3A_1207 = arith.cmpf olt, %add3A_1078, %lt3A_1206 : vector<8x256xf32>
    %select_n3A_1208 = arith.select %lt3A_1207, %max3A_1141, %select_n3A_1077 : vector<8x256xi1>, vector<8x256xf32>
    %add3A_1209 = arith.addf %add3A_1078, %add3A_1204 : vector<8x256xf32>
    %jit3A_1210 = arith.constant -3.000000e+38 : f32
    %broadcast_in_dim3A_1211 = vector.broadcast %jit3A_1210 : f32 to vector<8x256xf32>
    %select_n3A_1212 = arith.select %eq3A_1142, %broadcast_in_dim3A_1211, %select_n3A_1081 : vector<8x256xi1>, vector<8x256xf32>
    %jit3A_1213 = arith.constant -3.000000e+38 : f32
    %broadcast_in_dim3A_1214 = vector.broadcast %jit3A_1213 : f32 to vector<8x256xf32>
    %select_n3A_1215 = arith.select %eq3A_1143, %broadcast_in_dim3A_1214, %select_n3A_1084 : vector<8x256xi1>, vector<8x256xf32>
    %jit3A_1216 = arith.constant -3.000000e+38 : f32
    %broadcast_in_dim3A_1217 = vector.broadcast %jit3A_1216 : f32 to vector<8x256xf32>
    %select_n3A_1218 = arith.select %eq3A_1144, %broadcast_in_dim3A_1217, %select_n3A_1087 : vector<8x256xi1>, vector<8x256xf32>
    %jit3A_1219 = arith.constant -3.000000e+38 : f32
    %broadcast_in_dim3A_1220 = vector.broadcast %jit3A_1219 : f32 to vector<8x256xf32>
    %select_n3A_1221 = arith.select %eq3A_1145, %broadcast_in_dim3A_1220, %select_n3A_1090 : vector<8x256xi1>, vector<8x256xf32>
    %jit3A_1222 = arith.constant -3.000000e+38 : f32
    %broadcast_in_dim3A_1223 = vector.broadcast %jit3A_1222 : f32 to vector<8x256xf32>
    %select_n3A_1224 = arith.select %eq3A_1146, %broadcast_in_dim3A_1223, %select_n3A_1093 : vector<8x256xi1>, vector<8x256xf32>
    %jit3A_1225 = arith.constant -3.000000e+38 : f32
    %broadcast_in_dim3A_1226 = vector.broadcast %jit3A_1225 : f32 to vector<8x256xf32>
    %select_n3A_1227 = arith.select %eq3A_1147, %broadcast_in_dim3A_1226, %select_n3A_1096 : vector<8x256xi1>, vector<8x256xf32>
    %jit3A_1228 = arith.constant -3.000000e+38 : f32
    %broadcast_in_dim3A_1229 = vector.broadcast %jit3A_1228 : f32 to vector<8x256xf32>
    %select_n3A_1230 = arith.select %eq3A_1148, %broadcast_in_dim3A_1229, %select_n3A_1099 : vector<8x256xi1>, vector<8x256xf32>
    %jit3A_1231 = arith.constant -3.000000e+38 : f32
    %broadcast_in_dim3A_1232 = vector.broadcast %jit3A_1231 : f32 to vector<8x256xf32>
    %select_n3A_1233 = arith.select %eq3A_1149, %broadcast_in_dim3A_1232, %select_n3A_1102 : vector<8x256xi1>, vector<8x256xf32>
    %jit3A_1234 = arith.constant -3.000000e+38 : f32
    %broadcast_in_dim3A_1235 = vector.broadcast %jit3A_1234 : f32 to vector<8x256xf32>
    %select_n3A_1236 = arith.select %eq3A_1150, %broadcast_in_dim3A_1235, %select_n3A_1105 : vector<8x256xi1>, vector<8x256xf32>
    %jit3A_1237 = arith.constant -3.000000e+38 : f32
    %broadcast_in_dim3A_1238 = vector.broadcast %jit3A_1237 : f32 to vector<8x256xf32>
    %select_n3A_1239 = arith.select %eq3A_1151, %broadcast_in_dim3A_1238, %select_n3A_1108 : vector<8x256xi1>, vector<8x256xf32>
    %jit3A_1240 = arith.constant -3.000000e+38 : f32
    %broadcast_in_dim3A_1241 = vector.broadcast %jit3A_1240 : f32 to vector<8x256xf32>
    %select_n3A_1242 = arith.select %eq3A_1152, %broadcast_in_dim3A_1241, %select_n3A_1111 : vector<8x256xi1>, vector<8x256xf32>
    %jit3A_1243 = arith.constant -3.000000e+38 : f32
    %broadcast_in_dim3A_1244 = vector.broadcast %jit3A_1243 : f32 to vector<8x256xf32>
    %select_n3A_1245 = arith.select %eq3A_1153, %broadcast_in_dim3A_1244, %select_n3A_1114 : vector<8x256xi1>, vector<8x256xf32>
    %jit3A_1246 = arith.constant -3.000000e+38 : f32
    %broadcast_in_dim3A_1247 = vector.broadcast %jit3A_1246 : f32 to vector<8x256xf32>
    %select_n3A_1248 = arith.select %eq3A_1154, %broadcast_in_dim3A_1247, %select_n3A_1117 : vector<8x256xi1>, vector<8x256xf32>
    %jit3A_1249 = arith.constant -3.000000e+38 : f32
    %broadcast_in_dim3A_1250 = vector.broadcast %jit3A_1249 : f32 to vector<8x256xf32>
    %select_n3A_1251 = arith.select %eq3A_1155, %broadcast_in_dim3A_1250, %select_n3A_1120 : vector<8x256xi1>, vector<8x256xf32>
    %jit3A_1252 = arith.constant -3.000000e+38 : f32
    %broadcast_in_dim3A_1253 = vector.broadcast %jit3A_1252 : f32 to vector<8x256xf32>
    %select_n3A_1254 = arith.select %eq3A_1156, %broadcast_in_dim3A_1253, %select_n3A_1123 : vector<8x256xi1>, vector<8x256xf32>
    %jit3A_1255 = arith.constant -3.000000e+38 : f32
    %broadcast_in_dim3A_1256 = vector.broadcast %jit3A_1255 : f32 to vector<8x256xf32>
    %select_n3A_1257 = arith.select %eq3A_1157, %broadcast_in_dim3A_1256, %select_n3A_1126 : vector<8x256xi1>, vector<8x256xf32>
    %max3A_1258 = arith.maximumf %select_n3A_1212, %select_n3A_1215 : vector<8x256xf32>
    %max3A_1259 = arith.maximumf %max3A_1258, %select_n3A_1218 : vector<8x256xf32>
    %max3A_1260 = arith.maximumf %max3A_1259, %select_n3A_1221 : vector<8x256xf32>
    %max3A_1261 = arith.maximumf %max3A_1260, %select_n3A_1224 : vector<8x256xf32>
    %max3A_1262 = arith.maximumf %max3A_1261, %select_n3A_1227 : vector<8x256xf32>
    %max3A_1263 = arith.maximumf %max3A_1262, %select_n3A_1230 : vector<8x256xf32>
    %max3A_1264 = arith.maximumf %max3A_1263, %select_n3A_1233 : vector<8x256xf32>
    %max3A_1265 = arith.maximumf %max3A_1264, %select_n3A_1236 : vector<8x256xf32>
    %max3A_1266 = arith.maximumf %max3A_1265, %select_n3A_1239 : vector<8x256xf32>
    %max3A_1267 = arith.maximumf %max3A_1266, %select_n3A_1242 : vector<8x256xf32>
    %max3A_1268 = arith.maximumf %max3A_1267, %select_n3A_1245 : vector<8x256xf32>
    %max3A_1269 = arith.maximumf %max3A_1268, %select_n3A_1248 : vector<8x256xf32>
    %max3A_1270 = arith.maximumf %max3A_1269, %select_n3A_1251 : vector<8x256xf32>
    %max3A_1271 = arith.maximumf %max3A_1270, %select_n3A_1254 : vector<8x256xf32>
    %max3A_1272 = arith.maximumf %max3A_1271, %select_n3A_1257 : vector<8x256xf32>
    %eq3A_1273 = arith.cmpf oeq, %select_n3A_1212, %max3A_1272 : vector<8x256xf32>
    %eq3A_1274 = arith.cmpf oeq, %select_n3A_1215, %max3A_1272 : vector<8x256xf32>
    %eq3A_1275 = arith.cmpf oeq, %select_n3A_1218, %max3A_1272 : vector<8x256xf32>
    %eq3A_1276 = arith.cmpf oeq, %select_n3A_1221, %max3A_1272 : vector<8x256xf32>
    %eq3A_1277 = arith.cmpf oeq, %select_n3A_1224, %max3A_1272 : vector<8x256xf32>
    %eq3A_1278 = arith.cmpf oeq, %select_n3A_1227, %max3A_1272 : vector<8x256xf32>
    %eq3A_1279 = arith.cmpf oeq, %select_n3A_1230, %max3A_1272 : vector<8x256xf32>
    %eq3A_1280 = arith.cmpf oeq, %select_n3A_1233, %max3A_1272 : vector<8x256xf32>
    %eq3A_1281 = arith.cmpf oeq, %select_n3A_1236, %max3A_1272 : vector<8x256xf32>
    %eq3A_1282 = arith.cmpf oeq, %select_n3A_1239, %max3A_1272 : vector<8x256xf32>
    %eq3A_1283 = arith.cmpf oeq, %select_n3A_1242, %max3A_1272 : vector<8x256xf32>
    %eq3A_1284 = arith.cmpf oeq, %select_n3A_1245, %max3A_1272 : vector<8x256xf32>
    %eq3A_1285 = arith.cmpf oeq, %select_n3A_1248, %max3A_1272 : vector<8x256xf32>
    %eq3A_1286 = arith.cmpf oeq, %select_n3A_1251, %max3A_1272 : vector<8x256xf32>
    %eq3A_1287 = arith.cmpf oeq, %select_n3A_1254, %max3A_1272 : vector<8x256xf32>
    %eq3A_1288 = arith.cmpf oeq, %select_n3A_1257, %max3A_1272 : vector<8x256xf32>
    %convert_element_type3A_1289 = arith.extui %eq3A_1273 : vector<8x256xi1> to vector<8x256xi32>
    %convert_element_type3A_1290 = arith.sitofp %convert_element_type3A_1289 : vector<8x256xi32> to vector<8x256xf32>
    %convert_element_type3A_1291 = arith.extui %eq3A_1274 : vector<8x256xi1> to vector<8x256xi32>
    %convert_element_type3A_1292 = arith.sitofp %convert_element_type3A_1291 : vector<8x256xi32> to vector<8x256xf32>
    %add3A_1293 = arith.addf %convert_element_type3A_1290, %convert_element_type3A_1292 : vector<8x256xf32>
    %convert_element_type3A_1294 = arith.extui %eq3A_1275 : vector<8x256xi1> to vector<8x256xi32>
    %convert_element_type3A_1295 = arith.sitofp %convert_element_type3A_1294 : vector<8x256xi32> to vector<8x256xf32>
    %add3A_1296 = arith.addf %add3A_1293, %convert_element_type3A_1295 : vector<8x256xf32>
    %convert_element_type3A_1297 = arith.extui %eq3A_1276 : vector<8x256xi1> to vector<8x256xi32>
    %convert_element_type3A_1298 = arith.sitofp %convert_element_type3A_1297 : vector<8x256xi32> to vector<8x256xf32>
    %add3A_1299 = arith.addf %add3A_1296, %convert_element_type3A_1298 : vector<8x256xf32>
    %convert_element_type3A_1300 = arith.extui %eq3A_1277 : vector<8x256xi1> to vector<8x256xi32>
    %convert_element_type3A_1301 = arith.sitofp %convert_element_type3A_1300 : vector<8x256xi32> to vector<8x256xf32>
    %add3A_1302 = arith.addf %add3A_1299, %convert_element_type3A_1301 : vector<8x256xf32>
    %convert_element_type3A_1303 = arith.extui %eq3A_1278 : vector<8x256xi1> to vector<8x256xi32>
    %convert_element_type3A_1304 = arith.sitofp %convert_element_type3A_1303 : vector<8x256xi32> to vector<8x256xf32>
    %add3A_1305 = arith.addf %add3A_1302, %convert_element_type3A_1304 : vector<8x256xf32>
    %convert_element_type3A_1306 = arith.extui %eq3A_1279 : vector<8x256xi1> to vector<8x256xi32>
    %convert_element_type3A_1307 = arith.sitofp %convert_element_type3A_1306 : vector<8x256xi32> to vector<8x256xf32>
    %add3A_1308 = arith.addf %add3A_1305, %convert_element_type3A_1307 : vector<8x256xf32>
    %convert_element_type3A_1309 = arith.extui %eq3A_1280 : vector<8x256xi1> to vector<8x256xi32>
    %convert_element_type3A_1310 = arith.sitofp %convert_element_type3A_1309 : vector<8x256xi32> to vector<8x256xf32>
    %add3A_1311 = arith.addf %add3A_1308, %convert_element_type3A_1310 : vector<8x256xf32>
    %convert_element_type3A_1312 = arith.extui %eq3A_1281 : vector<8x256xi1> to vector<8x256xi32>
    %convert_element_type3A_1313 = arith.sitofp %convert_element_type3A_1312 : vector<8x256xi32> to vector<8x256xf32>
    %add3A_1314 = arith.addf %add3A_1311, %convert_element_type3A_1313 : vector<8x256xf32>
    %convert_element_type3A_1315 = arith.extui %eq3A_1282 : vector<8x256xi1> to vector<8x256xi32>
    %convert_element_type3A_1316 = arith.sitofp %convert_element_type3A_1315 : vector<8x256xi32> to vector<8x256xf32>
    %add3A_1317 = arith.addf %add3A_1314, %convert_element_type3A_1316 : vector<8x256xf32>
    %convert_element_type3A_1318 = arith.extui %eq3A_1283 : vector<8x256xi1> to vector<8x256xi32>
    %convert_element_type3A_1319 = arith.sitofp %convert_element_type3A_1318 : vector<8x256xi32> to vector<8x256xf32>
    %add3A_1320 = arith.addf %add3A_1317, %convert_element_type3A_1319 : vector<8x256xf32>
    %convert_element_type3A_1321 = arith.extui %eq3A_1284 : vector<8x256xi1> to vector<8x256xi32>
    %convert_element_type3A_1322 = arith.sitofp %convert_element_type3A_1321 : vector<8x256xi32> to vector<8x256xf32>
    %add3A_1323 = arith.addf %add3A_1320, %convert_element_type3A_1322 : vector<8x256xf32>
    %convert_element_type3A_1324 = arith.extui %eq3A_1285 : vector<8x256xi1> to vector<8x256xi32>
    %convert_element_type3A_1325 = arith.sitofp %convert_element_type3A_1324 : vector<8x256xi32> to vector<8x256xf32>
    %add3A_1326 = arith.addf %add3A_1323, %convert_element_type3A_1325 : vector<8x256xf32>
    %convert_element_type3A_1327 = arith.extui %eq3A_1286 : vector<8x256xi1> to vector<8x256xi32>
    %convert_element_type3A_1328 = arith.sitofp %convert_element_type3A_1327 : vector<8x256xi32> to vector<8x256xf32>
    %add3A_1329 = arith.addf %add3A_1326, %convert_element_type3A_1328 : vector<8x256xf32>
    %convert_element_type3A_1330 = arith.extui %eq3A_1287 : vector<8x256xi1> to vector<8x256xi32>
    %convert_element_type3A_1331 = arith.sitofp %convert_element_type3A_1330 : vector<8x256xi32> to vector<8x256xf32>
    %add3A_1332 = arith.addf %add3A_1329, %convert_element_type3A_1331 : vector<8x256xf32>
    %convert_element_type3A_1333 = arith.extui %eq3A_1288 : vector<8x256xi1> to vector<8x256xi32>
    %convert_element_type3A_1334 = arith.sitofp %convert_element_type3A_1333 : vector<8x256xi32> to vector<8x256xf32>
    %add3A_1335 = arith.addf %add3A_1332, %convert_element_type3A_1334 : vector<8x256xf32>
    %lt3A_1336 = arith.constant 8.000000e+00 : f32
    %lt3A_1337 = vector.broadcast %lt3A_1336 : f32 to vector<8x256xf32>
    %lt3A_1338 = arith.cmpf olt, %add3A_1209, %lt3A_1337 : vector<8x256xf32>
    %select_n3A_1339 = arith.select %lt3A_1338, %max3A_1272, %select_n3A_1208 : vector<8x256xi1>, vector<8x256xf32>
    %add3A_1340 = arith.addf %add3A_1209, %add3A_1335 : vector<8x256xf32>
    %jit3A_1341 = arith.constant -3.000000e+38 : f32
    %broadcast_in_dim3A_1342 = vector.broadcast %jit3A_1341 : f32 to vector<8x256xf32>
    %select_n3A_1343 = arith.select %eq3A_1273, %broadcast_in_dim3A_1342, %select_n3A_1212 : vector<8x256xi1>, vector<8x256xf32>
    %jit3A_1344 = arith.constant -3.000000e+38 : f32
    %broadcast_in_dim3A_1345 = vector.broadcast %jit3A_1344 : f32 to vector<8x256xf32>
    %select_n3A_1346 = arith.select %eq3A_1274, %broadcast_in_dim3A_1345, %select_n3A_1215 : vector<8x256xi1>, vector<8x256xf32>
    %jit3A_1347 = arith.constant -3.000000e+38 : f32
    %broadcast_in_dim3A_1348 = vector.broadcast %jit3A_1347 : f32 to vector<8x256xf32>
    %select_n3A_1349 = arith.select %eq3A_1275, %broadcast_in_dim3A_1348, %select_n3A_1218 : vector<8x256xi1>, vector<8x256xf32>
    %jit3A_1350 = arith.constant -3.000000e+38 : f32
    %broadcast_in_dim3A_1351 = vector.broadcast %jit3A_1350 : f32 to vector<8x256xf32>
    %select_n3A_1352 = arith.select %eq3A_1276, %broadcast_in_dim3A_1351, %select_n3A_1221 : vector<8x256xi1>, vector<8x256xf32>
    %jit3A_1353 = arith.constant -3.000000e+38 : f32
    %broadcast_in_dim3A_1354 = vector.broadcast %jit3A_1353 : f32 to vector<8x256xf32>
    %select_n3A_1355 = arith.select %eq3A_1277, %broadcast_in_dim3A_1354, %select_n3A_1224 : vector<8x256xi1>, vector<8x256xf32>
    %jit3A_1356 = arith.constant -3.000000e+38 : f32
    %broadcast_in_dim3A_1357 = vector.broadcast %jit3A_1356 : f32 to vector<8x256xf32>
    %select_n3A_1358 = arith.select %eq3A_1278, %broadcast_in_dim3A_1357, %select_n3A_1227 : vector<8x256xi1>, vector<8x256xf32>
    %jit3A_1359 = arith.constant -3.000000e+38 : f32
    %broadcast_in_dim3A_1360 = vector.broadcast %jit3A_1359 : f32 to vector<8x256xf32>
    %select_n3A_1361 = arith.select %eq3A_1279, %broadcast_in_dim3A_1360, %select_n3A_1230 : vector<8x256xi1>, vector<8x256xf32>
    %jit3A_1362 = arith.constant -3.000000e+38 : f32
    %broadcast_in_dim3A_1363 = vector.broadcast %jit3A_1362 : f32 to vector<8x256xf32>
    %select_n3A_1364 = arith.select %eq3A_1280, %broadcast_in_dim3A_1363, %select_n3A_1233 : vector<8x256xi1>, vector<8x256xf32>
    %jit3A_1365 = arith.constant -3.000000e+38 : f32
    %broadcast_in_dim3A_1366 = vector.broadcast %jit3A_1365 : f32 to vector<8x256xf32>
    %select_n3A_1367 = arith.select %eq3A_1281, %broadcast_in_dim3A_1366, %select_n3A_1236 : vector<8x256xi1>, vector<8x256xf32>
    %jit3A_1368 = arith.constant -3.000000e+38 : f32
    %broadcast_in_dim3A_1369 = vector.broadcast %jit3A_1368 : f32 to vector<8x256xf32>
    %select_n3A_1370 = arith.select %eq3A_1282, %broadcast_in_dim3A_1369, %select_n3A_1239 : vector<8x256xi1>, vector<8x256xf32>
    %jit3A_1371 = arith.constant -3.000000e+38 : f32
    %broadcast_in_dim3A_1372 = vector.broadcast %jit3A_1371 : f32 to vector<8x256xf32>
    %select_n3A_1373 = arith.select %eq3A_1283, %broadcast_in_dim3A_1372, %select_n3A_1242 : vector<8x256xi1>, vector<8x256xf32>
    %jit3A_1374 = arith.constant -3.000000e+38 : f32
    %broadcast_in_dim3A_1375 = vector.broadcast %jit3A_1374 : f32 to vector<8x256xf32>
    %select_n3A_1376 = arith.select %eq3A_1284, %broadcast_in_dim3A_1375, %select_n3A_1245 : vector<8x256xi1>, vector<8x256xf32>
    %jit3A_1377 = arith.constant -3.000000e+38 : f32
    %broadcast_in_dim3A_1378 = vector.broadcast %jit3A_1377 : f32 to vector<8x256xf32>
    %select_n3A_1379 = arith.select %eq3A_1285, %broadcast_in_dim3A_1378, %select_n3A_1248 : vector<8x256xi1>, vector<8x256xf32>
    %jit3A_1380 = arith.constant -3.000000e+38 : f32
    %broadcast_in_dim3A_1381 = vector.broadcast %jit3A_1380 : f32 to vector<8x256xf32>
    %select_n3A_1382 = arith.select %eq3A_1286, %broadcast_in_dim3A_1381, %select_n3A_1251 : vector<8x256xi1>, vector<8x256xf32>
    %jit3A_1383 = arith.constant -3.000000e+38 : f32
    %broadcast_in_dim3A_1384 = vector.broadcast %jit3A_1383 : f32 to vector<8x256xf32>
    %select_n3A_1385 = arith.select %eq3A_1287, %broadcast_in_dim3A_1384, %select_n3A_1254 : vector<8x256xi1>, vector<8x256xf32>
    %jit3A_1386 = arith.constant -3.000000e+38 : f32
    %broadcast_in_dim3A_1387 = vector.broadcast %jit3A_1386 : f32 to vector<8x256xf32>
    %select_n3A_1388 = arith.select %eq3A_1288, %broadcast_in_dim3A_1387, %select_n3A_1257 : vector<8x256xi1>, vector<8x256xf32>
    %max3A_1389 = arith.maximumf %select_n3A_1343, %select_n3A_1346 : vector<8x256xf32>
    %max3A_1390 = arith.maximumf %max3A_1389, %select_n3A_1349 : vector<8x256xf32>
    %max3A_1391 = arith.maximumf %max3A_1390, %select_n3A_1352 : vector<8x256xf32>
    %max3A_1392 = arith.maximumf %max3A_1391, %select_n3A_1355 : vector<8x256xf32>
    %max3A_1393 = arith.maximumf %max3A_1392, %select_n3A_1358 : vector<8x256xf32>
    %max3A_1394 = arith.maximumf %max3A_1393, %select_n3A_1361 : vector<8x256xf32>
    %max3A_1395 = arith.maximumf %max3A_1394, %select_n3A_1364 : vector<8x256xf32>
    %max3A_1396 = arith.maximumf %max3A_1395, %select_n3A_1367 : vector<8x256xf32>
    %max3A_1397 = arith.maximumf %max3A_1396, %select_n3A_1370 : vector<8x256xf32>
    %max3A_1398 = arith.maximumf %max3A_1397, %select_n3A_1373 : vector<8x256xf32>
    %max3A_1399 = arith.maximumf %max3A_1398, %select_n3A_1376 : vector<8x256xf32>
    %max3A_1400 = arith.maximumf %max3A_1399, %select_n3A_1379 : vector<8x256xf32>
    %max3A_1401 = arith.maximumf %max3A_1400, %select_n3A_1382 : vector<8x256xf32>
    %max3A_1402 = arith.maximumf %max3A_1401, %select_n3A_1385 : vector<8x256xf32>
    %max3A_1403 = arith.maximumf %max3A_1402, %select_n3A_1388 : vector<8x256xf32>
    %eq3A_1404 = arith.cmpf oeq, %select_n3A_1343, %max3A_1403 : vector<8x256xf32>
    %eq3A_1405 = arith.cmpf oeq, %select_n3A_1346, %max3A_1403 : vector<8x256xf32>
    %eq3A_1406 = arith.cmpf oeq, %select_n3A_1349, %max3A_1403 : vector<8x256xf32>
    %eq3A_1407 = arith.cmpf oeq, %select_n3A_1352, %max3A_1403 : vector<8x256xf32>
    %eq3A_1408 = arith.cmpf oeq, %select_n3A_1355, %max3A_1403 : vector<8x256xf32>
    %eq3A_1409 = arith.cmpf oeq, %select_n3A_1358, %max3A_1403 : vector<8x256xf32>
    %eq3A_1410 = arith.cmpf oeq, %select_n3A_1361, %max3A_1403 : vector<8x256xf32>
    %eq3A_1411 = arith.cmpf oeq, %select_n3A_1364, %max3A_1403 : vector<8x256xf32>
    %eq3A_1412 = arith.cmpf oeq, %select_n3A_1367, %max3A_1403 : vector<8x256xf32>
    %eq3A_1413 = arith.cmpf oeq, %select_n3A_1370, %max3A_1403 : vector<8x256xf32>
    %eq3A_1414 = arith.cmpf oeq, %select_n3A_1373, %max3A_1403 : vector<8x256xf32>
    %eq3A_1415 = arith.cmpf oeq, %select_n3A_1376, %max3A_1403 : vector<8x256xf32>
    %eq3A_1416 = arith.cmpf oeq, %select_n3A_1379, %max3A_1403 : vector<8x256xf32>
    %eq3A_1417 = arith.cmpf oeq, %select_n3A_1382, %max3A_1403 : vector<8x256xf32>
    %eq3A_1418 = arith.cmpf oeq, %select_n3A_1385, %max3A_1403 : vector<8x256xf32>
    %eq3A_1419 = arith.cmpf oeq, %select_n3A_1388, %max3A_1403 : vector<8x256xf32>
    %convert_element_type3A_1420 = arith.extui %eq3A_1404 : vector<8x256xi1> to vector<8x256xi32>
    %convert_element_type3A_1421 = arith.sitofp %convert_element_type3A_1420 : vector<8x256xi32> to vector<8x256xf32>
    %convert_element_type3A_1422 = arith.extui %eq3A_1405 : vector<8x256xi1> to vector<8x256xi32>
    %convert_element_type3A_1423 = arith.sitofp %convert_element_type3A_1422 : vector<8x256xi32> to vector<8x256xf32>
    %add3A_1424 = arith.addf %convert_element_type3A_1421, %convert_element_type3A_1423 : vector<8x256xf32>
    %convert_element_type3A_1425 = arith.extui %eq3A_1406 : vector<8x256xi1> to vector<8x256xi32>
    %convert_element_type3A_1426 = arith.sitofp %convert_element_type3A_1425 : vector<8x256xi32> to vector<8x256xf32>
    %add3A_1427 = arith.addf %add3A_1424, %convert_element_type3A_1426 : vector<8x256xf32>
    %convert_element_type3A_1428 = arith.extui %eq3A_1407 : vector<8x256xi1> to vector<8x256xi32>
    %convert_element_type3A_1429 = arith.sitofp %convert_element_type3A_1428 : vector<8x256xi32> to vector<8x256xf32>
    %add3A_1430 = arith.addf %add3A_1427, %convert_element_type3A_1429 : vector<8x256xf32>
    %convert_element_type3A_1431 = arith.extui %eq3A_1408 : vector<8x256xi1> to vector<8x256xi32>
    %convert_element_type3A_1432 = arith.sitofp %convert_element_type3A_1431 : vector<8x256xi32> to vector<8x256xf32>
    %add3A_1433 = arith.addf %add3A_1430, %convert_element_type3A_1432 : vector<8x256xf32>
    %convert_element_type3A_1434 = arith.extui %eq3A_1409 : vector<8x256xi1> to vector<8x256xi32>
    %convert_element_type3A_1435 = arith.sitofp %convert_element_type3A_1434 : vector<8x256xi32> to vector<8x256xf32>
    %add3A_1436 = arith.addf %add3A_1433, %convert_element_type3A_1435 : vector<8x256xf32>
    %convert_element_type3A_1437 = arith.extui %eq3A_1410 : vector<8x256xi1> to vector<8x256xi32>
    %convert_element_type3A_1438 = arith.sitofp %convert_element_type3A_1437 : vector<8x256xi32> to vector<8x256xf32>
    %add3A_1439 = arith.addf %add3A_1436, %convert_element_type3A_1438 : vector<8x256xf32>
    %convert_element_type3A_1440 = arith.extui %eq3A_1411 : vector<8x256xi1> to vector<8x256xi32>
    %convert_element_type3A_1441 = arith.sitofp %convert_element_type3A_1440 : vector<8x256xi32> to vector<8x256xf32>
    %add3A_1442 = arith.addf %add3A_1439, %convert_element_type3A_1441 : vector<8x256xf32>
    %convert_element_type3A_1443 = arith.extui %eq3A_1412 : vector<8x256xi1> to vector<8x256xi32>
    %convert_element_type3A_1444 = arith.sitofp %convert_element_type3A_1443 : vector<8x256xi32> to vector<8x256xf32>
    %add3A_1445 = arith.addf %add3A_1442, %convert_element_type3A_1444 : vector<8x256xf32>
    %convert_element_type3A_1446 = arith.extui %eq3A_1413 : vector<8x256xi1> to vector<8x256xi32>
    %convert_element_type3A_1447 = arith.sitofp %convert_element_type3A_1446 : vector<8x256xi32> to vector<8x256xf32>
    %add3A_1448 = arith.addf %add3A_1445, %convert_element_type3A_1447 : vector<8x256xf32>
    %convert_element_type3A_1449 = arith.extui %eq3A_1414 : vector<8x256xi1> to vector<8x256xi32>
    %convert_element_type3A_1450 = arith.sitofp %convert_element_type3A_1449 : vector<8x256xi32> to vector<8x256xf32>
    %add3A_1451 = arith.addf %add3A_1448, %convert_element_type3A_1450 : vector<8x256xf32>
    %convert_element_type3A_1452 = arith.extui %eq3A_1415 : vector<8x256xi1> to vector<8x256xi32>
    %convert_element_type3A_1453 = arith.sitofp %convert_element_type3A_1452 : vector<8x256xi32> to vector<8x256xf32>
    %add3A_1454 = arith.addf %add3A_1451, %convert_element_type3A_1453 : vector<8x256xf32>
    %convert_element_type3A_1455 = arith.extui %eq3A_1416 : vector<8x256xi1> to vector<8x256xi32>
    %convert_element_type3A_1456 = arith.sitofp %convert_element_type3A_1455 : vector<8x256xi32> to vector<8x256xf32>
    %add3A_1457 = arith.addf %add3A_1454, %convert_element_type3A_1456 : vector<8x256xf32>
    %convert_element_type3A_1458 = arith.extui %eq3A_1417 : vector<8x256xi1> to vector<8x256xi32>
    %convert_element_type3A_1459 = arith.sitofp %convert_element_type3A_1458 : vector<8x256xi32> to vector<8x256xf32>
    %add3A_1460 = arith.addf %add3A_1457, %convert_element_type3A_1459 : vector<8x256xf32>
    %convert_element_type3A_1461 = arith.extui %eq3A_1418 : vector<8x256xi1> to vector<8x256xi32>
    %convert_element_type3A_1462 = arith.sitofp %convert_element_type3A_1461 : vector<8x256xi32> to vector<8x256xf32>
    %add3A_1463 = arith.addf %add3A_1460, %convert_element_type3A_1462 : vector<8x256xf32>
    %convert_element_type3A_1464 = arith.extui %eq3A_1419 : vector<8x256xi1> to vector<8x256xi32>
    %convert_element_type3A_1465 = arith.sitofp %convert_element_type3A_1464 : vector<8x256xi32> to vector<8x256xf32>
    %add3A_1466 = arith.addf %add3A_1463, %convert_element_type3A_1465 : vector<8x256xf32>
    %lt3A_1467 = arith.constant 8.000000e+00 : f32
    %lt3A_1468 = vector.broadcast %lt3A_1467 : f32 to vector<8x256xf32>
    %lt3A_1469 = arith.cmpf olt, %add3A_1340, %lt3A_1468 : vector<8x256xf32>
    %select_n3A_1470 = arith.select %lt3A_1469, %max3A_1403, %select_n3A_1339 : vector<8x256xi1>, vector<8x256xf32>
    %add3A_1471 = arith.addf %add3A_1340, %add3A_1466 : vector<8x256xf32>
    %jit3A_1472 = arith.constant -3.000000e+38 : f32
    %broadcast_in_dim3A_1473 = vector.broadcast %jit3A_1472 : f32 to vector<8x256xf32>
    %select_n3A_1474 = arith.select %eq3A_1404, %broadcast_in_dim3A_1473, %select_n3A_1343 : vector<8x256xi1>, vector<8x256xf32>
    %jit3A_1475 = arith.constant -3.000000e+38 : f32
    %broadcast_in_dim3A_1476 = vector.broadcast %jit3A_1475 : f32 to vector<8x256xf32>
    %select_n3A_1477 = arith.select %eq3A_1405, %broadcast_in_dim3A_1476, %select_n3A_1346 : vector<8x256xi1>, vector<8x256xf32>
    %jit3A_1478 = arith.constant -3.000000e+38 : f32
    %broadcast_in_dim3A_1479 = vector.broadcast %jit3A_1478 : f32 to vector<8x256xf32>
    %select_n3A_1480 = arith.select %eq3A_1406, %broadcast_in_dim3A_1479, %select_n3A_1349 : vector<8x256xi1>, vector<8x256xf32>
    %jit3A_1481 = arith.constant -3.000000e+38 : f32
    %broadcast_in_dim3A_1482 = vector.broadcast %jit3A_1481 : f32 to vector<8x256xf32>
    %select_n3A_1483 = arith.select %eq3A_1407, %broadcast_in_dim3A_1482, %select_n3A_1352 : vector<8x256xi1>, vector<8x256xf32>
    %jit3A_1484 = arith.constant -3.000000e+38 : f32
    %broadcast_in_dim3A_1485 = vector.broadcast %jit3A_1484 : f32 to vector<8x256xf32>
    %select_n3A_1486 = arith.select %eq3A_1408, %broadcast_in_dim3A_1485, %select_n3A_1355 : vector<8x256xi1>, vector<8x256xf32>
    %jit3A_1487 = arith.constant -3.000000e+38 : f32
    %broadcast_in_dim3A_1488 = vector.broadcast %jit3A_1487 : f32 to vector<8x256xf32>
    %select_n3A_1489 = arith.select %eq3A_1409, %broadcast_in_dim3A_1488, %select_n3A_1358 : vector<8x256xi1>, vector<8x256xf32>
    %jit3A_1490 = arith.constant -3.000000e+38 : f32
    %broadcast_in_dim3A_1491 = vector.broadcast %jit3A_1490 : f32 to vector<8x256xf32>
    %select_n3A_1492 = arith.select %eq3A_1410, %broadcast_in_dim3A_1491, %select_n3A_1361 : vector<8x256xi1>, vector<8x256xf32>
    %jit3A_1493 = arith.constant -3.000000e+38 : f32
    %broadcast_in_dim3A_1494 = vector.broadcast %jit3A_1493 : f32 to vector<8x256xf32>
    %select_n3A_1495 = arith.select %eq3A_1411, %broadcast_in_dim3A_1494, %select_n3A_1364 : vector<8x256xi1>, vector<8x256xf32>
    %jit3A_1496 = arith.constant -3.000000e+38 : f32
    %broadcast_in_dim3A_1497 = vector.broadcast %jit3A_1496 : f32 to vector<8x256xf32>
    %select_n3A_1498 = arith.select %eq3A_1412, %broadcast_in_dim3A_1497, %select_n3A_1367 : vector<8x256xi1>, vector<8x256xf32>
    %jit3A_1499 = arith.constant -3.000000e+38 : f32
    %broadcast_in_dim3A_1500 = vector.broadcast %jit3A_1499 : f32 to vector<8x256xf32>
    %select_n3A_1501 = arith.select %eq3A_1413, %broadcast_in_dim3A_1500, %select_n3A_1370 : vector<8x256xi1>, vector<8x256xf32>
    %jit3A_1502 = arith.constant -3.000000e+38 : f32
    %broadcast_in_dim3A_1503 = vector.broadcast %jit3A_1502 : f32 to vector<8x256xf32>
    %select_n3A_1504 = arith.select %eq3A_1414, %broadcast_in_dim3A_1503, %select_n3A_1373 : vector<8x256xi1>, vector<8x256xf32>
    %jit3A_1505 = arith.constant -3.000000e+38 : f32
    %broadcast_in_dim3A_1506 = vector.broadcast %jit3A_1505 : f32 to vector<8x256xf32>
    %select_n3A_1507 = arith.select %eq3A_1415, %broadcast_in_dim3A_1506, %select_n3A_1376 : vector<8x256xi1>, vector<8x256xf32>
    %jit3A_1508 = arith.constant -3.000000e+38 : f32
    %broadcast_in_dim3A_1509 = vector.broadcast %jit3A_1508 : f32 to vector<8x256xf32>
    %select_n3A_1510 = arith.select %eq3A_1416, %broadcast_in_dim3A_1509, %select_n3A_1379 : vector<8x256xi1>, vector<8x256xf32>
    %jit3A_1511 = arith.constant -3.000000e+38 : f32
    %broadcast_in_dim3A_1512 = vector.broadcast %jit3A_1511 : f32 to vector<8x256xf32>
    %select_n3A_1513 = arith.select %eq3A_1417, %broadcast_in_dim3A_1512, %select_n3A_1382 : vector<8x256xi1>, vector<8x256xf32>
    %jit3A_1514 = arith.constant -3.000000e+38 : f32
    %broadcast_in_dim3A_1515 = vector.broadcast %jit3A_1514 : f32 to vector<8x256xf32>
    %select_n3A_1516 = arith.select %eq3A_1418, %broadcast_in_dim3A_1515, %select_n3A_1385 : vector<8x256xi1>, vector<8x256xf32>
    %jit3A_1517 = arith.constant -3.000000e+38 : f32
    %broadcast_in_dim3A_1518 = vector.broadcast %jit3A_1517 : f32 to vector<8x256xf32>
    %select_n3A_1519 = arith.select %eq3A_1419, %broadcast_in_dim3A_1518, %select_n3A_1388 : vector<8x256xi1>, vector<8x256xf32>
    %max3A_1520 = arith.maximumf %select_n3A_1474, %select_n3A_1477 : vector<8x256xf32>
    %max3A_1521 = arith.maximumf %max3A_1520, %select_n3A_1480 : vector<8x256xf32>
    %max3A_1522 = arith.maximumf %max3A_1521, %select_n3A_1483 : vector<8x256xf32>
    %max3A_1523 = arith.maximumf %max3A_1522, %select_n3A_1486 : vector<8x256xf32>
    %max3A_1524 = arith.maximumf %max3A_1523, %select_n3A_1489 : vector<8x256xf32>
    %max3A_1525 = arith.maximumf %max3A_1524, %select_n3A_1492 : vector<8x256xf32>
    %max3A_1526 = arith.maximumf %max3A_1525, %select_n3A_1495 : vector<8x256xf32>
    %max3A_1527 = arith.maximumf %max3A_1526, %select_n3A_1498 : vector<8x256xf32>
    %max3A_1528 = arith.maximumf %max3A_1527, %select_n3A_1501 : vector<8x256xf32>
    %max3A_1529 = arith.maximumf %max3A_1528, %select_n3A_1504 : vector<8x256xf32>
    %max3A_1530 = arith.maximumf %max3A_1529, %select_n3A_1507 : vector<8x256xf32>
    %max3A_1531 = arith.maximumf %max3A_1530, %select_n3A_1510 : vector<8x256xf32>
    %max3A_1532 = arith.maximumf %max3A_1531, %select_n3A_1513 : vector<8x256xf32>
    %max3A_1533 = arith.maximumf %max3A_1532, %select_n3A_1516 : vector<8x256xf32>
    %max3A_1534 = arith.maximumf %max3A_1533, %select_n3A_1519 : vector<8x256xf32>
    %lt3A_1535 = arith.constant 8.000000e+00 : f32
    %lt3A_1536 = vector.broadcast %lt3A_1535 : f32 to vector<8x256xf32>
    %lt3A_1537 = arith.cmpf olt, %add3A_1471, %lt3A_1536 : vector<8x256xf32>
    %select_n3A_1538 = arith.select %lt3A_1537, %max3A_1534, %select_n3A_1470 : vector<8x256xi1>, vector<8x256xf32>
    %ge3A = arith.cmpf oge, %select_n3A_106, %select_n3A_1538 : vector<8x256xf32>
    %jit3A_1539 = arith.constant -1.000000e+30 : f32
    %broadcast_in_dim3A_1540 = vector.broadcast %jit3A_1539 : f32 to vector<8x256xf32>
    %select_n3A_1541 = arith.select %ge3A, %select_n3A_106, %broadcast_in_dim3A_1540 : vector<8x256xi1>, vector<8x256xf32>
    %ge3A_1542 = arith.cmpf oge, %select_n3A_139, %select_n3A_1538 : vector<8x256xf32>
    %jit3A_1543 = arith.constant -1.000000e+30 : f32
    %broadcast_in_dim3A_1544 = vector.broadcast %jit3A_1543 : f32 to vector<8x256xf32>
    %select_n3A_1545 = arith.select %ge3A_1542, %select_n3A_139, %broadcast_in_dim3A_1544 : vector<8x256xi1>, vector<8x256xf32>
    %ge3A_1546 = arith.cmpf oge, %select_n3A_172, %select_n3A_1538 : vector<8x256xf32>
    %jit3A_1547 = arith.constant -1.000000e+30 : f32
    %broadcast_in_dim3A_1548 = vector.broadcast %jit3A_1547 : f32 to vector<8x256xf32>
    %select_n3A_1549 = arith.select %ge3A_1546, %select_n3A_172, %broadcast_in_dim3A_1548 : vector<8x256xi1>, vector<8x256xf32>
    %ge3A_1550 = arith.cmpf oge, %select_n3A_205, %select_n3A_1538 : vector<8x256xf32>
    %jit3A_1551 = arith.constant -1.000000e+30 : f32
    %broadcast_in_dim3A_1552 = vector.broadcast %jit3A_1551 : f32 to vector<8x256xf32>
    %select_n3A_1553 = arith.select %ge3A_1550, %select_n3A_205, %broadcast_in_dim3A_1552 : vector<8x256xi1>, vector<8x256xf32>
    %ge3A_1554 = arith.cmpf oge, %select_n3A_238, %select_n3A_1538 : vector<8x256xf32>
    %jit3A_1555 = arith.constant -1.000000e+30 : f32
    %broadcast_in_dim3A_1556 = vector.broadcast %jit3A_1555 : f32 to vector<8x256xf32>
    %select_n3A_1557 = arith.select %ge3A_1554, %select_n3A_238, %broadcast_in_dim3A_1556 : vector<8x256xi1>, vector<8x256xf32>
    %ge3A_1558 = arith.cmpf oge, %select_n3A_271, %select_n3A_1538 : vector<8x256xf32>
    %jit3A_1559 = arith.constant -1.000000e+30 : f32
    %broadcast_in_dim3A_1560 = vector.broadcast %jit3A_1559 : f32 to vector<8x256xf32>
    %select_n3A_1561 = arith.select %ge3A_1558, %select_n3A_271, %broadcast_in_dim3A_1560 : vector<8x256xi1>, vector<8x256xf32>
    %ge3A_1562 = arith.cmpf oge, %select_n3A_304, %select_n3A_1538 : vector<8x256xf32>
    %jit3A_1563 = arith.constant -1.000000e+30 : f32
    %broadcast_in_dim3A_1564 = vector.broadcast %jit3A_1563 : f32 to vector<8x256xf32>
    %select_n3A_1565 = arith.select %ge3A_1562, %select_n3A_304, %broadcast_in_dim3A_1564 : vector<8x256xi1>, vector<8x256xf32>
    %ge3A_1566 = arith.cmpf oge, %select_n3A_337, %select_n3A_1538 : vector<8x256xf32>
    %jit3A_1567 = arith.constant -1.000000e+30 : f32
    %broadcast_in_dim3A_1568 = vector.broadcast %jit3A_1567 : f32 to vector<8x256xf32>
    %select_n3A_1569 = arith.select %ge3A_1566, %select_n3A_337, %broadcast_in_dim3A_1568 : vector<8x256xi1>, vector<8x256xf32>
    %ge3A_1570 = arith.cmpf oge, %select_n3A_370, %select_n3A_1538 : vector<8x256xf32>
    %jit3A_1571 = arith.constant -1.000000e+30 : f32
    %broadcast_in_dim3A_1572 = vector.broadcast %jit3A_1571 : f32 to vector<8x256xf32>
    %select_n3A_1573 = arith.select %ge3A_1570, %select_n3A_370, %broadcast_in_dim3A_1572 : vector<8x256xi1>, vector<8x256xf32>
    %ge3A_1574 = arith.cmpf oge, %select_n3A_403, %select_n3A_1538 : vector<8x256xf32>
    %jit3A_1575 = arith.constant -1.000000e+30 : f32
    %broadcast_in_dim3A_1576 = vector.broadcast %jit3A_1575 : f32 to vector<8x256xf32>
    %select_n3A_1577 = arith.select %ge3A_1574, %select_n3A_403, %broadcast_in_dim3A_1576 : vector<8x256xi1>, vector<8x256xf32>
    %ge3A_1578 = arith.cmpf oge, %select_n3A_436, %select_n3A_1538 : vector<8x256xf32>
    %jit3A_1579 = arith.constant -1.000000e+30 : f32
    %broadcast_in_dim3A_1580 = vector.broadcast %jit3A_1579 : f32 to vector<8x256xf32>
    %select_n3A_1581 = arith.select %ge3A_1578, %select_n3A_436, %broadcast_in_dim3A_1580 : vector<8x256xi1>, vector<8x256xf32>
    %ge3A_1582 = arith.cmpf oge, %select_n3A_469, %select_n3A_1538 : vector<8x256xf32>
    %jit3A_1583 = arith.constant -1.000000e+30 : f32
    %broadcast_in_dim3A_1584 = vector.broadcast %jit3A_1583 : f32 to vector<8x256xf32>
    %select_n3A_1585 = arith.select %ge3A_1582, %select_n3A_469, %broadcast_in_dim3A_1584 : vector<8x256xi1>, vector<8x256xf32>
    %ge3A_1586 = arith.cmpf oge, %select_n3A_502, %select_n3A_1538 : vector<8x256xf32>
    %jit3A_1587 = arith.constant -1.000000e+30 : f32
    %broadcast_in_dim3A_1588 = vector.broadcast %jit3A_1587 : f32 to vector<8x256xf32>
    %select_n3A_1589 = arith.select %ge3A_1586, %select_n3A_502, %broadcast_in_dim3A_1588 : vector<8x256xi1>, vector<8x256xf32>
    %ge3A_1590 = arith.cmpf oge, %select_n3A_535, %select_n3A_1538 : vector<8x256xf32>
    %jit3A_1591 = arith.constant -1.000000e+30 : f32
    %broadcast_in_dim3A_1592 = vector.broadcast %jit3A_1591 : f32 to vector<8x256xf32>
    %select_n3A_1593 = arith.select %ge3A_1590, %select_n3A_535, %broadcast_in_dim3A_1592 : vector<8x256xi1>, vector<8x256xf32>
    %ge3A_1594 = arith.cmpf oge, %select_n3A_568, %select_n3A_1538 : vector<8x256xf32>
    %jit3A_1595 = arith.constant -1.000000e+30 : f32
    %broadcast_in_dim3A_1596 = vector.broadcast %jit3A_1595 : f32 to vector<8x256xf32>
    %select_n3A_1597 = arith.select %ge3A_1594, %select_n3A_568, %broadcast_in_dim3A_1596 : vector<8x256xi1>, vector<8x256xf32>
    %ge3A_1598 = arith.cmpf oge, %select_n3A_601, %select_n3A_1538 : vector<8x256xf32>
    %jit3A_1599 = arith.constant -1.000000e+30 : f32
    %broadcast_in_dim3A_1600 = vector.broadcast %jit3A_1599 : f32 to vector<8x256xf32>
    %select_n3A_1601 = arith.select %ge3A_1598, %select_n3A_601, %broadcast_in_dim3A_1600 : vector<8x256xi1>, vector<8x256xf32>
    %max3A_1602 = arith.maximumf %select_n3A_1541, %select_n3A_1545 : vector<8x256xf32>
    %max3A_1603 = arith.maximumf %max3A_1602, %select_n3A_1549 : vector<8x256xf32>
    %max3A_1604 = arith.maximumf %max3A_1603, %select_n3A_1553 : vector<8x256xf32>
    %max3A_1605 = arith.maximumf %max3A_1604, %select_n3A_1557 : vector<8x256xf32>
    %max3A_1606 = arith.maximumf %max3A_1605, %select_n3A_1561 : vector<8x256xf32>
    %max3A_1607 = arith.maximumf %max3A_1606, %select_n3A_1565 : vector<8x256xf32>
    %max3A_1608 = arith.maximumf %max3A_1607, %select_n3A_1569 : vector<8x256xf32>
    %max3A_1609 = arith.maximumf %max3A_1608, %select_n3A_1573 : vector<8x256xf32>
    %max3A_1610 = arith.maximumf %max3A_1609, %select_n3A_1577 : vector<8x256xf32>
    %max3A_1611 = arith.maximumf %max3A_1610, %select_n3A_1581 : vector<8x256xf32>
    %max3A_1612 = arith.maximumf %max3A_1611, %select_n3A_1585 : vector<8x256xf32>
    %max3A_1613 = arith.maximumf %max3A_1612, %select_n3A_1589 : vector<8x256xf32>
    %max3A_1614 = arith.maximumf %max3A_1613, %select_n3A_1593 : vector<8x256xf32>
    %max3A_1615 = arith.maximumf %max3A_1614, %select_n3A_1597 : vector<8x256xf32>
    %max3A_1616 = arith.maximumf %max3A_1615, %select_n3A_1601 : vector<8x256xf32>
    %broadcast_in_dim3A_1617 = arith.constant 9.99999971E-10 : f32
    %broadcast_in_dim3A_1618 = vector.broadcast %broadcast_in_dim3A_1617 : f32 to vector<8x256xf32>
    %sub3A_1619 = arith.subf %select_n3A_1541, %max3A_1616 : vector<8x256xf32>
    %exp3A = math.exp %sub3A_1619 : vector<8x256xf32>
    %gt3A = arith.constant -1.000000e+29 : f32
    %gt3A_1620 = vector.broadcast %gt3A : f32 to vector<8x256xf32>
    %gt3A_1621 = arith.cmpf ogt, %select_n3A_1541, %gt3A_1620 : vector<8x256xf32>
    %jit3A_1622 = arith.constant 0.000000e+00 : f32
    %broadcast_in_dim3A_1623 = vector.broadcast %jit3A_1622 : f32 to vector<8x256xf32>
    %select_n3A_1624 = arith.select %gt3A_1621, %exp3A, %broadcast_in_dim3A_1623 : vector<8x256xi1>, vector<8x256xf32>
    %add3A_1625 = arith.addf %broadcast_in_dim3A_1618, %select_n3A_1624 : vector<8x256xf32>
    %sub3A_1626 = arith.subf %select_n3A_1545, %max3A_1616 : vector<8x256xf32>
    %exp3A_1627 = math.exp %sub3A_1626 : vector<8x256xf32>
    %gt3A_1628 = arith.constant -1.000000e+29 : f32
    %gt3A_1629 = vector.broadcast %gt3A_1628 : f32 to vector<8x256xf32>
    %gt3A_1630 = arith.cmpf ogt, %select_n3A_1545, %gt3A_1629 : vector<8x256xf32>
    %jit3A_1631 = arith.constant 0.000000e+00 : f32
    %broadcast_in_dim3A_1632 = vector.broadcast %jit3A_1631 : f32 to vector<8x256xf32>
    %select_n3A_1633 = arith.select %gt3A_1630, %exp3A_1627, %broadcast_in_dim3A_1632 : vector<8x256xi1>, vector<8x256xf32>
    %add3A_1634 = arith.addf %add3A_1625, %select_n3A_1633 : vector<8x256xf32>
    %sub3A_1635 = arith.subf %select_n3A_1549, %max3A_1616 : vector<8x256xf32>
    %exp3A_1636 = math.exp %sub3A_1635 : vector<8x256xf32>
    %gt3A_1637 = arith.constant -1.000000e+29 : f32
    %gt3A_1638 = vector.broadcast %gt3A_1637 : f32 to vector<8x256xf32>
    %gt3A_1639 = arith.cmpf ogt, %select_n3A_1549, %gt3A_1638 : vector<8x256xf32>
    %jit3A_1640 = arith.constant 0.000000e+00 : f32
    %broadcast_in_dim3A_1641 = vector.broadcast %jit3A_1640 : f32 to vector<8x256xf32>
    %select_n3A_1642 = arith.select %gt3A_1639, %exp3A_1636, %broadcast_in_dim3A_1641 : vector<8x256xi1>, vector<8x256xf32>
    %add3A_1643 = arith.addf %add3A_1634, %select_n3A_1642 : vector<8x256xf32>
    %sub3A_1644 = arith.subf %select_n3A_1553, %max3A_1616 : vector<8x256xf32>
    %exp3A_1645 = math.exp %sub3A_1644 : vector<8x256xf32>
    %gt3A_1646 = arith.constant -1.000000e+29 : f32
    %gt3A_1647 = vector.broadcast %gt3A_1646 : f32 to vector<8x256xf32>
    %gt3A_1648 = arith.cmpf ogt, %select_n3A_1553, %gt3A_1647 : vector<8x256xf32>
    %jit3A_1649 = arith.constant 0.000000e+00 : f32
    %broadcast_in_dim3A_1650 = vector.broadcast %jit3A_1649 : f32 to vector<8x256xf32>
    %select_n3A_1651 = arith.select %gt3A_1648, %exp3A_1645, %broadcast_in_dim3A_1650 : vector<8x256xi1>, vector<8x256xf32>
    %add3A_1652 = arith.addf %add3A_1643, %select_n3A_1651 : vector<8x256xf32>
    %sub3A_1653 = arith.subf %select_n3A_1557, %max3A_1616 : vector<8x256xf32>
    %exp3A_1654 = math.exp %sub3A_1653 : vector<8x256xf32>
    %gt3A_1655 = arith.constant -1.000000e+29 : f32
    %gt3A_1656 = vector.broadcast %gt3A_1655 : f32 to vector<8x256xf32>
    %gt3A_1657 = arith.cmpf ogt, %select_n3A_1557, %gt3A_1656 : vector<8x256xf32>
    %jit3A_1658 = arith.constant 0.000000e+00 : f32
    %broadcast_in_dim3A_1659 = vector.broadcast %jit3A_1658 : f32 to vector<8x256xf32>
    %select_n3A_1660 = arith.select %gt3A_1657, %exp3A_1654, %broadcast_in_dim3A_1659 : vector<8x256xi1>, vector<8x256xf32>
    %add3A_1661 = arith.addf %add3A_1652, %select_n3A_1660 : vector<8x256xf32>
    %sub3A_1662 = arith.subf %select_n3A_1561, %max3A_1616 : vector<8x256xf32>
    %exp3A_1663 = math.exp %sub3A_1662 : vector<8x256xf32>
    %gt3A_1664 = arith.constant -1.000000e+29 : f32
    %gt3A_1665 = vector.broadcast %gt3A_1664 : f32 to vector<8x256xf32>
    %gt3A_1666 = arith.cmpf ogt, %select_n3A_1561, %gt3A_1665 : vector<8x256xf32>
    %jit3A_1667 = arith.constant 0.000000e+00 : f32
    %broadcast_in_dim3A_1668 = vector.broadcast %jit3A_1667 : f32 to vector<8x256xf32>
    %select_n3A_1669 = arith.select %gt3A_1666, %exp3A_1663, %broadcast_in_dim3A_1668 : vector<8x256xi1>, vector<8x256xf32>
    %add3A_1670 = arith.addf %add3A_1661, %select_n3A_1669 : vector<8x256xf32>
    %sub3A_1671 = arith.subf %select_n3A_1565, %max3A_1616 : vector<8x256xf32>
    %exp3A_1672 = math.exp %sub3A_1671 : vector<8x256xf32>
    %gt3A_1673 = arith.constant -1.000000e+29 : f32
    %gt3A_1674 = vector.broadcast %gt3A_1673 : f32 to vector<8x256xf32>
    %gt3A_1675 = arith.cmpf ogt, %select_n3A_1565, %gt3A_1674 : vector<8x256xf32>
    %jit3A_1676 = arith.constant 0.000000e+00 : f32
    %broadcast_in_dim3A_1677 = vector.broadcast %jit3A_1676 : f32 to vector<8x256xf32>
    %select_n3A_1678 = arith.select %gt3A_1675, %exp3A_1672, %broadcast_in_dim3A_1677 : vector<8x256xi1>, vector<8x256xf32>
    %add3A_1679 = arith.addf %add3A_1670, %select_n3A_1678 : vector<8x256xf32>
    %sub3A_1680 = arith.subf %select_n3A_1569, %max3A_1616 : vector<8x256xf32>
    %exp3A_1681 = math.exp %sub3A_1680 : vector<8x256xf32>
    %gt3A_1682 = arith.constant -1.000000e+29 : f32
    %gt3A_1683 = vector.broadcast %gt3A_1682 : f32 to vector<8x256xf32>
    %gt3A_1684 = arith.cmpf ogt, %select_n3A_1569, %gt3A_1683 : vector<8x256xf32>
    %jit3A_1685 = arith.constant 0.000000e+00 : f32
    %broadcast_in_dim3A_1686 = vector.broadcast %jit3A_1685 : f32 to vector<8x256xf32>
    %select_n3A_1687 = arith.select %gt3A_1684, %exp3A_1681, %broadcast_in_dim3A_1686 : vector<8x256xi1>, vector<8x256xf32>
    %add3A_1688 = arith.addf %add3A_1679, %select_n3A_1687 : vector<8x256xf32>
    %sub3A_1689 = arith.subf %select_n3A_1573, %max3A_1616 : vector<8x256xf32>
    %exp3A_1690 = math.exp %sub3A_1689 : vector<8x256xf32>
    %gt3A_1691 = arith.constant -1.000000e+29 : f32
    %gt3A_1692 = vector.broadcast %gt3A_1691 : f32 to vector<8x256xf32>
    %gt3A_1693 = arith.cmpf ogt, %select_n3A_1573, %gt3A_1692 : vector<8x256xf32>
    %jit3A_1694 = arith.constant 0.000000e+00 : f32
    %broadcast_in_dim3A_1695 = vector.broadcast %jit3A_1694 : f32 to vector<8x256xf32>
    %select_n3A_1696 = arith.select %gt3A_1693, %exp3A_1690, %broadcast_in_dim3A_1695 : vector<8x256xi1>, vector<8x256xf32>
    %add3A_1697 = arith.addf %add3A_1688, %select_n3A_1696 : vector<8x256xf32>
    %sub3A_1698 = arith.subf %select_n3A_1577, %max3A_1616 : vector<8x256xf32>
    %exp3A_1699 = math.exp %sub3A_1698 : vector<8x256xf32>
    %gt3A_1700 = arith.constant -1.000000e+29 : f32
    %gt3A_1701 = vector.broadcast %gt3A_1700 : f32 to vector<8x256xf32>
    %gt3A_1702 = arith.cmpf ogt, %select_n3A_1577, %gt3A_1701 : vector<8x256xf32>
    %jit3A_1703 = arith.constant 0.000000e+00 : f32
    %broadcast_in_dim3A_1704 = vector.broadcast %jit3A_1703 : f32 to vector<8x256xf32>
    %select_n3A_1705 = arith.select %gt3A_1702, %exp3A_1699, %broadcast_in_dim3A_1704 : vector<8x256xi1>, vector<8x256xf32>
    %add3A_1706 = arith.addf %add3A_1697, %select_n3A_1705 : vector<8x256xf32>
    %sub3A_1707 = arith.subf %select_n3A_1581, %max3A_1616 : vector<8x256xf32>
    %exp3A_1708 = math.exp %sub3A_1707 : vector<8x256xf32>
    %gt3A_1709 = arith.constant -1.000000e+29 : f32
    %gt3A_1710 = vector.broadcast %gt3A_1709 : f32 to vector<8x256xf32>
    %gt3A_1711 = arith.cmpf ogt, %select_n3A_1581, %gt3A_1710 : vector<8x256xf32>
    %jit3A_1712 = arith.constant 0.000000e+00 : f32
    %broadcast_in_dim3A_1713 = vector.broadcast %jit3A_1712 : f32 to vector<8x256xf32>
    %select_n3A_1714 = arith.select %gt3A_1711, %exp3A_1708, %broadcast_in_dim3A_1713 : vector<8x256xi1>, vector<8x256xf32>
    %add3A_1715 = arith.addf %add3A_1706, %select_n3A_1714 : vector<8x256xf32>
    %sub3A_1716 = arith.subf %select_n3A_1585, %max3A_1616 : vector<8x256xf32>
    %exp3A_1717 = math.exp %sub3A_1716 : vector<8x256xf32>
    %gt3A_1718 = arith.constant -1.000000e+29 : f32
    %gt3A_1719 = vector.broadcast %gt3A_1718 : f32 to vector<8x256xf32>
    %gt3A_1720 = arith.cmpf ogt, %select_n3A_1585, %gt3A_1719 : vector<8x256xf32>
    %jit3A_1721 = arith.constant 0.000000e+00 : f32
    %broadcast_in_dim3A_1722 = vector.broadcast %jit3A_1721 : f32 to vector<8x256xf32>
    %select_n3A_1723 = arith.select %gt3A_1720, %exp3A_1717, %broadcast_in_dim3A_1722 : vector<8x256xi1>, vector<8x256xf32>
    %add3A_1724 = arith.addf %add3A_1715, %select_n3A_1723 : vector<8x256xf32>
    %sub3A_1725 = arith.subf %select_n3A_1589, %max3A_1616 : vector<8x256xf32>
    %exp3A_1726 = math.exp %sub3A_1725 : vector<8x256xf32>
    %gt3A_1727 = arith.constant -1.000000e+29 : f32
    %gt3A_1728 = vector.broadcast %gt3A_1727 : f32 to vector<8x256xf32>
    %gt3A_1729 = arith.cmpf ogt, %select_n3A_1589, %gt3A_1728 : vector<8x256xf32>
    %jit3A_1730 = arith.constant 0.000000e+00 : f32
    %broadcast_in_dim3A_1731 = vector.broadcast %jit3A_1730 : f32 to vector<8x256xf32>
    %select_n3A_1732 = arith.select %gt3A_1729, %exp3A_1726, %broadcast_in_dim3A_1731 : vector<8x256xi1>, vector<8x256xf32>
    %add3A_1733 = arith.addf %add3A_1724, %select_n3A_1732 : vector<8x256xf32>
    %sub3A_1734 = arith.subf %select_n3A_1593, %max3A_1616 : vector<8x256xf32>
    %exp3A_1735 = math.exp %sub3A_1734 : vector<8x256xf32>
    %gt3A_1736 = arith.constant -1.000000e+29 : f32
    %gt3A_1737 = vector.broadcast %gt3A_1736 : f32 to vector<8x256xf32>
    %gt3A_1738 = arith.cmpf ogt, %select_n3A_1593, %gt3A_1737 : vector<8x256xf32>
    %jit3A_1739 = arith.constant 0.000000e+00 : f32
    %broadcast_in_dim3A_1740 = vector.broadcast %jit3A_1739 : f32 to vector<8x256xf32>
    %select_n3A_1741 = arith.select %gt3A_1738, %exp3A_1735, %broadcast_in_dim3A_1740 : vector<8x256xi1>, vector<8x256xf32>
    %add3A_1742 = arith.addf %add3A_1733, %select_n3A_1741 : vector<8x256xf32>
    %sub3A_1743 = arith.subf %select_n3A_1597, %max3A_1616 : vector<8x256xf32>
    %exp3A_1744 = math.exp %sub3A_1743 : vector<8x256xf32>
    %gt3A_1745 = arith.constant -1.000000e+29 : f32
    %gt3A_1746 = vector.broadcast %gt3A_1745 : f32 to vector<8x256xf32>
    %gt3A_1747 = arith.cmpf ogt, %select_n3A_1597, %gt3A_1746 : vector<8x256xf32>
    %jit3A_1748 = arith.constant 0.000000e+00 : f32
    %broadcast_in_dim3A_1749 = vector.broadcast %jit3A_1748 : f32 to vector<8x256xf32>
    %select_n3A_1750 = arith.select %gt3A_1747, %exp3A_1744, %broadcast_in_dim3A_1749 : vector<8x256xi1>, vector<8x256xf32>
    %add3A_1751 = arith.addf %add3A_1742, %select_n3A_1750 : vector<8x256xf32>
    %sub3A_1752 = arith.subf %select_n3A_1601, %max3A_1616 : vector<8x256xf32>
    %exp3A_1753 = math.exp %sub3A_1752 : vector<8x256xf32>
    %gt3A_1754 = arith.constant -1.000000e+29 : f32
    %gt3A_1755 = vector.broadcast %gt3A_1754 : f32 to vector<8x256xf32>
    %gt3A_1756 = arith.cmpf ogt, %select_n3A_1601, %gt3A_1755 : vector<8x256xf32>
    %jit3A_1757 = arith.constant 0.000000e+00 : f32
    %broadcast_in_dim3A_1758 = vector.broadcast %jit3A_1757 : f32 to vector<8x256xf32>
    %select_n3A_1759 = arith.select %gt3A_1756, %exp3A_1753, %broadcast_in_dim3A_1758 : vector<8x256xi1>, vector<8x256xf32>
    %add3A_1760 = arith.addf %add3A_1751, %select_n3A_1759 : vector<8x256xf32>
    %div3A_1761 = arith.constant 1.000000e+00 : f32
    %div3A_1762 = vector.broadcast %div3A_1761 : f32 to vector<8x256xf32>
    %div3A_1763 = arith.divf %div3A_1762, %add3A_1760 : vector<8x256xf32>
    %broadcast_in_dim3A_1764 = arith.constant 0.000000e+00 : f32
    %broadcast_in_dim3A_1765 = vector.broadcast %broadcast_in_dim3A_1764 : f32 to vector<256x192xf32>
    %broadcast_in_dim3A_1766 = arith.constant 0.000000e+00 : f32
    %broadcast_in_dim3A_1767 = vector.broadcast %broadcast_in_dim3A_1766 : f32 to vector<256x192xf32>
    %mul3A_1768 = arith.mulf %select_n3A_1624, %div3A_1763 : vector<8x256xf32>
    %dot_general3A_1769 = arith.constant dense<0.000000e+00> : vector<256x384xf32>
    %dot_general3A_1770 = tpu.matmul %mul3A_1768, %select_n3A_66, %dot_general3A_1769 {dimension_numbers = #tpu.dot_dimension_numbers<[0], [0], [1], [1], [0, 1, 1, 1], [], []>, transpose_lhs_hint = false} : vector<8x256xf32>, vector<8x384xf32>, vector<256x384xf32> -> vector<256x384xf32>
    %get3A_1771 = arith.constant 0 : index
    %get3A_1772 = arith.constant 0 : index
    %get3A_1773 = arith.constant 0 : index
    %get3A_1774 = vector.load %arg4[%get3A_1771, %get3A_1772, %get3A_1773] : memref<16x256x384xi32, #tpu.memory_space<vmem>>, vector<1x256x384xi32>
    %get3A_1775 = vector.shape_cast %get3A_1774 : vector<1x256x384xi32> to vector<256x384xi32>
    %slice3A_1776 = vector.extract_strided_slice %get3A_1775 {offsets = [0, 192], sizes = [256, 192], strides = [1, 1]} : vector<256x384xi32> to vector<256x192xi32>
    %shift_left3A_1777 = arith.constant 16 : i32
    %shift_left3A_1778 = vector.broadcast %shift_left3A_1777 : i32 to vector<256x192xi32>
    %shift_left3A_1779 = arith.shli %slice3A_1776, %shift_left3A_1778 : vector<256x192xi32>
    %bitcast_convert_type3A_1780 = tpu.bitcast %shift_left3A_1779 : vector<256x192xi32> -> vector<256x192xf32>
    %and3A_1781 = arith.constant -65536 : i32
    %and3A_1782 = vector.broadcast %and3A_1781 : i32 to vector<256x192xi32>
    %and3A_1783 = arith.andi %slice3A_1776, %and3A_1782 : vector<256x192xi32>
    %bitcast_convert_type3A_1784 = tpu.bitcast %and3A_1783 : vector<256x192xi32> -> vector<256x192xf32>
    %slice3A_1785 = vector.extract_strided_slice %dot_general3A_1770 {offsets = [0, 0], sizes = [256, 192], strides = [1, 1]} : vector<256x384xf32> to vector<256x192xf32>
    %mul3A_1786 = arith.mulf %slice3A_1785, %bitcast_convert_type3A_1780 : vector<256x192xf32>
    %add3A_1787 = arith.addf %broadcast_in_dim3A_1765, %mul3A_1786 : vector<256x192xf32>
    %slice3A_1788 = vector.extract_strided_slice %dot_general3A_1770 {offsets = [0, 192], sizes = [256, 192], strides = [1, 1]} : vector<256x384xf32> to vector<256x192xf32>
    %mul3A_1789 = arith.mulf %slice3A_1788, %bitcast_convert_type3A_1784 : vector<256x192xf32>
    %add3A_1790 = arith.addf %broadcast_in_dim3A_1767, %mul3A_1789 : vector<256x192xf32>
    %mul3A_1791 = arith.mulf %select_n3A_1633, %div3A_1763 : vector<8x256xf32>
    %dot_general3A_1792 = arith.constant dense<0.000000e+00> : vector<256x384xf32>
    %dot_general3A_1793 = tpu.matmul %mul3A_1791, %select_n3A_66, %dot_general3A_1792 {dimension_numbers = #tpu.dot_dimension_numbers<[0], [0], [1], [1], [0, 1, 1, 1], [], []>, transpose_lhs_hint = false} : vector<8x256xf32>, vector<8x384xf32>, vector<256x384xf32> -> vector<256x384xf32>
    %get3A_1794 = arith.constant 1 : index
    %get3A_1795 = arith.constant 0 : index
    %get3A_1796 = arith.constant 0 : index
    %get3A_1797 = vector.load %arg4[%get3A_1794, %get3A_1795, %get3A_1796] : memref<16x256x384xi32, #tpu.memory_space<vmem>>, vector<1x256x384xi32>
    %get3A_1798 = vector.shape_cast %get3A_1797 : vector<1x256x384xi32> to vector<256x384xi32>
    %slice3A_1799 = vector.extract_strided_slice %get3A_1798 {offsets = [0, 192], sizes = [256, 192], strides = [1, 1]} : vector<256x384xi32> to vector<256x192xi32>
    %shift_left3A_1800 = arith.constant 16 : i32
    %shift_left3A_1801 = vector.broadcast %shift_left3A_1800 : i32 to vector<256x192xi32>
    %shift_left3A_1802 = arith.shli %slice3A_1799, %shift_left3A_1801 : vector<256x192xi32>
    %bitcast_convert_type3A_1803 = tpu.bitcast %shift_left3A_1802 : vector<256x192xi32> -> vector<256x192xf32>
    %and3A_1804 = arith.constant -65536 : i32
    %and3A_1805 = vector.broadcast %and3A_1804 : i32 to vector<256x192xi32>
    %and3A_1806 = arith.andi %slice3A_1799, %and3A_1805 : vector<256x192xi32>
    %bitcast_convert_type3A_1807 = tpu.bitcast %and3A_1806 : vector<256x192xi32> -> vector<256x192xf32>
    %slice3A_1808 = vector.extract_strided_slice %dot_general3A_1793 {offsets = [0, 0], sizes = [256, 192], strides = [1, 1]} : vector<256x384xf32> to vector<256x192xf32>
    %mul3A_1809 = arith.mulf %slice3A_1808, %bitcast_convert_type3A_1803 : vector<256x192xf32>
    %add3A_1810 = arith.addf %add3A_1787, %mul3A_1809 : vector<256x192xf32>
    %slice3A_1811 = vector.extract_strided_slice %dot_general3A_1793 {offsets = [0, 192], sizes = [256, 192], strides = [1, 1]} : vector<256x384xf32> to vector<256x192xf32>
    %mul3A_1812 = arith.mulf %slice3A_1811, %bitcast_convert_type3A_1807 : vector<256x192xf32>
    %add3A_1813 = arith.addf %add3A_1790, %mul3A_1812 : vector<256x192xf32>
    %mul3A_1814 = arith.mulf %select_n3A_1642, %div3A_1763 : vector<8x256xf32>
    %dot_general3A_1815 = arith.constant dense<0.000000e+00> : vector<256x384xf32>
    %dot_general3A_1816 = tpu.matmul %mul3A_1814, %select_n3A_66, %dot_general3A_1815 {dimension_numbers = #tpu.dot_dimension_numbers<[0], [0], [1], [1], [0, 1, 1, 1], [], []>, transpose_lhs_hint = false} : vector<8x256xf32>, vector<8x384xf32>, vector<256x384xf32> -> vector<256x384xf32>
    %get3A_1817 = arith.constant 2 : index
    %get3A_1818 = arith.constant 0 : index
    %get3A_1819 = arith.constant 0 : index
    %get3A_1820 = vector.load %arg4[%get3A_1817, %get3A_1818, %get3A_1819] : memref<16x256x384xi32, #tpu.memory_space<vmem>>, vector<1x256x384xi32>
    %get3A_1821 = vector.shape_cast %get3A_1820 : vector<1x256x384xi32> to vector<256x384xi32>
    %slice3A_1822 = vector.extract_strided_slice %get3A_1821 {offsets = [0, 192], sizes = [256, 192], strides = [1, 1]} : vector<256x384xi32> to vector<256x192xi32>
    %shift_left3A_1823 = arith.constant 16 : i32
    %shift_left3A_1824 = vector.broadcast %shift_left3A_1823 : i32 to vector<256x192xi32>
    %shift_left3A_1825 = arith.shli %slice3A_1822, %shift_left3A_1824 : vector<256x192xi32>
    %bitcast_convert_type3A_1826 = tpu.bitcast %shift_left3A_1825 : vector<256x192xi32> -> vector<256x192xf32>
    %and3A_1827 = arith.constant -65536 : i32
    %and3A_1828 = vector.broadcast %and3A_1827 : i32 to vector<256x192xi32>
    %and3A_1829 = arith.andi %slice3A_1822, %and3A_1828 : vector<256x192xi32>
    %bitcast_convert_type3A_1830 = tpu.bitcast %and3A_1829 : vector<256x192xi32> -> vector<256x192xf32>
    %slice3A_1831 = vector.extract_strided_slice %dot_general3A_1816 {offsets = [0, 0], sizes = [256, 192], strides = [1, 1]} : vector<256x384xf32> to vector<256x192xf32>
    %mul3A_1832 = arith.mulf %slice3A_1831, %bitcast_convert_type3A_1826 : vector<256x192xf32>
    %add3A_1833 = arith.addf %add3A_1810, %mul3A_1832 : vector<256x192xf32>
    %slice3A_1834 = vector.extract_strided_slice %dot_general3A_1816 {offsets = [0, 192], sizes = [256, 192], strides = [1, 1]} : vector<256x384xf32> to vector<256x192xf32>
    %mul3A_1835 = arith.mulf %slice3A_1834, %bitcast_convert_type3A_1830 : vector<256x192xf32>
    %add3A_1836 = arith.addf %add3A_1813, %mul3A_1835 : vector<256x192xf32>
    %mul3A_1837 = arith.mulf %select_n3A_1651, %div3A_1763 : vector<8x256xf32>
    %dot_general3A_1838 = arith.constant dense<0.000000e+00> : vector<256x384xf32>
    %dot_general3A_1839 = tpu.matmul %mul3A_1837, %select_n3A_66, %dot_general3A_1838 {dimension_numbers = #tpu.dot_dimension_numbers<[0], [0], [1], [1], [0, 1, 1, 1], [], []>, transpose_lhs_hint = false} : vector<8x256xf32>, vector<8x384xf32>, vector<256x384xf32> -> vector<256x384xf32>
    %get3A_1840 = arith.constant 3 : index
    %get3A_1841 = arith.constant 0 : index
    %get3A_1842 = arith.constant 0 : index
    %get3A_1843 = vector.load %arg4[%get3A_1840, %get3A_1841, %get3A_1842] : memref<16x256x384xi32, #tpu.memory_space<vmem>>, vector<1x256x384xi32>
    %get3A_1844 = vector.shape_cast %get3A_1843 : vector<1x256x384xi32> to vector<256x384xi32>
    %slice3A_1845 = vector.extract_strided_slice %get3A_1844 {offsets = [0, 192], sizes = [256, 192], strides = [1, 1]} : vector<256x384xi32> to vector<256x192xi32>
    %shift_left3A_1846 = arith.constant 16 : i32
    %shift_left3A_1847 = vector.broadcast %shift_left3A_1846 : i32 to vector<256x192xi32>
    %shift_left3A_1848 = arith.shli %slice3A_1845, %shift_left3A_1847 : vector<256x192xi32>
    %bitcast_convert_type3A_1849 = tpu.bitcast %shift_left3A_1848 : vector<256x192xi32> -> vector<256x192xf32>
    %and3A_1850 = arith.constant -65536 : i32
    %and3A_1851 = vector.broadcast %and3A_1850 : i32 to vector<256x192xi32>
    %and3A_1852 = arith.andi %slice3A_1845, %and3A_1851 : vector<256x192xi32>
    %bitcast_convert_type3A_1853 = tpu.bitcast %and3A_1852 : vector<256x192xi32> -> vector<256x192xf32>
    %slice3A_1854 = vector.extract_strided_slice %dot_general3A_1839 {offsets = [0, 0], sizes = [256, 192], strides = [1, 1]} : vector<256x384xf32> to vector<256x192xf32>
    %mul3A_1855 = arith.mulf %slice3A_1854, %bitcast_convert_type3A_1849 : vector<256x192xf32>
    %add3A_1856 = arith.addf %add3A_1833, %mul3A_1855 : vector<256x192xf32>
    %slice3A_1857 = vector.extract_strided_slice %dot_general3A_1839 {offsets = [0, 192], sizes = [256, 192], strides = [1, 1]} : vector<256x384xf32> to vector<256x192xf32>
    %mul3A_1858 = arith.mulf %slice3A_1857, %bitcast_convert_type3A_1853 : vector<256x192xf32>
    %add3A_1859 = arith.addf %add3A_1836, %mul3A_1858 : vector<256x192xf32>
    %mul3A_1860 = arith.mulf %select_n3A_1660, %div3A_1763 : vector<8x256xf32>
    %dot_general3A_1861 = arith.constant dense<0.000000e+00> : vector<256x384xf32>
    %dot_general3A_1862 = tpu.matmul %mul3A_1860, %select_n3A_66, %dot_general3A_1861 {dimension_numbers = #tpu.dot_dimension_numbers<[0], [0], [1], [1], [0, 1, 1, 1], [], []>, transpose_lhs_hint = false} : vector<8x256xf32>, vector<8x384xf32>, vector<256x384xf32> -> vector<256x384xf32>
    %get3A_1863 = arith.constant 4 : index
    %get3A_1864 = arith.constant 0 : index
    %get3A_1865 = arith.constant 0 : index
    %get3A_1866 = vector.load %arg4[%get3A_1863, %get3A_1864, %get3A_1865] : memref<16x256x384xi32, #tpu.memory_space<vmem>>, vector<1x256x384xi32>
    %get3A_1867 = vector.shape_cast %get3A_1866 : vector<1x256x384xi32> to vector<256x384xi32>
    %slice3A_1868 = vector.extract_strided_slice %get3A_1867 {offsets = [0, 192], sizes = [256, 192], strides = [1, 1]} : vector<256x384xi32> to vector<256x192xi32>
    %shift_left3A_1869 = arith.constant 16 : i32
    %shift_left3A_1870 = vector.broadcast %shift_left3A_1869 : i32 to vector<256x192xi32>
    %shift_left3A_1871 = arith.shli %slice3A_1868, %shift_left3A_1870 : vector<256x192xi32>
    %bitcast_convert_type3A_1872 = tpu.bitcast %shift_left3A_1871 : vector<256x192xi32> -> vector<256x192xf32>
    %and3A_1873 = arith.constant -65536 : i32
    %and3A_1874 = vector.broadcast %and3A_1873 : i32 to vector<256x192xi32>
    %and3A_1875 = arith.andi %slice3A_1868, %and3A_1874 : vector<256x192xi32>
    %bitcast_convert_type3A_1876 = tpu.bitcast %and3A_1875 : vector<256x192xi32> -> vector<256x192xf32>
    %slice3A_1877 = vector.extract_strided_slice %dot_general3A_1862 {offsets = [0, 0], sizes = [256, 192], strides = [1, 1]} : vector<256x384xf32> to vector<256x192xf32>
    %mul3A_1878 = arith.mulf %slice3A_1877, %bitcast_convert_type3A_1872 : vector<256x192xf32>
    %add3A_1879 = arith.addf %add3A_1856, %mul3A_1878 : vector<256x192xf32>
    %slice3A_1880 = vector.extract_strided_slice %dot_general3A_1862 {offsets = [0, 192], sizes = [256, 192], strides = [1, 1]} : vector<256x384xf32> to vector<256x192xf32>
    %mul3A_1881 = arith.mulf %slice3A_1880, %bitcast_convert_type3A_1876 : vector<256x192xf32>
    %add3A_1882 = arith.addf %add3A_1859, %mul3A_1881 : vector<256x192xf32>
    %mul3A_1883 = arith.mulf %select_n3A_1669, %div3A_1763 : vector<8x256xf32>
    %dot_general3A_1884 = arith.constant dense<0.000000e+00> : vector<256x384xf32>
    %dot_general3A_1885 = tpu.matmul %mul3A_1883, %select_n3A_66, %dot_general3A_1884 {dimension_numbers = #tpu.dot_dimension_numbers<[0], [0], [1], [1], [0, 1, 1, 1], [], []>, transpose_lhs_hint = false} : vector<8x256xf32>, vector<8x384xf32>, vector<256x384xf32> -> vector<256x384xf32>
    %get3A_1886 = arith.constant 5 : index
    %get3A_1887 = arith.constant 0 : index
    %get3A_1888 = arith.constant 0 : index
    %get3A_1889 = vector.load %arg4[%get3A_1886, %get3A_1887, %get3A_1888] : memref<16x256x384xi32, #tpu.memory_space<vmem>>, vector<1x256x384xi32>
    %get3A_1890 = vector.shape_cast %get3A_1889 : vector<1x256x384xi32> to vector<256x384xi32>
    %slice3A_1891 = vector.extract_strided_slice %get3A_1890 {offsets = [0, 192], sizes = [256, 192], strides = [1, 1]} : vector<256x384xi32> to vector<256x192xi32>
    %shift_left3A_1892 = arith.constant 16 : i32
    %shift_left3A_1893 = vector.broadcast %shift_left3A_1892 : i32 to vector<256x192xi32>
    %shift_left3A_1894 = arith.shli %slice3A_1891, %shift_left3A_1893 : vector<256x192xi32>
    %bitcast_convert_type3A_1895 = tpu.bitcast %shift_left3A_1894 : vector<256x192xi32> -> vector<256x192xf32>
    %and3A_1896 = arith.constant -65536 : i32
    %and3A_1897 = vector.broadcast %and3A_1896 : i32 to vector<256x192xi32>
    %and3A_1898 = arith.andi %slice3A_1891, %and3A_1897 : vector<256x192xi32>
    %bitcast_convert_type3A_1899 = tpu.bitcast %and3A_1898 : vector<256x192xi32> -> vector<256x192xf32>
    %slice3A_1900 = vector.extract_strided_slice %dot_general3A_1885 {offsets = [0, 0], sizes = [256, 192], strides = [1, 1]} : vector<256x384xf32> to vector<256x192xf32>
    %mul3A_1901 = arith.mulf %slice3A_1900, %bitcast_convert_type3A_1895 : vector<256x192xf32>
    %add3A_1902 = arith.addf %add3A_1879, %mul3A_1901 : vector<256x192xf32>
    %slice3A_1903 = vector.extract_strided_slice %dot_general3A_1885 {offsets = [0, 192], sizes = [256, 192], strides = [1, 1]} : vector<256x384xf32> to vector<256x192xf32>
    %mul3A_1904 = arith.mulf %slice3A_1903, %bitcast_convert_type3A_1899 : vector<256x192xf32>
    %add3A_1905 = arith.addf %add3A_1882, %mul3A_1904 : vector<256x192xf32>
    %mul3A_1906 = arith.mulf %select_n3A_1678, %div3A_1763 : vector<8x256xf32>
    %dot_general3A_1907 = arith.constant dense<0.000000e+00> : vector<256x384xf32>
    %dot_general3A_1908 = tpu.matmul %mul3A_1906, %select_n3A_66, %dot_general3A_1907 {dimension_numbers = #tpu.dot_dimension_numbers<[0], [0], [1], [1], [0, 1, 1, 1], [], []>, transpose_lhs_hint = false} : vector<8x256xf32>, vector<8x384xf32>, vector<256x384xf32> -> vector<256x384xf32>
    %get3A_1909 = arith.constant 6 : index
    %get3A_1910 = arith.constant 0 : index
    %get3A_1911 = arith.constant 0 : index
    %get3A_1912 = vector.load %arg4[%get3A_1909, %get3A_1910, %get3A_1911] : memref<16x256x384xi32, #tpu.memory_space<vmem>>, vector<1x256x384xi32>
    %get3A_1913 = vector.shape_cast %get3A_1912 : vector<1x256x384xi32> to vector<256x384xi32>
    %slice3A_1914 = vector.extract_strided_slice %get3A_1913 {offsets = [0, 192], sizes = [256, 192], strides = [1, 1]} : vector<256x384xi32> to vector<256x192xi32>
    %shift_left3A_1915 = arith.constant 16 : i32
    %shift_left3A_1916 = vector.broadcast %shift_left3A_1915 : i32 to vector<256x192xi32>
    %shift_left3A_1917 = arith.shli %slice3A_1914, %shift_left3A_1916 : vector<256x192xi32>
    %bitcast_convert_type3A_1918 = tpu.bitcast %shift_left3A_1917 : vector<256x192xi32> -> vector<256x192xf32>
    %and3A_1919 = arith.constant -65536 : i32
    %and3A_1920 = vector.broadcast %and3A_1919 : i32 to vector<256x192xi32>
    %and3A_1921 = arith.andi %slice3A_1914, %and3A_1920 : vector<256x192xi32>
    %bitcast_convert_type3A_1922 = tpu.bitcast %and3A_1921 : vector<256x192xi32> -> vector<256x192xf32>
    %slice3A_1923 = vector.extract_strided_slice %dot_general3A_1908 {offsets = [0, 0], sizes = [256, 192], strides = [1, 1]} : vector<256x384xf32> to vector<256x192xf32>
    %mul3A_1924 = arith.mulf %slice3A_1923, %bitcast_convert_type3A_1918 : vector<256x192xf32>
    %add3A_1925 = arith.addf %add3A_1902, %mul3A_1924 : vector<256x192xf32>
    %slice3A_1926 = vector.extract_strided_slice %dot_general3A_1908 {offsets = [0, 192], sizes = [256, 192], strides = [1, 1]} : vector<256x384xf32> to vector<256x192xf32>
    %mul3A_1927 = arith.mulf %slice3A_1926, %bitcast_convert_type3A_1922 : vector<256x192xf32>
    %add3A_1928 = arith.addf %add3A_1905, %mul3A_1927 : vector<256x192xf32>
    %mul3A_1929 = arith.mulf %select_n3A_1687, %div3A_1763 : vector<8x256xf32>
    %dot_general3A_1930 = arith.constant dense<0.000000e+00> : vector<256x384xf32>
    %dot_general3A_1931 = tpu.matmul %mul3A_1929, %select_n3A_66, %dot_general3A_1930 {dimension_numbers = #tpu.dot_dimension_numbers<[0], [0], [1], [1], [0, 1, 1, 1], [], []>, transpose_lhs_hint = false} : vector<8x256xf32>, vector<8x384xf32>, vector<256x384xf32> -> vector<256x384xf32>
    %get3A_1932 = arith.constant 7 : index
    %get3A_1933 = arith.constant 0 : index
    %get3A_1934 = arith.constant 0 : index
    %get3A_1935 = vector.load %arg4[%get3A_1932, %get3A_1933, %get3A_1934] : memref<16x256x384xi32, #tpu.memory_space<vmem>>, vector<1x256x384xi32>
    %get3A_1936 = vector.shape_cast %get3A_1935 : vector<1x256x384xi32> to vector<256x384xi32>
    %slice3A_1937 = vector.extract_strided_slice %get3A_1936 {offsets = [0, 192], sizes = [256, 192], strides = [1, 1]} : vector<256x384xi32> to vector<256x192xi32>
    %shift_left3A_1938 = arith.constant 16 : i32
    %shift_left3A_1939 = vector.broadcast %shift_left3A_1938 : i32 to vector<256x192xi32>
    %shift_left3A_1940 = arith.shli %slice3A_1937, %shift_left3A_1939 : vector<256x192xi32>
    %bitcast_convert_type3A_1941 = tpu.bitcast %shift_left3A_1940 : vector<256x192xi32> -> vector<256x192xf32>
    %and3A_1942 = arith.constant -65536 : i32
    %and3A_1943 = vector.broadcast %and3A_1942 : i32 to vector<256x192xi32>
    %and3A_1944 = arith.andi %slice3A_1937, %and3A_1943 : vector<256x192xi32>
    %bitcast_convert_type3A_1945 = tpu.bitcast %and3A_1944 : vector<256x192xi32> -> vector<256x192xf32>
    %slice3A_1946 = vector.extract_strided_slice %dot_general3A_1931 {offsets = [0, 0], sizes = [256, 192], strides = [1, 1]} : vector<256x384xf32> to vector<256x192xf32>
    %mul3A_1947 = arith.mulf %slice3A_1946, %bitcast_convert_type3A_1941 : vector<256x192xf32>
    %add3A_1948 = arith.addf %add3A_1925, %mul3A_1947 : vector<256x192xf32>
    %slice3A_1949 = vector.extract_strided_slice %dot_general3A_1931 {offsets = [0, 192], sizes = [256, 192], strides = [1, 1]} : vector<256x384xf32> to vector<256x192xf32>
    %mul3A_1950 = arith.mulf %slice3A_1949, %bitcast_convert_type3A_1945 : vector<256x192xf32>
    %add3A_1951 = arith.addf %add3A_1928, %mul3A_1950 : vector<256x192xf32>
    %mul3A_1952 = arith.mulf %select_n3A_1696, %div3A_1763 : vector<8x256xf32>
    %dot_general3A_1953 = arith.constant dense<0.000000e+00> : vector<256x384xf32>
    %dot_general3A_1954 = tpu.matmul %mul3A_1952, %select_n3A_66, %dot_general3A_1953 {dimension_numbers = #tpu.dot_dimension_numbers<[0], [0], [1], [1], [0, 1, 1, 1], [], []>, transpose_lhs_hint = false} : vector<8x256xf32>, vector<8x384xf32>, vector<256x384xf32> -> vector<256x384xf32>
    %get3A_1955 = arith.constant 8 : index
    %get3A_1956 = arith.constant 0 : index
    %get3A_1957 = arith.constant 0 : index
    %get3A_1958 = vector.load %arg4[%get3A_1955, %get3A_1956, %get3A_1957] : memref<16x256x384xi32, #tpu.memory_space<vmem>>, vector<1x256x384xi32>
    %get3A_1959 = vector.shape_cast %get3A_1958 : vector<1x256x384xi32> to vector<256x384xi32>
    %slice3A_1960 = vector.extract_strided_slice %get3A_1959 {offsets = [0, 192], sizes = [256, 192], strides = [1, 1]} : vector<256x384xi32> to vector<256x192xi32>
    %shift_left3A_1961 = arith.constant 16 : i32
    %shift_left3A_1962 = vector.broadcast %shift_left3A_1961 : i32 to vector<256x192xi32>
    %shift_left3A_1963 = arith.shli %slice3A_1960, %shift_left3A_1962 : vector<256x192xi32>
    %bitcast_convert_type3A_1964 = tpu.bitcast %shift_left3A_1963 : vector<256x192xi32> -> vector<256x192xf32>
    %and3A_1965 = arith.constant -65536 : i32
    %and3A_1966 = vector.broadcast %and3A_1965 : i32 to vector<256x192xi32>
    %and3A_1967 = arith.andi %slice3A_1960, %and3A_1966 : vector<256x192xi32>
    %bitcast_convert_type3A_1968 = tpu.bitcast %and3A_1967 : vector<256x192xi32> -> vector<256x192xf32>
    %slice3A_1969 = vector.extract_strided_slice %dot_general3A_1954 {offsets = [0, 0], sizes = [256, 192], strides = [1, 1]} : vector<256x384xf32> to vector<256x192xf32>
    %mul3A_1970 = arith.mulf %slice3A_1969, %bitcast_convert_type3A_1964 : vector<256x192xf32>
    %add3A_1971 = arith.addf %add3A_1948, %mul3A_1970 : vector<256x192xf32>
    %slice3A_1972 = vector.extract_strided_slice %dot_general3A_1954 {offsets = [0, 192], sizes = [256, 192], strides = [1, 1]} : vector<256x384xf32> to vector<256x192xf32>
    %mul3A_1973 = arith.mulf %slice3A_1972, %bitcast_convert_type3A_1968 : vector<256x192xf32>
    %add3A_1974 = arith.addf %add3A_1951, %mul3A_1973 : vector<256x192xf32>
    %mul3A_1975 = arith.mulf %select_n3A_1705, %div3A_1763 : vector<8x256xf32>
    %dot_general3A_1976 = arith.constant dense<0.000000e+00> : vector<256x384xf32>
    %dot_general3A_1977 = tpu.matmul %mul3A_1975, %select_n3A_66, %dot_general3A_1976 {dimension_numbers = #tpu.dot_dimension_numbers<[0], [0], [1], [1], [0, 1, 1, 1], [], []>, transpose_lhs_hint = false} : vector<8x256xf32>, vector<8x384xf32>, vector<256x384xf32> -> vector<256x384xf32>
    %get3A_1978 = arith.constant 9 : index
    %get3A_1979 = arith.constant 0 : index
    %get3A_1980 = arith.constant 0 : index
    %get3A_1981 = vector.load %arg4[%get3A_1978, %get3A_1979, %get3A_1980] : memref<16x256x384xi32, #tpu.memory_space<vmem>>, vector<1x256x384xi32>
    %get3A_1982 = vector.shape_cast %get3A_1981 : vector<1x256x384xi32> to vector<256x384xi32>
    %slice3A_1983 = vector.extract_strided_slice %get3A_1982 {offsets = [0, 192], sizes = [256, 192], strides = [1, 1]} : vector<256x384xi32> to vector<256x192xi32>
    %shift_left3A_1984 = arith.constant 16 : i32
    %shift_left3A_1985 = vector.broadcast %shift_left3A_1984 : i32 to vector<256x192xi32>
    %shift_left3A_1986 = arith.shli %slice3A_1983, %shift_left3A_1985 : vector<256x192xi32>
    %bitcast_convert_type3A_1987 = tpu.bitcast %shift_left3A_1986 : vector<256x192xi32> -> vector<256x192xf32>
    %and3A_1988 = arith.constant -65536 : i32
    %and3A_1989 = vector.broadcast %and3A_1988 : i32 to vector<256x192xi32>
    %and3A_1990 = arith.andi %slice3A_1983, %and3A_1989 : vector<256x192xi32>
    %bitcast_convert_type3A_1991 = tpu.bitcast %and3A_1990 : vector<256x192xi32> -> vector<256x192xf32>
    %slice3A_1992 = vector.extract_strided_slice %dot_general3A_1977 {offsets = [0, 0], sizes = [256, 192], strides = [1, 1]} : vector<256x384xf32> to vector<256x192xf32>
    %mul3A_1993 = arith.mulf %slice3A_1992, %bitcast_convert_type3A_1987 : vector<256x192xf32>
    %add3A_1994 = arith.addf %add3A_1971, %mul3A_1993 : vector<256x192xf32>
    %slice3A_1995 = vector.extract_strided_slice %dot_general3A_1977 {offsets = [0, 192], sizes = [256, 192], strides = [1, 1]} : vector<256x384xf32> to vector<256x192xf32>
    %mul3A_1996 = arith.mulf %slice3A_1995, %bitcast_convert_type3A_1991 : vector<256x192xf32>
    %add3A_1997 = arith.addf %add3A_1974, %mul3A_1996 : vector<256x192xf32>
    %mul3A_1998 = arith.mulf %select_n3A_1714, %div3A_1763 : vector<8x256xf32>
    %dot_general3A_1999 = arith.constant dense<0.000000e+00> : vector<256x384xf32>
    %dot_general3A_2000 = tpu.matmul %mul3A_1998, %select_n3A_66, %dot_general3A_1999 {dimension_numbers = #tpu.dot_dimension_numbers<[0], [0], [1], [1], [0, 1, 1, 1], [], []>, transpose_lhs_hint = false} : vector<8x256xf32>, vector<8x384xf32>, vector<256x384xf32> -> vector<256x384xf32>
    %get3A_2001 = arith.constant 10 : index
    %get3A_2002 = arith.constant 0 : index
    %get3A_2003 = arith.constant 0 : index
    %get3A_2004 = vector.load %arg4[%get3A_2001, %get3A_2002, %get3A_2003] : memref<16x256x384xi32, #tpu.memory_space<vmem>>, vector<1x256x384xi32>
    %get3A_2005 = vector.shape_cast %get3A_2004 : vector<1x256x384xi32> to vector<256x384xi32>
    %slice3A_2006 = vector.extract_strided_slice %get3A_2005 {offsets = [0, 192], sizes = [256, 192], strides = [1, 1]} : vector<256x384xi32> to vector<256x192xi32>
    %shift_left3A_2007 = arith.constant 16 : i32
    %shift_left3A_2008 = vector.broadcast %shift_left3A_2007 : i32 to vector<256x192xi32>
    %shift_left3A_2009 = arith.shli %slice3A_2006, %shift_left3A_2008 : vector<256x192xi32>
    %bitcast_convert_type3A_2010 = tpu.bitcast %shift_left3A_2009 : vector<256x192xi32> -> vector<256x192xf32>
    %and3A_2011 = arith.constant -65536 : i32
    %and3A_2012 = vector.broadcast %and3A_2011 : i32 to vector<256x192xi32>
    %and3A_2013 = arith.andi %slice3A_2006, %and3A_2012 : vector<256x192xi32>
    %bitcast_convert_type3A_2014 = tpu.bitcast %and3A_2013 : vector<256x192xi32> -> vector<256x192xf32>
    %slice3A_2015 = vector.extract_strided_slice %dot_general3A_2000 {offsets = [0, 0], sizes = [256, 192], strides = [1, 1]} : vector<256x384xf32> to vector<256x192xf32>
    %mul3A_2016 = arith.mulf %slice3A_2015, %bitcast_convert_type3A_2010 : vector<256x192xf32>
    %add3A_2017 = arith.addf %add3A_1994, %mul3A_2016 : vector<256x192xf32>
    %slice3A_2018 = vector.extract_strided_slice %dot_general3A_2000 {offsets = [0, 192], sizes = [256, 192], strides = [1, 1]} : vector<256x384xf32> to vector<256x192xf32>
    %mul3A_2019 = arith.mulf %slice3A_2018, %bitcast_convert_type3A_2014 : vector<256x192xf32>
    %add3A_2020 = arith.addf %add3A_1997, %mul3A_2019 : vector<256x192xf32>
    %mul3A_2021 = arith.mulf %select_n3A_1723, %div3A_1763 : vector<8x256xf32>
    %dot_general3A_2022 = arith.constant dense<0.000000e+00> : vector<256x384xf32>
    %dot_general3A_2023 = tpu.matmul %mul3A_2021, %select_n3A_66, %dot_general3A_2022 {dimension_numbers = #tpu.dot_dimension_numbers<[0], [0], [1], [1], [0, 1, 1, 1], [], []>, transpose_lhs_hint = false} : vector<8x256xf32>, vector<8x384xf32>, vector<256x384xf32> -> vector<256x384xf32>
    %get3A_2024 = arith.constant 11 : index
    %get3A_2025 = arith.constant 0 : index
    %get3A_2026 = arith.constant 0 : index
    %get3A_2027 = vector.load %arg4[%get3A_2024, %get3A_2025, %get3A_2026] : memref<16x256x384xi32, #tpu.memory_space<vmem>>, vector<1x256x384xi32>
    %get3A_2028 = vector.shape_cast %get3A_2027 : vector<1x256x384xi32> to vector<256x384xi32>
    %slice3A_2029 = vector.extract_strided_slice %get3A_2028 {offsets = [0, 192], sizes = [256, 192], strides = [1, 1]} : vector<256x384xi32> to vector<256x192xi32>
    %shift_left3A_2030 = arith.constant 16 : i32
    %shift_left3A_2031 = vector.broadcast %shift_left3A_2030 : i32 to vector<256x192xi32>
    %shift_left3A_2032 = arith.shli %slice3A_2029, %shift_left3A_2031 : vector<256x192xi32>
    %bitcast_convert_type3A_2033 = tpu.bitcast %shift_left3A_2032 : vector<256x192xi32> -> vector<256x192xf32>
    %and3A_2034 = arith.constant -65536 : i32
    %and3A_2035 = vector.broadcast %and3A_2034 : i32 to vector<256x192xi32>
    %and3A_2036 = arith.andi %slice3A_2029, %and3A_2035 : vector<256x192xi32>
    %bitcast_convert_type3A_2037 = tpu.bitcast %and3A_2036 : vector<256x192xi32> -> vector<256x192xf32>
    %slice3A_2038 = vector.extract_strided_slice %dot_general3A_2023 {offsets = [0, 0], sizes = [256, 192], strides = [1, 1]} : vector<256x384xf32> to vector<256x192xf32>
    %mul3A_2039 = arith.mulf %slice3A_2038, %bitcast_convert_type3A_2033 : vector<256x192xf32>
    %add3A_2040 = arith.addf %add3A_2017, %mul3A_2039 : vector<256x192xf32>
    %slice3A_2041 = vector.extract_strided_slice %dot_general3A_2023 {offsets = [0, 192], sizes = [256, 192], strides = [1, 1]} : vector<256x384xf32> to vector<256x192xf32>
    %mul3A_2042 = arith.mulf %slice3A_2041, %bitcast_convert_type3A_2037 : vector<256x192xf32>
    %add3A_2043 = arith.addf %add3A_2020, %mul3A_2042 : vector<256x192xf32>
    %mul3A_2044 = arith.mulf %select_n3A_1732, %div3A_1763 : vector<8x256xf32>
    %dot_general3A_2045 = arith.constant dense<0.000000e+00> : vector<256x384xf32>
    %dot_general3A_2046 = tpu.matmul %mul3A_2044, %select_n3A_66, %dot_general3A_2045 {dimension_numbers = #tpu.dot_dimension_numbers<[0], [0], [1], [1], [0, 1, 1, 1], [], []>, transpose_lhs_hint = false} : vector<8x256xf32>, vector<8x384xf32>, vector<256x384xf32> -> vector<256x384xf32>
    %get3A_2047 = arith.constant 12 : index
    %get3A_2048 = arith.constant 0 : index
    %get3A_2049 = arith.constant 0 : index
    %get3A_2050 = vector.load %arg4[%get3A_2047, %get3A_2048, %get3A_2049] : memref<16x256x384xi32, #tpu.memory_space<vmem>>, vector<1x256x384xi32>
    %get3A_2051 = vector.shape_cast %get3A_2050 : vector<1x256x384xi32> to vector<256x384xi32>
    %slice3A_2052 = vector.extract_strided_slice %get3A_2051 {offsets = [0, 192], sizes = [256, 192], strides = [1, 1]} : vector<256x384xi32> to vector<256x192xi32>
    %shift_left3A_2053 = arith.constant 16 : i32
    %shift_left3A_2054 = vector.broadcast %shift_left3A_2053 : i32 to vector<256x192xi32>
    %shift_left3A_2055 = arith.shli %slice3A_2052, %shift_left3A_2054 : vector<256x192xi32>
    %bitcast_convert_type3A_2056 = tpu.bitcast %shift_left3A_2055 : vector<256x192xi32> -> vector<256x192xf32>
    %and3A_2057 = arith.constant -65536 : i32
    %and3A_2058 = vector.broadcast %and3A_2057 : i32 to vector<256x192xi32>
    %and3A_2059 = arith.andi %slice3A_2052, %and3A_2058 : vector<256x192xi32>
    %bitcast_convert_type3A_2060 = tpu.bitcast %and3A_2059 : vector<256x192xi32> -> vector<256x192xf32>
    %slice3A_2061 = vector.extract_strided_slice %dot_general3A_2046 {offsets = [0, 0], sizes = [256, 192], strides = [1, 1]} : vector<256x384xf32> to vector<256x192xf32>
    %mul3A_2062 = arith.mulf %slice3A_2061, %bitcast_convert_type3A_2056 : vector<256x192xf32>
    %add3A_2063 = arith.addf %add3A_2040, %mul3A_2062 : vector<256x192xf32>
    %slice3A_2064 = vector.extract_strided_slice %dot_general3A_2046 {offsets = [0, 192], sizes = [256, 192], strides = [1, 1]} : vector<256x384xf32> to vector<256x192xf32>
    %mul3A_2065 = arith.mulf %slice3A_2064, %bitcast_convert_type3A_2060 : vector<256x192xf32>
    %add3A_2066 = arith.addf %add3A_2043, %mul3A_2065 : vector<256x192xf32>
    %mul3A_2067 = arith.mulf %select_n3A_1741, %div3A_1763 : vector<8x256xf32>
    %dot_general3A_2068 = arith.constant dense<0.000000e+00> : vector<256x384xf32>
    %dot_general3A_2069 = tpu.matmul %mul3A_2067, %select_n3A_66, %dot_general3A_2068 {dimension_numbers = #tpu.dot_dimension_numbers<[0], [0], [1], [1], [0, 1, 1, 1], [], []>, transpose_lhs_hint = false} : vector<8x256xf32>, vector<8x384xf32>, vector<256x384xf32> -> vector<256x384xf32>
    %get3A_2070 = arith.constant 13 : index
    %get3A_2071 = arith.constant 0 : index
    %get3A_2072 = arith.constant 0 : index
    %get3A_2073 = vector.load %arg4[%get3A_2070, %get3A_2071, %get3A_2072] : memref<16x256x384xi32, #tpu.memory_space<vmem>>, vector<1x256x384xi32>
    %get3A_2074 = vector.shape_cast %get3A_2073 : vector<1x256x384xi32> to vector<256x384xi32>
    %slice3A_2075 = vector.extract_strided_slice %get3A_2074 {offsets = [0, 192], sizes = [256, 192], strides = [1, 1]} : vector<256x384xi32> to vector<256x192xi32>
    %shift_left3A_2076 = arith.constant 16 : i32
    %shift_left3A_2077 = vector.broadcast %shift_left3A_2076 : i32 to vector<256x192xi32>
    %shift_left3A_2078 = arith.shli %slice3A_2075, %shift_left3A_2077 : vector<256x192xi32>
    %bitcast_convert_type3A_2079 = tpu.bitcast %shift_left3A_2078 : vector<256x192xi32> -> vector<256x192xf32>
    %and3A_2080 = arith.constant -65536 : i32
    %and3A_2081 = vector.broadcast %and3A_2080 : i32 to vector<256x192xi32>
    %and3A_2082 = arith.andi %slice3A_2075, %and3A_2081 : vector<256x192xi32>
    %bitcast_convert_type3A_2083 = tpu.bitcast %and3A_2082 : vector<256x192xi32> -> vector<256x192xf32>
    %slice3A_2084 = vector.extract_strided_slice %dot_general3A_2069 {offsets = [0, 0], sizes = [256, 192], strides = [1, 1]} : vector<256x384xf32> to vector<256x192xf32>
    %mul3A_2085 = arith.mulf %slice3A_2084, %bitcast_convert_type3A_2079 : vector<256x192xf32>
    %add3A_2086 = arith.addf %add3A_2063, %mul3A_2085 : vector<256x192xf32>
    %slice3A_2087 = vector.extract_strided_slice %dot_general3A_2069 {offsets = [0, 192], sizes = [256, 192], strides = [1, 1]} : vector<256x384xf32> to vector<256x192xf32>
    %mul3A_2088 = arith.mulf %slice3A_2087, %bitcast_convert_type3A_2083 : vector<256x192xf32>
    %add3A_2089 = arith.addf %add3A_2066, %mul3A_2088 : vector<256x192xf32>
    %mul3A_2090 = arith.mulf %select_n3A_1750, %div3A_1763 : vector<8x256xf32>
    %dot_general3A_2091 = arith.constant dense<0.000000e+00> : vector<256x384xf32>
    %dot_general3A_2092 = tpu.matmul %mul3A_2090, %select_n3A_66, %dot_general3A_2091 {dimension_numbers = #tpu.dot_dimension_numbers<[0], [0], [1], [1], [0, 1, 1, 1], [], []>, transpose_lhs_hint = false} : vector<8x256xf32>, vector<8x384xf32>, vector<256x384xf32> -> vector<256x384xf32>
    %get3A_2093 = arith.constant 14 : index
    %get3A_2094 = arith.constant 0 : index
    %get3A_2095 = arith.constant 0 : index
    %get3A_2096 = vector.load %arg4[%get3A_2093, %get3A_2094, %get3A_2095] : memref<16x256x384xi32, #tpu.memory_space<vmem>>, vector<1x256x384xi32>
    %get3A_2097 = vector.shape_cast %get3A_2096 : vector<1x256x384xi32> to vector<256x384xi32>
    %slice3A_2098 = vector.extract_strided_slice %get3A_2097 {offsets = [0, 192], sizes = [256, 192], strides = [1, 1]} : vector<256x384xi32> to vector<256x192xi32>
    %shift_left3A_2099 = arith.constant 16 : i32
    %shift_left3A_2100 = vector.broadcast %shift_left3A_2099 : i32 to vector<256x192xi32>
    %shift_left3A_2101 = arith.shli %slice3A_2098, %shift_left3A_2100 : vector<256x192xi32>
    %bitcast_convert_type3A_2102 = tpu.bitcast %shift_left3A_2101 : vector<256x192xi32> -> vector<256x192xf32>
    %and3A_2103 = arith.constant -65536 : i32
    %and3A_2104 = vector.broadcast %and3A_2103 : i32 to vector<256x192xi32>
    %and3A_2105 = arith.andi %slice3A_2098, %and3A_2104 : vector<256x192xi32>
    %bitcast_convert_type3A_2106 = tpu.bitcast %and3A_2105 : vector<256x192xi32> -> vector<256x192xf32>
    %slice3A_2107 = vector.extract_strided_slice %dot_general3A_2092 {offsets = [0, 0], sizes = [256, 192], strides = [1, 1]} : vector<256x384xf32> to vector<256x192xf32>
    %mul3A_2108 = arith.mulf %slice3A_2107, %bitcast_convert_type3A_2102 : vector<256x192xf32>
    %add3A_2109 = arith.addf %add3A_2086, %mul3A_2108 : vector<256x192xf32>
    %slice3A_2110 = vector.extract_strided_slice %dot_general3A_2092 {offsets = [0, 192], sizes = [256, 192], strides = [1, 1]} : vector<256x384xf32> to vector<256x192xf32>
    %mul3A_2111 = arith.mulf %slice3A_2110, %bitcast_convert_type3A_2106 : vector<256x192xf32>
    %add3A_2112 = arith.addf %add3A_2089, %mul3A_2111 : vector<256x192xf32>
    %mul3A_2113 = arith.mulf %select_n3A_1759, %div3A_1763 : vector<8x256xf32>
    %dot_general3A_2114 = arith.constant dense<0.000000e+00> : vector<256x384xf32>
    %dot_general3A_2115 = tpu.matmul %mul3A_2113, %select_n3A_66, %dot_general3A_2114 {dimension_numbers = #tpu.dot_dimension_numbers<[0], [0], [1], [1], [0, 1, 1, 1], [], []>, transpose_lhs_hint = false} : vector<8x256xf32>, vector<8x384xf32>, vector<256x384xf32> -> vector<256x384xf32>
    %get3A_2116 = arith.constant 15 : index
    %get3A_2117 = arith.constant 0 : index
    %get3A_2118 = arith.constant 0 : index
    %get3A_2119 = vector.load %arg4[%get3A_2116, %get3A_2117, %get3A_2118] : memref<16x256x384xi32, #tpu.memory_space<vmem>>, vector<1x256x384xi32>
    %get3A_2120 = vector.shape_cast %get3A_2119 : vector<1x256x384xi32> to vector<256x384xi32>
    %slice3A_2121 = vector.extract_strided_slice %get3A_2120 {offsets = [0, 192], sizes = [256, 192], strides = [1, 1]} : vector<256x384xi32> to vector<256x192xi32>
    %shift_left3A_2122 = arith.constant 16 : i32
    %shift_left3A_2123 = vector.broadcast %shift_left3A_2122 : i32 to vector<256x192xi32>
    %shift_left3A_2124 = arith.shli %slice3A_2121, %shift_left3A_2123 : vector<256x192xi32>
    %bitcast_convert_type3A_2125 = tpu.bitcast %shift_left3A_2124 : vector<256x192xi32> -> vector<256x192xf32>
    %and3A_2126 = arith.constant -65536 : i32
    %and3A_2127 = vector.broadcast %and3A_2126 : i32 to vector<256x192xi32>
    %and3A_2128 = arith.andi %slice3A_2121, %and3A_2127 : vector<256x192xi32>
    %bitcast_convert_type3A_2129 = tpu.bitcast %and3A_2128 : vector<256x192xi32> -> vector<256x192xf32>
    %slice3A_2130 = vector.extract_strided_slice %dot_general3A_2115 {offsets = [0, 0], sizes = [256, 192], strides = [1, 1]} : vector<256x384xf32> to vector<256x192xf32>
    %mul3A_2131 = arith.mulf %slice3A_2130, %bitcast_convert_type3A_2125 : vector<256x192xf32>
    %add3A_2132 = arith.addf %add3A_2109, %mul3A_2131 : vector<256x192xf32>
    %slice3A_2133 = vector.extract_strided_slice %dot_general3A_2115 {offsets = [0, 192], sizes = [256, 192], strides = [1, 1]} : vector<256x384xf32> to vector<256x192xf32>
    %mul3A_2134 = arith.mulf %slice3A_2133, %bitcast_convert_type3A_2129 : vector<256x192xf32>
    %add3A_2135 = arith.addf %add3A_2112, %mul3A_2134 : vector<256x192xf32>
    %concatenate3A = tpu.concatenate %add3A_2132, %add3A_2135 in 1 : vector<256x192xf32>, vector<256x192xf32> -> vector<256x384xf32>
    %get3A_2136 = arith.constant 0 : index
    %get3A_2137 = arith.constant 0 : index
    %get3A_2138 = vector.load %arg9[%get3A_2136, %get3A_2137] : memref<384x384xf32, #tpu.memory_space<vmem>>, vector<384x384xf32>
    %dot_general3A_2139 = arith.constant dense<0.000000e+00> : vector<256x384xf32>
    %dot_general3A_2140 = tpu.matmul %concatenate3A, %get3A_2138, %dot_general3A_2139 {dimension_numbers = #tpu.dot_dimension_numbers<[1], [0], [0], [1], [0, 0, 1, 1], [], []>, transpose_lhs_hint = false} : vector<256x384xf32>, vector<384x384xf32>, vector<256x384xf32> -> vector<256x384xf32>
    %get3A_2141 = arith.constant 0 : index
    %get3A_2142 = arith.constant 0 : index
    %get3A_2143 = vector.load %arg10[%get3A_2141, %get3A_2142] : memref<1x384xf32, #tpu.memory_space<vmem>>, vector<1x384xf32>
    %get3A_2144 = vector.shape_cast %get3A_2143 : vector<1x384xf32> to vector<384xf32>
    %broadcast_in_dim3A_2145 = vector.shape_cast %get3A_2144 : vector<384xf32> to vector<1x384xf32>
    %add3A_2146 = vector.broadcast %broadcast_in_dim3A_2145 : vector<1x384xf32> to vector<256x384xf32>
    %add3A_2147 = arith.addf %dot_general3A_2140, %add3A_2146 : vector<256x384xf32>
    %get3A_2148 = arith.constant 0 : index
    %get3A_2149 = arith.constant 0 : index
    %get3A_2150 = arith.constant 0 : index
    %get3A_2151 = vector.load %arg6[%get3A_2148, %get3A_2149, %get3A_2150] : memref<1x256x1xf32, #tpu.memory_space<vmem>>, vector<1x256x1xf32>
    %get3A_2152 = vector.shape_cast %get3A_2151 : vector<1x256x1xf32> to vector<256x1xf32>
    %mul3A_2153 = vector.broadcast %get3A_2152 : vector<256x1xf32> to vector<256x384xf32>
    %mul3A_2154 = arith.mulf %add3A_2147, %mul3A_2153 : vector<256x384xf32>
    %mul3A_2155 = arith.constant 5.000000e-01 : f32
    %mul3A_2156 = vector.broadcast %mul3A_2155 : f32 to vector<256x384xf32>
    %mul3A_2157 = arith.mulf %mul3A_2154, %mul3A_2156 : vector<256x384xf32>
    %get3A_2158 = arith.constant 0 : index
    %get3A_2159 = arith.constant 0 : index
    %get3A_2160 = arith.constant 0 : index
    %get3A_2161 = vector.load %arg2[%get3A_2158, %get3A_2159, %get3A_2160] : memref<1x256x384xf32, #tpu.memory_space<vmem>>, vector<1x256x384xf32>
    %get3A_2162 = vector.shape_cast %get3A_2161 : vector<1x256x384xf32> to vector<256x384xf32>
    %add3A_2163 = arith.addf %mul3A_2157, %get3A_2162 : vector<256x384xf32>
    %reduce_sum3A = arith.constant dense<0.000000e+00> : vector<256xf32>
    %reduce_sum3A_2164 = vector.multi_reduction <add>, %add3A_2163, %reduce_sum3A [1] : vector<256x384xf32> to vector<256xf32>
    %broadcast_in_dim3A_2165 = vector.shape_cast %reduce_sum3A_2164 : vector<256xf32> to vector<256x1xf32>
    %div3A_2166 = arith.constant 3.840000e+02 : f32
    %div3A_2167 = vector.broadcast %div3A_2166 : f32 to vector<256x1xf32>
    %div3A_2168 = arith.divf %broadcast_in_dim3A_2165, %div3A_2167 : vector<256x1xf32>
    %sub3A_2169 = vector.broadcast %div3A_2168 : vector<256x1xf32> to vector<256x384xf32>
    %sub3A_2170 = arith.subf %add3A_2163, %sub3A_2169 : vector<256x384xf32>
    %integer_pow3A = arith.mulf %sub3A_2170, %sub3A_2170 : vector<256x384xf32>
    %reduce_sum3A_2171 = arith.constant dense<0.000000e+00> : vector<256xf32>
    %reduce_sum3A_2172 = vector.multi_reduction <add>, %integer_pow3A, %reduce_sum3A_2171 [1] : vector<256x384xf32> to vector<256xf32>
    %broadcast_in_dim3A_2173 = vector.shape_cast %reduce_sum3A_2172 : vector<256xf32> to vector<256x1xf32>
    %div3A_2174 = arith.constant 3.840000e+02 : f32
    %div3A_2175 = vector.broadcast %div3A_2174 : f32 to vector<256x1xf32>
    %div3A_2176 = arith.divf %broadcast_in_dim3A_2173, %div3A_2175 : vector<256x1xf32>
    %sub3A_2177 = vector.broadcast %div3A_2168 : vector<256x1xf32> to vector<256x384xf32>
    %sub3A_2178 = arith.subf %add3A_2163, %sub3A_2177 : vector<256x384xf32>
    %add3A_2179 = arith.constant 9.99999974E-6 : f32
    %add3A_2180 = vector.broadcast %add3A_2179 : f32 to vector<256x1xf32>
    %add3A_2181 = arith.addf %div3A_2176, %add3A_2180 : vector<256x1xf32>
    %rsqrt3A = math.rsqrt %add3A_2181 : vector<256x1xf32>
    %mul3A_2182 = vector.broadcast %rsqrt3A : vector<256x1xf32> to vector<256x384xf32>
    %mul3A_2183 = arith.mulf %sub3A_2178, %mul3A_2182 : vector<256x384xf32>
    %get3A_2184 = arith.constant 0 : index
    %get3A_2185 = arith.constant 0 : index
    %get3A_2186 = vector.load %arg7[%get3A_2184, %get3A_2185] : memref<1x384xf32, #tpu.memory_space<vmem>>, vector<1x384xf32>
    %get3A_2187 = vector.shape_cast %get3A_2186 : vector<1x384xf32> to vector<384xf32>
    %broadcast_in_dim3A_2188 = vector.shape_cast %get3A_2187 : vector<384xf32> to vector<1x384xf32>
    %mul3A_2189 = vector.broadcast %broadcast_in_dim3A_2188 : vector<1x384xf32> to vector<256x384xf32>
    %mul3A_2190 = arith.mulf %mul3A_2183, %mul3A_2189 : vector<256x384xf32>
    %get3A_2191 = arith.constant 0 : index
    %get3A_2192 = arith.constant 0 : index
    %get3A_2193 = vector.load %arg8[%get3A_2191, %get3A_2192] : memref<1x384xf32, #tpu.memory_space<vmem>>, vector<1x384xf32>
    %get3A_2194 = vector.shape_cast %get3A_2193 : vector<1x384xf32> to vector<384xf32>
    %broadcast_in_dim3A_2195 = vector.shape_cast %get3A_2194 : vector<384xf32> to vector<1x384xf32>
    %add3A_2196 = vector.broadcast %broadcast_in_dim3A_2195 : vector<1x384xf32> to vector<256x384xf32>
    %add3A_2197 = arith.addf %mul3A_2190, %add3A_2196 : vector<256x384xf32>
    %get3A_2198 = arith.constant 0 : index
    %get3A_2199 = arith.constant 0 : index
    %get3A_2200 = vector.load %arg11[%get3A_2198, %get3A_2199] : memref<384x1536xf32, #tpu.memory_space<vmem>>, vector<384x1536xf32>
    %dot_general3A_2201 = arith.constant dense<0.000000e+00> : vector<256x1536xf32>
    %dot_general3A_2202 = tpu.matmul %add3A_2197, %get3A_2200, %dot_general3A_2201 {dimension_numbers = #tpu.dot_dimension_numbers<[1], [0], [0], [1], [0, 0, 1, 1], [], []>, transpose_lhs_hint = false} : vector<256x384xf32>, vector<384x1536xf32>, vector<256x1536xf32> -> vector<256x1536xf32>
    %get3A_2203 = arith.constant 0 : index
    %get3A_2204 = arith.constant 0 : index
    %get3A_2205 = vector.load %arg12[%get3A_2203, %get3A_2204] : memref<1x1536xf32, #tpu.memory_space<vmem>>, vector<1x1536xf32>
    %get3A_2206 = vector.shape_cast %get3A_2205 : vector<1x1536xf32> to vector<1536xf32>
    %broadcast_in_dim3A_2207 = vector.shape_cast %get3A_2206 : vector<1536xf32> to vector<1x1536xf32>
    %add3A_2208 = vector.broadcast %broadcast_in_dim3A_2207 : vector<1x1536xf32> to vector<256x1536xf32>
    %add3A_2209 = arith.addf %dot_general3A_2202, %add3A_2208 : vector<256x1536xf32>
    %integer_pow3A_2210 = arith.mulf %add3A_2209, %add3A_2209 : vector<256x1536xf32>
    %integer_pow3A_2211 = arith.mulf %add3A_2209, %integer_pow3A_2210 : vector<256x1536xf32>
    %mul3A_2212 = arith.constant 4.471500e-02 : f32
    %mul3A_2213 = vector.broadcast %mul3A_2212 : f32 to vector<256x1536xf32>
    %mul3A_2214 = arith.mulf %mul3A_2213, %integer_pow3A_2211 : vector<256x1536xf32>
    %add3A_2215 = arith.addf %add3A_2209, %mul3A_2214 : vector<256x1536xf32>
    %mul3A_2216 = arith.constant 0.797884583 : f32
    %mul3A_2217 = vector.broadcast %mul3A_2216 : f32 to vector<256x1536xf32>
    %mul3A_2218 = arith.mulf %mul3A_2217, %add3A_2215 : vector<256x1536xf32>
    %tanh3A = math.tanh %mul3A_2218 : vector<256x1536xf32>
    %add3A_2219 = arith.constant 1.000000e+00 : f32
    %add3A_2220 = vector.broadcast %add3A_2219 : f32 to vector<256x1536xf32>
    %add3A_2221 = arith.addf %add3A_2220, %tanh3A : vector<256x1536xf32>
    %mul3A_2222 = arith.constant 5.000000e-01 : f32
    %mul3A_2223 = vector.broadcast %mul3A_2222 : f32 to vector<256x1536xf32>
    %mul3A_2224 = arith.mulf %mul3A_2223, %add3A_2221 : vector<256x1536xf32>
    %mul3A_2225 = arith.mulf %add3A_2209, %mul3A_2224 : vector<256x1536xf32>
    %get3A_2226 = arith.constant 0 : index
    %get3A_2227 = arith.constant 0 : index
    %get3A_2228 = vector.load %arg13[%get3A_2226, %get3A_2227] : memref<1536x384xf32, #tpu.memory_space<vmem>>, vector<1536x384xf32>
    %dot_general3A_2229 = arith.constant dense<0.000000e+00> : vector<256x384xf32>
    %dot_general3A_2230 = tpu.matmul %mul3A_2225, %get3A_2228, %dot_general3A_2229 {dimension_numbers = #tpu.dot_dimension_numbers<[1], [0], [0], [1], [0, 0, 1, 1], [], []>, transpose_lhs_hint = false} : vector<256x1536xf32>, vector<1536x384xf32>, vector<256x384xf32> -> vector<256x384xf32>
    %get3A_2231 = arith.constant 0 : index
    %get3A_2232 = arith.constant 0 : index
    %get3A_2233 = vector.load %arg14[%get3A_2231, %get3A_2232] : memref<1x384xf32, #tpu.memory_space<vmem>>, vector<1x384xf32>
    %get3A_2234 = vector.shape_cast %get3A_2233 : vector<1x384xf32> to vector<384xf32>
    %broadcast_in_dim3A_2235 = vector.shape_cast %get3A_2234 : vector<384xf32> to vector<1x384xf32>
    %add3A_2236 = vector.broadcast %broadcast_in_dim3A_2235 : vector<1x384xf32> to vector<256x384xf32>
    %add3A_2237 = arith.addf %dot_general3A_2230, %add3A_2236 : vector<256x384xf32>
    %mul3A_2238 = arith.constant 5.000000e-01 : f32
    %mul3A_2239 = vector.broadcast %mul3A_2238 : f32 to vector<256x384xf32>
    %mul3A_2240 = arith.mulf %add3A_2237, %mul3A_2239 : vector<256x384xf32>
    %add3A_2241 = arith.addf %mul3A_2240, %add3A_2163 : vector<256x384xf32>
    %swap3A = arith.constant 0 : index
    %swap3A_2242 = arith.constant 0 : index
    %swap3A_2243 = arith.constant 0 : index
    %swap3A_2244 = vector.load %arg15[%swap3A, %swap3A_2242, %swap3A_2243] : memref<1x256x384xf32, #tpu.memory_space<vmem>>, vector<1x256x384xf32>
    %swap3A_2245 = vector.shape_cast %swap3A_2244 : vector<1x256x384xf32> to vector<256x384xf32>
    %swap3A_2246 = vector.shape_cast %add3A_2241 : vector<256x384xf32> to vector<1x256x384xf32>
    tpu.vector_store %arg15[%swap3A, %swap3A_2242, %swap3A_2243], %swap3A_2246 {strides = array<i32>} : memref<1x256x384xf32, #tpu.memory_space<vmem>>, vector<1x256x384xf32>,
    return
  }
  func.func @transform_0(%arg0: i32, %arg1: i32) -> (i32, i32, i32) {
    %c0_i32 = arith.constant 0 : i32
    %c0_i32_0 = arith.constant 0 : i32
    return %arg0, %arg1, %c0_i32 : i32, i32, i32
  }
  func.func @transform_1(%arg0: i32, %arg1: i32) -> (i32, i32, i32) {
    %c0_i32 = arith.constant 0 : i32
    %c0_i32_0 = arith.constant 0 : i32
    return %arg0, %arg1, %c0_i32 : i32, i32, i32
  }
  func.func @transform_2(%arg0: i32, %arg1: i32) -> (i32, i32, i32) {
    %mul3A = arith.constant 16 : i32
    %mul3A_0 = arith.muli %arg0, %mul3A : i32
    %add3A = arith.addi %mul3A_0, %arg1 : i32
    %c0_i32 = arith.constant 0 : i32
    %c0_i32_1 = arith.constant 0 : i32
    %c0_i32_2 = arith.constant 0 : i32
    return %c0_i32, %add3A, %c0_i32_1 : i32, i32, i32
  }
  func.func @transform_3(%arg0: i32, %arg1: i32) -> (i32, i32) {
    %mul3A = arith.constant 16 : i32
    %mul3A_0 = arith.muli %arg0, %mul3A : i32
    %add3A = arith.addi %mul3A_0, %arg1 : i32
    %c0_i32 = arith.constant 0 : i32
    %c0_i32_1 = arith.constant 0 : i32
    return %c0_i32, %add3A : i32, i32
  }
  func.func @transform_4(%arg0: i32, %arg1: i32) -> (i32, i32, i32) {
    %c0_i32 = arith.constant 0 : i32
    %c0_i32_0 = arith.constant 0 : i32
    return %arg0, %arg1, %c0_i32 : i32, i32, i32
  }
  func.func @transform_5(%arg0: i32, %arg1: i32) -> (i32, i32) {
    %c0_i32 = arith.constant 0 : i32
    %c0_i32_0 = arith.constant 0 : i32
    %c0_i32_1 = arith.constant 0 : i32
    return %c0_i32, %c0_i32_0 : i32, i32
  }
  func.func @transform_6(%arg0: i32, %arg1: i32) -> (i32, i32) {
    %c0_i32 = arith.constant 0 : i32
    %c0_i32_0 = arith.constant 0 : i32
    %c0_i32_1 = arith.constant 0 : i32
    return %c0_i32, %c0_i32_0 : i32, i32
  }
  func.func @transform_7(%arg0: i32, %arg1: i32) -> (i32, i32) {
    %c0_i32 = arith.constant 0 : i32
    %c0_i32_0 = arith.constant 0 : i32
    %c0_i32_1 = arith.constant 0 : i32
    return %c0_i32, %c0_i32_0 : i32, i32
  }
  func.func @transform_8(%arg0: i32, %arg1: i32) -> (i32, i32) {
    %c0_i32 = arith.constant 0 : i32
    %c0_i32_0 = arith.constant 0 : i32
    %c0_i32_1 = arith.constant 0 : i32
    return %c0_i32, %c0_i32_0 : i32, i32
  }
  func.func @transform_9(%arg0: i32, %arg1: i32) -> (i32, i32) {
    %c0_i32 = arith.constant 0 : i32
    %c0_i32_0 = arith.constant 0 : i32
    %c0_i32_1 = arith.constant 0 : i32
    return %c0_i32, %c0_i32_0 : i32, i32
  }
  func.func @transform_10(%arg0: i32, %arg1: i32) -> (i32, i32) {
    %c0_i32 = arith.constant 0 : i32
    %c0_i32_0 = arith.constant 0 : i32
    %c0_i32_1 = arith.constant 0 : i32
    return %c0_i32, %c0_i32_0 : i32, i32
  }
  func.func @transform_11(%arg0: i32, %arg1: i32) -> (i32, i32) {
    %c0_i32 = arith.constant 0 : i32
    %c0_i32_0 = arith.constant 0 : i32
    %c0_i32_1 = arith.constant 0 : i32
    return %c0_i32, %c0_i32_0 : i32, i32
  }
  func.func @transform_12(%arg0: i32, %arg1: i32) -> (i32, i32) {
    %c0_i32 = arith.constant 0 : i32
    %c0_i32_0 = arith.constant 0 : i32
    %c0_i32_1 = arith.constant 0 : i32
    return %c0_i32, %c0_i32_0 : i32, i32
  }
  func.func @transform_13(%arg0: i32, %arg1: i32) -> (i32, i32, i32) {
    %c0_i32 = arith.constant 0 : i32
    %c0_i32_0 = arith.constant 0 : i32
    return %arg0, %arg1, %c0_i32 : i32, i32, i32
  }
}

</mosaic_0001>

<sc_bundles>
// kernel: kernel.11.cloned.1.call-start
scs
__scs_entry_jumppad:
0x0: {  	(pc) =	sbr.rel $0x88, $3  }
0x1: {  	(tag) =	ssettag $0x0;
	lr =	simm.s32 $0x1  }
0x2: {  	[smem:$0x3F8F] =	sst lr;
	_ =	strace $0xD0000000  }
0x3: {  	_ = 	snop  }
0x4: {  	_ = 	snop  }
0x5: {  	_ = 	snop  }
0x6: {  	_ = 	snop  }
0x7: {  	_ = 	snop  }
__scs_overlays_trampoline_lowered:
0x8: {  	[smem:$0x3F9E] =	sst s0  }
0x9: {  	[smem:$0x3F9F] =	sst s1  }
0xa: {  	[smem:$0x3FA0] =	sst s2  }
0xb: {  	[smem:$0x3FA1] =	sst s3  }
0xc: {  	[smem:$0x3FA2] =	sst s4  }
0xd: {  	[smem:$0x3FA3] =	sst s5  }
0xe: {  	[smem:$0x3FA4] =	sst s6  }
0xf: {  	[smem:$0x3FA5] =	sst s7  }
0x10: {  	[smem:$0x3FA6] =	sst s8  }
0x11: {  	[smem:$0x3FA7] =	sst s9;
	s0 =	simm.s32 @!p0 $0x0  }
0x12: {  	s1 =	sld [smem:$0x3F8D];
	s0 =	simm.s32 @p0 $0x1  }
0x13: {  	[smem:$0x3FA8] =	sst s0;
	s0 =	simm.s32 @!p1 $0x0  }
0x14: {  	s2 =	sld [smem:$0x3F8C];
	s0 =	simm.s32 @p1 $0x1  }
0x15: {  	[smem:$0x3FA9] =	sst s0;
	s0 =	simm.s32 @!p2 $0x0  }
0x16: {  	s3 =	sld [smem:$0x3FDB];
	s0 =	simm.s32 @p2 $0x1  }
0x17: {  	s4 =	simm.s32 $0x1BF5;
	[smem:$0x3FAB] =	sst s0  }
0x18: {  	s0 =	sld [smem:$0x3F8E];
	_ =	swait.ge [sflag:s4], $0x0  }
0x19: {  	s7 =	sld [smem:$0x3F8F]  }
0x1a: {  	s8 =	sadd.s32 $0xFFFFE003, lr  }
0x1b: {  	s9 =	sadd.s32 $0xFFFFFEF7, lr;
	s5 =	simm.s32 $0xFFFFFFFF;
	p2 =	slt.u32 s8, $0xFFFFF086  }
0x1c: {  	p1 =	slt.u32 s9, $0xF7A;
	s5 =	simm.s32 @!p2 $0x0  }
0x1d: {  	s5 =	simm.s32 @p1 $0x1;
	p0 =	seq.s32 s7, s2  }
0x1e: {  	s7 =	smul.u32 @!p0 $0xF7A, s2;
	p2 =	seq.s32 @!p0 s5, $0x0  }
0x1f: {  	s9 =	smul.u32 $0xF7A, s1;
	s8 =	simm.s32 @!p0 $0x1BF5;
	p2 =	por !p2, p0  }
0x20: {  	[sflag:s8] =	ssyncset.s32 @!p0 $0xFFFFF086;
	s6 =	sadd.s32 @!p0 s3, s7;
	s7 =	simm.s32 @!p0 $0x108  }
0x21: {  	s3 =	sadd.s32 s3, s9;
	s6 =	sadd.s32 @!p0 $0x88, s6;
	s7 =	simm.s32 @p2 $0x1082  }
0x22: {  	[simem:s7], [sflag:s8] =	dma.local @!p0 [hbm:s6], $0xF7A  }
0x23: {  	s9 =	sor.u32 $0xD0000000, s2;
	s6 =	simm.s32 $0x108;
	_ =	swait.ge @!p0 [sflag:s8], $0x0  }
0x24: {  	s3 =	sadd.s32 $0x88, s3;
	s6 =	simm.s32 @!p1 $0x1082;
	[sflag:s4] =	ssyncset.s32 $0xFFFFF086  }
0x25: {  	[simem:s6], [sflag:s4] =	dma.local [hbm:s3], $0xF7A  }
0x26: {  	[smem:$0x3F8F] =	sst s1;
	(tag) =	ssettag s2;
	_ =	strace s9  }
0x27: {  	s1 =	sld [smem:$0x3F9F]  }
0x28: {  	s2 =	sld [smem:$0x3FA0]  }
0x29: {  	s4 =	sld [smem:$0x3FA2]  }
0x2a: {  	p0 =	seq.s32 s5, $0x0;
	s5 =	sld [smem:$0x3FA3]  }
0x2b: {  	s6 =	sld [smem:$0x3FA4]  }
0x2c: {  	s7 =	sld [smem:$0x3FA5]  }
0x2d: {  	s3 =	simm.s32 $0x108;
	s8 =	sld [smem:$0x3FA6]  }
0x2e: {  	s3 =	simm.s32 @!p0 $0x1082;
	s9 =	sld [smem:$0x3FA7]  }
0x2f: {  	lr =	sadd.s32 s0, s3;
	s0 =	sld [smem:$0x3F9E]  }
0x30: {  	s3 =	sld [smem:$0x3FA1]  }
0x31: {  	[smem:$0x3FAA] =	sst s10  }
0x32: {  	s10 =	sld [smem:$0x3FA8];
	_ =	sdelay $0x3  }
0x33: {  	p0 =	seq.s32 s10, $0x1;
	s10 =	sld [smem:$0x3FAA];
	_ =	sdelay $0x3  }
0x34: {  	[smem:$0x3FAA] =	sst s10  }
0x35: {  	s10 =	sld [smem:$0x3FA9];
	_ =	sdelay $0x3  }
0x36: {  	p1 =	seq.s32 s10, $0x1;
	s10 =	sld [smem:$0x3FAA];
	_ =	sdelay $0x3  }
0x37: {  	[smem:$0x3FAA] =	sst s10  }
0x38: {  	s10 =	sld [smem:$0x3FAB]  }
0x39: {  	_ = 	snop;
	(pc) =	sbr.ind lr, $3  }
0x3a: {  	_ = 	snop  }
0x3b: {  	_ = 	snop  }
0x3c: {  	p2 =	seq.s32 s10, $0x1;
	s10 =	sld [smem:$0x3FAA]  }
0x3d: {  	_ =	shalt  }
0x3e: {  	_ =	shalt  }
0x3f: {  	_ =	shalt  }
0x40: {  	_ =	shalt  }
0x41: {  	_ =	shalt  }
0x42: {  	_ =	shalt  }
0x43: {  	_ =	shalt  }
0x44: {  	_ =	shalt  }
0x45: {  	_ =	shalt  }
0x46: {  	_ =	shalt  }
0x47: {  	_ =	shalt  }
0x48: {  	_ =	shalt  }
0x49: {  	_ =	shalt  }
0x4a: {  	_ =	shalt  }
0x4b: {  	_ =	shalt  }
0x4c: {  	_ =	shalt  }
0x4d: {  	_ =	shalt  }
0x4e: {  	_ =	shalt  }
0x4f: {  	_ =	shalt  }
0x50: {  	_ =	shalt  }
0x51: {  	_ =	shalt  }
0x52: {  	_ =	shalt  }
0x53: {  	_ =	shalt  }
0x54: {  	_ =	shalt  }
0x55: {  	_ =	shalt  }
0x56: {  	_ =	shalt  }
0x57: {  	_ =	shalt  }
0x58: {  	_ =	shalt  }
0x59: {  	_ =	shalt  }
0x5a: {  	_ =	shalt  }
0x5b: {  	_ =	shalt  }
0x5c: {  	_ =	shalt  }
0x5d: {  	_ =	shalt  }
0x5e: {  	_ =	shalt  }
0x5f: {  	_ =	shalt  }
0x60: {  	_ =	shalt  }
0x61: {  	_ =	shalt  }
0x62: {  	_ =	shalt  }
0x63: {  	_ =	shalt  }
0x64: {  	_ =	shalt  }
0x65: {  	_ =	shalt  }
0x66: {  	_ =	shalt  }
0x67: {  	_ =	shalt  }
0x68: {  	_ =	shalt  }
0x69: {  	_ =	shalt  }
0x6a: {  	_ =	shalt  }
0x6b: {  	_ =	shalt  }
0x6c: {  	_ =	shalt  }
0x6d: {  	_ =	shalt  }
0x6e: {  	_ =	shalt  }
0x6f: {  	_ =	shalt  }
0x70: {  	_ =	shalt  }
0x71: {  	_ =	shalt  }
0x72: {  	_ =	shalt  }
0x73: {  	_ =	shalt  }
0x74: {  	_ =	shalt  }
0x75: {  	_ =	shalt  }
0x76: {  	_ =	shalt  }
0x77: {  	_ =	shalt  }
0x78: {  	_ =	shalt  }
0x79: {  	_ =	shalt  }
0x7a: {  	_ =	shalt  }
0x7b: {  	_ =	shalt  }
0x7c: {  	_ =	shalt  }
0x7d: {  	_ =	shalt  }
0x7e: {  	_ =	shalt  }
0x7f: {  	_ =	shalt  }
0x80: {  	_ =	shalt  }
0x81: {  	_ =	shalt  }
0x82: {  	_ =	shalt  }
0x83: {  	_ =	shalt  }
0x84: {  	_ =	shalt  }
0x85: {  	_ =	shalt  }
0x86: {  	_ =	shalt  }
0x87: {  	_ =	shalt  }
.Lfunc_end0:
.L_simem_size_0:
called_computation.1_lowered:
.L_overlay_start_0:
0x88: {  	s2 =	sld [smem:$0x3FD9]  }
0x89: {  	s3 =	sld [smem:$0x3FFE];
	_ =	sdelay $0x1  }
0x8a: {  	s1 =	srdreg.scid  }
0x8b: {  	s0 =	sand.u32 $0x1, s1  }
0x8c: {  	s17 =	sshll.u32 s0, $0xA;
	s2 =	sadd.s32 s3, s2  }
0x8d: {  	s2 =	sadd.s32 s2, s17  }
0x8e: {  	[smem:$0x3FB6] =	sst s2  }
0x8f: {  	_ = 	snop  }
0x90: {  	(tm) =	ssettm $0x1  }
0x91: {  	s18 =	sld [smem:$0x3FFB];
	_ =	sdelay $0x3  }
0x92: {  	_ =	strace s18  }
0x93: {  	s2 =	sld [smem:$0x3FFC];
	_ =	sdelay $0x3  }
0x94: {  	_ =	strace s2  }
0x95: {  	s2 =	sld [smem:$0x3FFD];
	_ =	sdelay $0x3  }
0x96: {  	_ =	strace s2  }
0x97: {  	_ =	strace $0x8FFFFFFF  }
0x98: {  	s19 =	sld [smem:$0x3FDB];
	_ =	sdelay $0x1  }
0x99: {  	s20 =	simm.s32 $_scs_section_size  }
0x9a: {  	s4 =	simm.s32 $_size__tile_overlayer_lowered;
	s5 =	simm.s32 $_tile_overlayer_lowered  }
0x9b: {  	s6 =	simm.s32 $0x1BFF;
	s21 =	sshll.u32 s5, $0x1;
	s3 =	sadd.s32 s20, s19  }
0x9c: {  	s22 =	simm.s32 $0x0;
	s4 =	sshll.u32 s4, $0x1;
	s5 =	sadd.s32 s21, s3  }
0x9d: {  	[timem:s22], [sflag:s6] =	dma.local [hbm:s5], s4  }
0x9e: {  	_ =	swait.ge [sflag:s6], s4  }
0x9f: {  	s4 =	ssub.s32 $0x0, s4;
	[sflag:s6] =	ssyncset.done $0x0  }
0xa0: {  	[sflag:s6] =	ssyncadd.s32 s4;
	_ =	sdelay $0x1  }
0xa1: {  	s23 =	simm.s32 $0x1B8B  }
0xa2: {  	_ =	swait.ge [sflag:s23], $0x1  }
0xa3: {  	[sflag:s23] =	ssyncset.done $0x0  }
0xa4: {  	[sflag:s23] =	ssyncadd.s32 $0xFFFFFFFF  }
0xa5: {  	s4 =	sld [smem:$0x0]  }
0xa6: {  	s5 =	sand.u32 $0xFFFFFFFE, s1  }
0xa7: {  	p0 =	sne.s32 s1, s5  }
0xa8: {  	s5 =	sshll.u32 @p0 s5, $0xE  }
0xa9: {  	s5 =	sadd.s32 @p0 $0x11B8D, s5;
	s6 =	sshll.u32 @p0 s4, $0x11  }
0xaa: {  	s5 =	sor.u32 @p0 s6, s5  }
0xab: {  	[sflag:s5] =	ssyncadd.remote.s32 @p0 $0x1;
	_ =	sdelay $0x1  }
0xac: {  	s5 =	simm.s32 @p0 $0x1B8D  }
0xad: {  	_ =	swait.eq @p0 [sflag:s5], $0x1  }
0xae: {  	[sflag:s5] =	ssyncadd.s32 @p0 $0xFFFFFFFF  }
0xaf: {  	s6 =	sshll.u32 @!p0 s1, $0xE  }
0xb0: {  	s6 =	sor.u32 @!p0 $0x4000, s6;
	s5 =	simm.s32 @!p0 $0x1B8D  }
0xb1: {  	s4 =	sshll.u32 @!p0 s4, $0x11;
	s6 =	sadd.s32 @!p0 $0x11B8D, s6;
	_ =	swait.eq @!p0 [sflag:s5], $0x1  }
0xb2: {  	s4 =	sor.u32 @!p0 s4, s6;
	[sflag:s5] =	ssyncadd.s32 @!p0 $0xFFFFFFFF  }
0xb3: {  	s25 =	simm.s32 $0x1B8E;
	s24 =	sld [smem:$0x3FFE];
	[sflag:s4] =	ssyncadd.remote.s32 @!p0 $0x1  }
0xb4: {  	s26 =	simm.s32 $execute0_lowered;
	[smem:$0x3FD2] =	sst s25  }
0xb5: {  	s5 =	sshll.u32 s26, $0x1;
	_ =	strace $0x80000049;
	[dreg:$0x1] =	wrdreg $0xFFFFFFFF  }
0xb6: {  	s28 =	simm.s32 $_size_execute0_lowered;
	s3 =	sadd.s32 s3, s5;
	[dreg:$0x0] =	wrdreg $0x0  }
0xb7: {  	s5 =	sshll.u32 s28, $0x1;
	[dreg:$0x2] =	wrdreg s3  }
0xb8: {  	[dreg:$0x3] =	wrdreg s5  }
0xb9: {  	[dreg:$0x4] =	wrdreg $0xC0  }
0xba: {  	_ =	task [dreg:s22], $0x5FFFF  }
0xbb: {  	[dreg:$0x1] =	wrdreg $0xFFFFFFFF  }
0xbc: {  	[dreg:$0x0] =	wrdreg $0x60  }
0xbd: {  	[dreg:$0x2] =	wrdreg s24  }
0xbe: {  	[dreg:$0x3] =	wrdreg $0xA  }
0xbf: {  	_ =	task.clear_ibuf [dreg:s22], $0x4FFFF;
	_ =	strace $0x90000049  }
0xc0: {  	s29 =	simm.s32 $0xA;
	_ =	strace $0x8000004B  }
0xc1: {  	_ =	swait.ge [sflag:s29], $0x1  }
0xc2: {  	[sflag:s29] =	ssyncadd.s32 $0xFFFFFFFF  }
0xc3: {  	_ =	strace $0x9000004B  }
0xc4: {  	_ =	sfence  }
0xc5: {  	s30 =	sld [smem:$0x0];
	_ =	sdelay $0x2  }
0xc6: {  	s31 =	sshll.u32 s1, $0xD;
	s1 =	sshrl.u32 s1, $0x2  }
0xc7: {  	s4 =	sand.u32 $0x4000, s31;
	s1 =	sadd.s32 s1, s30  }
0xc8: {  	s0 =	sor.u32 s4, s0;
	s1 =	sshll.u32 s1, $0x11  }
0xc9: {  	s0 =	sor.u32 s1, s0  }
0xca: {  	s0 =	sadd.s32 $0x8F2B, s0  }
0xcb: {  	[sflag:s0] =	ssyncadd.remote.s32 $0x1  }
0xcc: {  	_ =	sfence.sel $0xFFFF  }
0xcd: {  	[dreg:$0x0] =	wrdreg $0xFFFFFFFF;
	(pc) =	sbr.abs _section_cstart, $3  }
0xce: {  	[dreg:$0x1] =	wrdreg $0xFFFFFFFF  }
0xcf: {  	_ =	task.clear_ibuf [dreg:s22], $0x2FFFF;
	_ =	strace $0x9FFFFFFF  }
0xd0: {  	(tm) =	ssettm $0x7FFFFFFF  }
0xd1: {  	_ =	shalt  }
tec
execute0_lowered:
.L_overlay_start_1:
0x0: {  	(tag) =	ssettag $0x1  }
0x1: {  	s0 =	srdreg.scid  }
0x2: {  	s1 =	stileid.u32;
	s4 =	rddreg [dreg:$0x0];
	s10 =	simm.s32 $0x3  }
0x3: {  	s11 =	simm.s32 $0x100;
	s19 =	simm.s32 $0xC100;
	s12 =	simm.s32 $0x12D00  }
0x4: {  	s13 =	simm.s32 $0x13500;
	s14 =	simm.s32 $0x13900;
	s15 =	simm.s32 $0x14100  }
0x5: {  	s16 =	simm.s32 $0x14500;
	s17 =	simm.s32 $0x14D00;
	s18 =	simm.s32 $0x15100  }
0x6: {  	s20 =	simm.s32 $0x15900;
	s21 =	simm.s32 $0x15D00;
	s22 =	simm.s32 $0x16500  }
0x7: {  	s23 =	simm.s32 $0x16900;
	s24 =	simm.s32 $0x17100;
	s25 =	simm.s32 $0x17500  }
0x8: {  	s26 =	simm.s32 $0x17D00;
	s28 =	simm.s32 $0x1;
	s29 =	simm.s32 $0x2  }
0x9: {  	s0 =	sand.u32 $0x1, s0;
	s1 =	sshll.u32 s1, $0xC;
	s3 =	sadd.s32 $0x389400, s4  }
0xa: {  	s8 =	sadd.s32 $0x3DB400, s4;
	s2 =	sshll.u32 s0, $0xB;
	s0 =	ssub.s32 $0x2, s0  }
0xb: {  	s1 =	sor.u32 s2, s1;
	s2 =	simm.s32 $0x0;
	s7 =	sshrl.u32 s0, $0x1  }
0xc: {  	s5 =	sshrl.u32 s1, $0x3;
	[smem:$0x7FF] =	sst s2;
	s0 =	ssub.s32 s0, s7  }
0xd: {  	s1 =	sor.u32 $0x100, s1;
	s6 =	smul.u32 $0x180, s5;
	_ =	strace $0x8000004A  }
0xe: {  	s9 =	sadd.s32 s5, s8;
	s5 =	sadd.s32 $0x389500, s4;
	s0 =	smax.u32 s0, $0x1  }
.Ltmp0:
0xf: {  	s30 =	sshrl.u32 s1, $0x3;
	[dreg:$0x3] =	wrdreg s0;
	(pc) =	sbr.rel .LBB2_1-.Ltmp0, $4  }
0x10: {  	s1 =	simm.s32 $0x0;
	[dreg:$0x2] =	wrdreg s9;
	s31 =	sadd.s32 $0x10, s9  }
0x11: {  	v2 =	vlaneseq.u32;
	s0 =	sadd.s32 s30, s8;
	s8 =	simm.s32 $0x11D00;
	[dreg:$0x4] =	wrdreg s31  }
0x12: {  	vm0 =	vmmov $0xffff;
	vm1 =	vmmov $0xff;
	v1 =	vshrl.u32 v2, $0x3;
	s9 =	simm.s32 $0x12100;
	s6 =	sadd.s32 s6, s4;
	[dreg:$0x5] =	wrdreg s0  }
0x13: {  	v0 =	vand.u32 $0x7, v2;
	v2 =	vor.u32 $0x8, v2;
	v1 =	vmul.u32 $0x8, v1;
	s4 =	simm.s32 $0x12900;
	s7 =	sadd.s32 $0x3DD400, s6;
	s6 =	simm.s32 $0x80  }
.LBB2_5:
0x14: {  	s1 =	rddreg [dreg:$0x6]  }
0x15: {  	s0 =	rddreg [dreg:$0x3];
	s1 =	sadd.s32 $0x1, s1  }
0x16: {  	p0 =	sne.s32 s1, s0  }
.Ltmp1:
0x17: {  	_ = 	snop;
	(pc) =	sbr.rel @!p0 .LBB2_6-.Ltmp1, $1  }
0x18: {  	_ =	sdelay $0x3  }
.LBB2_1:
0x19: {  	[dreg:$0x6] =	wrdreg s1  }
0x1a: {  	s0 =	rddreg [dreg:$0x2]  }
0x1b: {  	[tilespmem:s2], [sflag:$0x3] =	stream.linear.gather [hbm4b:s0+s2], $0x80, $0x38;
	[tilespmem:$0x18100] =	vst v63  }
0x1c: {  	_ =	swait.ge [sflag:s10], $0x80  }
0x1d: {  	[sflag:s10] =	ssyncset.done $0x0  }
0x1e: {  	[sflag:s10] =	ssyncadd.s32 $0xFFFFFF80  }
0x1f: {  	v3 =	vld [tilespmem:$0x0];
	_ =	sdelay $0x4  }
0x20: {  	v4 =	vshrl.u32 v3, $0x3  }
0x21: {  	v4 =	vmul.u32 $0x18, v4  }
0x22: {  	v3 =	vand.u32 $0x7, v3  }
0x23: {  	v3 =	vor.u32 v3, v4  }
0x24: {  	v4 =	vperm.xlane v3, v0;
	_ =	sdelay $0x1  }
0x25: {  	v4 =	vadd.s32 v1, v4;
	_ =	sdelay $0x1  }
0x26: {  	v3 =	vperm.xlane v3, v2;
	_ =	sdelay $0x1  }
0x27: {  	v3 =	vadd.s32 v1, v3  }
0x28: {  	[tilespmem:s11], [sflag:$0x1] =	stream.indirect_vreg.gather [hbm4b:s3+s2], $0x80, v4, vm0, $0xb8;
	[tilespmem:$0x18100] =	vst v63  }
0x29: {  	s1 =	simm.s32 $0x900  }
0x2a: {  	[tilespmem:s1], [sflag:$0x1] =	stream.indirect_vreg.gather [hbm4b:s5+s2], $0x80, v4, vm1, $0xb8;
	[tilespmem:$0x18100] =	vst v63  }
0x2b: {  	s1 =	simm.s32 $0xD00  }
0x2c: {  	[tilespmem:s1], [sflag:$0x1] =	stream.indirect_vreg.gather [hbm4b:s3+s2], $0x80, v3, vm0, $0xb8;
	[tilespmem:$0x18100] =	vst v63  }
0x2d: {  	s1 =	simm.s32 $0x1500  }
0x2e: {  	[tilespmem:s1], [sflag:$0x1] =	stream.indirect_vreg.gather [hbm4b:s5+s2], $0x80, v3, vm1, $0xb8;
	[tilespmem:$0x18100] =	vst v63  }
0x2f: {  	v3 =	vld [tilespmem:$0x10];
	_ =	sdelay $0x4  }
0x30: {  	v57 =	vshrl.u32 v3, $0x3  }
0x31: {  	v4 =	vmul.u32 $0x18, v57  }
0x32: {  	v3 =	vand.u32 $0x7, v3  }
0x33: {  	v3 =	vor.u32 v3, v4  }
0x34: {  	v4 =	vperm.xlane v3, v0;
	_ =	sdelay $0x1  }
0x35: {  	v4 =	vadd.s32 v1, v4;
	_ =	sdelay $0x1  }
0x36: {  	v3 =	vperm.xlane v3, v2;
	_ =	sdelay $0x1  }
0x37: {  	s1 =	simm.s32 $0x1900;
	v3 =	vadd.s32 v1, v3  }
0x38: {  	[tilespmem:s1], [sflag:$0x1] =	stream.indirect_vreg.gather [hbm4b:s3+s2], $0x80, v4, vm0, $0xb8;
	[tilespmem:$0x18100] =	vst v63  }
0x39: {  	s1 =	simm.s32 $0x2100  }
0x3a: {  	[tilespmem:s1], [sflag:$0x1] =	stream.indirect_vreg.gather [hbm4b:s5+s2], $0x80, v4, vm1, $0xb8;
	[tilespmem:$0x18100] =	vst v63  }
0x3b: {  	s1 =	simm.s32 $0x2500  }
0x3c: {  	[tilespmem:s1], [sflag:$0x1] =	stream.indirect_vreg.gather [hbm4b:s3+s2], $0x80, v3, vm0, $0xb8;
	[tilespmem:$0x18100] =	vst v63  }
0x3d: {  	s1 =	simm.s32 $0x2D00  }
0x3e: {  	[tilespmem:s1], [sflag:$0x1] =	stream.indirect_vreg.gather [hbm4b:s5+s2], $0x80, v3, vm1, $0xb8;
	[tilespmem:$0x18100] =	vst v63  }
0x3f: {  	v3 =	vld [tilespmem:$0x20];
	_ =	sdelay $0x4  }
0x40: {  	v58 =	vshrl.u32 v3, $0x3  }
0x41: {  	v4 =	vmul.u32 $0x18, v58  }
0x42: {  	v3 =	vand.u32 $0x7, v3  }
0x43: {  	v3 =	vor.u32 v3, v4  }
0x44: {  	v4 =	vperm.xlane v3, v0;
	_ =	sdelay $0x1  }
0x45: {  	v4 =	vadd.s32 v1, v4;
	_ =	sdelay $0x1  }
0x46: {  	v3 =	vperm.xlane v3, v2;
	_ =	sdelay $0x1  }
0x47: {  	s1 =	simm.s32 $0x3100;
	v3 =	vadd.s32 v1, v3  }
0x48: {  	[tilespmem:s1], [sflag:$0x1] =	stream.indirect_vreg.gather [hbm4b:s3+s2], $0x80, v4, vm0, $0xb8;
	[tilespmem:$0x18100] =	vst v63  }
0x49: {  	s1 =	simm.s32 $0x3900  }
0x4a: {  	[tilespmem:s1], [sflag:$0x1] =	stream.indirect_vreg.gather [hbm4b:s5+s2], $0x80, v4, vm1, $0xb8;
	[tilespmem:$0x18100] =	vst v63  }
0x4b: {  	s1 =	simm.s32 $0x3D00  }
0x4c: {  	[tilespmem:s1], [sflag:$0x1] =	stream.indirect_vreg.gather [hbm4b:s3+s2], $0x80, v3, vm0, $0xb8;
	[tilespmem:$0x18100] =	vst v63  }
0x4d: {  	s1 =	simm.s32 $0x4500  }
0x4e: {  	[tilespmem:s1], [sflag:$0x1] =	stream.indirect_vreg.gather [hbm4b:s5+s2], $0x80, v3, vm1, $0xb8;
	[tilespmem:$0x18100] =	vst v63  }
0x4f: {  	v3 =	vld [tilespmem:$0x30];
	_ =	sdelay $0x4  }
0x50: {  	v59 =	vshrl.u32 v3, $0x3  }
0x51: {  	v4 =	vmul.u32 $0x18, v59  }
0x52: {  	v3 =	vand.u32 $0x7, v3  }
0x53: {  	v3 =	vor.u32 v3, v4  }
0x54: {  	v4 =	vperm.xlane v3, v0;
	_ =	sdelay $0x1  }
0x55: {  	v4 =	vadd.s32 v1, v4;
	_ =	sdelay $0x1  }
0x56: {  	v3 =	vperm.xlane v3, v2;
	_ =	sdelay $0x1  }
0x57: {  	s1 =	simm.s32 $0x4900;
	v3 =	vadd.s32 v1, v3  }
0x58: {  	[tilespmem:s1], [sflag:$0x1] =	stream.indirect_vreg.gather [hbm4b:s3+s2], $0x80, v4, vm0, $0xb8;
	[tilespmem:$0x18100] =	vst v63  }
0x59: {  	s1 =	simm.s32 $0x5100  }
0x5a: {  	[tilespmem:s1], [sflag:$0x1] =	stream.indirect_vreg.gather [hbm4b:s5+s2], $0x80, v4, vm1, $0xb8;
	[tilespmem:$0x18100] =	vst v63  }
0x5b: {  	s1 =	simm.s32 $0x5500  }
0x5c: {  	[tilespmem:s1], [sflag:$0x1] =	stream.indirect_vreg.gather [hbm4b:s3+s2], $0x80, v3, vm0, $0xb8;
	[tilespmem:$0x18100] =	vst v63  }
0x5d: {  	s1 =	simm.s32 $0x5D00  }
0x5e: {  	[tilespmem:s1], [sflag:$0x1] =	stream.indirect_vreg.gather [hbm4b:s5+s2], $0x80, v3, vm1, $0xb8;
	[tilespmem:$0x18100] =	vst v63  }
0x5f: {  	v3 =	vld [tilespmem:$0x40];
	_ =	sdelay $0x4  }
0x60: {  	v60 =	vshrl.u32 v3, $0x3  }
0x61: {  	v4 =	vmul.u32 $0x18, v60  }
0x62: {  	v3 =	vand.u32 $0x7, v3  }
0x63: {  	v3 =	vor.u32 v3, v4  }
0x64: {  	v4 =	vperm.xlane v3, v0;
	_ =	sdelay $0x1  }
0x65: {  	v4 =	vadd.s32 v1, v4;
	_ =	sdelay $0x1  }
0x66: {  	v3 =	vperm.xlane v3, v2;
	_ =	sdelay $0x1  }
0x67: {  	s1 =	simm.s32 $0x6100;
	v3 =	vadd.s32 v1, v3  }
0x68: {  	[tilespmem:s1], [sflag:$0x1] =	stream.indirect_vreg.gather [hbm4b:s3+s2], $0x80, v4, vm0, $0xb8;
	[tilespmem:$0x18100] =	vst v63  }
0x69: {  	s1 =	simm.s32 $0x6900  }
0x6a: {  	[tilespmem:s1], [sflag:$0x1] =	stream.indirect_vreg.gather [hbm4b:s5+s2], $0x80, v4, vm1, $0xb8;
	[tilespmem:$0x18100] =	vst v63  }
0x6b: {  	s1 =	simm.s32 $0x6D00  }
0x6c: {  	[tilespmem:s1], [sflag:$0x1] =	stream.indirect_vreg.gather [hbm4b:s3+s2], $0x80, v3, vm0, $0xb8;
	[tilespmem:$0x18100] =	vst v63  }
0x6d: {  	s1 =	simm.s32 $0x7500  }
0x6e: {  	[tilespmem:s1], [sflag:$0x1] =	stream.indirect_vreg.gather [hbm4b:s5+s2], $0x80, v3, vm1, $0xb8;
	[tilespmem:$0x18100] =	vst v63  }
0x6f: {  	v3 =	vld [tilespmem:$0x50];
	_ =	sdelay $0x4  }
0x70: {  	v61 =	vshrl.u32 v3, $0x3  }
0x71: {  	v4 =	vmul.u32 $0x18, v61  }
0x72: {  	v3 =	vand.u32 $0x7, v3  }
0x73: {  	v3 =	vor.u32 v3, v4  }
0x74: {  	v4 =	vperm.xlane v3, v0;
	_ =	sdelay $0x1  }
0x75: {  	v4 =	vadd.s32 v1, v4;
	_ =	sdelay $0x1  }
0x76: {  	v3 =	vperm.xlane v3, v2;
	_ =	sdelay $0x1  }
0x77: {  	s1 =	simm.s32 $0x7900;
	v3 =	vadd.s32 v1, v3  }
0x78: {  	[tilespmem:s1], [sflag:$0x1] =	stream.indirect_vreg.gather [hbm4b:s3+s2], $0x80, v4, vm0, $0xb8;
	[tilespmem:$0x18100] =	vst v63  }
0x79: {  	s1 =	simm.s32 $0x8100  }
0x7a: {  	[tilespmem:s1], [sflag:$0x1] =	stream.indirect_vreg.gather [hbm4b:s5+s2], $0x80, v4, vm1, $0xb8;
	[tilespmem:$0x18100] =	vst v63  }
0x7b: {  	s1 =	simm.s32 $0x8500  }
0x7c: {  	[tilespmem:s1], [sflag:$0x1] =	stream.indirect_vreg.gather [hbm4b:s3+s2], $0x80, v3, vm0, $0xb8;
	[tilespmem:$0x18100] =	vst v63  }
0x7d: {  	s1 =	simm.s32 $0x8D00  }
0x7e: {  	[tilespmem:s1], [sflag:$0x1] =	stream.indirect_vreg.gather [hbm4b:s5+s2], $0x80, v3, vm1, $0xb8;
	[tilespmem:$0x18100] =	vst v63  }
0x7f: {  	v3 =	vld [tilespmem:$0x60];
	_ =	sdelay $0x4  }
0x80: {  	v62 =	vshrl.u32 v3, $0x3  }
0x81: {  	v4 =	vmul.u32 $0x18, v62  }
0x82: {  	v3 =	vand.u32 $0x7, v3  }
0x83: {  	v3 =	vor.u32 v3, v4  }
0x84: {  	v4 =	vperm.xlane v3, v0;
	_ =	sdelay $0x1  }
0x85: {  	v4 =	vadd.s32 v1, v4;
	_ =	sdelay $0x1  }
0x86: {  	v3 =	vperm.xlane v3, v2;
	_ =	sdelay $0x1  }
0x87: {  	s1 =	simm.s32 $0x9100;
	v3 =	vadd.s32 v1, v3  }
0x88: {  	[tilespmem:s1], [sflag:$0x1] =	stream.indirect_vreg.gather [hbm4b:s3+s2], $0x80, v4, vm0, $0xb8;
	[tilespmem:$0x18100] =	vst v63  }
0x89: {  	s1 =	simm.s32 $0x9900  }
0x8a: {  	[tilespmem:s1], [sflag:$0x1] =	stream.indirect_vreg.gather [hbm4b:s5+s2], $0x80, v4, vm1, $0xb8;
	[tilespmem:$0x18100] =	vst v63  }
0x8b: {  	s1 =	simm.s32 $0x9D00  }
0x8c: {  	[tilespmem:s1], [sflag:$0x1] =	stream.indirect_vreg.gather [hbm4b:s3+s2], $0x80, v3, vm0, $0xb8;
	[tilespmem:$0x18100] =	vst v63  }
0x8d: {  	s1 =	simm.s32 $0xA500  }
0x8e: {  	[tilespmem:s1], [sflag:$0x1] =	stream.indirect_vreg.gather [hbm4b:s5+s2], $0x80, v3, vm1, $0xb8;
	[tilespmem:$0x18100] =	vst v63  }
0x8f: {  	v3 =	vld [tilespmem:$0x70];
	_ =	sdelay $0x4  }
0x90: {  	v63 =	vshrl.u32 v3, $0x3  }
0x91: {  	v4 =	vmul.u32 $0x18, v63  }
0x92: {  	v3 =	vand.u32 $0x7, v3  }
0x93: {  	v3 =	vor.u32 v3, v4  }
0x94: {  	v4 =	vperm.xlane v3, v0;
	_ =	sdelay $0x1  }
0x95: {  	v4 =	vadd.s32 v1, v4;
	_ =	sdelay $0x1  }
0x96: {  	v3 =	vperm.xlane v3, v2;
	_ =	sdelay $0x1  }
0x97: {  	s1 =	simm.s32 $0xA900;
	v3 =	vadd.s32 v1, v3  }
0x98: {  	[tilespmem:s1], [sflag:$0x1] =	stream.indirect_vreg.gather [hbm4b:s3+s2], $0x80, v4, vm0, $0xb8;
	[tilespmem:$0x18100] =	vst v63  }
0x99: {  	s1 =	simm.s32 $0xB100  }
0x9a: {  	[tilespmem:s1], [sflag:$0x1] =	stream.indirect_vreg.gather [hbm4b:s5+s2], $0x80, v4, vm1, $0xb8;
	[tilespmem:$0x18100] =	vst v63  }
.Ltmp2:
0x9b: {  	s1 =	simm.s32 $0xB500;
	(pc) =	sbr.rel .LBB2_2-.Ltmp2, $4  }
0x9c: {  	[tilespmem:s1], [sflag:$0x1] =	stream.indirect_vreg.gather [hbm4b:s3+s2], $0x80, v3, vm0, $0xb8;
	[tilespmem:$0x18100] =	vst v63  }
0x9d: {  	s30 =	rddreg [dreg:$0x5];
	s1 =	simm.s32 $0xBD00  }
0x9e: {  	[tilespmem:s1], [sflag:$0x1] =	stream.indirect_vreg.gather [hbm4b:s5+s2], $0x80, v3, vm1, $0xb8;
	[tilespmem:$0x18100] =	vst v63  }
0x9f: {  	s31 =	rddreg [dreg:$0x4];
	s1 =	simm.s32 $0x0  }
.LBB2_4:
0xa0: {  	_ =	swait.ge [sflag:s29], $0xC000;
	s1 =	sadd.s32 $0x3000, s1  }
0xa1: {  	[sflag:s29] =	ssyncset.done $0x0;
	p0 =	sne.s32 s1, $0x18000  }
.Ltmp3:
0xa2: {  	s0 =	sadd.s32 $0x1800, s0;
	[sflag:s29] =	ssyncadd.s32 $0xFFFF4000;
	(pc) =	sbr.rel @!p0 .LBB2_5-.Ltmp3, $4  }
0xa3: {  	[hbm4b:s0+s2] =	stream.linear.scatter [tilespmem:s19], [sflag:$0x3], $0xC000, $0x38;
	[tilespmem:$0x18100] =	vst v63  }
0xa4: {  	_ =	swait.ge [sflag:s10], $0xC000  }
0xa5: {  	[sflag:s10] =	ssyncset.done $0x0  }
0xa6: {  	s31 =	sadd.s32 $0x20, s31;
	s30 =	sadd.s32 $0x20, s30;
	[sflag:s10] =	ssyncadd.s32 $0xFFFF4000  }
.LBB2_2:
0xa7: {  	[tilespmem:s6], [sflag:$0x3] =	stream.linear.gather [hbm4b:s31+s2], $0x80, $0x38;
	[tilespmem:$0x18100] =	vst v63  }
0xa8: {  	_ =	swait.ge [sflag:s10], $0x80  }
0xa9: {  	[sflag:s10] =	ssyncset.done $0x0  }
0xaa: {  	[sflag:s10] =	ssyncadd.s32 $0xFFFFFF80  }
0xab: {  	v3 =	vld [tilespmem:$0x80];
	_ =	sdelay $0x4  }
0xac: {  	v4 =	vshrl.u32 v3, $0x3  }
0xad: {  	v4 =	vmul.u32 $0x18, v4  }
0xae: {  	v3 =	vand.u32 $0x7, v3  }
0xaf: {  	v3 =	vor.u32 v3, v4  }
0xb0: {  	v4 =	vperm.xlane v3, v0;
	_ =	sdelay $0x1  }
0xb1: {  	v4 =	vadd.s32 v1, v4;
	_ =	sdelay $0x1  }
0xb2: {  	v3 =	vperm.xlane v3, v2;
	_ =	sdelay $0x1  }
0xb3: {  	v3 =	vadd.s32 v1, v3  }
0xb4: {  	[tilespmem:s19], [sflag:$0x2] =	stream.indirect_vreg.gather [hbm4b:s3+s2], $0x80, v4, vm0, $0xb8;
	[tilespmem:$0x18100] =	vst v63  }
0xb5: {  	s0 =	simm.s32 $0xC900  }
0xb6: {  	[tilespmem:s0], [sflag:$0x2] =	stream.indirect_vreg.gather [hbm4b:s5+s2], $0x80, v4, vm1, $0xb8;
	[tilespmem:$0x18100] =	vst v63  }
0xb7: {  	s0 =	simm.s32 $0xCD00  }
0xb8: {  	[tilespmem:s0], [sflag:$0x2] =	stream.indirect_vreg.gather [hbm4b:s3+s2], $0x80, v3, vm0, $0xb8;
	[tilespmem:$0x18100] =	vst v63  }
0xb9: {  	s0 =	simm.s32 $0xD500  }
0xba: {  	[tilespmem:s0], [sflag:$0x2] =	stream.indirect_vreg.gather [hbm4b:s5+s2], $0x80, v3, vm1, $0xb8;
	[tilespmem:$0x18100] =	vst v63  }
0xbb: {  	v3 =	vld [tilespmem:$0x90];
	_ =	sdelay $0x4  }
0xbc: {  	v57 =	vshrl.u32 v3, $0x3  }
0xbd: {  	v4 =	vmul.u32 $0x18, v57  }
0xbe: {  	v3 =	vand.u32 $0x7, v3  }
0xbf: {  	v3 =	vor.u32 v3, v4  }
0xc0: {  	v4 =	vperm.xlane v3, v0;
	_ =	sdelay $0x1  }
0xc1: {  	v4 =	vadd.s32 v1, v4;
	_ =	sdelay $0x1  }
0xc2: {  	v3 =	vperm.xlane v3, v2;
	_ =	sdelay $0x1  }
0xc3: {  	s0 =	simm.s32 $0xD900;
	v3 =	vadd.s32 v1, v3  }
0xc4: {  	[tilespmem:s0], [sflag:$0x2] =	stream.indirect_vreg.gather [hbm4b:s3+s2], $0x80, v4, vm0, $0xb8;
	[tilespmem:$0x18100] =	vst v63  }
0xc5: {  	s0 =	simm.s32 $0xE100  }
0xc6: {  	[tilespmem:s0], [sflag:$0x2] =	stream.indirect_vreg.gather [hbm4b:s5+s2], $0x80, v4, vm1, $0xb8;
	[tilespmem:$0x18100] =	vst v63  }
0xc7: {  	s0 =	simm.s32 $0xE500  }
0xc8: {  	[tilespmem:s0], [sflag:$0x2] =	stream.indirect_vreg.gather [hbm4b:s3+s2], $0x80, v3, vm0, $0xb8;
	[tilespmem:$0x18100] =	vst v63  }
0xc9: {  	s0 =	simm.s32 $0xED00  }
0xca: {  	[tilespmem:s0], [sflag:$0x2] =	stream.indirect_vreg.gather [hbm4b:s5+s2], $0x80, v3, vm1, $0xb8;
	[tilespmem:$0x18100] =	vst v63  }
0xcb: {  	v3 =	vld [tilespmem:$0xA0];
	_ =	sdelay $0x4  }
0xcc: {  	v58 =	vshrl.u32 v3, $0x3  }
0xcd: {  	v4 =	vmul.u32 $0x18, v58  }
0xce: {  	v3 =	vand.u32 $0x7, v3  }
0xcf: {  	v3 =	vor.u32 v3, v4  }
0xd0: {  	v4 =	vperm.xlane v3, v0;
	_ =	sdelay $0x1  }
0xd1: {  	v4 =	vadd.s32 v1, v4;
	_ =	sdelay $0x1  }
0xd2: {  	v3 =	vperm.xlane v3, v2;
	_ =	sdelay $0x1  }
0xd3: {  	s0 =	simm.s32 $0xF100;
	v3 =	vadd.s32 v1, v3  }
0xd4: {  	[tilespmem:s0], [sflag:$0x2] =	stream.indirect_vreg.gather [hbm4b:s3+s2], $0x80, v4, vm0, $0xb8;
	[tilespmem:$0x18100] =	vst v63  }
0xd5: {  	s0 =	simm.s32 $0xF900  }
0xd6: {  	[tilespmem:s0], [sflag:$0x2] =	stream.indirect_vreg.gather [hbm4b:s5+s2], $0x80, v4, vm1, $0xb8;
	[tilespmem:$0x18100] =	vst v63  }
0xd7: {  	s0 =	simm.s32 $0xFD00  }
0xd8: {  	[tilespmem:s0], [sflag:$0x2] =	stream.indirect_vreg.gather [hbm4b:s3+s2], $0x80, v3, vm0, $0xb8;
	[tilespmem:$0x18100] =	vst v63  }
0xd9: {  	s0 =	simm.s32 $0x10500  }
0xda: {  	[tilespmem:s0], [sflag:$0x2] =	stream.indirect_vreg.gather [hbm4b:s5+s2], $0x80, v3, vm1, $0xb8;
	[tilespmem:$0x18100] =	vst v63  }
0xdb: {  	v3 =	vld [tilespmem:$0xB0];
	_ =	sdelay $0x4  }
0xdc: {  	v59 =	vshrl.u32 v3, $0x3  }
0xdd: {  	v4 =	vmul.u32 $0x18, v59  }
0xde: {  	v3 =	vand.u32 $0x7, v3  }
0xdf: {  	v3 =	vor.u32 v3, v4  }
0xe0: {  	v4 =	vperm.xlane v3, v0;
	_ =	sdelay $0x1  }
0xe1: {  	v4 =	vadd.s32 v1, v4;
	_ =	sdelay $0x1  }
0xe2: {  	v3 =	vperm.xlane v3, v2;
	_ =	sdelay $0x1  }
0xe3: {  	s0 =	simm.s32 $0x10900;
	v3 =	vadd.s32 v1, v3  }
0xe4: {  	[tilespmem:s0], [sflag:$0x2] =	stream.indirect_vreg.gather [hbm4b:s3+s2], $0x80, v4, vm0, $0xb8;
	[tilespmem:$0x18100] =	vst v63  }
0xe5: {  	s0 =	simm.s32 $0x11100  }
0xe6: {  	[tilespmem:s0], [sflag:$0x2] =	stream.indirect_vreg.gather [hbm4b:s5+s2], $0x80, v4, vm1, $0xb8;
	[tilespmem:$0x18100] =	vst v63  }
0xe7: {  	s0 =	simm.s32 $0x11500  }
0xe8: {  	[tilespmem:s0], [sflag:$0x2] =	stream.indirect_vreg.gather [hbm4b:s3+s2], $0x80, v3, vm0, $0xb8;
	[tilespmem:$0x18100] =	vst v63  }
0xe9: {  	_ = 	snop  }
0xea: {  	[tilespmem:s8], [sflag:$0x2] =	stream.indirect_vreg.gather [hbm4b:s5+s2], $0x80, v3, vm1, $0xb8;
	[tilespmem:$0x18100] =	vst v63  }
0xeb: {  	v3 =	vld [tilespmem:$0xC0];
	_ =	sdelay $0x4  }
0xec: {  	v60 =	vshrl.u32 v3, $0x3  }
0xed: {  	v4 =	vmul.u32 $0x18, v60  }
0xee: {  	v3 =	vand.u32 $0x7, v3  }
0xef: {  	v3 =	vor.u32 v3, v4  }
0xf0: {  	v4 =	vperm.xlane v3, v0;
	_ =	sdelay $0x1  }
0xf1: {  	v4 =	vadd.s32 v1, v4;
	_ =	sdelay $0x1  }
0xf2: {  	v3 =	vperm.xlane v3, v2;
	_ =	sdelay $0x1  }
0xf3: {  	v3 =	vadd.s32 v1, v3  }
0xf4: {  	[tilespmem:s9], [sflag:$0x2] =	stream.indirect_vreg.gather [hbm4b:s3+s2], $0x80, v4, vm0, $0xb8;
	[tilespmem:$0x18100] =	vst v63  }
0xf5: {  	_ = 	snop  }
0xf6: {  	[tilespmem:s4], [sflag:$0x2] =	stream.indirect_vreg.gather [hbm4b:s5+s2], $0x80, v4, vm1, $0xb8;
	[tilespmem:$0x18100] =	vst v63  }
0xf7: {  	_ = 	snop  }
0xf8: {  	[tilespmem:s12], [sflag:$0x2] =	stream.indirect_vreg.gather [hbm4b:s3+s2], $0x80, v3, vm0, $0xb8;
	[tilespmem:$0x18100] =	vst v63  }
0xf9: {  	_ = 	snop  }
0xfa: {  	[tilespmem:s13], [sflag:$0x2] =	stream.indirect_vreg.gather [hbm4b:s5+s2], $0x80, v3, vm1, $0xb8;
	[tilespmem:$0x18100] =	vst v63  }
0xfb: {  	v3 =	vld [tilespmem:$0xD0];
	_ =	sdelay $0x4  }
0xfc: {  	v61 =	vshrl.u32 v3, $0x3  }
0xfd: {  	v4 =	vmul.u32 $0x18, v61  }
0xfe: {  	v3 =	vand.u32 $0x7, v3  }
0xff: {  	v3 =	vor.u32 v3, v4  }
0x100: {  	v4 =	vperm.xlane v3, v0;
	_ =	sdelay $0x1  }
0x101: {  	v4 =	vadd.s32 v1, v4;
	_ =	sdelay $0x1  }
0x102: {  	v3 =	vperm.xlane v3, v2;
	_ =	sdelay $0x1  }
0x103: {  	v3 =	vadd.s32 v1, v3  }
0x104: {  	[tilespmem:s14], [sflag:$0x2] =	stream.indirect_vreg.gather [hbm4b:s3+s2], $0x80, v4, vm0, $0xb8;
	[tilespmem:$0x18100] =	vst v63  }
0x105: {  	_ = 	snop  }
0x106: {  	[tilespmem:s15], [sflag:$0x2] =	stream.indirect_vreg.gather [hbm4b:s5+s2], $0x80, v4, vm1, $0xb8;
	[tilespmem:$0x18100] =	vst v63  }
0x107: {  	_ = 	snop  }
0x108: {  	[tilespmem:s16], [sflag:$0x2] =	stream.indirect_vreg.gather [hbm4b:s3+s2], $0x80, v3, vm0, $0xb8;
	[tilespmem:$0x18100] =	vst v63  }
0x109: {  	_ = 	snop  }
0x10a: {  	[tilespmem:s17], [sflag:$0x2] =	stream.indirect_vreg.gather [hbm4b:s5+s2], $0x80, v3, vm1, $0xb8;
	[tilespmem:$0x18100] =	vst v63  }
0x10b: {  	v3 =	vld [tilespmem:$0xE0];
	_ =	sdelay $0x4  }
0x10c: {  	v62 =	vshrl.u32 v3, $0x3  }
0x10d: {  	v4 =	vmul.u32 $0x18, v62  }
0x10e: {  	v3 =	vand.u32 $0x7, v3  }
0x10f: {  	v3 =	vor.u32 v3, v4  }
0x110: {  	v4 =	vperm.xlane v3, v0;
	_ =	sdelay $0x1  }
0x111: {  	v4 =	vadd.s32 v1, v4;
	_ =	sdelay $0x1  }
0x112: {  	v3 =	vperm.xlane v3, v2;
	_ =	sdelay $0x1  }
0x113: {  	v3 =	vadd.s32 v1, v3  }
0x114: {  	[tilespmem:s18], [sflag:$0x2] =	stream.indirect_vreg.gather [hbm4b:s3+s2], $0x80, v4, vm0, $0xb8;
	[tilespmem:$0x18100] =	vst v63  }
0x115: {  	_ = 	snop  }
0x116: {  	[tilespmem:s20], [sflag:$0x2] =	stream.indirect_vreg.gather [hbm4b:s5+s2], $0x80, v4, vm1, $0xb8;
	[tilespmem:$0x18100] =	vst v63  }
0x117: {  	_ = 	snop  }
0x118: {  	[tilespmem:s21], [sflag:$0x2] =	stream.indirect_vreg.gather [hbm4b:s3+s2], $0x80, v3, vm0, $0xb8;
	[tilespmem:$0x18100] =	vst v63  }
0x119: {  	_ = 	snop  }
0x11a: {  	[tilespmem:s22], [sflag:$0x2] =	stream.indirect_vreg.gather [hbm4b:s5+s2], $0x80, v3, vm1, $0xb8;
	[tilespmem:$0x18100] =	vst v63  }
0x11b: {  	v3 =	vld [tilespmem:$0xF0];
	_ =	sdelay $0x4  }
0x11c: {  	v63 =	vshrl.u32 v3, $0x3  }
0x11d: {  	v4 =	vmul.u32 $0x18, v63  }
0x11e: {  	v3 =	vand.u32 $0x7, v3  }
0x11f: {  	v3 =	vor.u32 v3, v4  }
0x120: {  	v4 =	vperm.xlane v3, v0;
	_ =	sdelay $0x1  }
0x121: {  	v4 =	vadd.s32 v1, v4;
	_ =	sdelay $0x1  }
0x122: {  	v3 =	vperm.xlane v3, v2;
	_ =	sdelay $0x1  }
0x123: {  	v3 =	vadd.s32 v1, v3  }
0x124: {  	[tilespmem:s23], [sflag:$0x2] =	stream.indirect_vreg.gather [hbm4b:s3+s2], $0x80, v4, vm0, $0xb8;
	[tilespmem:$0x18100] =	vst v63  }
0x125: {  	_ = 	snop  }
0x126: {  	[tilespmem:s24], [sflag:$0x2] =	stream.indirect_vreg.gather [hbm4b:s5+s2], $0x80, v4, vm1, $0xb8;
	[tilespmem:$0x18100] =	vst v63  }
0x127: {  	_ = 	snop  }
0x128: {  	[tilespmem:s25], [sflag:$0x2] =	stream.indirect_vreg.gather [hbm4b:s3+s2], $0x80, v3, vm0, $0xb8;
	[tilespmem:$0x18100] =	vst v63  }
0x129: {  	_ = 	snop  }
0x12a: {  	[tilespmem:s26], [sflag:$0x2] =	stream.indirect_vreg.gather [hbm4b:s5+s2], $0x80, v3, vm1, $0xb8;
	[tilespmem:$0x18100] =	vst v63  }
0x12b: {  	_ =	swait.ge [sflag:s28], $0xC000  }
0x12c: {  	p0 =	seq.s32 s1, $0x15000;
	[sflag:s28] =	ssyncset.done $0x0  }
.Ltmp4:
0x12d: {  	s0 =	sadd.s32 s1, s7;
	[sflag:s28] =	ssyncadd.s32 $0xFFFF4000;
	(pc) =	sbr.rel @p0 .LBB2_4-.Ltmp4, $4  }
0x12e: {  	[hbm4b:s0+s2] =	stream.linear.scatter [tilespmem:s11], [sflag:$0x3], $0xC000, $0x38;
	[tilespmem:$0x18100] =	vst v63  }
0x12f: {  	_ =	swait.ge [sflag:s10], $0xC000  }
0x130: {  	[sflag:s10] =	ssyncset.done $0x0  }
0x131: {  	[sflag:s10] =	ssyncadd.s32 $0xFFFF4000  }
0x132: {  	[tilespmem:s2], [sflag:$0x3] =	stream.linear.gather [hbm4b:s30+s2], $0x80, $0x38;
	[tilespmem:$0x18100] =	vst v63  }
0x133: {  	_ =	swait.ge [sflag:s10], $0x80  }
0x134: {  	[sflag:s10] =	ssyncset.done $0x0  }
0x135: {  	[sflag:s10] =	ssyncadd.s32 $0xFFFFFF80  }
0x136: {  	v3 =	vld [tilespmem:$0x0];
	_ =	sdelay $0x4  }
0x137: {  	v4 =	vshrl.u32 v3, $0x3  }
0x138: {  	v4 =	vmul.u32 $0x18, v4  }
0x139: {  	v3 =	vand.u32 $0x7, v3  }
0x13a: {  	v3 =	vor.u32 v3, v4  }
0x13b: {  	v4 =	vperm.xlane v3, v0;
	_ =	sdelay $0x1  }
0x13c: {  	v4 =	vadd.s32 v1, v4;
	_ =	sdelay $0x1  }
0x13d: {  	v3 =	vperm.xlane v3, v2;
	_ =	sdelay $0x1  }
0x13e: {  	v3 =	vadd.s32 v1, v3  }
0x13f: {  	[tilespmem:s11], [sflag:$0x1] =	stream.indirect_vreg.gather [hbm4b:s3+s2], $0x80, v4, vm0, $0xb8;
	[tilespmem:$0x18100] =	vst v63  }
0x140: {  	s6 =	simm.s32 $0x900  }
0x141: {  	[tilespmem:s6], [sflag:$0x1] =	stream.indirect_vreg.gather [hbm4b:s5+s2], $0x80, v4, vm1, $0xb8;
	[tilespmem:$0x18100] =	vst v63  }
0x142: {  	s6 =	simm.s32 $0xD00  }
0x143: {  	[tilespmem:s6], [sflag:$0x1] =	stream.indirect_vreg.gather [hbm4b:s3+s2], $0x80, v3, vm0, $0xb8;
	[tilespmem:$0x18100] =	vst v63  }
0x144: {  	s6 =	simm.s32 $0x1500  }
0x145: {  	[tilespmem:s6], [sflag:$0x1] =	stream.indirect_vreg.gather [hbm4b:s5+s2], $0x80, v3, vm1, $0xb8;
	[tilespmem:$0x18100] =	vst v63  }
0x146: {  	v3 =	vld [tilespmem:$0x10];
	_ =	sdelay $0x4  }
0x147: {  	v57 =	vshrl.u32 v3, $0x3  }
0x148: {  	v4 =	vmul.u32 $0x18, v57  }
0x149: {  	v3 =	vand.u32 $0x7, v3  }
0x14a: {  	v3 =	vor.u32 v3, v4  }
0x14b: {  	v4 =	vperm.xlane v3, v0;
	_ =	sdelay $0x1  }
0x14c: {  	v4 =	vadd.s32 v1, v4;
	_ =	sdelay $0x1  }
0x14d: {  	v3 =	vperm.xlane v3, v2;
	_ =	sdelay $0x1  }
0x14e: {  	s6 =	simm.s32 $0x1900;
	v3 =	vadd.s32 v1, v3  }
0x14f: {  	[tilespmem:s6], [sflag:$0x1] =	stream.indirect_vreg.gather [hbm4b:s3+s2], $0x80, v4, vm0, $0xb8;
	[tilespmem:$0x18100] =	vst v63  }
0x150: {  	s6 =	simm.s32 $0x2100  }
0x151: {  	[tilespmem:s6], [sflag:$0x1] =	stream.indirect_vreg.gather [hbm4b:s5+s2], $0x80, v4, vm1, $0xb8;
	[tilespmem:$0x18100] =	vst v63  }
0x152: {  	s6 =	simm.s32 $0x2500  }
0x153: {  	[tilespmem:s6], [sflag:$0x1] =	stream.indirect_vreg.gather [hbm4b:s3+s2], $0x80, v3, vm0, $0xb8;
	[tilespmem:$0x18100] =	vst v63  }
0x154: {  	s6 =	simm.s32 $0x2D00  }
0x155: {  	[tilespmem:s6], [sflag:$0x1] =	stream.indirect_vreg.gather [hbm4b:s5+s2], $0x80, v3, vm1, $0xb8;
	[tilespmem:$0x18100] =	vst v63  }
0x156: {  	v3 =	vld [tilespmem:$0x20];
	_ =	sdelay $0x4  }
0x157: {  	v58 =	vshrl.u32 v3, $0x3  }
0x158: {  	v4 =	vmul.u32 $0x18, v58  }
0x159: {  	v3 =	vand.u32 $0x7, v3  }
0x15a: {  	v3 =	vor.u32 v3, v4  }
0x15b: {  	v4 =	vperm.xlane v3, v0;
	_ =	sdelay $0x1  }
0x15c: {  	v4 =	vadd.s32 v1, v4;
	_ =	sdelay $0x1  }
0x15d: {  	v3 =	vperm.xlane v3, v2;
	_ =	sdelay $0x1  }
0x15e: {  	s6 =	simm.s32 $0x3100;
	v3 =	vadd.s32 v1, v3  }
0x15f: {  	[tilespmem:s6], [sflag:$0x1] =	stream.indirect_vreg.gather [hbm4b:s3+s2], $0x80, v4, vm0, $0xb8;
	[tilespmem:$0x18100] =	vst v63  }
0x160: {  	s6 =	simm.s32 $0x3900  }
0x161: {  	[tilespmem:s6], [sflag:$0x1] =	stream.indirect_vreg.gather [hbm4b:s5+s2], $0x80, v4, vm1, $0xb8;
	[tilespmem:$0x18100] =	vst v63  }
0x162: {  	s6 =	simm.s32 $0x3D00  }
0x163: {  	[tilespmem:s6], [sflag:$0x1] =	stream.indirect_vreg.gather [hbm4b:s3+s2], $0x80, v3, vm0, $0xb8;
	[tilespmem:$0x18100] =	vst v63  }
0x164: {  	s6 =	simm.s32 $0x4500  }
0x165: {  	[tilespmem:s6], [sflag:$0x1] =	stream.indirect_vreg.gather [hbm4b:s5+s2], $0x80, v3, vm1, $0xb8;
	[tilespmem:$0x18100] =	vst v63  }
0x166: {  	v3 =	vld [tilespmem:$0x30];
	_ =	sdelay $0x4  }
0x167: {  	v59 =	vshrl.u32 v3, $0x3  }
0x168: {  	v4 =	vmul.u32 $0x18, v59  }
0x169: {  	v3 =	vand.u32 $0x7, v3  }
0x16a: {  	v3 =	vor.u32 v3, v4  }
0x16b: {  	v4 =	vperm.xlane v3, v0;
	_ =	sdelay $0x1  }
0x16c: {  	v4 =	vadd.s32 v1, v4;
	_ =	sdelay $0x1  }
0x16d: {  	v3 =	vperm.xlane v3, v2;
	_ =	sdelay $0x1  }
0x16e: {  	s6 =	simm.s32 $0x4900;
	v3 =	vadd.s32 v1, v3  }
0x16f: {  	[tilespmem:s6], [sflag:$0x1] =	stream.indirect_vreg.gather [hbm4b:s3+s2], $0x80, v4, vm0, $0xb8;
	[tilespmem:$0x18100] =	vst v63  }
0x170: {  	s6 =	simm.s32 $0x5100  }
0x171: {  	[tilespmem:s6], [sflag:$0x1] =	stream.indirect_vreg.gather [hbm4b:s5+s2], $0x80, v4, vm1, $0xb8;
	[tilespmem:$0x18100] =	vst v63  }
0x172: {  	s6 =	simm.s32 $0x5500  }
0x173: {  	[tilespmem:s6], [sflag:$0x1] =	stream.indirect_vreg.gather [hbm4b:s3+s2], $0x80, v3, vm0, $0xb8;
	[tilespmem:$0x18100] =	vst v63  }
0x174: {  	s6 =	simm.s32 $0x5D00  }
0x175: {  	[tilespmem:s6], [sflag:$0x1] =	stream.indirect_vreg.gather [hbm4b:s5+s2], $0x80, v3, vm1, $0xb8;
	[tilespmem:$0x18100] =	vst v63  }
0x176: {  	v3 =	vld [tilespmem:$0x40];
	_ =	sdelay $0x4  }
0x177: {  	v60 =	vshrl.u32 v3, $0x3  }
0x178: {  	v4 =	vmul.u32 $0x18, v60  }
0x179: {  	v3 =	vand.u32 $0x7, v3  }
0x17a: {  	v3 =	vor.u32 v3, v4  }
0x17b: {  	v4 =	vperm.xlane v3, v0;
	_ =	sdelay $0x1  }
0x17c: {  	v4 =	vadd.s32 v1, v4;
	_ =	sdelay $0x1  }
0x17d: {  	v3 =	vperm.xlane v3, v2;
	_ =	sdelay $0x1  }
0x17e: {  	s6 =	simm.s32 $0x6100;
	v3 =	vadd.s32 v1, v3  }
0x17f: {  	[tilespmem:s6], [sflag:$0x1] =	stream.indirect_vreg.gather [hbm4b:s3+s2], $0x80, v4, vm0, $0xb8;
	[tilespmem:$0x18100] =	vst v63  }
0x180: {  	s6 =	simm.s32 $0x6900  }
0x181: {  	[tilespmem:s6], [sflag:$0x1] =	stream.indirect_vreg.gather [hbm4b:s5+s2], $0x80, v4, vm1, $0xb8;
	[tilespmem:$0x18100] =	vst v63  }
0x182: {  	s6 =	simm.s32 $0x6D00  }
0x183: {  	[tilespmem:s6], [sflag:$0x1] =	stream.indirect_vreg.gather [hbm4b:s3+s2], $0x80, v3, vm0, $0xb8;
	[tilespmem:$0x18100] =	vst v63  }
0x184: {  	s6 =	simm.s32 $0x7500  }
0x185: {  	[tilespmem:s6], [sflag:$0x1] =	stream.indirect_vreg.gather [hbm4b:s5+s2], $0x80, v3, vm1, $0xb8;
	[tilespmem:$0x18100] =	vst v63  }
0x186: {  	v3 =	vld [tilespmem:$0x50];
	_ =	sdelay $0x4  }
0x187: {  	v61 =	vshrl.u32 v3, $0x3  }
0x188: {  	v4 =	vmul.u32 $0x18, v61  }
0x189: {  	v3 =	vand.u32 $0x7, v3  }
0x18a: {  	v3 =	vor.u32 v3, v4  }
0x18b: {  	v4 =	vperm.xlane v3, v0;
	_ =	sdelay $0x1  }
0x18c: {  	v4 =	vadd.s32 v1, v4;
	_ =	sdelay $0x1  }
0x18d: {  	v3 =	vperm.xlane v3, v2;
	_ =	sdelay $0x1  }
0x18e: {  	s6 =	simm.s32 $0x7900;
	v3 =	vadd.s32 v1, v3  }
0x18f: {  	[tilespmem:s6], [sflag:$0x1] =	stream.indirect_vreg.gather [hbm4b:s3+s2], $0x80, v4, vm0, $0xb8;
	[tilespmem:$0x18100] =	vst v63  }
0x190: {  	s6 =	simm.s32 $0x8100  }
0x191: {  	[tilespmem:s6], [sflag:$0x1] =	stream.indirect_vreg.gather [hbm4b:s5+s2], $0x80, v4, vm1, $0xb8;
	[tilespmem:$0x18100] =	vst v63  }
0x192: {  	s6 =	simm.s32 $0x8500  }
0x193: {  	[tilespmem:s6], [sflag:$0x1] =	stream.indirect_vreg.gather [hbm4b:s3+s2], $0x80, v3, vm0, $0xb8;
	[tilespmem:$0x18100] =	vst v63  }
0x194: {  	s6 =	simm.s32 $0x8D00  }
0x195: {  	[tilespmem:s6], [sflag:$0x1] =	stream.indirect_vreg.gather [hbm4b:s5+s2], $0x80, v3, vm1, $0xb8;
	[tilespmem:$0x18100] =	vst v63  }
0x196: {  	v3 =	vld [tilespmem:$0x60];
	_ =	sdelay $0x4  }
0x197: {  	v62 =	vshrl.u32 v3, $0x3  }
0x198: {  	v4 =	vmul.u32 $0x18, v62  }
0x199: {  	v3 =	vand.u32 $0x7, v3  }
0x19a: {  	v3 =	vor.u32 v3, v4  }
0x19b: {  	v4 =	vperm.xlane v3, v0;
	_ =	sdelay $0x1  }
0x19c: {  	v4 =	vadd.s32 v1, v4;
	_ =	sdelay $0x1  }
0x19d: {  	v3 =	vperm.xlane v3, v2;
	_ =	sdelay $0x1  }
0x19e: {  	s6 =	simm.s32 $0x9100;
	v3 =	vadd.s32 v1, v3  }
0x19f: {  	[tilespmem:s6], [sflag:$0x1] =	stream.indirect_vreg.gather [hbm4b:s3+s2], $0x80, v4, vm0, $0xb8;
	[tilespmem:$0x18100] =	vst v63  }
0x1a0: {  	s6 =	simm.s32 $0x9900  }
0x1a1: {  	[tilespmem:s6], [sflag:$0x1] =	stream.indirect_vreg.gather [hbm4b:s5+s2], $0x80, v4, vm1, $0xb8;
	[tilespmem:$0x18100] =	vst v63  }
0x1a2: {  	s6 =	simm.s32 $0x9D00  }
0x1a3: {  	[tilespmem:s6], [sflag:$0x1] =	stream.indirect_vreg.gather [hbm4b:s3+s2], $0x80, v3, vm0, $0xb8;
	[tilespmem:$0x18100] =	vst v63  }
0x1a4: {  	s6 =	simm.s32 $0xA500  }
0x1a5: {  	[tilespmem:s6], [sflag:$0x1] =	stream.indirect_vreg.gather [hbm4b:s5+s2], $0x80, v3, vm1, $0xb8;
	[tilespmem:$0x18100] =	vst v63  }
0x1a6: {  	v3 =	vld [tilespmem:$0x70];
	_ =	sdelay $0x4  }
0x1a7: {  	v63 =	vshrl.u32 v3, $0x3  }
0x1a8: {  	v4 =	vmul.u32 $0x18, v63  }
0x1a9: {  	v3 =	vand.u32 $0x7, v3  }
0x1aa: {  	v3 =	vor.u32 v3, v4  }
0x1ab: {  	v4 =	vperm.xlane v3, v0;
	_ =	sdelay $0x1  }
0x1ac: {  	v4 =	vadd.s32 v1, v4;
	_ =	sdelay $0x1  }
0x1ad: {  	v3 =	vperm.xlane v3, v2;
	_ =	sdelay $0x1  }
0x1ae: {  	s6 =	simm.s32 $0xA900;
	v3 =	vadd.s32 v1, v3  }
0x1af: {  	[tilespmem:s6], [sflag:$0x1] =	stream.indirect_vreg.gather [hbm4b:s3+s2], $0x80, v4, vm0, $0xb8;
	[tilespmem:$0x18100] =	vst v63  }
0x1b0: {  	s6 =	simm.s32 $0xB100  }
0x1b1: {  	[tilespmem:s6], [sflag:$0x1] =	stream.indirect_vreg.gather [hbm4b:s5+s2], $0x80, v4, vm1, $0xb8;
	[tilespmem:$0x18100] =	vst v63  }
.Ltmp5:
0x1b2: {  	s6 =	simm.s32 $0xB500;
	(pc) =	sbr.rel .LBB2_4-.Ltmp5, $4  }
0x1b3: {  	[tilespmem:s6], [sflag:$0x1] =	stream.indirect_vreg.gather [hbm4b:s3+s2], $0x80, v3, vm0, $0xb8;
	[tilespmem:$0x18100] =	vst v63  }
0x1b4: {  	s6 =	simm.s32 $0xBD00  }
0x1b5: {  	[tilespmem:s6], [sflag:$0x1] =	stream.indirect_vreg.gather [hbm4b:s5+s2], $0x80, v3, vm1, $0xb8;
	[tilespmem:$0x18100] =	vst v63  }
0x1b6: {  	s6 =	simm.s32 $0x80  }
.LBB2_6:
0x1b7: {  	_ =	sfence.sel $0x180000  }
0x1b8: {  	[bflag:$0x0] =	sbarrier.arrive $0xFFFF  }
0x1b9: {  	_ =	strace $0x9000004A  }
0x1ba: {  	s0 =	stileid.u32;
	[bflag:$0x2] =	sbarrier.arrive $0xFFFF  }
0x1bb: {  	p0 =	sne.s32 s0, $0x0;
	s0 =	rddreg [dreg:$0x1]  }
0x1bc: {  	s0 =	sadd.s32 @!p0 $0x100000, s0  }
0x1bd: {  	[sflag:s0] =	ssyncadd.tile.s32 @!p0 $0x1;
	_ =	shalt  }
.Lfunc_end2:
_tile_overlayer_lowered:
.L_overlay_start_2:
0x1be: {  	(tag) =	ssettag $0x2  }
0x1bf: {  	s0 =	rddreg [dreg:$0x0];
	s2 =	stileid.u32  }
0x1c0: {  	s1 =	rddreg [dreg:$0x1];
	p0 =	sne.s32 s2, $0x0  }
0x1c1: {  	s3 =	rddreg [dreg:$0x2];
	[bflag:$0x3] =	sbarrier.arrive $0xFFFF;
	s2 =	simm.s32 @!p0 $0x1C03  }
0x1c2: {  	[timem:s3], [sflag:s2] =	dma.local @!p0 [hbm:s0], s1  }
0x1c3: {  	s0 =	simm.s32 @!p0 $0x3  }
0x1c4: {  	_ =	swait.ge @!p0 [sflag:s0], s1  }
0x1c5: {  	s1 =	ssub.s32 @!p0 $0x0, s1;
	[sflag:s0] =	ssyncset.done @!p0 $0x0  }
0x1c6: {  	[sflag:s0] =	ssyncadd.s32 @!p0 s1  }
0x1c7: {  	[bflag:$0x3] =	sbarrier.arrive $0xFFFF  }
0x1c8: {  	_ =	shalt  }

// kernel: kernel.8.cloned.1.call-start
scs
__scs_entry_jumppad:
0x0: {  	(pc) =	sbr.rel $0x88, $3  }
0x1: {  	(tag) =	ssettag $0x0;
	lr =	simm.s32 $0x1  }
0x2: {  	[smem:$0x3F8F] =	sst lr;
	_ =	strace $0xD0000000  }
0x3: {  	_ = 	snop  }
0x4: {  	_ = 	snop  }
0x5: {  	_ = 	snop  }
0x6: {  	_ = 	snop  }
0x7: {  	_ = 	snop  }
__scs_overlays_trampoline_lowered:
0x8: {  	[smem:$0x3F9E] =	sst s0  }
0x9: {  	[smem:$0x3F9F] =	sst s1  }
0xa: {  	[smem:$0x3FA0] =	sst s2  }
0xb: {  	[smem:$0x3FA1] =	sst s3  }
0xc: {  	[smem:$0x3FA2] =	sst s4  }
0xd: {  	[smem:$0x3FA3] =	sst s5  }
0xe: {  	[smem:$0x3FA4] =	sst s6  }
0xf: {  	[smem:$0x3FA5] =	sst s7  }
0x10: {  	[smem:$0x3FA6] =	sst s8  }
0x11: {  	[smem:$0x3FA7] =	sst s9;
	s0 =	simm.s32 @!p0 $0x0  }
0x12: {  	s1 =	sld [smem:$0x3F8D];
	s0 =	simm.s32 @p0 $0x1  }
0x13: {  	[smem:$0x3FA8] =	sst s0;
	s0 =	simm.s32 @!p1 $0x0  }
0x14: {  	s2 =	sld [smem:$0x3F8C];
	s0 =	simm.s32 @p1 $0x1  }
0x15: {  	[smem:$0x3FA9] =	sst s0;
	s0 =	simm.s32 @!p2 $0x0  }
0x16: {  	s3 =	sld [smem:$0x3FDB];
	s0 =	simm.s32 @p2 $0x1  }
0x17: {  	s4 =	simm.s32 $0x1BF5;
	[smem:$0x3FAB] =	sst s0  }
0x18: {  	s0 =	sld [smem:$0x3F8E];
	_ =	swait.ge [sflag:s4], $0x0  }
0x19: {  	s7 =	sld [smem:$0x3F8F]  }
0x1a: {  	s8 =	sadd.s32 $0xFFFFE003, lr  }
0x1b: {  	s9 =	sadd.s32 $0xFFFFFEF7, lr;
	s5 =	simm.s32 $0xFFFFFFFF;
	p2 =	slt.u32 s8, $0xFFFFF086  }
0x1c: {  	p1 =	slt.u32 s9, $0xF7A;
	s5 =	simm.s32 @!p2 $0x0  }
0x1d: {  	s5 =	simm.s32 @p1 $0x1;
	p0 =	seq.s32 s7, s2  }
0x1e: {  	s7 =	smul.u32 @!p0 $0xF7A, s2;
	p2 =	seq.s32 @!p0 s5, $0x0  }
0x1f: {  	s9 =	smul.u32 $0xF7A, s1;
	s8 =	simm.s32 @!p0 $0x1BF5;
	p2 =	por !p2, p0  }
0x20: {  	[sflag:s8] =	ssyncset.s32 @!p0 $0xFFFFF086;
	s6 =	sadd.s32 @!p0 s3, s7;
	s7 =	simm.s32 @!p0 $0x108  }
0x21: {  	s3 =	sadd.s32 s3, s9;
	s6 =	sadd.s32 @!p0 $0x88, s6;
	s7 =	simm.s32 @p2 $0x1082  }
0x22: {  	[simem:s7], [sflag:s8] =	dma.local @!p0 [hbm:s6], $0xF7A  }
0x23: {  	s9 =	sor.u32 $0xD0000000, s2;
	s6 =	simm.s32 $0x108;
	_ =	swait.ge @!p0 [sflag:s8], $0x0  }
0x24: {  	s3 =	sadd.s32 $0x88, s3;
	s6 =	simm.s32 @!p1 $0x1082;
	[sflag:s4] =	ssyncset.s32 $0xFFFFF086  }
0x25: {  	[simem:s6], [sflag:s4] =	dma.local [hbm:s3], $0xF7A  }
0x26: {  	[smem:$0x3F8F] =	sst s1;
	(tag) =	ssettag s2;
	_ =	strace s9  }
0x27: {  	s1 =	sld [smem:$0x3F9F]  }
0x28: {  	s2 =	sld [smem:$0x3FA0]  }
0x29: {  	s4 =	sld [smem:$0x3FA2]  }
0x2a: {  	p0 =	seq.s32 s5, $0x0;
	s5 =	sld [smem:$0x3FA3]  }
0x2b: {  	s6 =	sld [smem:$0x3FA4]  }
0x2c: {  	s7 =	sld [smem:$0x3FA5]  }
0x2d: {  	s3 =	simm.s32 $0x108;
	s8 =	sld [smem:$0x3FA6]  }
0x2e: {  	s3 =	simm.s32 @!p0 $0x1082;
	s9 =	sld [smem:$0x3FA7]  }
0x2f: {  	lr =	sadd.s32 s0, s3;
	s0 =	sld [smem:$0x3F9E]  }
0x30: {  	s3 =	sld [smem:$0x3FA1]  }
0x31: {  	[smem:$0x3FAA] =	sst s10  }
0x32: {  	s10 =	sld [smem:$0x3FA8];
	_ =	sdelay $0x3  }
0x33: {  	p0 =	seq.s32 s10, $0x1;
	s10 =	sld [smem:$0x3FAA];
	_ =	sdelay $0x3  }
0x34: {  	[smem:$0x3FAA] =	sst s10  }
0x35: {  	s10 =	sld [smem:$0x3FA9];
	_ =	sdelay $0x3  }
0x36: {  	p1 =	seq.s32 s10, $0x1;
	s10 =	sld [smem:$0x3FAA];
	_ =	sdelay $0x3  }
0x37: {  	[smem:$0x3FAA] =	sst s10  }
0x38: {  	s10 =	sld [smem:$0x3FAB]  }
0x39: {  	_ = 	snop;
	(pc) =	sbr.ind lr, $3  }
0x3a: {  	_ = 	snop  }
0x3b: {  	_ = 	snop  }
0x3c: {  	p2 =	seq.s32 s10, $0x1;
	s10 =	sld [smem:$0x3FAA]  }
0x3d: {  	_ =	shalt  }
0x3e: {  	_ =	shalt  }
0x3f: {  	_ =	shalt  }
0x40: {  	_ =	shalt  }
0x41: {  	_ =	shalt  }
0x42: {  	_ =	shalt  }
0x43: {  	_ =	shalt  }
0x44: {  	_ =	shalt  }
0x45: {  	_ =	shalt  }
0x46: {  	_ =	shalt  }
0x47: {  	_ =	shalt  }
0x48: {  	_ =	shalt  }
0x49: {  	_ =	shalt  }
0x4a: {  	_ =	shalt  }
0x4b: {  	_ =	shalt  }
0x4c: {  	_ =	shalt  }
0x4d: {  	_ =	shalt  }
0x4e: {  	_ =	shalt  }
0x4f: {  	_ =	shalt  }
0x50: {  	_ =	shalt  }
0x51: {  	_ =	shalt  }
0x52: {  	_ =	shalt  }
0x53: {  	_ =	shalt  }
0x54: {  	_ =	shalt  }
0x55: {  	_ =	shalt  }
0x56: {  	_ =	shalt  }
0x57: {  	_ =	shalt  }
0x58: {  	_ =	shalt  }
0x59: {  	_ =	shalt  }
0x5a: {  	_ =	shalt  }
0x5b: {  	_ =	shalt  }
0x5c: {  	_ =	shalt  }
0x5d: {  	_ =	shalt  }
0x5e: {  	_ =	shalt  }
0x5f: {  	_ =	shalt  }
0x60: {  	_ =	shalt  }
0x61: {  	_ =	shalt  }
0x62: {  	_ =	shalt  }
0x63: {  	_ =	shalt  }
0x64: {  	_ =	shalt  }
0x65: {  	_ =	shalt  }
0x66: {  	_ =	shalt  }
0x67: {  	_ =	shalt  }
0x68: {  	_ =	shalt  }
0x69: {  	_ =	shalt  }
0x6a: {  	_ =	shalt  }
0x6b: {  	_ =	shalt  }
0x6c: {  	_ =	shalt  }
0x6d: {  	_ =	shalt  }
0x6e: {  	_ =	shalt  }
0x6f: {  	_ =	shalt  }
0x70: {  	_ =	shalt  }
0x71: {  	_ =	shalt  }
0x72: {  	_ =	shalt  }
0x73: {  	_ =	shalt  }
0x74: {  	_ =	shalt  }
0x75: {  	_ =	shalt  }
0x76: {  	_ =	shalt  }
0x77: {  	_ =	shalt  }
0x78: {  	_ =	shalt  }
0x79: {  	_ =	shalt  }
0x7a: {  	_ =	shalt  }
0x7b: {  	_ =	shalt  }
0x7c: {  	_ =	shalt  }
0x7d: {  	_ =	shalt  }
0x7e: {  	_ =	shalt  }
0x7f: {  	_ =	shalt  }
0x80: {  	_ =	shalt  }
0x81: {  	_ =	shalt  }
0x82: {  	_ =	shalt  }
0x83: {  	_ =	shalt  }
0x84: {  	_ =	shalt  }
0x85: {  	_ =	shalt  }
0x86: {  	_ =	shalt  }
0x87: {  	_ =	shalt  }
.Lfunc_end0:
.L_simem_size_0:
called_computation_lowered:
.L_overlay_start_0:
0x88: {  	s2 =	sld [smem:$0x3FD9]  }
0x89: {  	s3 =	sld [smem:$0x3FFE];
	_ =	sdelay $0x1  }
0x8a: {  	s1 =	srdreg.scid  }
0x8b: {  	s0 =	sand.u32 $0x1, s1  }
0x8c: {  	s16 =	sshll.u32 s0, $0xA;
	s2 =	sadd.s32 s3, s2  }
0x8d: {  	s2 =	sadd.s32 s2, s16  }
0x8e: {  	[smem:$0x3FB6] =	sst s2  }
0x8f: {  	_ = 	snop  }
0x90: {  	(tm) =	ssettm $0x1  }
0x91: {  	s17 =	sld [smem:$0x3FFB];
	_ =	sdelay $0x3  }
0x92: {  	_ =	strace s17  }
0x93: {  	s2 =	sld [smem:$0x3FFC];
	_ =	sdelay $0x3  }
0x94: {  	_ =	strace s2  }
0x95: {  	s2 =	sld [smem:$0x3FFD];
	_ =	sdelay $0x3  }
0x96: {  	_ =	strace s2  }
0x97: {  	_ =	strace $0x8FFFFFFF  }
0x98: {  	s18 =	sld [smem:$0x3FDB];
	_ =	sdelay $0x1  }
0x99: {  	s19 =	simm.s32 $_scs_section_size  }
0x9a: {  	s4 =	simm.s32 $_size__tile_overlayer_lowered;
	s5 =	simm.s32 $_tile_overlayer_lowered  }
0x9b: {  	s22 =	simm.s32 $0x1BFF;
	s21 =	sshll.u32 s5, $0x1;
	s2 =	sadd.s32 s19, s18  }
0x9c: {  	s6 =	simm.s32 $0x0;
	s20 =	sshll.u32 s4, $0x1;
	s4 =	sadd.s32 s21, s2  }
0x9d: {  	[timem:s6], [sflag:s22] =	dma.local [hbm:s4], s20  }
0x9e: {  	_ =	swait.ge [sflag:s22], s20  }
0x9f: {  	s3 =	ssub.s32 $0x0, s20;
	[sflag:s22] =	ssyncset.done $0x0  }
0xa0: {  	[sflag:s22] =	ssyncadd.s32 s3;
	_ =	sdelay $0x1  }
0xa1: {  	s23 =	simm.s32 $0x1B8B  }
0xa2: {  	_ =	swait.ge [sflag:s23], $0x1  }
0xa3: {  	[sflag:s23] =	ssyncset.done $0x0  }
0xa4: {  	s25 =	simm.s32 $0x1B8E;
	s24 =	sld [smem:$0x3FFE];
	[sflag:s23] =	ssyncadd.s32 $0xFFFFFFFF  }
0xa5: {  	s26 =	simm.s32 $execute0_lowered;
	[smem:$0x3FD2] =	sst s25  }
0xa6: {  	s4 =	sshll.u32 s26, $0x1;
	_ =	strace $0x80000046;
	[dreg:$0x1] =	wrdreg $0xFFFFFFFF  }
0xa7: {  	s28 =	simm.s32 $_size_execute0_lowered;
	s2 =	sadd.s32 s2, s4;
	[dreg:$0x0] =	wrdreg $0x0  }
0xa8: {  	s4 =	sshll.u32 s28, $0x1;
	[dreg:$0x2] =	wrdreg s2  }
0xa9: {  	[dreg:$0x3] =	wrdreg s4  }
0xaa: {  	[dreg:$0x4] =	wrdreg $0xC0  }
0xab: {  	_ =	task [dreg:s6], $0x5FFFF  }
0xac: {  	[dreg:$0x1] =	wrdreg $0xFFFFFFFF  }
0xad: {  	[dreg:$0x0] =	wrdreg $0x60  }
0xae: {  	[dreg:$0x2] =	wrdreg s24  }
0xaf: {  	[dreg:$0x3] =	wrdreg $0x9  }
0xb0: {  	_ =	task.clear_ibuf [dreg:s6], $0x4FFFF;
	_ =	strace $0x90000046  }
0xb1: {  	s29 =	simm.s32 $0x9;
	_ =	strace $0x80000048  }
0xb2: {  	_ =	swait.ge [sflag:s29], $0x1  }
0xb3: {  	[sflag:s29] =	ssyncadd.s32 $0xFFFFFFFF  }
0xb4: {  	_ =	strace $0x90000048  }
0xb5: {  	_ =	sfence  }
0xb6: {  	s30 =	sld [smem:$0x0];
	_ =	sdelay $0x2  }
0xb7: {  	s31 =	sshll.u32 s1, $0xD;
	s1 =	sshrl.u32 s1, $0x2  }
0xb8: {  	s3 =	sand.u32 $0x4000, s31;
	s1 =	sadd.s32 s1, s30  }
0xb9: {  	s0 =	sor.u32 s3, s0;
	s1 =	sshll.u32 s1, $0x11  }
0xba: {  	s0 =	sor.u32 s1, s0  }
0xbb: {  	s0 =	sadd.s32 $0x8F2B, s0  }
0xbc: {  	[sflag:s0] =	ssyncadd.remote.s32 $0x1  }
0xbd: {  	_ =	sfence.sel $0xFFFF  }
0xbe: {  	[dreg:$0x0] =	wrdreg $0xFFFFFFFF;
	(pc) =	sbr.abs _section_cstart, $3  }
0xbf: {  	[dreg:$0x1] =	wrdreg $0xFFFFFFFF  }
0xc0: {  	_ =	task.clear_ibuf [dreg:s6], $0x2FFFF;
	_ =	strace $0x9FFFFFFF  }
0xc1: {  	(tm) =	ssettm $0x7FFFFFFF  }
tec
execute0_lowered:
.L_overlay_start_1:
0x0: {  	(tag) =	ssettag $0x1  }
0x1: {  	s0 =	srdreg.scid  }
0x2: {  	s1 =	stileid.u32;
	s4 =	rddreg [dreg:$0x0];
	s10 =	simm.s32 $0x3  }
0x3: {  	s11 =	simm.s32 $0x100;
	s19 =	simm.s32 $0xC100;
	s12 =	simm.s32 $0x12D00  }
0x4: {  	s13 =	simm.s32 $0x13500;
	s14 =	simm.s32 $0x13900;
	s15 =	simm.s32 $0x14100  }
0x5: {  	s16 =	simm.s32 $0x14500;
	s17 =	simm.s32 $0x14D00;
	s18 =	simm.s32 $0x15100  }
0x6: {  	s20 =	simm.s32 $0x15900;
	s21 =	simm.s32 $0x15D00;
	s22 =	simm.s32 $0x16500  }
0x7: {  	s23 =	simm.s32 $0x16900;
	s24 =	simm.s32 $0x17100;
	s25 =	simm.s32 $0x17500  }
0x8: {  	s26 =	simm.s32 $0x17D00;
	s28 =	simm.s32 $0x1;
	s29 =	simm.s32 $0x2  }
0x9: {  	s0 =	sand.u32 $0x1, s0;
	s1 =	sshll.u32 s1, $0xC;
	s3 =	sadd.s32 $0x5400, s4  }
0xa: {  	s8 =	sadd.s32 $0x87400, s4;
	s2 =	sshll.u32 s0, $0xB;
	s0 =	ssub.s32 $0x2, s0  }
0xb: {  	s1 =	sor.u32 s2, s1;
	s2 =	simm.s32 $0x0;
	s7 =	sshrl.u32 s0, $0x1  }
0xc: {  	s5 =	sshrl.u32 s1, $0x3;
	[smem:$0x7FF] =	sst s2;
	s0 =	ssub.s32 s0, s7  }
0xd: {  	s1 =	sor.u32 $0x100, s1;
	s6 =	smul.u32 $0x180, s5;
	_ =	strace $0x80000047  }
0xe: {  	s9 =	sadd.s32 s5, s8;
	s5 =	sadd.s32 $0x5500, s4;
	s0 =	smax.u32 s0, $0x1  }
.Ltmp0:
0xf: {  	s30 =	sshrl.u32 s1, $0x3;
	[dreg:$0x3] =	wrdreg s0;
	(pc) =	sbr.rel .LBB2_1-.Ltmp0, $4  }
0x10: {  	s1 =	simm.s32 $0x0;
	[dreg:$0x2] =	wrdreg s9;
	s31 =	sadd.s32 $0x10, s9  }
0x11: {  	v2 =	vlaneseq.u32;
	s0 =	sadd.s32 s30, s8;
	s8 =	simm.s32 $0x11D00;
	[dreg:$0x4] =	wrdreg s31  }
0x12: {  	vm0 =	vmmov $0xffff;
	vm1 =	vmmov $0xff;
	v1 =	vshrl.u32 v2, $0x3;
	s9 =	simm.s32 $0x12100;
	s6 =	sadd.s32 s6, s4;
	[dreg:$0x5] =	wrdreg s0  }
0x13: {  	v0 =	vand.u32 $0x7, v2;
	v2 =	vor.u32 $0x8, v2;
	v1 =	vmul.u32 $0x8, v1;
	s4 =	simm.s32 $0x12900;
	s7 =	sadd.s32 $0x89400, s6;
	s6 =	simm.s32 $0x80  }
.LBB2_5:
0x14: {  	s1 =	rddreg [dreg:$0x6]  }
0x15: {  	s0 =	rddreg [dreg:$0x3];
	s1 =	sadd.s32 $0x1, s1  }
0x16: {  	p0 =	sne.s32 s1, s0  }
.Ltmp1:
0x17: {  	_ = 	snop;
	(pc) =	sbr.rel @!p0 .LBB2_6-.Ltmp1, $1  }
0x18: {  	_ =	sdelay $0x3  }
.LBB2_1:
0x19: {  	[dreg:$0x6] =	wrdreg s1  }
0x1a: {  	s0 =	rddreg [dreg:$0x2]  }
0x1b: {  	[tilespmem:s2], [sflag:$0x3] =	stream.linear.gather [hbm4b:s0+s2], $0x80, $0x38;
	[tilespmem:$0x18100] =	vst v63  }
0x1c: {  	_ =	swait.ge [sflag:s10], $0x80  }
0x1d: {  	[sflag:s10] =	ssyncset.done $0x0  }
0x1e: {  	[sflag:s10] =	ssyncadd.s32 $0xFFFFFF80  }
0x1f: {  	v3 =	vld [tilespmem:$0x0];
	_ =	sdelay $0x4  }
0x20: {  	v4 =	vshrl.u32 v3, $0x3  }
0x21: {  	v4 =	vmul.u32 $0x18, v4  }
0x22: {  	v3 =	vand.u32 $0x7, v3  }
0x23: {  	v3 =	vor.u32 v3, v4  }
0x24: {  	v4 =	vperm.xlane v3, v0;
	_ =	sdelay $0x1  }
0x25: {  	v4 =	vadd.s32 v1, v4;
	_ =	sdelay $0x1  }
0x26: {  	v3 =	vperm.xlane v3, v2;
	_ =	sdelay $0x1  }
0x27: {  	v3 =	vadd.s32 v1, v3  }
0x28: {  	[tilespmem:s11], [sflag:$0x1] =	stream.indirect_vreg.gather [hbm4b:s3+s2], $0x80, v4, vm0, $0xb8;
	[tilespmem:$0x18100] =	vst v63  }
0x29: {  	s1 =	simm.s32 $0x900  }
0x2a: {  	[tilespmem:s1], [sflag:$0x1] =	stream.indirect_vreg.gather [hbm4b:s5+s2], $0x80, v4, vm1, $0xb8;
	[tilespmem:$0x18100] =	vst v63  }
0x2b: {  	s1 =	simm.s32 $0xD00  }
0x2c: {  	[tilespmem:s1], [sflag:$0x1] =	stream.indirect_vreg.gather [hbm4b:s3+s2], $0x80, v3, vm0, $0xb8;
	[tilespmem:$0x18100] =	vst v63  }
0x2d: {  	s1 =	simm.s32 $0x1500  }
0x2e: {  	[tilespmem:s1], [sflag:$0x1] =	stream.indirect_vreg.gather [hbm4b:s5+s2], $0x80, v3, vm1, $0xb8;
	[tilespmem:$0x18100] =	vst v63  }
0x2f: {  	v3 =	vld [tilespmem:$0x10];
	_ =	sdelay $0x4  }
0x30: {  	v57 =	vshrl.u32 v3, $0x3  }
0x31: {  	v4 =	vmul.u32 $0x18, v57  }
0x32: {  	v3 =	vand.u32 $0x7, v3  }
0x33: {  	v3 =	vor.u32 v3, v4  }
0x34: {  	v4 =	vperm.xlane v3, v0;
	_ =	sdelay $0x1  }
0x35: {  	v4 =	vadd.s32 v1, v4;
	_ =	sdelay $0x1  }
0x36: {  	v3 =	vperm.xlane v3, v2;
	_ =	sdelay $0x1  }
0x37: {  	s1 =	simm.s32 $0x1900;
	v3 =	vadd.s32 v1, v3  }
0x38: {  	[tilespmem:s1], [sflag:$0x1] =	stream.indirect_vreg.gather [hbm4b:s3+s2], $0x80, v4, vm0, $0xb8;
	[tilespmem:$0x18100] =	vst v63  }
0x39: {  	s1 =	simm.s32 $0x2100  }
0x3a: {  	[tilespmem:s1], [sflag:$0x1] =	stream.indirect_vreg.gather [hbm4b:s5+s2], $0x80, v4, vm1, $0xb8;
	[tilespmem:$0x18100] =	vst v63  }
0x3b: {  	s1 =	simm.s32 $0x2500  }
0x3c: {  	[tilespmem:s1], [sflag:$0x1] =	stream.indirect_vreg.gather [hbm4b:s3+s2], $0x80, v3, vm0, $0xb8;
	[tilespmem:$0x18100] =	vst v63  }
0x3d: {  	s1 =	simm.s32 $0x2D00  }
0x3e: {  	[tilespmem:s1], [sflag:$0x1] =	stream.indirect_vreg.gather [hbm4b:s5+s2], $0x80, v3, vm1, $0xb8;
	[tilespmem:$0x18100] =	vst v63  }
0x3f: {  	v3 =	vld [tilespmem:$0x20];
	_ =	sdelay $0x4  }
0x40: {  	v58 =	vshrl.u32 v3, $0x3  }
0x41: {  	v4 =	vmul.u32 $0x18, v58  }
0x42: {  	v3 =	vand.u32 $0x7, v3  }
0x43: {  	v3 =	vor.u32 v3, v4  }
0x44: {  	v4 =	vperm.xlane v3, v0;
	_ =	sdelay $0x1  }
0x45: {  	v4 =	vadd.s32 v1, v4;
	_ =	sdelay $0x1  }
0x46: {  	v3 =	vperm.xlane v3, v2;
	_ =	sdelay $0x1  }
0x47: {  	s1 =	simm.s32 $0x3100;
	v3 =	vadd.s32 v1, v3  }
0x48: {  	[tilespmem:s1], [sflag:$0x1] =	stream.indirect_vreg.gather [hbm4b:s3+s2], $0x80, v4, vm0, $0xb8;
	[tilespmem:$0x18100] =	vst v63  }
0x49: {  	s1 =	simm.s32 $0x3900  }
0x4a: {  	[tilespmem:s1], [sflag:$0x1] =	stream.indirect_vreg.gather [hbm4b:s5+s2], $0x80, v4, vm1, $0xb8;
	[tilespmem:$0x18100] =	vst v63  }
0x4b: {  	s1 =	simm.s32 $0x3D00  }
0x4c: {  	[tilespmem:s1], [sflag:$0x1] =	stream.indirect_vreg.gather [hbm4b:s3+s2], $0x80, v3, vm0, $0xb8;
	[tilespmem:$0x18100] =	vst v63  }
0x4d: {  	s1 =	simm.s32 $0x4500  }
0x4e: {  	[tilespmem:s1], [sflag:$0x1] =	stream.indirect_vreg.gather [hbm4b:s5+s2], $0x80, v3, vm1, $0xb8;
	[tilespmem:$0x18100] =	vst v63  }
0x4f: {  	v3 =	vld [tilespmem:$0x30];
	_ =	sdelay $0x4  }
0x50: {  	v59 =	vshrl.u32 v3, $0x3  }
0x51: {  	v4 =	vmul.u32 $0x18, v59  }
0x52: {  	v3 =	vand.u32 $0x7, v3  }
0x53: {  	v3 =	vor.u32 v3, v4  }
0x54: {  	v4 =	vperm.xlane v3, v0;
	_ =	sdelay $0x1  }
0x55: {  	v4 =	vadd.s32 v1, v4;
	_ =	sdelay $0x1  }
0x56: {  	v3 =	vperm.xlane v3, v2;
	_ =	sdelay $0x1  }
0x57: {  	s1 =	simm.s32 $0x4900;
	v3 =	vadd.s32 v1, v3  }
0x58: {  	[tilespmem:s1], [sflag:$0x1] =	stream.indirect_vreg.gather [hbm4b:s3+s2], $0x80, v4, vm0, $0xb8;
	[tilespmem:$0x18100] =	vst v63  }
0x59: {  	s1 =	simm.s32 $0x5100  }
0x5a: {  	[tilespmem:s1], [sflag:$0x1] =	stream.indirect_vreg.gather [hbm4b:s5+s2], $0x80, v4, vm1, $0xb8;
	[tilespmem:$0x18100] =	vst v63  }
0x5b: {  	s1 =	simm.s32 $0x5500  }
0x5c: {  	[tilespmem:s1], [sflag:$0x1] =	stream.indirect_vreg.gather [hbm4b:s3+s2], $0x80, v3, vm0, $0xb8;
	[tilespmem:$0x18100] =	vst v63  }
0x5d: {  	s1 =	simm.s32 $0x5D00  }
0x5e: {  	[tilespmem:s1], [sflag:$0x1] =	stream.indirect_vreg.gather [hbm4b:s5+s2], $0x80, v3, vm1, $0xb8;
	[tilespmem:$0x18100] =	vst v63  }
0x5f: {  	v3 =	vld [tilespmem:$0x40];
	_ =	sdelay $0x4  }
0x60: {  	v60 =	vshrl.u32 v3, $0x3  }
0x61: {  	v4 =	vmul.u32 $0x18, v60  }
0x62: {  	v3 =	vand.u32 $0x7, v3  }
0x63: {  	v3 =	vor.u32 v3, v4  }
0x64: {  	v4 =	vperm.xlane v3, v0;
	_ =	sdelay $0x1  }
0x65: {  	v4 =	vadd.s32 v1, v4;
	_ =	sdelay $0x1  }
0x66: {  	v3 =	vperm.xlane v3, v2;
	_ =	sdelay $0x1  }
0x67: {  	s1 =	simm.s32 $0x6100;
	v3 =	vadd.s32 v1, v3  }
0x68: {  	[tilespmem:s1], [sflag:$0x1] =	stream.indirect_vreg.gather [hbm4b:s3+s2], $0x80, v4, vm0, $0xb8;
	[tilespmem:$0x18100] =	vst v63  }
0x69: {  	s1 =	simm.s32 $0x6900  }
0x6a: {  	[tilespmem:s1], [sflag:$0x1] =	stream.indirect_vreg.gather [hbm4b:s5+s2], $0x80, v4, vm1, $0xb8;
	[tilespmem:$0x18100] =	vst v63  }
0x6b: {  	s1 =	simm.s32 $0x6D00  }
0x6c: {  	[tilespmem:s1], [sflag:$0x1] =	stream.indirect_vreg.gather [hbm4b:s3+s2], $0x80, v3, vm0, $0xb8;
	[tilespmem:$0x18100] =	vst v63  }
0x6d: {  	s1 =	simm.s32 $0x7500  }
0x6e: {  	[tilespmem:s1], [sflag:$0x1] =	stream.indirect_vreg.gather [hbm4b:s5+s2], $0x80, v3, vm1, $0xb8;
	[tilespmem:$0x18100] =	vst v63  }
0x6f: {  	v3 =	vld [tilespmem:$0x50];
	_ =	sdelay $0x4  }
0x70: {  	v61 =	vshrl.u32 v3, $0x3  }
0x71: {  	v4 =	vmul.u32 $0x18, v61  }
0x72: {  	v3 =	vand.u32 $0x7, v3  }
0x73: {  	v3 =	vor.u32 v3, v4  }
0x74: {  	v4 =	vperm.xlane v3, v0;
	_ =	sdelay $0x1  }
0x75: {  	v4 =	vadd.s32 v1, v4;
	_ =	sdelay $0x1  }
0x76: {  	v3 =	vperm.xlane v3, v2;
	_ =	sdelay $0x1  }
0x77: {  	s1 =	simm.s32 $0x7900;
	v3 =	vadd.s32 v1, v3  }
0x78: {  	[tilespmem:s1], [sflag:$0x1] =	stream.indirect_vreg.gather [hbm4b:s3+s2], $0x80, v4, vm0, $0xb8;
	[tilespmem:$0x18100] =	vst v63  }
0x79: {  	s1 =	simm.s32 $0x8100  }
0x7a: {  	[tilespmem:s1], [sflag:$0x1] =	stream.indirect_vreg.gather [hbm4b:s5+s2], $0x80, v4, vm1, $0xb8;
	[tilespmem:$0x18100] =	vst v63  }
0x7b: {  	s1 =	simm.s32 $0x8500  }
0x7c: {  	[tilespmem:s1], [sflag:$0x1] =	stream.indirect_vreg.gather [hbm4b:s3+s2], $0x80, v3, vm0, $0xb8;
	[tilespmem:$0x18100] =	vst v63  }
0x7d: {  	s1 =	simm.s32 $0x8D00  }
0x7e: {  	[tilespmem:s1], [sflag:$0x1] =	stream.indirect_vreg.gather [hbm4b:s5+s2], $0x80, v3, vm1, $0xb8;
	[tilespmem:$0x18100] =	vst v63  }
0x7f: {  	v3 =	vld [tilespmem:$0x60];
	_ =	sdelay $0x4  }
0x80: {  	v62 =	vshrl.u32 v3, $0x3  }
0x81: {  	v4 =	vmul.u32 $0x18, v62  }
0x82: {  	v3 =	vand.u32 $0x7, v3  }
0x83: {  	v3 =	vor.u32 v3, v4  }
0x84: {  	v4 =	vperm.xlane v3, v0;
	_ =	sdelay $0x1  }
0x85: {  	v4 =	vadd.s32 v1, v4;
	_ =	sdelay $0x1  }
0x86: {  	v3 =	vperm.xlane v3, v2;
	_ =	sdelay $0x1  }
0x87: {  	s1 =	simm.s32 $0x9100;
	v3 =	vadd.s32 v1, v3  }
0x88: {  	[tilespmem:s1], [sflag:$0x1] =	stream.indirect_vreg.gather [hbm4b:s3+s2], $0x80, v4, vm0, $0xb8;
	[tilespmem:$0x18100] =	vst v63  }
0x89: {  	s1 =	simm.s32 $0x9900  }
0x8a: {  	[tilespmem:s1], [sflag:$0x1] =	stream.indirect_vreg.gather [hbm4b:s5+s2], $0x80, v4, vm1, $0xb8;
	[tilespmem:$0x18100] =	vst v63  }
0x8b: {  	s1 =	simm.s32 $0x9D00  }
0x8c: {  	[tilespmem:s1], [sflag:$0x1] =	stream.indirect_vreg.gather [hbm4b:s3+s2], $0x80, v3, vm0, $0xb8;
	[tilespmem:$0x18100] =	vst v63  }
0x8d: {  	s1 =	simm.s32 $0xA500  }
0x8e: {  	[tilespmem:s1], [sflag:$0x1] =	stream.indirect_vreg.gather [hbm4b:s5+s2], $0x80, v3, vm1, $0xb8;
	[tilespmem:$0x18100] =	vst v63  }
0x8f: {  	v3 =	vld [tilespmem:$0x70];
	_ =	sdelay $0x4  }
0x90: {  	v63 =	vshrl.u32 v3, $0x3  }
0x91: {  	v4 =	vmul.u32 $0x18, v63  }
0x92: {  	v3 =	vand.u32 $0x7, v3  }
0x93: {  	v3 =	vor.u32 v3, v4  }
0x94: {  	v4 =	vperm.xlane v3, v0;
	_ =	sdelay $0x1  }
0x95: {  	v4 =	vadd.s32 v1, v4;
	_ =	sdelay $0x1  }
0x96: {  	v3 =	vperm.xlane v3, v2;
	_ =	sdelay $0x1  }
0x97: {  	s1 =	simm.s32 $0xA900;
	v3 =	vadd.s32 v1, v3  }
0x98: {  	[tilespmem:s1], [sflag:$0x1] =	stream.indirect_vreg.gather [hbm4b:s3+s2], $0x80, v4, vm0, $0xb8;
	[tilespmem:$0x18100] =	vst v63  }
0x99: {  	s1 =	simm.s32 $0xB100  }
0x9a: {  	[tilespmem:s1], [sflag:$0x1] =	stream.indirect_vreg.gather [hbm4b:s5+s2], $0x80, v4, vm1, $0xb8;
	[tilespmem:$0x18100] =	vst v63  }
.Ltmp2:
0x9b: {  	s1 =	simm.s32 $0xB500;
	(pc) =	sbr.rel .LBB2_2-.Ltmp2, $4  }
0x9c: {  	[tilespmem:s1], [sflag:$0x1] =	stream.indirect_vreg.gather [hbm4b:s3+s2], $0x80, v3, vm0, $0xb8;
	[tilespmem:$0x18100] =	vst v63  }
0x9d: {  	s30 =	rddreg [dreg:$0x5];
	s1 =	simm.s32 $0xBD00  }
0x9e: {  	[tilespmem:s1], [sflag:$0x1] =	stream.indirect_vreg.gather [hbm4b:s5+s2], $0x80, v3, vm1, $0xb8;
	[tilespmem:$0x18100] =	vst v63  }
0x9f: {  	s31 =	rddreg [dreg:$0x4];
	s1 =	simm.s32 $0x0  }
.LBB2_4:
0xa0: {  	_ =	swait.ge [sflag:s29], $0xC000;
	s1 =	sadd.s32 $0x3000, s1  }
0xa1: {  	[sflag:s29] =	ssyncset.done $0x0;
	p0 =	sne.s32 s1, $0x18000  }
.Ltmp3:
0xa2: {  	s0 =	sadd.s32 $0x1800, s0;
	[sflag:s29] =	ssyncadd.s32 $0xFFFF4000;
	(pc) =	sbr.rel @!p0 .LBB2_5-.Ltmp3, $4  }
0xa3: {  	[hbm4b:s0+s2] =	stream.linear.scatter [tilespmem:s19], [sflag:$0x3], $0xC000, $0x38;
	[tilespmem:$0x18100] =	vst v63  }
0xa4: {  	_ =	swait.ge [sflag:s10], $0xC000  }
0xa5: {  	[sflag:s10] =	ssyncset.done $0x0  }
0xa6: {  	s31 =	sadd.s32 $0x20, s31;
	s30 =	sadd.s32 $0x20, s30;
	[sflag:s10] =	ssyncadd.s32 $0xFFFF4000  }
.LBB2_2:
0xa7: {  	[tilespmem:s6], [sflag:$0x3] =	stream.linear.gather [hbm4b:s31+s2], $0x80, $0x38;
	[tilespmem:$0x18100] =	vst v63  }
0xa8: {  	_ =	swait.ge [sflag:s10], $0x80  }
0xa9: {  	[sflag:s10] =	ssyncset.done $0x0  }
0xaa: {  	[sflag:s10] =	ssyncadd.s32 $0xFFFFFF80  }
0xab: {  	v3 =	vld [tilespmem:$0x80];
	_ =	sdelay $0x4  }
0xac: {  	v4 =	vshrl.u32 v3, $0x3  }
0xad: {  	v4 =	vmul.u32 $0x18, v4  }
0xae: {  	v3 =	vand.u32 $0x7, v3  }
0xaf: {  	v3 =	vor.u32 v3, v4  }
0xb0: {  	v4 =	vperm.xlane v3, v0;
	_ =	sdelay $0x1  }
0xb1: {  	v4 =	vadd.s32 v1, v4;
	_ =	sdelay $0x1  }
0xb2: {  	v3 =	vperm.xlane v3, v2;
	_ =	sdelay $0x1  }
0xb3: {  	v3 =	vadd.s32 v1, v3  }
0xb4: {  	[tilespmem:s19], [sflag:$0x2] =	stream.indirect_vreg.gather [hbm4b:s3+s2], $0x80, v4, vm0, $0xb8;
	[tilespmem:$0x18100] =	vst v63  }
0xb5: {  	s0 =	simm.s32 $0xC900  }
0xb6: {  	[tilespmem:s0], [sflag:$0x2] =	stream.indirect_vreg.gather [hbm4b:s5+s2], $0x80, v4, vm1, $0xb8;
	[tilespmem:$0x18100] =	vst v63  }
0xb7: {  	s0 =	simm.s32 $0xCD00  }
0xb8: {  	[tilespmem:s0], [sflag:$0x2] =	stream.indirect_vreg.gather [hbm4b:s3+s2], $0x80, v3, vm0, $0xb8;
	[tilespmem:$0x18100] =	vst v63  }
0xb9: {  	s0 =	simm.s32 $0xD500  }
0xba: {  	[tilespmem:s0], [sflag:$0x2] =	stream.indirect_vreg.gather [hbm4b:s5+s2], $0x80, v3, vm1, $0xb8;
	[tilespmem:$0x18100] =	vst v63  }
0xbb: {  	v3 =	vld [tilespmem:$0x90];
	_ =	sdelay $0x4  }
0xbc: {  	v57 =	vshrl.u32 v3, $0x3  }
0xbd: {  	v4 =	vmul.u32 $0x18, v57  }
0xbe: {  	v3 =	vand.u32 $0x7, v3  }
0xbf: {  	v3 =	vor.u32 v3, v4  }
0xc0: {  	v4 =	vperm.xlane v3, v0;
	_ =	sdelay $0x1  }
0xc1: {  	v4 =	vadd.s32 v1, v4;
	_ =	sdelay $0x1  }
0xc2: {  	v3 =	vperm.xlane v3, v2;
	_ =	sdelay $0x1  }
0xc3: {  	s0 =	simm.s32 $0xD900;
	v3 =	vadd.s32 v1, v3  }
0xc4: {  	[tilespmem:s0], [sflag:$0x2] =	stream.indirect_vreg.gather [hbm4b:s3+s2], $0x80, v4, vm0, $0xb8;
	[tilespmem:$0x18100] =	vst v63  }
0xc5: {  	s0 =	simm.s32 $0xE100  }
0xc6: {  	[tilespmem:s0], [sflag:$0x2] =	stream.indirect_vreg.gather [hbm4b:s5+s2], $0x80, v4, vm1, $0xb8;
	[tilespmem:$0x18100] =	vst v63  }
0xc7: {  	s0 =	simm.s32 $0xE500  }
0xc8: {  	[tilespmem:s0], [sflag:$0x2] =	stream.indirect_vreg.gather [hbm4b:s3+s2], $0x80, v3, vm0, $0xb8;
	[tilespmem:$0x18100] =	vst v63  }
0xc9: {  	s0 =	simm.s32 $0xED00  }
0xca: {  	[tilespmem:s0], [sflag:$0x2] =	stream.indirect_vreg.gather [hbm4b:s5+s2], $0x80, v3, vm1, $0xb8;
	[tilespmem:$0x18100] =	vst v63  }
0xcb: {  	v3 =	vld [tilespmem:$0xA0];
	_ =	sdelay $0x4  }
0xcc: {  	v58 =	vshrl.u32 v3, $0x3  }
0xcd: {  	v4 =	vmul.u32 $0x18, v58  }
0xce: {  	v3 =	vand.u32 $0x7, v3  }
0xcf: {  	v3 =	vor.u32 v3, v4  }
0xd0: {  	v4 =	vperm.xlane v3, v0;
	_ =	sdelay $0x1  }
0xd1: {  	v4 =	vadd.s32 v1, v4;
	_ =	sdelay $0x1  }
0xd2: {  	v3 =	vperm.xlane v3, v2;
	_ =	sdelay $0x1  }
0xd3: {  	s0 =	simm.s32 $0xF100;
	v3 =	vadd.s32 v1, v3  }
0xd4: {  	[tilespmem:s0], [sflag:$0x2] =	stream.indirect_vreg.gather [hbm4b:s3+s2], $0x80, v4, vm0, $0xb8;
	[tilespmem:$0x18100] =	vst v63  }
0xd5: {  	s0 =	simm.s32 $0xF900  }
0xd6: {  	[tilespmem:s0], [sflag:$0x2] =	stream.indirect_vreg.gather [hbm4b:s5+s2], $0x80, v4, vm1, $0xb8;
	[tilespmem:$0x18100] =	vst v63  }
0xd7: {  	s0 =	simm.s32 $0xFD00  }
0xd8: {  	[tilespmem:s0], [sflag:$0x2] =	stream.indirect_vreg.gather [hbm4b:s3+s2], $0x80, v3, vm0, $0xb8;
	[tilespmem:$0x18100] =	vst v63  }
0xd9: {  	s0 =	simm.s32 $0x10500  }
0xda: {  	[tilespmem:s0], [sflag:$0x2] =	stream.indirect_vreg.gather [hbm4b:s5+s2], $0x80, v3, vm1, $0xb8;
	[tilespmem:$0x18100] =	vst v63  }
0xdb: {  	v3 =	vld [tilespmem:$0xB0];
	_ =	sdelay $0x4  }
0xdc: {  	v59 =	vshrl.u32 v3, $0x3  }
0xdd: {  	v4 =	vmul.u32 $0x18, v59  }
0xde: {  	v3 =	vand.u32 $0x7, v3  }
0xdf: {  	v3 =	vor.u32 v3, v4  }
0xe0: {  	v4 =	vperm.xlane v3, v0;
	_ =	sdelay $0x1  }
0xe1: {  	v4 =	vadd.s32 v1, v4;
	_ =	sdelay $0x1  }
0xe2: {  	v3 =	vperm.xlane v3, v2;
	_ =	sdelay $0x1  }
0xe3: {  	s0 =	simm.s32 $0x10900;
	v3 =	vadd.s32 v1, v3  }
0xe4: {  	[tilespmem:s0], [sflag:$0x2] =	stream.indirect_vreg.gather [hbm4b:s3+s2], $0x80, v4, vm0, $0xb8;
	[tilespmem:$0x18100] =	vst v63  }
0xe5: {  	s0 =	simm.s32 $0x11100  }
0xe6: {  	[tilespmem:s0], [sflag:$0x2] =	stream.indirect_vreg.gather [hbm4b:s5+s2], $0x80, v4, vm1, $0xb8;
	[tilespmem:$0x18100] =	vst v63  }
0xe7: {  	s0 =	simm.s32 $0x11500  }
0xe8: {  	[tilespmem:s0], [sflag:$0x2] =	stream.indirect_vreg.gather [hbm4b:s3+s2], $0x80, v3, vm0, $0xb8;
	[tilespmem:$0x18100] =	vst v63  }
0xe9: {  	_ = 	snop  }
0xea: {  	[tilespmem:s8], [sflag:$0x2] =	stream.indirect_vreg.gather [hbm4b:s5+s2], $0x80, v3, vm1, $0xb8;
	[tilespmem:$0x18100] =	vst v63  }
0xeb: {  	v3 =	vld [tilespmem:$0xC0];
	_ =	sdelay $0x4  }
0xec: {  	v60 =	vshrl.u32 v3, $0x3  }
0xed: {  	v4 =	vmul.u32 $0x18, v60  }
0xee: {  	v3 =	vand.u32 $0x7, v3  }
0xef: {  	v3 =	vor.u32 v3, v4  }
0xf0: {  	v4 =	vperm.xlane v3, v0;
	_ =	sdelay $0x1  }
0xf1: {  	v4 =	vadd.s32 v1, v4;
	_ =	sdelay $0x1  }
0xf2: {  	v3 =	vperm.xlane v3, v2;
	_ =	sdelay $0x1  }
0xf3: {  	v3 =	vadd.s32 v1, v3  }
0xf4: {  	[tilespmem:s9], [sflag:$0x2] =	stream.indirect_vreg.gather [hbm4b:s3+s2], $0x80, v4, vm0, $0xb8;
	[tilespmem:$0x18100] =	vst v63  }
0xf5: {  	_ = 	snop  }
0xf6: {  	[tilespmem:s4], [sflag:$0x2] =	stream.indirect_vreg.gather [hbm4b:s5+s2], $0x80, v4, vm1, $0xb8;
	[tilespmem:$0x18100] =	vst v63  }
0xf7: {  	_ = 	snop  }
0xf8: {  	[tilespmem:s12], [sflag:$0x2] =	stream.indirect_vreg.gather [hbm4b:s3+s2], $0x80, v3, vm0, $0xb8;
	[tilespmem:$0x18100] =	vst v63  }
0xf9: {  	_ = 	snop  }
0xfa: {  	[tilespmem:s13], [sflag:$0x2] =	stream.indirect_vreg.gather [hbm4b:s5+s2], $0x80, v3, vm1, $0xb8;
	[tilespmem:$0x18100] =	vst v63  }
0xfb: {  	v3 =	vld [tilespmem:$0xD0];
	_ =	sdelay $0x4  }
0xfc: {  	v61 =	vshrl.u32 v3, $0x3  }
0xfd: {  	v4 =	vmul.u32 $0x18, v61  }
0xfe: {  	v3 =	vand.u32 $0x7, v3  }
0xff: {  	v3 =	vor.u32 v3, v4  }
0x100: {  	v4 =	vperm.xlane v3, v0;
	_ =	sdelay $0x1  }
0x101: {  	v4 =	vadd.s32 v1, v4;
	_ =	sdelay $0x1  }
0x102: {  	v3 =	vperm.xlane v3, v2;
	_ =	sdelay $0x1  }
0x103: {  	v3 =	vadd.s32 v1, v3  }
0x104: {  	[tilespmem:s14], [sflag:$0x2] =	stream.indirect_vreg.gather [hbm4b:s3+s2], $0x80, v4, vm0, $0xb8;
	[tilespmem:$0x18100] =	vst v63  }
0x105: {  	_ = 	snop  }
0x106: {  	[tilespmem:s15], [sflag:$0x2] =	stream.indirect_vreg.gather [hbm4b:s5+s2], $0x80, v4, vm1, $0xb8;
	[tilespmem:$0x18100] =	vst v63  }
0x107: {  	_ = 	snop  }
0x108: {  	[tilespmem:s16], [sflag:$0x2] =	stream.indirect_vreg.gather [hbm4b:s3+s2], $0x80, v3, vm0, $0xb8;
	[tilespmem:$0x18100] =	vst v63  }
0x109: {  	_ = 	snop  }
0x10a: {  	[tilespmem:s17], [sflag:$0x2] =	stream.indirect_vreg.gather [hbm4b:s5+s2], $0x80, v3, vm1, $0xb8;
	[tilespmem:$0x18100] =	vst v63  }
0x10b: {  	v3 =	vld [tilespmem:$0xE0];
	_ =	sdelay $0x4  }
0x10c: {  	v62 =	vshrl.u32 v3, $0x3  }
0x10d: {  	v4 =	vmul.u32 $0x18, v62  }
0x10e: {  	v3 =	vand.u32 $0x7, v3  }
0x10f: {  	v3 =	vor.u32 v3, v4  }
0x110: {  	v4 =	vperm.xlane v3, v0;
	_ =	sdelay $0x1  }
0x111: {  	v4 =	vadd.s32 v1, v4;
	_ =	sdelay $0x1  }
0x112: {  	v3 =	vperm.xlane v3, v2;
	_ =	sdelay $0x1  }
0x113: {  	v3 =	vadd.s32 v1, v3  }
0x114: {  	[tilespmem:s18], [sflag:$0x2] =	stream.indirect_vreg.gather [hbm4b:s3+s2], $0x80, v4, vm0, $0xb8;
	[tilespmem:$0x18100] =	vst v63  }
0x115: {  	_ = 	snop  }
0x116: {  	[tilespmem:s20], [sflag:$0x2] =	stream.indirect_vreg.gather [hbm4b:s5+s2], $0x80, v4, vm1, $0xb8;
	[tilespmem:$0x18100] =	vst v63  }
0x117: {  	_ = 	snop  }
0x118: {  	[tilespmem:s21], [sflag:$0x2] =	stream.indirect_vreg.gather [hbm4b:s3+s2], $0x80, v3, vm0, $0xb8;
	[tilespmem:$0x18100] =	vst v63  }
0x119: {  	_ = 	snop  }
0x11a: {  	[tilespmem:s22], [sflag:$0x2] =	stream.indirect_vreg.gather [hbm4b:s5+s2], $0x80, v3, vm1, $0xb8;
	[tilespmem:$0x18100] =	vst v63  }
0x11b: {  	v3 =	vld [tilespmem:$0xF0];
	_ =	sdelay $0x4  }
0x11c: {  	v63 =	vshrl.u32 v3, $0x3  }
0x11d: {  	v4 =	vmul.u32 $0x18, v63  }
0x11e: {  	v3 =	vand.u32 $0x7, v3  }
0x11f: {  	v3 =	vor.u32 v3, v4  }
0x120: {  	v4 =	vperm.xlane v3, v0;
	_ =	sdelay $0x1  }
0x121: {  	v4 =	vadd.s32 v1, v4;
	_ =	sdelay $0x1  }
0x122: {  	v3 =	vperm.xlane v3, v2;
	_ =	sdelay $0x1  }
0x123: {  	v3 =	vadd.s32 v1, v3  }
0x124: {  	[tilespmem:s23], [sflag:$0x2] =	stream.indirect_vreg.gather [hbm4b:s3+s2], $0x80, v4, vm0, $0xb8;
	[tilespmem:$0x18100] =	vst v63  }
0x125: {  	_ = 	snop  }
0x126: {  	[tilespmem:s24], [sflag:$0x2] =	stream.indirect_vreg.gather [hbm4b:s5+s2], $0x80, v4, vm1, $0xb8;
	[tilespmem:$0x18100] =	vst v63  }
0x127: {  	_ = 	snop  }
0x128: {  	[tilespmem:s25], [sflag:$0x2] =	stream.indirect_vreg.gather [hbm4b:s3+s2], $0x80, v3, vm0, $0xb8;
	[tilespmem:$0x18100] =	vst v63  }
0x129: {  	_ = 	snop  }
0x12a: {  	[tilespmem:s26], [sflag:$0x2] =	stream.indirect_vreg.gather [hbm4b:s5+s2], $0x80, v3, vm1, $0xb8;
	[tilespmem:$0x18100] =	vst v63  }
0x12b: {  	_ =	swait.ge [sflag:s28], $0xC000  }
0x12c: {  	p0 =	seq.s32 s1, $0x15000;
	[sflag:s28] =	ssyncset.done $0x0  }
.Ltmp4:
0x12d: {  	s0 =	sadd.s32 s1, s7;
	[sflag:s28] =	ssyncadd.s32 $0xFFFF4000;
	(pc) =	sbr.rel @p0 .LBB2_4-.Ltmp4, $4  }
0x12e: {  	[hbm4b:s0+s2] =	stream.linear.scatter [tilespmem:s11], [sflag:$0x3], $0xC000, $0x38;
	[tilespmem:$0x18100] =	vst v63  }
0x12f: {  	_ =	swait.ge [sflag:s10], $0xC000  }
0x130: {  	[sflag:s10] =	ssyncset.done $0x0  }
0x131: {  	[sflag:s10] =	ssyncadd.s32 $0xFFFF4000  }
0x132: {  	[tilespmem:s2], [sflag:$0x3] =	stream.linear.gather [hbm4b:s30+s2], $0x80, $0x38;
	[tilespmem:$0x18100] =	vst v63  }
0x133: {  	_ =	swait.ge [sflag:s10], $0x80  }
0x134: {  	[sflag:s10] =	ssyncset.done $0x0  }
0x135: {  	[sflag:s10] =	ssyncadd.s32 $0xFFFFFF80  }
0x136: {  	v3 =	vld [tilespmem:$0x0];
	_ =	sdelay $0x4  }
0x137: {  	v4 =	vshrl.u32 v3, $0x3  }
0x138: {  	v4 =	vmul.u32 $0x18, v4  }
0x139: {  	v3 =	vand.u32 $0x7, v3  }
0x13a: {  	v3 =	vor.u32 v3, v4  }
0x13b: {  	v4 =	vperm.xlane v3, v0;
	_ =	sdelay $0x1  }
0x13c: {  	v4 =	vadd.s32 v1, v4;
	_ =	sdelay $0x1  }
0x13d: {  	v3 =	vperm.xlane v3, v2;
	_ =	sdelay $0x1  }
0x13e: {  	v3 =	vadd.s32 v1, v3  }
0x13f: {  	[tilespmem:s11], [sflag:$0x1] =	stream.indirect_vreg.gather [hbm4b:s3+s2], $0x80, v4, vm0, $0xb8;
	[tilespmem:$0x18100] =	vst v63  }
0x140: {  	s6 =	simm.s32 $0x900  }
0x141: {  	[tilespmem:s6], [sflag:$0x1] =	stream.indirect_vreg.gather [hbm4b:s5+s2], $0x80, v4, vm1, $0xb8;
	[tilespmem:$0x18100] =	vst v63  }
0x142: {  	s6 =	simm.s32 $0xD00  }
0x143: {  	[tilespmem:s6], [sflag:$0x1] =	stream.indirect_vreg.gather [hbm4b:s3+s2], $0x80, v3, vm0, $0xb8;
	[tilespmem:$0x18100] =	vst v63  }
0x144: {  	s6 =	simm.s32 $0x1500  }
0x145: {  	[tilespmem:s6], [sflag:$0x1] =	stream.indirect_vreg.gather [hbm4b:s5+s2], $0x80, v3, vm1, $0xb8;
	[tilespmem:$0x18100] =	vst v63  }
0x146: {  	v3 =	vld [tilespmem:$0x10];
	_ =	sdelay $0x4  }
0x147: {  	v57 =	vshrl.u32 v3, $0x3  }
0x148: {  	v4 =	vmul.u32 $0x18, v57  }
0x149: {  	v3 =	vand.u32 $0x7, v3  }
0x14a: {  	v3 =	vor.u32 v3, v4  }
0x14b: {  	v4 =	vperm.xlane v3, v0;
	_ =	sdelay $0x1  }
0x14c: {  	v4 =	vadd.s32 v1, v4;
	_ =	sdelay $0x1  }
0x14d: {  	v3 =	vperm.xlane v3, v2;
	_ =	sdelay $0x1  }
0x14e: {  	s6 =	simm.s32 $0x1900;
	v3 =	vadd.s32 v1, v3  }
0x14f: {  	[tilespmem:s6], [sflag:$0x1] =	stream.indirect_vreg.gather [hbm4b:s3+s2], $0x80, v4, vm0, $0xb8;
	[tilespmem:$0x18100] =	vst v63  }
0x150: {  	s6 =	simm.s32 $0x2100  }
0x151: {  	[tilespmem:s6], [sflag:$0x1] =	stream.indirect_vreg.gather [hbm4b:s5+s2], $0x80, v4, vm1, $0xb8;
	[tilespmem:$0x18100] =	vst v63  }
0x152: {  	s6 =	simm.s32 $0x2500  }
0x153: {  	[tilespmem:s6], [sflag:$0x1] =	stream.indirect_vreg.gather [hbm4b:s3+s2], $0x80, v3, vm0, $0xb8;
	[tilespmem:$0x18100] =	vst v63  }
0x154: {  	s6 =	simm.s32 $0x2D00  }
0x155: {  	[tilespmem:s6], [sflag:$0x1] =	stream.indirect_vreg.gather [hbm4b:s5+s2], $0x80, v3, vm1, $0xb8;
	[tilespmem:$0x18100] =	vst v63  }
0x156: {  	v3 =	vld [tilespmem:$0x20];
	_ =	sdelay $0x4  }
0x157: {  	v58 =	vshrl.u32 v3, $0x3  }
0x158: {  	v4 =	vmul.u32 $0x18, v58  }
0x159: {  	v3 =	vand.u32 $0x7, v3  }
0x15a: {  	v3 =	vor.u32 v3, v4  }
0x15b: {  	v4 =	vperm.xlane v3, v0;
	_ =	sdelay $0x1  }
0x15c: {  	v4 =	vadd.s32 v1, v4;
	_ =	sdelay $0x1  }
0x15d: {  	v3 =	vperm.xlane v3, v2;
	_ =	sdelay $0x1  }
0x15e: {  	s6 =	simm.s32 $0x3100;
	v3 =	vadd.s32 v1, v3  }
0x15f: {  	[tilespmem:s6], [sflag:$0x1] =	stream.indirect_vreg.gather [hbm4b:s3+s2], $0x80, v4, vm0, $0xb8;
	[tilespmem:$0x18100] =	vst v63  }
0x160: {  	s6 =	simm.s32 $0x3900  }
0x161: {  	[tilespmem:s6], [sflag:$0x1] =	stream.indirect_vreg.gather [hbm4b:s5+s2], $0x80, v4, vm1, $0xb8;
	[tilespmem:$0x18100] =	vst v63  }
0x162: {  	s6 =	simm.s32 $0x3D00  }
0x163: {  	[tilespmem:s6], [sflag:$0x1] =	stream.indirect_vreg.gather [hbm4b:s3+s2], $0x80, v3, vm0, $0xb8;
	[tilespmem:$0x18100] =	vst v63  }
0x164: {  	s6 =	simm.s32 $0x4500  }
0x165: {  	[tilespmem:s6], [sflag:$0x1] =	stream.indirect_vreg.gather [hbm4b:s5+s2], $0x80, v3, vm1, $0xb8;
	[tilespmem:$0x18100] =	vst v63  }
0x166: {  	v3 =	vld [tilespmem:$0x30];
	_ =	sdelay $0x4  }
0x167: {  	v59 =	vshrl.u32 v3, $0x3  }
0x168: {  	v4 =	vmul.u32 $0x18, v59  }
0x169: {  	v3 =	vand.u32 $0x7, v3  }
0x16a: {  	v3 =	vor.u32 v3, v4  }
0x16b: {  	v4 =	vperm.xlane v3, v0;
	_ =	sdelay $0x1  }
0x16c: {  	v4 =	vadd.s32 v1, v4;
	_ =	sdelay $0x1  }
0x16d: {  	v3 =	vperm.xlane v3, v2;
	_ =	sdelay $0x1  }
0x16e: {  	s6 =	simm.s32 $0x4900;
	v3 =	vadd.s32 v1, v3  }
0x16f: {  	[tilespmem:s6], [sflag:$0x1] =	stream.indirect_vreg.gather [hbm4b:s3+s2], $0x80, v4, vm0, $0xb8;
	[tilespmem:$0x18100] =	vst v63  }
0x170: {  	s6 =	simm.s32 $0x5100  }
0x171: {  	[tilespmem:s6], [sflag:$0x1] =	stream.indirect_vreg.gather [hbm4b:s5+s2], $0x80, v4, vm1, $0xb8;
	[tilespmem:$0x18100] =	vst v63  }
0x172: {  	s6 =	simm.s32 $0x5500  }
0x173: {  	[tilespmem:s6], [sflag:$0x1] =	stream.indirect_vreg.gather [hbm4b:s3+s2], $0x80, v3, vm0, $0xb8;
	[tilespmem:$0x18100] =	vst v63  }
0x174: {  	s6 =	simm.s32 $0x5D00  }
0x175: {  	[tilespmem:s6], [sflag:$0x1] =	stream.indirect_vreg.gather [hbm4b:s5+s2], $0x80, v3, vm1, $0xb8;
	[tilespmem:$0x18100] =	vst v63  }
0x176: {  	v3 =	vld [tilespmem:$0x40];
	_ =	sdelay $0x4  }
0x177: {  	v60 =	vshrl.u32 v3, $0x3  }
0x178: {  	v4 =	vmul.u32 $0x18, v60  }
0x179: {  	v3 =	vand.u32 $0x7, v3  }
0x17a: {  	v3 =	vor.u32 v3, v4  }
0x17b: {  	v4 =	vperm.xlane v3, v0;
	_ =	sdelay $0x1  }
0x17c: {  	v4 =	vadd.s32 v1, v4;
	_ =	sdelay $0x1  }
0x17d: {  	v3 =	vperm.xlane v3, v2;
	_ =	sdelay $0x1  }
0x17e: {  	s6 =	simm.s32 $0x6100;
	v3 =	vadd.s32 v1, v3  }
0x17f: {  	[tilespmem:s6], [sflag:$0x1] =	stream.indirect_vreg.gather [hbm4b:s3+s2], $0x80, v4, vm0, $0xb8;
	[tilespmem:$0x18100] =	vst v63  }
0x180: {  	s6 =	simm.s32 $0x6900  }
0x181: {  	[tilespmem:s6], [sflag:$0x1] =	stream.indirect_vreg.gather [hbm4b:s5+s2], $0x80, v4, vm1, $0xb8;
	[tilespmem:$0x18100] =	vst v63  }
0x182: {  	s6 =	simm.s32 $0x6D00  }
0x183: {  	[tilespmem:s6], [sflag:$0x1] =	stream.indirect_vreg.gather [hbm4b:s3+s2], $0x80, v3, vm0, $0xb8;
	[tilespmem:$0x18100] =	vst v63  }
0x184: {  	s6 =	simm.s32 $0x7500  }
0x185: {  	[tilespmem:s6], [sflag:$0x1] =	stream.indirect_vreg.gather [hbm4b:s5+s2], $0x80, v3, vm1, $0xb8;
	[tilespmem:$0x18100] =	vst v63  }
0x186: {  	v3 =	vld [tilespmem:$0x50];
	_ =	sdelay $0x4  }
0x187: {  	v61 =	vshrl.u32 v3, $0x3  }
0x188: {  	v4 =	vmul.u32 $0x18, v61  }
0x189: {  	v3 =	vand.u32 $0x7, v3  }
0x18a: {  	v3 =	vor.u32 v3, v4  }
0x18b: {  	v4 =	vperm.xlane v3, v0;
	_ =	sdelay $0x1  }
0x18c: {  	v4 =	vadd.s32 v1, v4;
	_ =	sdelay $0x1  }
0x18d: {  	v3 =	vperm.xlane v3, v2;
	_ =	sdelay $0x1  }
0x18e: {  	s6 =	simm.s32 $0x7900;
	v3 =	vadd.s32 v1, v3  }
0x18f: {  	[tilespmem:s6], [sflag:$0x1] =	stream.indirect_vreg.gather [hbm4b:s3+s2], $0x80, v4, vm0, $0xb8;
	[tilespmem:$0x18100] =	vst v63  }
0x190: {  	s6 =	simm.s32 $0x8100  }
0x191: {  	[tilespmem:s6], [sflag:$0x1] =	stream.indirect_vreg.gather [hbm4b:s5+s2], $0x80, v4, vm1, $0xb8;
	[tilespmem:$0x18100] =	vst v63  }
0x192: {  	s6 =	simm.s32 $0x8500  }
0x193: {  	[tilespmem:s6], [sflag:$0x1] =	stream.indirect_vreg.gather [hbm4b:s3+s2], $0x80, v3, vm0, $0xb8;
	[tilespmem:$0x18100] =	vst v63  }
0x194: {  	s6 =	simm.s32 $0x8D00  }
0x195: {  	[tilespmem:s6], [sflag:$0x1] =	stream.indirect_vreg.gather [hbm4b:s5+s2], $0x80, v3, vm1, $0xb8;
	[tilespmem:$0x18100] =	vst v63  }
0x196: {  	v3 =	vld [tilespmem:$0x60];
	_ =	sdelay $0x4  }
0x197: {  	v62 =	vshrl.u32 v3, $0x3  }
0x198: {  	v4 =	vmul.u32 $0x18, v62  }
0x199: {  	v3 =	vand.u32 $0x7, v3  }
0x19a: {  	v3 =	vor.u32 v3, v4  }
0x19b: {  	v4 =	vperm.xlane v3, v0;
	_ =	sdelay $0x1  }
0x19c: {  	v4 =	vadd.s32 v1, v4;
	_ =	sdelay $0x1  }
0x19d: {  	v3 =	vperm.xlane v3, v2;
	_ =	sdelay $0x1  }
0x19e: {  	s6 =	simm.s32 $0x9100;
	v3 =	vadd.s32 v1, v3  }
0x19f: {  	[tilespmem:s6], [sflag:$0x1] =	stream.indirect_vreg.gather [hbm4b:s3+s2], $0x80, v4, vm0, $0xb8;
	[tilespmem:$0x18100] =	vst v63  }
0x1a0: {  	s6 =	simm.s32 $0x9900  }
0x1a1: {  	[tilespmem:s6], [sflag:$0x1] =	stream.indirect_vreg.gather [hbm4b:s5+s2], $0x80, v4, vm1, $0xb8;
	[tilespmem:$0x18100] =	vst v63  }
0x1a2: {  	s6 =	simm.s32 $0x9D00  }
0x1a3: {  	[tilespmem:s6], [sflag:$0x1] =	stream.indirect_vreg.gather [hbm4b:s3+s2], $0x80, v3, vm0, $0xb8;
	[tilespmem:$0x18100] =	vst v63  }
0x1a4: {  	s6 =	simm.s32 $0xA500  }
0x1a5: {  	[tilespmem:s6], [sflag:$0x1] =	stream.indirect_vreg.gather [hbm4b:s5+s2], $0x80, v3, vm1, $0xb8;
	[tilespmem:$0x18100] =	vst v63  }
0x1a6: {  	v3 =	vld [tilespmem:$0x70];
	_ =	sdelay $0x4  }
0x1a7: {  	v63 =	vshrl.u32 v3, $0x3  }
0x1a8: {  	v4 =	vmul.u32 $0x18, v63  }
0x1a9: {  	v3 =	vand.u32 $0x7, v3  }
0x1aa: {  	v3 =	vor.u32 v3, v4  }
0x1ab: {  	v4 =	vperm.xlane v3, v0;
	_ =	sdelay $0x1  }
0x1ac: {  	v4 =	vadd.s32 v1, v4;
	_ =	sdelay $0x1  }
0x1ad: {  	v3 =	vperm.xlane v3, v2;
	_ =	sdelay $0x1  }
0x1ae: {  	s6 =	simm.s32 $0xA900;
	v3 =	vadd.s32 v1, v3  }
0x1af: {  	[tilespmem:s6], [sflag:$0x1] =	stream.indirect_vreg.gather [hbm4b:s3+s2], $0x80, v4, vm0, $0xb8;
	[tilespmem:$0x18100] =	vst v63  }
0x1b0: {  	s6 =	simm.s32 $0xB100  }
0x1b1: {  	[tilespmem:s6], [sflag:$0x1] =	stream.indirect_vreg.gather [hbm4b:s5+s2], $0x80, v4, vm1, $0xb8;
	[tilespmem:$0x18100] =	vst v63  }
.Ltmp5:
0x1b2: {  	s6 =	simm.s32 $0xB500;
	(pc) =	sbr.rel .LBB2_4-.Ltmp5, $4  }
0x1b3: {  	[tilespmem:s6], [sflag:$0x1] =	stream.indirect_vreg.gather [hbm4b:s3+s2], $0x80, v3, vm0, $0xb8;
	[tilespmem:$0x18100] =	vst v63  }
0x1b4: {  	s6 =	simm.s32 $0xBD00  }
0x1b5: {  	[tilespmem:s6], [sflag:$0x1] =	stream.indirect_vreg.gather [hbm4b:s5+s2], $0x80, v3, vm1, $0xb8;
	[tilespmem:$0x18100] =	vst v63  }
0x1b6: {  	s6 =	simm.s32 $0x80  }
.LBB2_6:
0x1b7: {  	_ =	sfence.sel $0x180000  }
0x1b8: {  	[bflag:$0x0] =	sbarrier.arrive $0xFFFF  }
0x1b9: {  	_ =	strace $0x90000047  }
0x1ba: {  	s0 =	stileid.u32;
	[bflag:$0x2] =	sbarrier.arrive $0xFFFF  }
0x1bb: {  	p0 =	sne.s32 s0, $0x0;
	s0 =	rddreg [dreg:$0x1]  }
0x1bc: {  	s0 =	sadd.s32 @!p0 $0x100000, s0  }
0x1bd: {  	[sflag:s0] =	ssyncadd.tile.s32 @!p0 $0x1;
	_ =	shalt  }
.Lfunc_end2:
_tile_overlayer_lowered:
.L_overlay_start_2:
0x1be: {  	(tag) =	ssettag $0x2  }
0x1bf: {  	s0 =	rddreg [dreg:$0x0];
	s2 =	stileid.u32  }
0x1c0: {  	s1 =	rddreg [dreg:$0x1];
	p0 =	sne.s32 s2, $0x0  }
0x1c1: {  	s3 =	rddreg [dreg:$0x2];
	[bflag:$0x3] =	sbarrier.arrive $0xFFFF;
	s2 =	simm.s32 @!p0 $0x1C03  }
0x1c2: {  	[timem:s3], [sflag:s2] =	dma.local @!p0 [hbm:s0], s1  }
0x1c3: {  	s0 =	simm.s32 @!p0 $0x3  }
0x1c4: {  	_ =	swait.ge @!p0 [sflag:s0], s1  }
0x1c5: {  	s1 =	ssub.s32 @!p0 $0x0, s1;
	[sflag:s0] =	ssyncset.done @!p0 $0x0  }
0x1c6: {  	[sflag:s0] =	ssyncadd.s32 @!p0 s1  }
0x1c7: {  	[bflag:$0x3] =	sbarrier.arrive $0xFFFF  }
0x1c8: {  	_ =	shalt  }

</sc_bundles>
